<compile_context>
chip_gen: v7x
topology: tpu7x:2x2x1
jax: 0.10.2.dev20260603
libtpu: 0.0.44.dev20260713+nightly
codegen_flags: <defaults>
</compile_context>

<pallas_src>
import functools

import jax
import jax.numpy as jnp
from jax import lax
from jax.experimental import pallas as pl
from jax.experimental.pallas import tpu as pltpu
from jax.experimental.pallas import tpu_sc as plsc

NC = 2
NS = 16
NW = NC * NS
LANES = 128
ZR = 128
NPAD = NS * 5 * ZR


def _worker_id():
    return lax.axis_index("s") * NC + lax.axis_index("c")


def _sc_degree(src_rows, dst_rows, n):
    R = dst_rows.shape[0]
    pw = R // NW
    mesh = plsc.VectorSubcoreMesh(core_axis_name="c", subcore_axis_name="s")

    @functools.partial(
        pl.kernel,
        out_type=jax.ShapeDtypeStruct((NC * NPAD,), jnp.float32),
        mesh=mesh,
        scratch_types=[
            pltpu.VMEM((pw, LANES), jnp.int32),
            pltpu.VMEM((LANES,), jnp.float32),
            pltpu.VMEM((2048,), jnp.float32),
            pltpu.VMEM_SHARED((NPAD,), jnp.float32),
            pltpu.SemaphoreType.DMA,
        ],
    )
    def k(dst_hbm, out_hbm, idx_v, ones_v, zb_v, acc_sh, sem):
        cid = lax.axis_index("c")
        sid = lax.axis_index("s")
        wid = _worker_id()

        def fill_z(i, _):
            zb_v[pl.ds(i * 16, 16)] = jnp.zeros((16,), jnp.float32)
            return 0
        lax.fori_loop(0, 128, fill_z, 0)
        for j in range(LANES // 16):
            ones_v[pl.ds(j * 16, 16)] = jnp.ones((16,), jnp.float32)

        @pl.when(sid < 5)
        def _():
            pltpu.sync_copy(zb_v, acc_sh.at[pl.ds(sid * 2048, 2048)])
        pltpu.sync_copy(dst_hbm.at[pl.ds(wid * pw, pw)], idx_v)
        plsc.subcore_barrier()

        K = 16
        @pl.loop(0, pw, step=K)
        def _(t):
            for s in range(K):
                pltpu.async_copy(
                    ones_v, acc_sh.at[idx_v.at[t + s]], sem, add=True)
            for s in range(K):
                pltpu.make_async_copy(
                    ones_v, acc_sh.at[idx_v.at[t]], sem).wait()
        plsc.subcore_barrier()

        @pl.when(sid < 10)
        def _():
            pltpu.sync_copy(acc_sh.at[pl.ds(sid * 1024, 1024)],
                            zb_v.at[pl.ds(0, 1024)])
            pltpu.sync_copy(zb_v.at[pl.ds(0, 1024)],
                            out_hbm.at[pl.ds(cid * NPAD + sid * 1024, 1024)])

    return k(dst_rows)


def _sc_aggregate(src_rows, dst_rows, g):
    R = src_rows.shape[0]
    C = g.shape[1]
    pw = R // NW
    mesh = plsc.VectorSubcoreMesh(core_axis_name="c", subcore_axis_name="s")

    @functools.partial(
        pl.kernel,
        out_type=jax.ShapeDtypeStruct((NC, NPAD, C), jnp.float32),
        mesh=mesh,
        scratch_types=[
            pltpu.VMEM((2, 2, LANES), jnp.int32),
            pltpu.VMEM((2, 2, LANES), jnp.int32),
            pltpu.VMEM((2, LANES, C), jnp.float32),
            pltpu.VMEM_SHARED((NPAD, C), jnp.float32),
        ] + [pltpu.SemaphoreType.DMA] * 6,
    )
    def k(src_hbm, dst_hbm, g_hbm, out_hbm, idx_v, idx2_v, rows_v, acc_sh,
          *sems):
        gsem = sems[:2]
        ssem = sems[2:4]
        isem = sems[4:]
        cid = lax.axis_index("c")
        sid = lax.axis_index("s")
        wid = _worker_id()
        base = wid * pw

        def load_idx(row, buf, slot, sem):
            pltpu.async_copy(src_hbm.at[base + row], buf.at[slot, 0], sem)
            pltpu.async_copy(dst_hbm.at[base + row], buf.at[slot, 1], sem)

        def wait_idx(slot, sem):
            pltpu.make_async_copy(src_hbm.at[base], idx2_v.at[slot, 0],
                                  sem).wait()
            pltpu.make_async_copy(dst_hbm.at[base], idx2_v.at[slot, 1],
                                  sem).wait()

        def fill_z(i, _):
            for j in range(C // 16):
                rows_v[0, i, pl.ds(j * 16, 16)] = jnp.zeros(
                    (16,), jnp.float32)
            return 0
        lax.fori_loop(0, ZR, fill_z, 0)
        for t in range(5):
            pltpu.sync_copy(rows_v.at[0],
                            acc_sh.at[pl.ds((sid * 5 + t) * ZR, ZR)])
        pltpu.sync_copy(src_hbm.at[base], idx_v.at[0, 0])
        pltpu.sync_copy(dst_hbm.at[base], idx_v.at[0, 1])
        plsc.subcore_barrier()

        pltpu.async_copy(g_hbm.at[idx_v.at[0, 0]], rows_v.at[0], gsem[0])
        load_idx(1, idx2_v, 1, isem[1])
        load_idx(2, idx2_v, 0, isem[0])

        @pl.loop(0, pw, step=2)
        def _(t):
            for b in range(2):
                r = t + b
                pltpu.make_async_copy(
                    g_hbm.at[idx_v.at[b, 0]], rows_v.at[b], gsem[b]).wait()
                pltpu.async_copy(
                    rows_v.at[b], acc_sh.at[idx_v.at[b, 1]], ssem[b],
                    add=True)
                o = 1 - b

                @pl.when(r + 1 < pw)
                def _():
                    @pl.when(r > 0)
                    def _():
                        pltpu.make_async_copy(
                            rows_v.at[o], acc_sh.at[idx_v.at[o, 1]],
                            ssem[o]).wait()
                    wait_idx(o, isem[o])
                    for d in range(2):
                        for j in range(LANES // 16):
                            idx_v[o, d, pl.ds(j * 16, 16)] = \
                                idx2_v[o, d, pl.ds(j * 16, 16)]
                    pltpu.async_copy(
                        g_hbm.at[idx_v.at[o, 0]], rows_v.at[o], gsem[o])

                    @pl.when(r + 3 < pw)
                    def _():
                        load_idx(r + 3, idx2_v, o, isem[o])

        for b in range(2):
            pltpu.make_async_copy(
                rows_v.at[b], acc_sh.at[idx_v.at[b, 1]], ssem[b]).wait()
        plsc.subcore_barrier()

        for t in range(5):
            r0 = (sid * 5 + t) * ZR
            pltpu.sync_copy(acc_sh.at[pl.ds(r0, ZR)], rows_v.at[0])
            pltpu.sync_copy(rows_v.at[0], out_hbm.at[cid, pl.ds(r0, ZR)])

    return k(src_rows, dst_rows, g)


def _tc_stage_a(x, W1, bn1_gamma, bn1_beta, deg_part):
    n, C = x.shape

    def body(x_ref, w_ref, gam_ref, bet_ref, degp_ref, g_ref, dinv_ref):
        xv = x_ref[...]
        mean = jnp.mean(xv, axis=0, keepdims=True)
        xc = xv - mean
        var = jnp.mean(xc * xc, axis=0, keepdims=True)
        xn = xc * lax.rsqrt(var + 1e-5) * gam_ref[...][None, :] \
            + bet_ref[...][None, :]
        deg = degp_ref[0, :n] + degp_ref[1, :n] + 1.0
        dinv = lax.rsqrt(deg)
        m = jnp.dot(xn, w_ref[...], preferred_element_type=jnp.float32)
        g_ref[:n] = m * dinv
        g_ref[n:] = jnp.zeros((NPAD - n, C), jnp.float32)
        dinv_ref[...] = dinv

    return pl.pallas_call(
        body,
        out_shape=(jax.ShapeDtypeStruct((NPAD, C), jnp.float32),
                   jax.ShapeDtypeStruct((n, 1), jnp.float32)),
    )(x, W1, bn1_gamma, bn1_beta, deg_part)


def _tc_stage_b(s_part, g1, dinv, b1, bn2_gamma, bn2_beta, W2):
    n = dinv.shape[0]
    C = g1.shape[1]

    def body(s_ref, g1_ref, dinv_ref, b1_ref, gam_ref, bet_ref, w_ref,
             g2_ref):
        dinv = dinv_ref[...]
        s = s_ref[0, :n] + s_ref[1, :n]
        h = (s + g1_ref[:n]) * dinv + b1_ref[...][None, :]
        h = jnp.maximum(h, 0.0)
        mean = jnp.mean(h, axis=0, keepdims=True)
        hc = h - mean
        var = jnp.mean(hc * hc, axis=0, keepdims=True)
        hn = hc * lax.rsqrt(var + 1e-5) * gam_ref[...][None, :] \
            + bet_ref[...][None, :]
        m = jnp.dot(hn, w_ref[...], preferred_element_type=jnp.float32)
        g2_ref[:n] = m * dinv
        g2_ref[n:] = jnp.zeros((NPAD - n, C), jnp.float32)

    return pl.pallas_call(
        body,
        out_shape=jax.ShapeDtypeStruct((NPAD, C), jnp.float32),
    )(s_part, g1, dinv, b1, bn2_gamma, bn2_beta, W2)


def _tc_stage_c(s_part, g2, dinv, b2, x):
    n, C = x.shape

    def body(s_ref, g2_ref, dinv_ref, b2_ref, x_ref, out_ref):
        s = s_ref[0, :n] + s_ref[1, :n]
        h = (s + g2_ref[:n]) * dinv_ref[...] + b2_ref[...][None, :]
        out_ref[...] = jnp.maximum(h, 0.0) + x_ref[...]

    return pl.pallas_call(
        body,
        out_shape=jax.ShapeDtypeStruct((n, C), jnp.float32),
    )(s_part, g2, dinv, b2, x)


def kernel(x, edge_index, bn1_gamma, bn1_beta, W1, b1,
           bn2_gamma, bn2_beta, W2, b2):
    n, C = x.shape
    E = edge_index.shape[1]
    R = E // LANES
    blk = NW * 2
    Rpad = ((R + blk - 1) // blk) * blk
    ei = edge_index.reshape(2, R, LANES)
    if Rpad > R:
        padv = (n + (jnp.arange((Rpad - R) * LANES, dtype=jnp.int32) % 240)
                ).reshape(1, Rpad - R, LANES)
        ei = jnp.concatenate(
            [ei, jnp.broadcast_to(padv, (2, Rpad - R, LANES))], axis=1)
    src_rows = ei[0]
    dst_rows = ei[1]

    deg_part = _sc_degree(src_rows, dst_rows, n).reshape(NC, NPAD, 1)
    g1, dinv = _tc_stage_a(x, W1, bn1_gamma, bn1_beta, deg_part)
    s1 = _sc_aggregate(src_rows, dst_rows, g1)
    g2 = _tc_stage_b(s1, g1, dinv, b1, bn2_gamma, bn2_beta, W2)
    s2 = _sc_aggregate(src_rows, dst_rows, g2)
    return _tc_stage_c(s2, g2, dinv, b2, x)

# --- scband reference (transcript-rebuilt; emitter-appended) ---
"""Pipeline reference for scband-residual-28226525069323 (READ-ONLY COPY).

The authoritative reference and input builder live on the scoring server;
editing this copy changes nothing except your own understanding.
"""

import jax, jax.numpy as jnp
import numpy as np

N = 10000
E = 320000
C = 128


def setup_inputs(seed: int = 0) -> dict:
    key = jax.random.key(seed)
    ks = jax.random.split(key, 10)
    x = jax.random.normal(ks[0], (N, C), dtype=jnp.float32)
    edge_index = jax.random.randint(ks[1], (2, E), 0, N, dtype=jnp.int32)
    W1 = jax.random.normal(ks[2], (C, C), dtype=jnp.float32) * (1.0 / np.sqrt(C))
    b1 = jnp.zeros((C,), dtype=jnp.float32)
    W2 = jax.random.normal(ks[3], (C, C), dtype=jnp.float32) * (1.0 / np.sqrt(C))
    b2 = jnp.zeros((C,), dtype=jnp.float32)
    bn1_gamma = jnp.ones((C,), dtype=jnp.float32)
    bn1_beta = jnp.zeros((C,), dtype=jnp.float32)
    bn2_gamma = jnp.ones((C,), dtype=jnp.float32)
    bn2_beta = jnp.zeros((C,), dtype=jnp.float32)
    return {"x": x, "edge_index": edge_index,
            "bn1_gamma": bn1_gamma, "bn1_beta": bn1_beta,
            "W1": W1, "b1": b1,
            "bn2_gamma": bn2_gamma, "bn2_beta": bn2_beta,
            "W2": W2, "b2": b2}


def batch_norm(x, gamma, beta, eps=1e-5):
    mean = jnp.mean(x, axis=0)
    var = jnp.var(x, axis=0)
    return (x - mean) / jnp.sqrt(var + eps) * gamma + beta


def gcn_conv(x, edge_index, W, b):
    n = x.shape[0]
    src = edge_index[0]
    dst = edge_index[1]
    loop = jnp.arange(n, dtype=src.dtype)
    src = jnp.concatenate([src, loop])
    dst = jnp.concatenate([dst, loop])
    deg = jnp.zeros((n,), dtype=x.dtype).at[dst].add(1.0)
    dinv = jnp.where(deg > 0, jax.lax.rsqrt(jnp.maximum(deg, 1e-12)), 0.0)
    norm = dinv[src] * dinv[dst]
    h = x @ W
    msg = h[src] * norm[:, None]
    out = jnp.zeros((n, h.shape[1]), dtype=x.dtype).at[dst].add(msg)
    return out + b


def reference(x, edge_index, bn1_gamma, bn1_beta, W1, b1, bn2_gamma, bn2_beta, W2, b2):
    before = x
    h = batch_norm(x, bn1_gamma, bn1_beta)
    h = gcn_conv(h, edge_index, W1, b1)
    h = jax.nn.relu(h)
    h = batch_norm(h, bn2_gamma, bn2_beta)
    h = gcn_conv(h, edge_index, W2, b2)
    h = jax.nn.relu(h)
    return h + before

if __name__ == "__main__":
    import jax
    _d = setup_inputs()
    print(jax.jit(kernel)(*tuple(_d.values())))

</pallas_src>

<mosaic_0001>
#map = affine_map<(d0, d1) -> (0, 0)>
#map1 = affine_map<(d0, d1) -> (0)>
module attributes {stable_mosaic.version = 14 : i64} {
  func.func @k(%arg0: i32, %arg1: i32, %arg2: memref<2560x128xi32, #tpu.memory_space<hbm>>, %arg3: memref<20480xf32, #tpu.memory_space<hbm>>, %arg4: memref<80x128xi32, #tpu.memory_space<vmem>>, %arg5: memref<128xf32, #tpu.memory_space<vmem>>, %arg6: memref<2048xf32, #tpu.memory_space<vmem>>, %arg7: memref<10240xf32, #tpu.memory_space<vmem_shared>>, %arg8: memref<!tpu.dma_semaphore, #tpu.memory_space<semaphore_mem>>) attributes {dimension_semantics = [#tpu.dimension_semantics<core_parallel>, #tpu.dimension_semantics<subcore_parallel>], iteration_bounds = array<i64: 2, 16>, scalar_prefetch = 0 : i64, scratch_operands = 5 : i64, tpu.core_type = #tpu.core_type<sc_vector_subcore>, window_params = [{transform_indices = #map}, {transform_indices = #map1}]} {
    %mul3A = arith.constant 2 : i32
    %mul3A_0 = arith.muli %arg1, %mul3A : i32
    %add3A = arith.addi %mul3A_0, %arg0 : i32
    %scan3A = arith.constant 0 : i32
    %scan3A_1 = arith.constant 0 : i32
    %scan3A_2 = arith.constant 128 : i32
    %scan3A_3 = arith.addi %scan3A_1, %scan3A_2 : i32
    %scan3A_4 = arith.constant 1 : i32
    %scan3A_5 = scf.for %scan3A_68 = %scan3A_1 to %scan3A_3 step %scan3A_4 iter_args(%scan3A_69 = %scan3A) -> (i32)  : i32 {
      %broadcast_in_dim3A_70 = arith.constant 0.000000e+00 : f32
      %broadcast_in_dim3A_71 = vector.broadcast %broadcast_in_dim3A_70 : f32 to vector<16xf32>
      %mul3A_72 = arith.constant 16 : i32
      %mul3A_73 = arith.muli %scan3A_68, %mul3A_72 : i32
      %swap3A_74 = arith.index_cast %mul3A_73 : i32 to index
      %swap3A_75 = tpu.vector_load %arg6[%swap3A_74] {strides = array<i32>} : memref<2048xf32, #tpu.memory_space<vmem>>, vector<16xf32>,
      %swap3A_76 = vector.shape_cast %swap3A_75 : vector<16xf32> to vector<16xf32>
      %swap3A_77 = vector.shape_cast %broadcast_in_dim3A_71 : vector<16xf32> to vector<16xf32>
      tpu.vector_store %arg6[%swap3A_74], %swap3A_77 {strides = array<i32>} : memref<2048xf32, #tpu.memory_space<vmem>>, vector<16xf32>,
      %scan3A_78 = arith.constant 0 : i32
      scf.yield %scan3A_78 : i32
    }
    %scan3A_6 = arith.constant 128 : i32
    %broadcast_in_dim3A = arith.constant 1.000000e+00 : f32
    %broadcast_in_dim3A_7 = vector.broadcast %broadcast_in_dim3A : f32 to vector<16xf32>
    %swap3A = arith.constant 0 : index
    %swap3A_8 = tpu.vector_load %arg5[%swap3A] {strides = array<i32>} : memref<128xf32, #tpu.memory_space<vmem>>, vector<16xf32>,
    %swap3A_9 = vector.shape_cast %swap3A_8 : vector<16xf32> to vector<16xf32>
    %swap3A_10 = vector.shape_cast %broadcast_in_dim3A_7 : vector<16xf32> to vector<16xf32>
    tpu.vector_store %arg5[%swap3A], %swap3A_10 {strides = array<i32>} : memref<128xf32, #tpu.memory_space<vmem>>, vector<16xf32>,
    %broadcast_in_dim3A_11 = arith.constant 1.000000e+00 : f32
    %broadcast_in_dim3A_12 = vector.broadcast %broadcast_in_dim3A_11 : f32 to vector<16xf32>
    %swap3A_13 = arith.constant 16 : index
    %swap3A_14 = tpu.vector_load %arg5[%swap3A_13] {strides = array<i32>} : memref<128xf32, #tpu.memory_space<vmem>>, vector<16xf32>,
    %swap3A_15 = vector.shape_cast %swap3A_14 : vector<16xf32> to vector<16xf32>
    %swap3A_16 = vector.shape_cast %broadcast_in_dim3A_12 : vector<16xf32> to vector<16xf32>
    tpu.vector_store %arg5[%swap3A_13], %swap3A_16 {strides = array<i32>} : memref<128xf32, #tpu.memory_space<vmem>>, vector<16xf32>,
    %broadcast_in_dim3A_17 = arith.constant 1.000000e+00 : f32
    %broadcast_in_dim3A_18 = vector.broadcast %broadcast_in_dim3A_17 : f32 to vector<16xf32>
    %swap3A_19 = arith.constant 32 : index
    %swap3A_20 = tpu.vector_load %arg5[%swap3A_19] {strides = array<i32>} : memref<128xf32, #tpu.memory_space<vmem>>, vector<16xf32>,
    %swap3A_21 = vector.shape_cast %swap3A_20 : vector<16xf32> to vector<16xf32>
    %swap3A_22 = vector.shape_cast %broadcast_in_dim3A_18 : vector<16xf32> to vector<16xf32>
    tpu.vector_store %arg5[%swap3A_19], %swap3A_22 {strides = array<i32>} : memref<128xf32, #tpu.memory_space<vmem>>, vector<16xf32>,
    %broadcast_in_dim3A_23 = arith.constant 1.000000e+00 : f32
    %broadcast_in_dim3A_24 = vector.broadcast %broadcast_in_dim3A_23 : f32 to vector<16xf32>
    %swap3A_25 = arith.constant 48 : index
    %swap3A_26 = tpu.vector_load %arg5[%swap3A_25] {strides = array<i32>} : memref<128xf32, #tpu.memory_space<vmem>>, vector<16xf32>,
    %swap3A_27 = vector.shape_cast %swap3A_26 : vector<16xf32> to vector<16xf32>
    %swap3A_28 = vector.shape_cast %broadcast_in_dim3A_24 : vector<16xf32> to vector<16xf32>
    tpu.vector_store %arg5[%swap3A_25], %swap3A_28 {strides = array<i32>} : memref<128xf32, #tpu.memory_space<vmem>>, vector<16xf32>,
    %broadcast_in_dim3A_29 = arith.constant 1.000000e+00 : f32
    %broadcast_in_dim3A_30 = vector.broadcast %broadcast_in_dim3A_29 : f32 to vector<16xf32>
    %swap3A_31 = arith.constant 64 : index
    %swap3A_32 = tpu.vector_load %arg5[%swap3A_31] {strides = array<i32>} : memref<128xf32, #tpu.memory_space<vmem>>, vector<16xf32>,
    %swap3A_33 = vector.shape_cast %swap3A_32 : vector<16xf32> to vector<16xf32>
    %swap3A_34 = vector.shape_cast %broadcast_in_dim3A_30 : vector<16xf32> to vector<16xf32>
    tpu.vector_store %arg5[%swap3A_31], %swap3A_34 {strides = array<i32>} : memref<128xf32, #tpu.memory_space<vmem>>, vector<16xf32>,
    %broadcast_in_dim3A_35 = arith.constant 1.000000e+00 : f32
    %broadcast_in_dim3A_36 = vector.broadcast %broadcast_in_dim3A_35 : f32 to vector<16xf32>
    %swap3A_37 = arith.constant 80 : index
    %swap3A_38 = tpu.vector_load %arg5[%swap3A_37] {strides = array<i32>} : memref<128xf32, #tpu.memory_space<vmem>>, vector<16xf32>,
    %swap3A_39 = vector.shape_cast %swap3A_38 : vector<16xf32> to vector<16xf32>
    %swap3A_40 = vector.shape_cast %broadcast_in_dim3A_36 : vector<16xf32> to vector<16xf32>
    tpu.vector_store %arg5[%swap3A_37], %swap3A_40 {strides = array<i32>} : memref<128xf32, #tpu.memory_space<vmem>>, vector<16xf32>,
    %broadcast_in_dim3A_41 = arith.constant 1.000000e+00 : f32
    %broadcast_in_dim3A_42 = vector.broadcast %broadcast_in_dim3A_41 : f32 to vector<16xf32>
    %swap3A_43 = arith.constant 96 : index
    %swap3A_44 = tpu.vector_load %arg5[%swap3A_43] {strides = array<i32>} : memref<128xf32, #tpu.memory_space<vmem>>, vector<16xf32>,
    %swap3A_45 = vector.shape_cast %swap3A_44 : vector<16xf32> to vector<16xf32>
    %swap3A_46 = vector.shape_cast %broadcast_in_dim3A_42 : vector<16xf32> to vector<16xf32>
    tpu.vector_store %arg5[%swap3A_43], %swap3A_46 {strides = array<i32>} : memref<128xf32, #tpu.memory_space<vmem>>, vector<16xf32>,
    %broadcast_in_dim3A_47 = arith.constant 1.000000e+00 : f32
    %broadcast_in_dim3A_48 = vector.broadcast %broadcast_in_dim3A_47 : f32 to vector<16xf32>
    %swap3A_49 = arith.constant 112 : index
    %swap3A_50 = tpu.vector_load %arg5[%swap3A_49] {strides = array<i32>} : memref<128xf32, #tpu.memory_space<vmem>>, vector<16xf32>,
    %swap3A_51 = vector.shape_cast %swap3A_50 : vector<16xf32> to vector<16xf32>
    %swap3A_52 = vector.shape_cast %broadcast_in_dim3A_48 : vector<16xf32> to vector<16xf32>
    tpu.vector_store %arg5[%swap3A_49], %swap3A_52 {strides = array<i32>} : memref<128xf32, #tpu.memory_space<vmem>>, vector<16xf32>,
    %lt3A = arith.constant 5 : i32
    %lt3A_53 = arith.cmpi slt, %arg1, %lt3A : i32
    %convert_element_type3A = arith.extui %lt3A_53 : i1 to i32
    %cond3A = arith.constant 0 : i32
    %cond3A_54 = arith.cmpi ne, %convert_element_type3A, %cond3A : i32
    scf.if %cond3A_54 {
      %mul3A_68 = arith.constant 2048 : i32
      %mul3A_69 = arith.muli %arg1, %mul3A_68 : i32
      "tpu.region"() ({
        %run_scoped3A = tpu.sem_alloc : memref<!tpu.dma_semaphore, #tpu.memory_space<semaphore_mem>>
        %dma_start3A = tpu.memref_slice %arg7[%mul3A_69] : memref<10240xf32, #tpu.memory_space<vmem_shared>> -> memref<2048xf32, #tpu.memory_space<vmem_shared>>
        %dma_start3A_70 = tpu.memref_slice %arg7[%mul3A_69] : memref<10240xf32, #tpu.memory_space<vmem_shared>> -> memref<2048xf32, #tpu.memory_space<vmem_shared>>
        tpu.enqueue_dma source(%arg6 : memref<2048xf32, #tpu.memory_space<vmem>>) target(%dma_start3A_70 : memref<2048xf32, #tpu.memory_space<vmem_shared>>) target_semaphore(%run_scoped3A : memref<!tpu.dma_semaphore, #tpu.memory_space<semaphore_mem>>)
        %dma_wait3A = tpu.memref_slice %arg7[%mul3A_69] : memref<10240xf32, #tpu.memory_space<vmem_shared>> -> memref<2048xf32, #tpu.memory_space<vmem_shared>>
        %dma_wait3A_71 = tpu.memref_slice %arg7[%mul3A_69] : memref<10240xf32, #tpu.memory_space<vmem_shared>> -> memref<2048xf32, #tpu.memory_space<vmem_shared>>
        tpu.wait_dma2 semaphore(%run_scoped3A : memref<!tpu.dma_semaphore, #tpu.memory_space<semaphore_mem>>) src(%arg6 : memref<2048xf32, #tpu.memory_space<vmem>>) dst(%dma_wait3A_71 : memref<2048xf32, #tpu.memory_space<vmem_shared>>)
        tpu.yield
      }) : () -> ()
    } else {
    }
    %mul3A_55 = arith.constant 80 : i32
    %mul3A_56 = arith.muli %add3A, %mul3A_55 : i32
    "tpu.region"() ({
      %run_scoped3A = tpu.sem_alloc : memref<!tpu.dma_semaphore, #tpu.memory_space<semaphore_mem>>
      %dma_start3A = arith.constant 0 : i32
      %dma_start3A_68 = tpu.memref_slice %arg2[%mul3A_56, %dma_start3A] : memref<2560x128xi32, #tpu.memory_space<hbm>> -> memref<80x128xi32, #tpu.memory_space<hbm>>
      %dma_start3A_69 = arith.constant 0 : i32
      %dma_start3A_70 = tpu.memref_slice %arg2[%mul3A_56, %dma_start3A_69] : memref<2560x128xi32, #tpu.memory_space<hbm>> -> memref<80x128xi32, #tpu.memory_space<hbm>>
      tpu.enqueue_dma source(%dma_start3A_70 : memref<80x128xi32, #tpu.memory_space<hbm>>) target(%arg4 : memref<80x128xi32, #tpu.memory_space<vmem>>) target_semaphore(%run_scoped3A : memref<!tpu.dma_semaphore, #tpu.memory_space<semaphore_mem>>)
      %dma_wait3A = arith.constant 0 : i32
      %dma_wait3A_71 = tpu.memref_slice %arg2[%mul3A_56, %dma_wait3A] : memref<2560x128xi32, #tpu.memory_space<hbm>> -> memref<80x128xi32, #tpu.memory_space<hbm>>
      %dma_wait3A_72 = arith.constant 0 : i32
      %dma_wait3A_73 = tpu.memref_slice %arg2[%mul3A_56, %dma_wait3A_72] : memref<2560x128xi32, #tpu.memory_space<hbm>> -> memref<80x128xi32, #tpu.memory_space<hbm>>
      tpu.wait_dma2 semaphore(%run_scoped3A : memref<!tpu.dma_semaphore, #tpu.memory_space<semaphore_mem>>) src(%dma_wait3A_73 : memref<80x128xi32, #tpu.memory_space<hbm>>) dst(%arg4 : memref<80x128xi32, #tpu.memory_space<vmem>>)
      tpu.yield
    }) : () -> ()
    %barrier3A = arith.constant 0 : index
    tpu.barrier barrier_id(%barrier3A)
    %scan3A_57 = arith.constant 0 : i32
    %scan3A_58 = arith.constant 5 : i32
    %scan3A_59 = arith.addi %scan3A_57, %scan3A_58 : i32
    %scan3A_60 = arith.constant 1 : i32
    scf.for %scan3A_68 = %scan3A_57 to %scan3A_59 step %scan3A_60  : i32 {
      %mul3A_69 = arith.constant 16 : i32
      %mul3A_70 = arith.muli %scan3A_68, %mul3A_69 : i32
      %add3A_71 = arith.constant 0 : i32
      %add3A_72 = arith.addi %add3A_71, %mul3A_70 : i32
      %add3A_73 = arith.constant 0 : i32
      %add3A_74 = arith.addi %add3A_72, %add3A_73 : i32
      %dma_start3A = arith.constant 0 : i32
      %dma_start3A_75 = tpu.memref_slice %arg4[%add3A_74, %dma_start3A] : memref<80x128xi32, #tpu.memory_space<vmem>> -> memref<1x128xi32, #tpu.memory_space<vmem>>
      %dma_start3A_76 = tpu.memref_squeeze %dma_start3A_75 : memref<1x128xi32, #tpu.memory_space<vmem>> -> memref<128xi32, #tpu.memory_space<vmem>>
      %dma_start3A_77 = arith.constant 0 : i32
      %dma_start3A_78 = tpu.memref_slice %arg7[%dma_start3A_77] : memref<10240xf32, #tpu.memory_space<vmem_shared>> -> memref<10240xf32, #tpu.memory_space<vmem_shared>>
      tpu.enqueue_indirect_dma source(%arg5 : memref<128xf32, #tpu.memory_space<vmem>>) target(%dma_start3A_78 : memref<10240xf32, #tpu.memory_space<vmem_shared>>) offsets(%dma_start3A_76 : memref<128xi32, #tpu.memory_space<vmem>>) semaphore(%arg8 : memref<!tpu.dma_semaphore, #tpu.memory_space<semaphore_mem>>) {add = true}
      %add3A_79 = arith.constant 1 : i32
      %add3A_80 = arith.addi %add3A_72, %add3A_79 : i32
      %dma_start3A_81 = arith.constant 0 : i32
      %dma_start3A_82 = tpu.memref_slice %arg4[%add3A_80, %dma_start3A_81] : memref<80x128xi32, #tpu.memory_space<vmem>> -> memref<1x128xi32, #tpu.memory_space<vmem>>
      %dma_start3A_83 = tpu.memref_squeeze %dma_start3A_82 : memref<1x128xi32, #tpu.memory_space<vmem>> -> memref<128xi32, #tpu.memory_space<vmem>>
      %dma_start3A_84 = arith.constant 0 : i32
      %dma_start3A_85 = tpu.memref_slice %arg7[%dma_start3A_84] : memref<10240xf32, #tpu.memory_space<vmem_shared>> -> memref<10240xf32, #tpu.memory_space<vmem_shared>>
      tpu.enqueue_indirect_dma source(%arg5 : memref<128xf32, #tpu.memory_space<vmem>>) target(%dma_start3A_85 : memref<10240xf32, #tpu.memory_space<vmem_shared>>) offsets(%dma_start3A_83 : memref<128xi32, #tpu.memory_space<vmem>>) semaphore(%arg8 : memref<!tpu.dma_semaphore, #tpu.memory_space<semaphore_mem>>) {add = true}
      %add3A_86 = arith.constant 2 : i32
      %add3A_87 = arith.addi %add3A_72, %add3A_86 : i32
      %dma_start3A_88 = arith.constant 0 : i32
      %dma_start3A_89 = tpu.memref_slice %arg4[%add3A_87, %dma_start3A_88] : memref<80x128xi32, #tpu.memory_space<vmem>> -> memref<1x128xi32, #tpu.memory_space<vmem>>
      %dma_start3A_90 = tpu.memref_squeeze %dma_start3A_89 : memref<1x128xi32, #tpu.memory_space<vmem>> -> memref<128xi32, #tpu.memory_space<vmem>>
      %dma_start3A_91 = arith.constant 0 : i32
      %dma_start3A_92 = tpu.memref_slice %arg7[%dma_start3A_91] : memref<10240xf32, #tpu.memory_space<vmem_shared>> -> memref<10240xf32, #tpu.memory_space<vmem_shared>>
      tpu.enqueue_indirect_dma source(%arg5 : memref<128xf32, #tpu.memory_space<vmem>>) target(%dma_start3A_92 : memref<10240xf32, #tpu.memory_space<vmem_shared>>) offsets(%dma_start3A_90 : memref<128xi32, #tpu.memory_space<vmem>>) semaphore(%arg8 : memref<!tpu.dma_semaphore, #tpu.memory_space<semaphore_mem>>) {add = true}
      %add3A_93 = arith.constant 3 : i32
      %add3A_94 = arith.addi %add3A_72, %add3A_93 : i32
      %dma_start3A_95 = arith.constant 0 : i32
      %dma_start3A_96 = tpu.memref_slice %arg4[%add3A_94, %dma_start3A_95] : memref<80x128xi32, #tpu.memory_space<vmem>> -> memref<1x128xi32, #tpu.memory_space<vmem>>
      %dma_start3A_97 = tpu.memref_squeeze %dma_start3A_96 : memref<1x128xi32, #tpu.memory_space<vmem>> -> memref<128xi32, #tpu.memory_space<vmem>>
      %dma_start3A_98 = arith.constant 0 : i32
      %dma_start3A_99 = tpu.memref_slice %arg7[%dma_start3A_98] : memref<10240xf32, #tpu.memory_space<vmem_shared>> -> memref<10240xf32, #tpu.memory_space<vmem_shared>>
      tpu.enqueue_indirect_dma source(%arg5 : memref<128xf32, #tpu.memory_space<vmem>>) target(%dma_start3A_99 : memref<10240xf32, #tpu.memory_space<vmem_shared>>) offsets(%dma_start3A_97 : memref<128xi32, #tpu.memory_space<vmem>>) semaphore(%arg8 : memref<!tpu.dma_semaphore, #tpu.memory_space<semaphore_mem>>) {add = true}
      %add3A_100 = arith.constant 4 : i32
      %add3A_101 = arith.addi %add3A_72, %add3A_100 : i32
      %dma_start3A_102 = arith.constant 0 : i32
      %dma_start3A_103 = tpu.memref_slice %arg4[%add3A_101, %dma_start3A_102] : memref<80x128xi32, #tpu.memory_space<vmem>> -> memref<1x128xi32, #tpu.memory_space<vmem>>
      %dma_start3A_104 = tpu.memref_squeeze %dma_start3A_103 : memref<1x128xi32, #tpu.memory_space<vmem>> -> memref<128xi32, #tpu.memory_space<vmem>>
      %dma_start3A_105 = arith.constant 0 : i32
      %dma_start3A_106 = tpu.memref_slice %arg7[%dma_start3A_105] : memref<10240xf32, #tpu.memory_space<vmem_shared>> -> memref<10240xf32, #tpu.memory_space<vmem_shared>>
      tpu.enqueue_indirect_dma source(%arg5 : memref<128xf32, #tpu.memory_space<vmem>>) target(%dma_start3A_106 : memref<10240xf32, #tpu.memory_space<vmem_shared>>) offsets(%dma_start3A_104 : memref<128xi32, #tpu.memory_space<vmem>>) semaphore(%arg8 : memref<!tpu.dma_semaphore, #tpu.memory_space<semaphore_mem>>) {add = true}
      %add3A_107 = arith.constant 5 : i32
      %add3A_108 = arith.addi %add3A_72, %add3A_107 : i32
      %dma_start3A_109 = arith.constant 0 : i32
      %dma_start3A_110 = tpu.memref_slice %arg4[%add3A_108, %dma_start3A_109] : memref<80x128xi32, #tpu.memory_space<vmem>> -> memref<1x128xi32, #tpu.memory_space<vmem>>
      %dma_start3A_111 = tpu.memref_squeeze %dma_start3A_110 : memref<1x128xi32, #tpu.memory_space<vmem>> -> memref<128xi32, #tpu.memory_space<vmem>>
      %dma_start3A_112 = arith.constant 0 : i32
      %dma_start3A_113 = tpu.memref_slice %arg7[%dma_start3A_112] : memref<10240xf32, #tpu.memory_space<vmem_shared>> -> memref<10240xf32, #tpu.memory_space<vmem_shared>>
      tpu.enqueue_indirect_dma source(%arg5 : memref<128xf32, #tpu.memory_space<vmem>>) target(%dma_start3A_113 : memref<10240xf32, #tpu.memory_space<vmem_shared>>) offsets(%dma_start3A_111 : memref<128xi32, #tpu.memory_space<vmem>>) semaphore(%arg8 : memref<!tpu.dma_semaphore, #tpu.memory_space<semaphore_mem>>) {add = true}
      %add3A_114 = arith.constant 6 : i32
      %add3A_115 = arith.addi %add3A_72, %add3A_114 : i32
      %dma_start3A_116 = arith.constant 0 : i32
      %dma_start3A_117 = tpu.memref_slice %arg4[%add3A_115, %dma_start3A_116] : memref<80x128xi32, #tpu.memory_space<vmem>> -> memref<1x128xi32, #tpu.memory_space<vmem>>
      %dma_start3A_118 = tpu.memref_squeeze %dma_start3A_117 : memref<1x128xi32, #tpu.memory_space<vmem>> -> memref<128xi32, #tpu.memory_space<vmem>>
      %dma_start3A_119 = arith.constant 0 : i32
      %dma_start3A_120 = tpu.memref_slice %arg7[%dma_start3A_119] : memref<10240xf32, #tpu.memory_space<vmem_shared>> -> memref<10240xf32, #tpu.memory_space<vmem_shared>>
      tpu.enqueue_indirect_dma source(%arg5 : memref<128xf32, #tpu.memory_space<vmem>>) target(%dma_start3A_120 : memref<10240xf32, #tpu.memory_space<vmem_shared>>) offsets(%dma_start3A_118 : memref<128xi32, #tpu.memory_space<vmem>>) semaphore(%arg8 : memref<!tpu.dma_semaphore, #tpu.memory_space<semaphore_mem>>) {add = true}
      %add3A_121 = arith.constant 7 : i32
      %add3A_122 = arith.addi %add3A_72, %add3A_121 : i32
      %dma_start3A_123 = arith.constant 0 : i32
      %dma_start3A_124 = tpu.memref_slice %arg4[%add3A_122, %dma_start3A_123] : memref<80x128xi32, #tpu.memory_space<vmem>> -> memref<1x128xi32, #tpu.memory_space<vmem>>
      %dma_start3A_125 = tpu.memref_squeeze %dma_start3A_124 : memref<1x128xi32, #tpu.memory_space<vmem>> -> memref<128xi32, #tpu.memory_space<vmem>>
      %dma_start3A_126 = arith.constant 0 : i32
      %dma_start3A_127 = tpu.memref_slice %arg7[%dma_start3A_126] : memref<10240xf32, #tpu.memory_space<vmem_shared>> -> memref<10240xf32, #tpu.memory_space<vmem_shared>>
      tpu.enqueue_indirect_dma source(%arg5 : memref<128xf32, #tpu.memory_space<vmem>>) target(%dma_start3A_127 : memref<10240xf32, #tpu.memory_space<vmem_shared>>) offsets(%dma_start3A_125 : memref<128xi32, #tpu.memory_space<vmem>>) semaphore(%arg8 : memref<!tpu.dma_semaphore, #tpu.memory_space<semaphore_mem>>) {add = true}
      %add3A_128 = arith.constant 8 : i32
      %add3A_129 = arith.addi %add3A_72, %add3A_128 : i32
      %dma_start3A_130 = arith.constant 0 : i32
      %dma_start3A_131 = tpu.memref_slice %arg4[%add3A_129, %dma_start3A_130] : memref<80x128xi32, #tpu.memory_space<vmem>> -> memref<1x128xi32, #tpu.memory_space<vmem>>
      %dma_start3A_132 = tpu.memref_squeeze %dma_start3A_131 : memref<1x128xi32, #tpu.memory_space<vmem>> -> memref<128xi32, #tpu.memory_space<vmem>>
      %dma_start3A_133 = arith.constant 0 : i32
      %dma_start3A_134 = tpu.memref_slice %arg7[%dma_start3A_133] : memref<10240xf32, #tpu.memory_space<vmem_shared>> -> memref<10240xf32, #tpu.memory_space<vmem_shared>>
      tpu.enqueue_indirect_dma source(%arg5 : memref<128xf32, #tpu.memory_space<vmem>>) target(%dma_start3A_134 : memref<10240xf32, #tpu.memory_space<vmem_shared>>) offsets(%dma_start3A_132 : memref<128xi32, #tpu.memory_space<vmem>>) semaphore(%arg8 : memref<!tpu.dma_semaphore, #tpu.memory_space<semaphore_mem>>) {add = true}
      %add3A_135 = arith.constant 9 : i32
      %add3A_136 = arith.addi %add3A_72, %add3A_135 : i32
      %dma_start3A_137 = arith.constant 0 : i32
      %dma_start3A_138 = tpu.memref_slice %arg4[%add3A_136, %dma_start3A_137] : memref<80x128xi32, #tpu.memory_space<vmem>> -> memref<1x128xi32, #tpu.memory_space<vmem>>
      %dma_start3A_139 = tpu.memref_squeeze %dma_start3A_138 : memref<1x128xi32, #tpu.memory_space<vmem>> -> memref<128xi32, #tpu.memory_space<vmem>>
      %dma_start3A_140 = arith.constant 0 : i32
      %dma_start3A_141 = tpu.memref_slice %arg7[%dma_start3A_140] : memref<10240xf32, #tpu.memory_space<vmem_shared>> -> memref<10240xf32, #tpu.memory_space<vmem_shared>>
      tpu.enqueue_indirect_dma source(%arg5 : memref<128xf32, #tpu.memory_space<vmem>>) target(%dma_start3A_141 : memref<10240xf32, #tpu.memory_space<vmem_shared>>) offsets(%dma_start3A_139 : memref<128xi32, #tpu.memory_space<vmem>>) semaphore(%arg8 : memref<!tpu.dma_semaphore, #tpu.memory_space<semaphore_mem>>) {add = true}
      %add3A_142 = arith.constant 10 : i32
      %add3A_143 = arith.addi %add3A_72, %add3A_142 : i32
      %dma_start3A_144 = arith.constant 0 : i32
      %dma_start3A_145 = tpu.memref_slice %arg4[%add3A_143, %dma_start3A_144] : memref<80x128xi32, #tpu.memory_space<vmem>> -> memref<1x128xi32, #tpu.memory_space<vmem>>
      %dma_start3A_146 = tpu.memref_squeeze %dma_start3A_145 : memref<1x128xi32, #tpu.memory_space<vmem>> -> memref<128xi32, #tpu.memory_space<vmem>>
      %dma_start3A_147 = arith.constant 0 : i32
      %dma_start3A_148 = tpu.memref_slice %arg7[%dma_start3A_147] : memref<10240xf32, #tpu.memory_space<vmem_shared>> -> memref<10240xf32, #tpu.memory_space<vmem_shared>>
      tpu.enqueue_indirect_dma source(%arg5 : memref<128xf32, #tpu.memory_space<vmem>>) target(%dma_start3A_148 : memref<10240xf32, #tpu.memory_space<vmem_shared>>) offsets(%dma_start3A_146 : memref<128xi32, #tpu.memory_space<vmem>>) semaphore(%arg8 : memref<!tpu.dma_semaphore, #tpu.memory_space<semaphore_mem>>) {add = true}
      %add3A_149 = arith.constant 11 : i32
      %add3A_150 = arith.addi %add3A_72, %add3A_149 : i32
      %dma_start3A_151 = arith.constant 0 : i32
      %dma_start3A_152 = tpu.memref_slice %arg4[%add3A_150, %dma_start3A_151] : memref<80x128xi32, #tpu.memory_space<vmem>> -> memref<1x128xi32, #tpu.memory_space<vmem>>
      %dma_start3A_153 = tpu.memref_squeeze %dma_start3A_152 : memref<1x128xi32, #tpu.memory_space<vmem>> -> memref<128xi32, #tpu.memory_space<vmem>>
      %dma_start3A_154 = arith.constant 0 : i32
      %dma_start3A_155 = tpu.memref_slice %arg7[%dma_start3A_154] : memref<10240xf32, #tpu.memory_space<vmem_shared>> -> memref<10240xf32, #tpu.memory_space<vmem_shared>>
      tpu.enqueue_indirect_dma source(%arg5 : memref<128xf32, #tpu.memory_space<vmem>>) target(%dma_start3A_155 : memref<10240xf32, #tpu.memory_space<vmem_shared>>) offsets(%dma_start3A_153 : memref<128xi32, #tpu.memory_space<vmem>>) semaphore(%arg8 : memref<!tpu.dma_semaphore, #tpu.memory_space<semaphore_mem>>) {add = true}
      %add3A_156 = arith.constant 12 : i32
      %add3A_157 = arith.addi %add3A_72, %add3A_156 : i32
      %dma_start3A_158 = arith.constant 0 : i32
      %dma_start3A_159 = tpu.memref_slice %arg4[%add3A_157, %dma_start3A_158] : memref<80x128xi32, #tpu.memory_space<vmem>> -> memref<1x128xi32, #tpu.memory_space<vmem>>
      %dma_start3A_160 = tpu.memref_squeeze %dma_start3A_159 : memref<1x128xi32, #tpu.memory_space<vmem>> -> memref<128xi32, #tpu.memory_space<vmem>>
      %dma_start3A_161 = arith.constant 0 : i32
      %dma_start3A_162 = tpu.memref_slice %arg7[%dma_start3A_161] : memref<10240xf32, #tpu.memory_space<vmem_shared>> -> memref<10240xf32, #tpu.memory_space<vmem_shared>>
      tpu.enqueue_indirect_dma source(%arg5 : memref<128xf32, #tpu.memory_space<vmem>>) target(%dma_start3A_162 : memref<10240xf32, #tpu.memory_space<vmem_shared>>) offsets(%dma_start3A_160 : memref<128xi32, #tpu.memory_space<vmem>>) semaphore(%arg8 : memref<!tpu.dma_semaphore, #tpu.memory_space<semaphore_mem>>) {add = true}
      %add3A_163 = arith.constant 13 : i32
      %add3A_164 = arith.addi %add3A_72, %add3A_163 : i32
      %dma_start3A_165 = arith.constant 0 : i32
      %dma_start3A_166 = tpu.memref_slice %arg4[%add3A_164, %dma_start3A_165] : memref<80x128xi32, #tpu.memory_space<vmem>> -> memref<1x128xi32, #tpu.memory_space<vmem>>
      %dma_start3A_167 = tpu.memref_squeeze %dma_start3A_166 : memref<1x128xi32, #tpu.memory_space<vmem>> -> memref<128xi32, #tpu.memory_space<vmem>>
      %dma_start3A_168 = arith.constant 0 : i32
      %dma_start3A_169 = tpu.memref_slice %arg7[%dma_start3A_168] : memref<10240xf32, #tpu.memory_space<vmem_shared>> -> memref<10240xf32, #tpu.memory_space<vmem_shared>>
      tpu.enqueue_indirect_dma source(%arg5 : memref<128xf32, #tpu.memory_space<vmem>>) target(%dma_start3A_169 : memref<10240xf32, #tpu.memory_space<vmem_shared>>) offsets(%dma_start3A_167 : memref<128xi32, #tpu.memory_space<vmem>>) semaphore(%arg8 : memref<!tpu.dma_semaphore, #tpu.memory_space<semaphore_mem>>) {add = true}
      %add3A_170 = arith.constant 14 : i32
      %add3A_171 = arith.addi %add3A_72, %add3A_170 : i32
      %dma_start3A_172 = arith.constant 0 : i32
      %dma_start3A_173 = tpu.memref_slice %arg4[%add3A_171, %dma_start3A_172] : memref<80x128xi32, #tpu.memory_space<vmem>> -> memref<1x128xi32, #tpu.memory_space<vmem>>
      %dma_start3A_174 = tpu.memref_squeeze %dma_start3A_173 : memref<1x128xi32, #tpu.memory_space<vmem>> -> memref<128xi32, #tpu.memory_space<vmem>>
      %dma_start3A_175 = arith.constant 0 : i32
      %dma_start3A_176 = tpu.memref_slice %arg7[%dma_start3A_175] : memref<10240xf32, #tpu.memory_space<vmem_shared>> -> memref<10240xf32, #tpu.memory_space<vmem_shared>>
      tpu.enqueue_indirect_dma source(%arg5 : memref<128xf32, #tpu.memory_space<vmem>>) target(%dma_start3A_176 : memref<10240xf32, #tpu.memory_space<vmem_shared>>) offsets(%dma_start3A_174 : memref<128xi32, #tpu.memory_space<vmem>>) semaphore(%arg8 : memref<!tpu.dma_semaphore, #tpu.memory_space<semaphore_mem>>) {add = true}
      %add3A_177 = arith.constant 15 : i32
      %add3A_178 = arith.addi %add3A_72, %add3A_177 : i32
      %dma_start3A_179 = arith.constant 0 : i32
      %dma_start3A_180 = tpu.memref_slice %arg4[%add3A_178, %dma_start3A_179] : memref<80x128xi32, #tpu.memory_space<vmem>> -> memref<1x128xi32, #tpu.memory_space<vmem>>
      %dma_start3A_181 = tpu.memref_squeeze %dma_start3A_180 : memref<1x128xi32, #tpu.memory_space<vmem>> -> memref<128xi32, #tpu.memory_space<vmem>>
      %dma_start3A_182 = arith.constant 0 : i32
      %dma_start3A_183 = tpu.memref_slice %arg7[%dma_start3A_182] : memref<10240xf32, #tpu.memory_space<vmem_shared>> -> memref<10240xf32, #tpu.memory_space<vmem_shared>>
      tpu.enqueue_indirect_dma source(%arg5 : memref<128xf32, #tpu.memory_space<vmem>>) target(%dma_start3A_183 : memref<10240xf32, #tpu.memory_space<vmem_shared>>) offsets(%dma_start3A_181 : memref<128xi32, #tpu.memory_space<vmem>>) semaphore(%arg8 : memref<!tpu.dma_semaphore, #tpu.memory_space<semaphore_mem>>) {add = true}
      %dma_wait3A = arith.constant 0 : i32
      %dma_wait3A_184 = tpu.memref_slice %arg4[%add3A_72, %dma_wait3A] : memref<80x128xi32, #tpu.memory_space<vmem>> -> memref<1x128xi32, #tpu.memory_space<vmem>>
      %dma_wait3A_185 = tpu.memref_squeeze %dma_wait3A_184 : memref<1x128xi32, #tpu.memory_space<vmem>> -> memref<128xi32, #tpu.memory_space<vmem>>
      %dma_wait3A_186 = arith.constant 0 : i32
      %dma_wait3A_187 = tpu.memref_slice %arg7[%dma_wait3A_186] : memref<10240xf32, #tpu.memory_space<vmem_shared>> -> memref<10240xf32, #tpu.memory_space<vmem_shared>>
      tpu.wait_indirect_dma semaphore(%arg8 : memref<!tpu.dma_semaphore, #tpu.memory_space<semaphore_mem>>) src(%arg5 : memref<128xf32, #tpu.memory_space<vmem>>) dst(%dma_wait3A_187 : memref<10240xf32, #tpu.memory_space<vmem_shared>>)
      %dma_wait3A_188 = arith.constant 0 : i32
      %dma_wait3A_189 = tpu.memref_slice %arg4[%add3A_72, %dma_wait3A_188] : memref<80x128xi32, #tpu.memory_space<vmem>> -> memref<1x128xi32, #tpu.memory_space<vmem>>
      %dma_wait3A_190 = tpu.memref_squeeze %dma_wait3A_189 : memref<1x128xi32, #tpu.memory_space<vmem>> -> memref<128xi32, #tpu.memory_space<vmem>>
      %dma_wait3A_191 = arith.constant 0 : i32
      %dma_wait3A_192 = tpu.memref_slice %arg7[%dma_wait3A_191] : memref<10240xf32, #tpu.memory_space<vmem_shared>> -> memref<10240xf32, #tpu.memory_space<vmem_shared>>
      tpu.wait_indirect_dma semaphore(%arg8 : memref<!tpu.dma_semaphore, #tpu.memory_space<semaphore_mem>>) src(%arg5 : memref<128xf32, #tpu.memory_space<vmem>>) dst(%dma_wait3A_192 : memref<10240xf32, #tpu.memory_space<vmem_shared>>)
      %dma_wait3A_193 = arith.constant 0 : i32
      %dma_wait3A_194 = tpu.memref_slice %arg4[%add3A_72, %dma_wait3A_193] : memref<80x128xi32, #tpu.memory_space<vmem>> -> memref<1x128xi32, #tpu.memory_space<vmem>>
      %dma_wait3A_195 = tpu.memref_squeeze %dma_wait3A_194 : memref<1x128xi32, #tpu.memory_space<vmem>> -> memref<128xi32, #tpu.memory_space<vmem>>
      %dma_wait3A_196 = arith.constant 0 : i32
      %dma_wait3A_197 = tpu.memref_slice %arg7[%dma_wait3A_196] : memref<10240xf32, #tpu.memory_space<vmem_shared>> -> memref<10240xf32, #tpu.memory_space<vmem_shared>>
      tpu.wait_indirect_dma semaphore(%arg8 : memref<!tpu.dma_semaphore, #tpu.memory_space<semaphore_mem>>) src(%arg5 : memref<128xf32, #tpu.memory_space<vmem>>) dst(%dma_wait3A_197 : memref<10240xf32, #tpu.memory_space<vmem_shared>>)
      %dma_wait3A_198 = arith.constant 0 : i32
      %dma_wait3A_199 = tpu.memref_slice %arg4[%add3A_72, %dma_wait3A_198] : memref<80x128xi32, #tpu.memory_space<vmem>> -> memref<1x128xi32, #tpu.memory_space<vmem>>
      %dma_wait3A_200 = tpu.memref_squeeze %dma_wait3A_199 : memref<1x128xi32, #tpu.memory_space<vmem>> -> memref<128xi32, #tpu.memory_space<vmem>>
      %dma_wait3A_201 = arith.constant 0 : i32
      %dma_wait3A_202 = tpu.memref_slice %arg7[%dma_wait3A_201] : memref<10240xf32, #tpu.memory_space<vmem_shared>> -> memref<10240xf32, #tpu.memory_space<vmem_shared>>
      tpu.wait_indirect_dma semaphore(%arg8 : memref<!tpu.dma_semaphore, #tpu.memory_space<semaphore_mem>>) src(%arg5 : memref<128xf32, #tpu.memory_space<vmem>>) dst(%dma_wait3A_202 : memref<10240xf32, #tpu.memory_space<vmem_shared>>)
      %dma_wait3A_203 = arith.constant 0 : i32
      %dma_wait3A_204 = tpu.memref_slice %arg4[%add3A_72, %dma_wait3A_203] : memref<80x128xi32, #tpu.memory_space<vmem>> -> memref<1x128xi32, #tpu.memory_space<vmem>>
      %dma_wait3A_205 = tpu.memref_squeeze %dma_wait3A_204 : memref<1x128xi32, #tpu.memory_space<vmem>> -> memref<128xi32, #tpu.memory_space<vmem>>
      %dma_wait3A_206 = arith.constant 0 : i32
      %dma_wait3A_207 = tpu.memref_slice %arg7[%dma_wait3A_206] : memref<10240xf32, #tpu.memory_space<vmem_shared>> -> memref<10240xf32, #tpu.memory_space<vmem_shared>>
      tpu.wait_indirect_dma semaphore(%arg8 : memref<!tpu.dma_semaphore, #tpu.memory_space<semaphore_mem>>) src(%arg5 : memref<128xf32, #tpu.memory_space<vmem>>) dst(%dma_wait3A_207 : memref<10240xf32, #tpu.memory_space<vmem_shared>>)
      %dma_wait3A_208 = arith.constant 0 : i32
      %dma_wait3A_209 = tpu.memref_slice %arg4[%add3A_72, %dma_wait3A_208] : memref<80x128xi32, #tpu.memory_space<vmem>> -> memref<1x128xi32, #tpu.memory_space<vmem>>
      %dma_wait3A_210 = tpu.memref_squeeze %dma_wait3A_209 : memref<1x128xi32, #tpu.memory_space<vmem>> -> memref<128xi32, #tpu.memory_space<vmem>>
      %dma_wait3A_211 = arith.constant 0 : i32
      %dma_wait3A_212 = tpu.memref_slice %arg7[%dma_wait3A_211] : memref<10240xf32, #tpu.memory_space<vmem_shared>> -> memref<10240xf32, #tpu.memory_space<vmem_shared>>
      tpu.wait_indirect_dma semaphore(%arg8 : memref<!tpu.dma_semaphore, #tpu.memory_space<semaphore_mem>>) src(%arg5 : memref<128xf32, #tpu.memory_space<vmem>>) dst(%dma_wait3A_212 : memref<10240xf32, #tpu.memory_space<vmem_shared>>)
      %dma_wait3A_213 = arith.constant 0 : i32
      %dma_wait3A_214 = tpu.memref_slice %arg4[%add3A_72, %dma_wait3A_213] : memref<80x128xi32, #tpu.memory_space<vmem>> -> memref<1x128xi32, #tpu.memory_space<vmem>>
      %dma_wait3A_215 = tpu.memref_squeeze %dma_wait3A_214 : memref<1x128xi32, #tpu.memory_space<vmem>> -> memref<128xi32, #tpu.memory_space<vmem>>
      %dma_wait3A_216 = arith.constant 0 : i32
      %dma_wait3A_217 = tpu.memref_slice %arg7[%dma_wait3A_216] : memref<10240xf32, #tpu.memory_space<vmem_shared>> -> memref<10240xf32, #tpu.memory_space<vmem_shared>>
      tpu.wait_indirect_dma semaphore(%arg8 : memref<!tpu.dma_semaphore, #tpu.memory_space<semaphore_mem>>) src(%arg5 : memref<128xf32, #tpu.memory_space<vmem>>) dst(%dma_wait3A_217 : memref<10240xf32, #tpu.memory_space<vmem_shared>>)
      %dma_wait3A_218 = arith.constant 0 : i32
      %dma_wait3A_219 = tpu.memref_slice %arg4[%add3A_72, %dma_wait3A_218] : memref<80x128xi32, #tpu.memory_space<vmem>> -> memref<1x128xi32, #tpu.memory_space<vmem>>
      %dma_wait3A_220 = tpu.memref_squeeze %dma_wait3A_219 : memref<1x128xi32, #tpu.memory_space<vmem>> -> memref<128xi32, #tpu.memory_space<vmem>>
      %dma_wait3A_221 = arith.constant 0 : i32
      %dma_wait3A_222 = tpu.memref_slice %arg7[%dma_wait3A_221] : memref<10240xf32, #tpu.memory_space<vmem_shared>> -> memref<10240xf32, #tpu.memory_space<vmem_shared>>
      tpu.wait_indirect_dma semaphore(%arg8 : memref<!tpu.dma_semaphore, #tpu.memory_space<semaphore_mem>>) src(%arg5 : memref<128xf32, #tpu.memory_space<vmem>>) dst(%dma_wait3A_222 : memref<10240xf32, #tpu.memory_space<vmem_shared>>)
      %dma_wait3A_223 = arith.constant 0 : i32
      %dma_wait3A_224 = tpu.memref_slice %arg4[%add3A_72, %dma_wait3A_223] : memref<80x128xi32, #tpu.memory_space<vmem>> -> memref<1x128xi32, #tpu.memory_space<vmem>>
      %dma_wait3A_225 = tpu.memref_squeeze %dma_wait3A_224 : memref<1x128xi32, #tpu.memory_space<vmem>> -> memref<128xi32, #tpu.memory_space<vmem>>
      %dma_wait3A_226 = arith.constant 0 : i32
      %dma_wait3A_227 = tpu.memref_slice %arg7[%dma_wait3A_226] : memref<10240xf32, #tpu.memory_space<vmem_shared>> -> memref<10240xf32, #tpu.memory_space<vmem_shared>>
      tpu.wait_indirect_dma semaphore(%arg8 : memref<!tpu.dma_semaphore, #tpu.memory_space<semaphore_mem>>) src(%arg5 : memref<128xf32, #tpu.memory_space<vmem>>) dst(%dma_wait3A_227 : memref<10240xf32, #tpu.memory_space<vmem_shared>>)
      %dma_wait3A_228 = arith.constant 0 : i32
      %dma_wait3A_229 = tpu.memref_slice %arg4[%add3A_72, %dma_wait3A_228] : memref<80x128xi32, #tpu.memory_space<vmem>> -> memref<1x128xi32, #tpu.memory_space<vmem>>
      %dma_wait3A_230 = tpu.memref_squeeze %dma_wait3A_229 : memref<1x128xi32, #tpu.memory_space<vmem>> -> memref<128xi32, #tpu.memory_space<vmem>>
      %dma_wait3A_231 = arith.constant 0 : i32
      %dma_wait3A_232 = tpu.memref_slice %arg7[%dma_wait3A_231] : memref<10240xf32, #tpu.memory_space<vmem_shared>> -> memref<10240xf32, #tpu.memory_space<vmem_shared>>
      tpu.wait_indirect_dma semaphore(%arg8 : memref<!tpu.dma_semaphore, #tpu.memory_space<semaphore_mem>>) src(%arg5 : memref<128xf32, #tpu.memory_space<vmem>>) dst(%dma_wait3A_232 : memref<10240xf32, #tpu.memory_space<vmem_shared>>)
      %dma_wait3A_233 = arith.constant 0 : i32
      %dma_wait3A_234 = tpu.memref_slice %arg4[%add3A_72, %dma_wait3A_233] : memref<80x128xi32, #tpu.memory_space<vmem>> -> memref<1x128xi32, #tpu.memory_space<vmem>>
      %dma_wait3A_235 = tpu.memref_squeeze %dma_wait3A_234 : memref<1x128xi32, #tpu.memory_space<vmem>> -> memref<128xi32, #tpu.memory_space<vmem>>
      %dma_wait3A_236 = arith.constant 0 : i32
      %dma_wait3A_237 = tpu.memref_slice %arg7[%dma_wait3A_236] : memref<10240xf32, #tpu.memory_space<vmem_shared>> -> memref<10240xf32, #tpu.memory_space<vmem_shared>>
      tpu.wait_indirect_dma semaphore(%arg8 : memref<!tpu.dma_semaphore, #tpu.memory_space<semaphore_mem>>) src(%arg5 : memref<128xf32, #tpu.memory_space<vmem>>) dst(%dma_wait3A_237 : memref<10240xf32, #tpu.memory_space<vmem_shared>>)
      %dma_wait3A_238 = arith.constant 0 : i32
      %dma_wait3A_239 = tpu.memref_slice %arg4[%add3A_72, %dma_wait3A_238] : memref<80x128xi32, #tpu.memory_space<vmem>> -> memref<1x128xi32, #tpu.memory_space<vmem>>
      %dma_wait3A_240 = tpu.memref_squeeze %dma_wait3A_239 : memref<1x128xi32, #tpu.memory_space<vmem>> -> memref<128xi32, #tpu.memory_space<vmem>>
      %dma_wait3A_241 = arith.constant 0 : i32
      %dma_wait3A_242 = tpu.memref_slice %arg7[%dma_wait3A_241] : memref<10240xf32, #tpu.memory_space<vmem_shared>> -> memref<10240xf32, #tpu.memory_space<vmem_shared>>
      tpu.wait_indirect_dma semaphore(%arg8 : memref<!tpu.dma_semaphore, #tpu.memory_space<semaphore_mem>>) src(%arg5 : memref<128xf32, #tpu.memory_space<vmem>>) dst(%dma_wait3A_242 : memref<10240xf32, #tpu.memory_space<vmem_shared>>)
      %dma_wait3A_243 = arith.constant 0 : i32
      %dma_wait3A_244 = tpu.memref_slice %arg4[%add3A_72, %dma_wait3A_243] : memref<80x128xi32, #tpu.memory_space<vmem>> -> memref<1x128xi32, #tpu.memory_space<vmem>>
      %dma_wait3A_245 = tpu.memref_squeeze %dma_wait3A_244 : memref<1x128xi32, #tpu.memory_space<vmem>> -> memref<128xi32, #tpu.memory_space<vmem>>
      %dma_wait3A_246 = arith.constant 0 : i32
      %dma_wait3A_247 = tpu.memref_slice %arg7[%dma_wait3A_246] : memref<10240xf32, #tpu.memory_space<vmem_shared>> -> memref<10240xf32, #tpu.memory_space<vmem_shared>>
      tpu.wait_indirect_dma semaphore(%arg8 : memref<!tpu.dma_semaphore, #tpu.memory_space<semaphore_mem>>) src(%arg5 : memref<128xf32, #tpu.memory_space<vmem>>) dst(%dma_wait3A_247 : memref<10240xf32, #tpu.memory_space<vmem_shared>>)
      %dma_wait3A_248 = arith.constant 0 : i32
      %dma_wait3A_249 = tpu.memref_slice %arg4[%add3A_72, %dma_wait3A_248] : memref<80x128xi32, #tpu.memory_space<vmem>> -> memref<1x128xi32, #tpu.memory_space<vmem>>
      %dma_wait3A_250 = tpu.memref_squeeze %dma_wait3A_249 : memref<1x128xi32, #tpu.memory_space<vmem>> -> memref<128xi32, #tpu.memory_space<vmem>>
      %dma_wait3A_251 = arith.constant 0 : i32
      %dma_wait3A_252 = tpu.memref_slice %arg7[%dma_wait3A_251] : memref<10240xf32, #tpu.memory_space<vmem_shared>> -> memref<10240xf32, #tpu.memory_space<vmem_shared>>
      tpu.wait_indirect_dma semaphore(%arg8 : memref<!tpu.dma_semaphore, #tpu.memory_space<semaphore_mem>>) src(%arg5 : memref<128xf32, #tpu.memory_space<vmem>>) dst(%dma_wait3A_252 : memref<10240xf32, #tpu.memory_space<vmem_shared>>)
      %dma_wait3A_253 = arith.constant 0 : i32
      %dma_wait3A_254 = tpu.memref_slice %arg4[%add3A_72, %dma_wait3A_253] : memref<80x128xi32, #tpu.memory_space<vmem>> -> memref<1x128xi32, #tpu.memory_space<vmem>>
      %dma_wait3A_255 = tpu.memref_squeeze %dma_wait3A_254 : memref<1x128xi32, #tpu.memory_space<vmem>> -> memref<128xi32, #tpu.memory_space<vmem>>
      %dma_wait3A_256 = arith.constant 0 : i32
      %dma_wait3A_257 = tpu.memref_slice %arg7[%dma_wait3A_256] : memref<10240xf32, #tpu.memory_space<vmem_shared>> -> memref<10240xf32, #tpu.memory_space<vmem_shared>>
      tpu.wait_indirect_dma semaphore(%arg8 : memref<!tpu.dma_semaphore, #tpu.memory_space<semaphore_mem>>) src(%arg5 : memref<128xf32, #tpu.memory_space<vmem>>) dst(%dma_wait3A_257 : memref<10240xf32, #tpu.memory_space<vmem_shared>>)
      %dma_wait3A_258 = arith.constant 0 : i32
      %dma_wait3A_259 = tpu.memref_slice %arg4[%add3A_72, %dma_wait3A_258] : memref<80x128xi32, #tpu.memory_space<vmem>> -> memref<1x128xi32, #tpu.memory_space<vmem>>
      %dma_wait3A_260 = tpu.memref_squeeze %dma_wait3A_259 : memref<1x128xi32, #tpu.memory_space<vmem>> -> memref<128xi32, #tpu.memory_space<vmem>>
      %dma_wait3A_261 = arith.constant 0 : i32
      %dma_wait3A_262 = tpu.memref_slice %arg7[%dma_wait3A_261] : memref<10240xf32, #tpu.memory_space<vmem_shared>> -> memref<10240xf32, #tpu.memory_space<vmem_shared>>
      tpu.wait_indirect_dma semaphore(%arg8 : memref<!tpu.dma_semaphore, #tpu.memory_space<semaphore_mem>>) src(%arg5 : memref<128xf32, #tpu.memory_space<vmem>>) dst(%dma_wait3A_262 : memref<10240xf32, #tpu.memory_space<vmem_shared>>)
    }
    %scan3A_61 = arith.constant 5 : i32
    %barrier3A_62 = arith.constant 0 : index
    tpu.barrier barrier_id(%barrier3A_62)
    %lt3A_63 = arith.constant 10 : i32
    %lt3A_64 = arith.cmpi slt, %arg1, %lt3A_63 : i32
    %convert_element_type3A_65 = arith.extui %lt3A_64 : i1 to i32
    %cond3A_66 = arith.constant 0 : i32
    %cond3A_67 = arith.cmpi ne, %convert_element_type3A_65, %cond3A_66 : i32
    scf.if %cond3A_67 {
      %mul3A_68 = arith.constant 1024 : i32
      %mul3A_69 = arith.muli %arg1, %mul3A_68 : i32
      "tpu.region"() ({
        %run_scoped3A = tpu.sem_alloc : memref<!tpu.dma_semaphore, #tpu.memory_space<semaphore_mem>>
        %dma_start3A = arith.constant 0 : i32
        %dma_start3A_75 = tpu.memref_slice %arg6[%dma_start3A] : memref<2048xf32, #tpu.memory_space<vmem>> -> memref<1024xf32, #tpu.memory_space<vmem>>
        %dma_start3A_76 = tpu.memref_slice %arg7[%mul3A_69] : memref<10240xf32, #tpu.memory_space<vmem_shared>> -> memref<1024xf32, #tpu.memory_space<vmem_shared>>
        %dma_start3A_77 = arith.constant 0 : i32
        %dma_start3A_78 = tpu.memref_slice %arg6[%dma_start3A_77] : memref<2048xf32, #tpu.memory_space<vmem>> -> memref<1024xf32, #tpu.memory_space<vmem>>
        %dma_start3A_79 = tpu.memref_slice %arg7[%mul3A_69] : memref<10240xf32, #tpu.memory_space<vmem_shared>> -> memref<1024xf32, #tpu.memory_space<vmem_shared>>
        tpu.enqueue_dma source(%dma_start3A_79 : memref<1024xf32, #tpu.memory_space<vmem_shared>>) target(%dma_start3A_78 : memref<1024xf32, #tpu.memory_space<vmem>>) target_semaphore(%run_scoped3A : memref<!tpu.dma_semaphore, #tpu.memory_space<semaphore_mem>>)
        %dma_wait3A = arith.constant 0 : i32
        %dma_wait3A_80 = tpu.memref_slice %arg6[%dma_wait3A] : memref<2048xf32, #tpu.memory_space<vmem>> -> memref<1024xf32, #tpu.memory_space<vmem>>
        %dma_wait3A_81 = tpu.memref_slice %arg7[%mul3A_69] : memref<10240xf32, #tpu.memory_space<vmem_shared>> -> memref<1024xf32, #tpu.memory_space<vmem_shared>>
        %dma_wait3A_82 = arith.constant 0 : i32
        %dma_wait3A_83 = tpu.memref_slice %arg6[%dma_wait3A_82] : memref<2048xf32, #tpu.memory_space<vmem>> -> memref<1024xf32, #tpu.memory_space<vmem>>
        %dma_wait3A_84 = tpu.memref_slice %arg7[%mul3A_69] : memref<10240xf32, #tpu.memory_space<vmem_shared>> -> memref<1024xf32, #tpu.memory_space<vmem_shared>>
        tpu.wait_dma2 semaphore(%run_scoped3A : memref<!tpu.dma_semaphore, #tpu.memory_space<semaphore_mem>>) src(%dma_wait3A_84 : memref<1024xf32, #tpu.memory_space<vmem_shared>>) dst(%dma_wait3A_83 : memref<1024xf32, #tpu.memory_space<vmem>>)
        tpu.yield
      }) : () -> ()
      %mul3A_70 = arith.constant 10240 : i32
      %mul3A_71 = arith.muli %arg0, %mul3A_70 : i32
      %mul3A_72 = arith.constant 1024 : i32
      %mul3A_73 = arith.muli %arg1, %mul3A_72 : i32
      %add3A_74 = arith.addi %mul3A_71, %mul3A_73 : i32
      "tpu.region"() ({
        %run_scoped3A = tpu.sem_alloc : memref<!tpu.dma_semaphore, #tpu.memory_space<semaphore_mem>>
        %dma_start3A = arith.constant 0 : i32
        %dma_start3A_75 = tpu.memref_slice %arg6[%dma_start3A] : memref<2048xf32, #tpu.memory_space<vmem>> -> memref<1024xf32, #tpu.memory_space<vmem>>
        %dma_start3A_76 = tpu.memref_slice %arg3[%add3A_74] : memref<20480xf32, #tpu.memory_space<hbm>> -> memref<1024xf32, #tpu.memory_space<hbm>>
        %dma_start3A_77 = tpu.memref_slice %arg3[%add3A_74] : memref<20480xf32, #tpu.memory_space<hbm>> -> memref<1024xf32, #tpu.memory_space<hbm>>
        %dma_start3A_78 = arith.constant 0 : i32
        %dma_start3A_79 = tpu.memref_slice %arg6[%dma_start3A_78] : memref<2048xf32, #tpu.memory_space<vmem>> -> memref<1024xf32, #tpu.memory_space<vmem>>
        tpu.enqueue_dma source(%dma_start3A_79 : memref<1024xf32, #tpu.memory_space<vmem>>) target(%dma_start3A_77 : memref<1024xf32, #tpu.memory_space<hbm>>) target_semaphore(%run_scoped3A : memref<!tpu.dma_semaphore, #tpu.memory_space<semaphore_mem>>)
        %dma_wait3A = arith.constant 0 : i32
        %dma_wait3A_80 = tpu.memref_slice %arg6[%dma_wait3A] : memref<2048xf32, #tpu.memory_space<vmem>> -> memref<1024xf32, #tpu.memory_space<vmem>>
        %dma_wait3A_81 = tpu.memref_slice %arg3[%add3A_74] : memref<20480xf32, #tpu.memory_space<hbm>> -> memref<1024xf32, #tpu.memory_space<hbm>>
        %dma_wait3A_82 = tpu.memref_slice %arg3[%add3A_74] : memref<20480xf32, #tpu.memory_space<hbm>> -> memref<1024xf32, #tpu.memory_space<hbm>>
        %dma_wait3A_83 = arith.constant 0 : i32
        %dma_wait3A_84 = tpu.memref_slice %arg6[%dma_wait3A_83] : memref<2048xf32, #tpu.memory_space<vmem>> -> memref<1024xf32, #tpu.memory_space<vmem>>
        tpu.wait_dma2 semaphore(%run_scoped3A : memref<!tpu.dma_semaphore, #tpu.memory_space<semaphore_mem>>) src(%dma_wait3A_84 : memref<1024xf32, #tpu.memory_space<vmem>>) dst(%dma_wait3A_82 : memref<1024xf32, #tpu.memory_space<hbm>>)
        tpu.yield
      }) : () -> ()
    } else {
    }
    return
  }
}

#map = affine_map<(d0, d1) -> (0, 0)>
#map1 = affine_map<(d0, d1) -> (0, 0, 0)>
module attributes {stable_mosaic.version = 14 : i64} {
  func.func @k(%arg0: i32, %arg1: i32, %arg2: memref<2560x128xi32, #tpu.memory_space<hbm>>, %arg3: memref<2560x128xi32, #tpu.memory_space<hbm>>, %arg4: memref<10240x128xf32, #tpu.memory_space<hbm>>, %arg5: memref<2x10240x128xf32, #tpu.memory_space<hbm>>, %arg6: memref<2x2x128xi32, #tpu.memory_space<vmem>>, %arg7: memref<2x2x128xi32, #tpu.memory_space<vmem>>, %arg8: memref<2x128x128xf32, #tpu.memory_space<vmem>>, %arg9: memref<10240x128xf32, #tpu.memory_space<vmem_shared>>, %arg10: memref<!tpu.dma_semaphore, #tpu.memory_space<semaphore_mem>>, %arg11: memref<!tpu.dma_semaphore, #tpu.memory_space<semaphore_mem>>, %arg12: memref<!tpu.dma_semaphore, #tpu.memory_space<semaphore_mem>>, %arg13: memref<!tpu.dma_semaphore, #tpu.memory_space<semaphore_mem>>, %arg14: memref<!tpu.dma_semaphore, #tpu.memory_space<semaphore_mem>>, %arg15: memref<!tpu.dma_semaphore, #tpu.memory_space<semaphore_mem>>) attributes {dimension_semantics = [#tpu.dimension_semantics<core_parallel>, #tpu.dimension_semantics<subcore_parallel>], iteration_bounds = array<i64: 2, 16>, scalar_prefetch = 0 : i64, scratch_operands = 10 : i64, tpu.core_type = #tpu.core_type<sc_vector_subcore>, window_params = [{transform_indices = #map}, {transform_indices = #map}, {transform_indices = #map}, {transform_indices = #map1}]} {
    %mul3A = arith.constant 2 : i32
    %mul3A_0 = arith.muli %arg1, %mul3A : i32
    %add3A = arith.addi %mul3A_0, %arg0 : i32
    %mul3A_1 = arith.constant 80 : i32
    %mul3A_2 = arith.muli %add3A, %mul3A_1 : i32
    %scan3A = arith.constant 0 : i32
    %scan3A_3 = arith.constant 0 : i32
    %scan3A_4 = arith.constant 128 : i32
    %scan3A_5 = arith.addi %scan3A_3, %scan3A_4 : i32
    %scan3A_6 = arith.constant 1 : i32
    %scan3A_7 = scf.for %scan3A_194 = %scan3A_3 to %scan3A_5 step %scan3A_6 iter_args(%scan3A_195 = %scan3A) -> (i32)  : i32 {
      %broadcast_in_dim3A = arith.constant 0.000000e+00 : f32
      %broadcast_in_dim3A_196 = vector.broadcast %broadcast_in_dim3A : f32 to vector<16xf32>
      %swap3A = arith.constant 0 : i32
      %swap3A_197 = arith.index_cast %swap3A : i32 to index
      %swap3A_198 = arith.index_cast %scan3A_194 : i32 to index
      %swap3A_199 = arith.constant 0 : index
      %swap3A_200 = tpu.vector_load %arg8[%swap3A_197, %swap3A_198, %swap3A_199] {strides = array<i32>} : memref<2x128x128xf32, #tpu.memory_space<vmem>>, vector<1x1x16xf32>,
      %swap3A_201 = vector.shape_cast %swap3A_200 : vector<1x1x16xf32> to vector<16xf32>
      %swap3A_202 = vector.shape_cast %broadcast_in_dim3A_196 : vector<16xf32> to vector<1x1x16xf32>
      tpu.vector_store %arg8[%swap3A_197, %swap3A_198, %swap3A_199], %swap3A_202 {strides = array<i32>} : memref<2x128x128xf32, #tpu.memory_space<vmem>>, vector<1x1x16xf32>,
      %broadcast_in_dim3A_203 = arith.constant 0.000000e+00 : f32
      %broadcast_in_dim3A_204 = vector.broadcast %broadcast_in_dim3A_203 : f32 to vector<16xf32>
      %swap3A_205 = arith.constant 0 : i32
      %swap3A_206 = arith.index_cast %swap3A_205 : i32 to index
      %swap3A_207 = arith.index_cast %scan3A_194 : i32 to index
      %swap3A_208 = arith.constant 16 : index
      %swap3A_209 = tpu.vector_load %arg8[%swap3A_206, %swap3A_207, %swap3A_208] {strides = array<i32>} : memref<2x128x128xf32, #tpu.memory_space<vmem>>, vector<1x1x16xf32>,
      %swap3A_210 = vector.shape_cast %swap3A_209 : vector<1x1x16xf32> to vector<16xf32>
      %swap3A_211 = vector.shape_cast %broadcast_in_dim3A_204 : vector<16xf32> to vector<1x1x16xf32>
      tpu.vector_store %arg8[%swap3A_206, %swap3A_207, %swap3A_208], %swap3A_211 {strides = array<i32>} : memref<2x128x128xf32, #tpu.memory_space<vmem>>, vector<1x1x16xf32>,
      %broadcast_in_dim3A_212 = arith.constant 0.000000e+00 : f32
      %broadcast_in_dim3A_213 = vector.broadcast %broadcast_in_dim3A_212 : f32 to vector<16xf32>
      %swap3A_214 = arith.constant 0 : i32
      %swap3A_215 = arith.index_cast %swap3A_214 : i32 to index
      %swap3A_216 = arith.index_cast %scan3A_194 : i32 to index
      %swap3A_217 = arith.constant 32 : index
      %swap3A_218 = tpu.vector_load %arg8[%swap3A_215, %swap3A_216, %swap3A_217] {strides = array<i32>} : memref<2x128x128xf32, #tpu.memory_space<vmem>>, vector<1x1x16xf32>,
      %swap3A_219 = vector.shape_cast %swap3A_218 : vector<1x1x16xf32> to vector<16xf32>
      %swap3A_220 = vector.shape_cast %broadcast_in_dim3A_213 : vector<16xf32> to vector<1x1x16xf32>
      tpu.vector_store %arg8[%swap3A_215, %swap3A_216, %swap3A_217], %swap3A_220 {strides = array<i32>} : memref<2x128x128xf32, #tpu.memory_space<vmem>>, vector<1x1x16xf32>,
      %broadcast_in_dim3A_221 = arith.constant 0.000000e+00 : f32
      %broadcast_in_dim3A_222 = vector.broadcast %broadcast_in_dim3A_221 : f32 to vector<16xf32>
      %swap3A_223 = arith.constant 0 : i32
      %swap3A_224 = arith.index_cast %swap3A_223 : i32 to index
      %swap3A_225 = arith.index_cast %scan3A_194 : i32 to index
      %swap3A_226 = arith.constant 48 : index
      %swap3A_227 = tpu.vector_load %arg8[%swap3A_224, %swap3A_225, %swap3A_226] {strides = array<i32>} : memref<2x128x128xf32, #tpu.memory_space<vmem>>, vector<1x1x16xf32>,
      %swap3A_228 = vector.shape_cast %swap3A_227 : vector<1x1x16xf32> to vector<16xf32>
      %swap3A_229 = vector.shape_cast %broadcast_in_dim3A_222 : vector<16xf32> to vector<1x1x16xf32>
      tpu.vector_store %arg8[%swap3A_224, %swap3A_225, %swap3A_226], %swap3A_229 {strides = array<i32>} : memref<2x128x128xf32, #tpu.memory_space<vmem>>, vector<1x1x16xf32>,
      %broadcast_in_dim3A_230 = arith.constant 0.000000e+00 : f32
      %broadcast_in_dim3A_231 = vector.broadcast %broadcast_in_dim3A_230 : f32 to vector<16xf32>
      %swap3A_232 = arith.constant 0 : i32
      %swap3A_233 = arith.index_cast %swap3A_232 : i32 to index
      %swap3A_234 = arith.index_cast %scan3A_194 : i32 to index
      %swap3A_235 = arith.constant 64 : index
      %swap3A_236 = tpu.vector_load %arg8[%swap3A_233, %swap3A_234, %swap3A_235] {strides = array<i32>} : memref<2x128x128xf32, #tpu.memory_space<vmem>>, vector<1x1x16xf32>,
      %swap3A_237 = vector.shape_cast %swap3A_236 : vector<1x1x16xf32> to vector<16xf32>
      %swap3A_238 = vector.shape_cast %broadcast_in_dim3A_231 : vector<16xf32> to vector<1x1x16xf32>
      tpu.vector_store %arg8[%swap3A_233, %swap3A_234, %swap3A_235], %swap3A_238 {strides = array<i32>} : memref<2x128x128xf32, #tpu.memory_space<vmem>>, vector<1x1x16xf32>,
      %broadcast_in_dim3A_239 = arith.constant 0.000000e+00 : f32
      %broadcast_in_dim3A_240 = vector.broadcast %broadcast_in_dim3A_239 : f32 to vector<16xf32>
      %swap3A_241 = arith.constant 0 : i32
      %swap3A_242 = arith.index_cast %swap3A_241 : i32 to index
      %swap3A_243 = arith.index_cast %scan3A_194 : i32 to index
      %swap3A_244 = arith.constant 80 : index
      %swap3A_245 = tpu.vector_load %arg8[%swap3A_242, %swap3A_243, %swap3A_244] {strides = array<i32>} : memref<2x128x128xf32, #tpu.memory_space<vmem>>, vector<1x1x16xf32>,
      %swap3A_246 = vector.shape_cast %swap3A_245 : vector<1x1x16xf32> to vector<16xf32>
      %swap3A_247 = vector.shape_cast %broadcast_in_dim3A_240 : vector<16xf32> to vector<1x1x16xf32>
      tpu.vector_store %arg8[%swap3A_242, %swap3A_243, %swap3A_244], %swap3A_247 {strides = array<i32>} : memref<2x128x128xf32, #tpu.memory_space<vmem>>, vector<1x1x16xf32>,
      %broadcast_in_dim3A_248 = arith.constant 0.000000e+00 : f32
      %broadcast_in_dim3A_249 = vector.broadcast %broadcast_in_dim3A_248 : f32 to vector<16xf32>
      %swap3A_250 = arith.constant 0 : i32
      %swap3A_251 = arith.index_cast %swap3A_250 : i32 to index
      %swap3A_252 = arith.index_cast %scan3A_194 : i32 to index
      %swap3A_253 = arith.constant 96 : index
      %swap3A_254 = tpu.vector_load %arg8[%swap3A_251, %swap3A_252, %swap3A_253] {strides = array<i32>} : memref<2x128x128xf32, #tpu.memory_space<vmem>>, vector<1x1x16xf32>,
      %swap3A_255 = vector.shape_cast %swap3A_254 : vector<1x1x16xf32> to vector<16xf32>
      %swap3A_256 = vector.shape_cast %broadcast_in_dim3A_249 : vector<16xf32> to vector<1x1x16xf32>
      tpu.vector_store %arg8[%swap3A_251, %swap3A_252, %swap3A_253], %swap3A_256 {strides = array<i32>} : memref<2x128x128xf32, #tpu.memory_space<vmem>>, vector<1x1x16xf32>,
      %broadcast_in_dim3A_257 = arith.constant 0.000000e+00 : f32
      %broadcast_in_dim3A_258 = vector.broadcast %broadcast_in_dim3A_257 : f32 to vector<16xf32>
      %swap3A_259 = arith.constant 0 : i32
      %swap3A_260 = arith.index_cast %swap3A_259 : i32 to index
      %swap3A_261 = arith.index_cast %scan3A_194 : i32 to index
      %swap3A_262 = arith.constant 112 : index
      %swap3A_263 = tpu.vector_load %arg8[%swap3A_260, %swap3A_261, %swap3A_262] {strides = array<i32>} : memref<2x128x128xf32, #tpu.memory_space<vmem>>, vector<1x1x16xf32>,
      %swap3A_264 = vector.shape_cast %swap3A_263 : vector<1x1x16xf32> to vector<16xf32>
      %swap3A_265 = vector.shape_cast %broadcast_in_dim3A_258 : vector<16xf32> to vector<1x1x16xf32>
      tpu.vector_store %arg8[%swap3A_260, %swap3A_261, %swap3A_262], %swap3A_265 {strides = array<i32>} : memref<2x128x128xf32, #tpu.memory_space<vmem>>, vector<1x1x16xf32>,
      %scan3A_266 = arith.constant 0 : i32
      scf.yield %scan3A_266 : i32
    }
    %scan3A_8 = arith.constant 128 : i32
    %mul3A_9 = arith.constant 5 : i32
    %mul3A_10 = arith.muli %arg1, %mul3A_9 : i32
    %add3A_11 = arith.constant 0 : i32
    %add3A_12 = arith.addi %mul3A_10, %add3A_11 : i32
    %mul3A_13 = arith.constant 128 : i32
    %mul3A_14 = arith.muli %add3A_12, %mul3A_13 : i32
    %run_scoped3A = arith.constant 0 : i32
    "tpu.region"() ({
      %run_scoped3A_194 = tpu.sem_alloc : memref<!tpu.dma_semaphore, #tpu.memory_space<semaphore_mem>>
      %dma_start3A_195 = arith.constant 0 : i32
      %dma_start3A_196 = arith.constant 0 : i32
      %dma_start3A_197 = tpu.memref_slice %arg8[%run_scoped3A, %dma_start3A_195, %dma_start3A_196] : memref<2x128x128xf32, #tpu.memory_space<vmem>> -> memref<1x128x128xf32, #tpu.memory_space<vmem>>
      %dma_start3A_198 = tpu.memref_squeeze %dma_start3A_197 : memref<1x128x128xf32, #tpu.memory_space<vmem>> -> memref<128x128xf32, #tpu.memory_space<vmem>>
      %dma_start3A_199 = arith.constant 0 : i32
      %dma_start3A_200 = tpu.memref_slice %arg9[%mul3A_14, %dma_start3A_199] : memref<10240x128xf32, #tpu.memory_space<vmem_shared>> -> memref<128x128xf32, #tpu.memory_space<vmem_shared>>
      %dma_start3A_201 = arith.constant 0 : i32
      %dma_start3A_202 = tpu.memref_slice %arg9[%mul3A_14, %dma_start3A_201] : memref<10240x128xf32, #tpu.memory_space<vmem_shared>> -> memref<128x128xf32, #tpu.memory_space<vmem_shared>>
      %dma_start3A_203 = arith.constant 0 : i32
      %dma_start3A_204 = arith.constant 0 : i32
      %dma_start3A_205 = tpu.memref_slice %arg8[%run_scoped3A, %dma_start3A_203, %dma_start3A_204] : memref<2x128x128xf32, #tpu.memory_space<vmem>> -> memref<1x128x128xf32, #tpu.memory_space<vmem>>
      %dma_start3A_206 = tpu.memref_squeeze %dma_start3A_205 : memref<1x128x128xf32, #tpu.memory_space<vmem>> -> memref<128x128xf32, #tpu.memory_space<vmem>>
      tpu.enqueue_dma source(%dma_start3A_206 : memref<128x128xf32, #tpu.memory_space<vmem>>) target(%dma_start3A_202 : memref<128x128xf32, #tpu.memory_space<vmem_shared>>) target_semaphore(%run_scoped3A_194 : memref<!tpu.dma_semaphore, #tpu.memory_space<semaphore_mem>>)
      %dma_wait3A_207 = arith.constant 0 : i32
      %dma_wait3A_208 = arith.constant 0 : i32
      %dma_wait3A_209 = tpu.memref_slice %arg8[%run_scoped3A, %dma_wait3A_207, %dma_wait3A_208] : memref<2x128x128xf32, #tpu.memory_space<vmem>> -> memref<1x128x128xf32, #tpu.memory_space<vmem>>
      %dma_wait3A_210 = tpu.memref_squeeze %dma_wait3A_209 : memref<1x128x128xf32, #tpu.memory_space<vmem>> -> memref<128x128xf32, #tpu.memory_space<vmem>>
      %dma_wait3A_211 = arith.constant 0 : i32
      %dma_wait3A_212 = tpu.memref_slice %arg9[%mul3A_14, %dma_wait3A_211] : memref<10240x128xf32, #tpu.memory_space<vmem_shared>> -> memref<128x128xf32, #tpu.memory_space<vmem_shared>>
      %dma_wait3A_213 = arith.constant 0 : i32
      %dma_wait3A_214 = tpu.memref_slice %arg9[%mul3A_14, %dma_wait3A_213] : memref<10240x128xf32, #tpu.memory_space<vmem_shared>> -> memref<128x128xf32, #tpu.memory_space<vmem_shared>>
      %dma_wait3A_215 = arith.constant 0 : i32
      %dma_wait3A_216 = arith.constant 0 : i32
      %dma_wait3A_217 = tpu.memref_slice %arg8[%run_scoped3A, %dma_wait3A_215, %dma_wait3A_216] : memref<2x128x128xf32, #tpu.memory_space<vmem>> -> memref<1x128x128xf32, #tpu.memory_space<vmem>>
      %dma_wait3A_218 = tpu.memref_squeeze %dma_wait3A_217 : memref<1x128x128xf32, #tpu.memory_space<vmem>> -> memref<128x128xf32, #tpu.memory_space<vmem>>
      tpu.wait_dma2 semaphore(%run_scoped3A_194 : memref<!tpu.dma_semaphore, #tpu.memory_space<semaphore_mem>>) src(%dma_wait3A_218 : memref<128x128xf32, #tpu.memory_space<vmem>>) dst(%dma_wait3A_214 : memref<128x128xf32, #tpu.memory_space<vmem_shared>>)
      tpu.yield
    }) : () -> ()
    %mul3A_15 = arith.constant 5 : i32
    %mul3A_16 = arith.muli %arg1, %mul3A_15 : i32
    %add3A_17 = arith.constant 1 : i32
    %add3A_18 = arith.addi %mul3A_16, %add3A_17 : i32
    %mul3A_19 = arith.constant 128 : i32
    %mul3A_20 = arith.muli %add3A_18, %mul3A_19 : i32
    %run_scoped3A_21 = arith.constant 0 : i32
    "tpu.region"() ({
      %run_scoped3A_194 = tpu.sem_alloc : memref<!tpu.dma_semaphore, #tpu.memory_space<semaphore_mem>>
      %dma_start3A_195 = arith.constant 0 : i32
      %dma_start3A_196 = arith.constant 0 : i32
      %dma_start3A_197 = tpu.memref_slice %arg8[%run_scoped3A_21, %dma_start3A_195, %dma_start3A_196] : memref<2x128x128xf32, #tpu.memory_space<vmem>> -> memref<1x128x128xf32, #tpu.memory_space<vmem>>
      %dma_start3A_198 = tpu.memref_squeeze %dma_start3A_197 : memref<1x128x128xf32, #tpu.memory_space<vmem>> -> memref<128x128xf32, #tpu.memory_space<vmem>>
      %dma_start3A_199 = arith.constant 0 : i32
      %dma_start3A_200 = tpu.memref_slice %arg9[%mul3A_20, %dma_start3A_199] : memref<10240x128xf32, #tpu.memory_space<vmem_shared>> -> memref<128x128xf32, #tpu.memory_space<vmem_shared>>
      %dma_start3A_201 = arith.constant 0 : i32
      %dma_start3A_202 = tpu.memref_slice %arg9[%mul3A_20, %dma_start3A_201] : memref<10240x128xf32, #tpu.memory_space<vmem_shared>> -> memref<128x128xf32, #tpu.memory_space<vmem_shared>>
      %dma_start3A_203 = arith.constant 0 : i32
      %dma_start3A_204 = arith.constant 0 : i32
      %dma_start3A_205 = tpu.memref_slice %arg8[%run_scoped3A_21, %dma_start3A_203, %dma_start3A_204] : memref<2x128x128xf32, #tpu.memory_space<vmem>> -> memref<1x128x128xf32, #tpu.memory_space<vmem>>
      %dma_start3A_206 = tpu.memref_squeeze %dma_start3A_205 : memref<1x128x128xf32, #tpu.memory_space<vmem>> -> memref<128x128xf32, #tpu.memory_space<vmem>>
      tpu.enqueue_dma source(%dma_start3A_206 : memref<128x128xf32, #tpu.memory_space<vmem>>) target(%dma_start3A_202 : memref<128x128xf32, #tpu.memory_space<vmem_shared>>) target_semaphore(%run_scoped3A_194 : memref<!tpu.dma_semaphore, #tpu.memory_space<semaphore_mem>>)
      %dma_wait3A_207 = arith.constant 0 : i32
      %dma_wait3A_208 = arith.constant 0 : i32
      %dma_wait3A_209 = tpu.memref_slice %arg8[%run_scoped3A_21, %dma_wait3A_207, %dma_wait3A_208] : memref<2x128x128xf32, #tpu.memory_space<vmem>> -> memref<1x128x128xf32, #tpu.memory_space<vmem>>
      %dma_wait3A_210 = tpu.memref_squeeze %dma_wait3A_209 : memref<1x128x128xf32, #tpu.memory_space<vmem>> -> memref<128x128xf32, #tpu.memory_space<vmem>>
      %dma_wait3A_211 = arith.constant 0 : i32
      %dma_wait3A_212 = tpu.memref_slice %arg9[%mul3A_20, %dma_wait3A_211] : memref<10240x128xf32, #tpu.memory_space<vmem_shared>> -> memref<128x128xf32, #tpu.memory_space<vmem_shared>>
      %dma_wait3A_213 = arith.constant 0 : i32
      %dma_wait3A_214 = tpu.memref_slice %arg9[%mul3A_20, %dma_wait3A_213] : memref<10240x128xf32, #tpu.memory_space<vmem_shared>> -> memref<128x128xf32, #tpu.memory_space<vmem_shared>>
      %dma_wait3A_215 = arith.constant 0 : i32
      %dma_wait3A_216 = arith.constant 0 : i32
      %dma_wait3A_217 = tpu.memref_slice %arg8[%run_scoped3A_21, %dma_wait3A_215, %dma_wait3A_216] : memref<2x128x128xf32, #tpu.memory_space<vmem>> -> memref<1x128x128xf32, #tpu.memory_space<vmem>>
      %dma_wait3A_218 = tpu.memref_squeeze %dma_wait3A_217 : memref<1x128x128xf32, #tpu.memory_space<vmem>> -> memref<128x128xf32, #tpu.memory_space<vmem>>
      tpu.wait_dma2 semaphore(%run_scoped3A_194 : memref<!tpu.dma_semaphore, #tpu.memory_space<semaphore_mem>>) src(%dma_wait3A_218 : memref<128x128xf32, #tpu.memory_space<vmem>>) dst(%dma_wait3A_214 : memref<128x128xf32, #tpu.memory_space<vmem_shared>>)
      tpu.yield
    }) : () -> ()
    %mul3A_22 = arith.constant 5 : i32
    %mul3A_23 = arith.muli %arg1, %mul3A_22 : i32
    %add3A_24 = arith.constant 2 : i32
    %add3A_25 = arith.addi %mul3A_23, %add3A_24 : i32
    %mul3A_26 = arith.constant 128 : i32
    %mul3A_27 = arith.muli %add3A_25, %mul3A_26 : i32
    %run_scoped3A_28 = arith.constant 0 : i32
    "tpu.region"() ({
      %run_scoped3A_194 = tpu.sem_alloc : memref<!tpu.dma_semaphore, #tpu.memory_space<semaphore_mem>>
      %dma_start3A_195 = arith.constant 0 : i32
      %dma_start3A_196 = arith.constant 0 : i32
      %dma_start3A_197 = tpu.memref_slice %arg8[%run_scoped3A_28, %dma_start3A_195, %dma_start3A_196] : memref<2x128x128xf32, #tpu.memory_space<vmem>> -> memref<1x128x128xf32, #tpu.memory_space<vmem>>
      %dma_start3A_198 = tpu.memref_squeeze %dma_start3A_197 : memref<1x128x128xf32, #tpu.memory_space<vmem>> -> memref<128x128xf32, #tpu.memory_space<vmem>>
      %dma_start3A_199 = arith.constant 0 : i32
      %dma_start3A_200 = tpu.memref_slice %arg9[%mul3A_27, %dma_start3A_199] : memref<10240x128xf32, #tpu.memory_space<vmem_shared>> -> memref<128x128xf32, #tpu.memory_space<vmem_shared>>
      %dma_start3A_201 = arith.constant 0 : i32
      %dma_start3A_202 = tpu.memref_slice %arg9[%mul3A_27, %dma_start3A_201] : memref<10240x128xf32, #tpu.memory_space<vmem_shared>> -> memref<128x128xf32, #tpu.memory_space<vmem_shared>>
      %dma_start3A_203 = arith.constant 0 : i32
      %dma_start3A_204 = arith.constant 0 : i32
      %dma_start3A_205 = tpu.memref_slice %arg8[%run_scoped3A_28, %dma_start3A_203, %dma_start3A_204] : memref<2x128x128xf32, #tpu.memory_space<vmem>> -> memref<1x128x128xf32, #tpu.memory_space<vmem>>
      %dma_start3A_206 = tpu.memref_squeeze %dma_start3A_205 : memref<1x128x128xf32, #tpu.memory_space<vmem>> -> memref<128x128xf32, #tpu.memory_space<vmem>>
      tpu.enqueue_dma source(%dma_start3A_206 : memref<128x128xf32, #tpu.memory_space<vmem>>) target(%dma_start3A_202 : memref<128x128xf32, #tpu.memory_space<vmem_shared>>) target_semaphore(%run_scoped3A_194 : memref<!tpu.dma_semaphore, #tpu.memory_space<semaphore_mem>>)
      %dma_wait3A_207 = arith.constant 0 : i32
      %dma_wait3A_208 = arith.constant 0 : i32
      %dma_wait3A_209 = tpu.memref_slice %arg8[%run_scoped3A_28, %dma_wait3A_207, %dma_wait3A_208] : memref<2x128x128xf32, #tpu.memory_space<vmem>> -> memref<1x128x128xf32, #tpu.memory_space<vmem>>
      %dma_wait3A_210 = tpu.memref_squeeze %dma_wait3A_209 : memref<1x128x128xf32, #tpu.memory_space<vmem>> -> memref<128x128xf32, #tpu.memory_space<vmem>>
      %dma_wait3A_211 = arith.constant 0 : i32
      %dma_wait3A_212 = tpu.memref_slice %arg9[%mul3A_27, %dma_wait3A_211] : memref<10240x128xf32, #tpu.memory_space<vmem_shared>> -> memref<128x128xf32, #tpu.memory_space<vmem_shared>>
      %dma_wait3A_213 = arith.constant 0 : i32
      %dma_wait3A_214 = tpu.memref_slice %arg9[%mul3A_27, %dma_wait3A_213] : memref<10240x128xf32, #tpu.memory_space<vmem_shared>> -> memref<128x128xf32, #tpu.memory_space<vmem_shared>>
      %dma_wait3A_215 = arith.constant 0 : i32
      %dma_wait3A_216 = arith.constant 0 : i32
      %dma_wait3A_217 = tpu.memref_slice %arg8[%run_scoped3A_28, %dma_wait3A_215, %dma_wait3A_216] : memref<2x128x128xf32, #tpu.memory_space<vmem>> -> memref<1x128x128xf32, #tpu.memory_space<vmem>>
      %dma_wait3A_218 = tpu.memref_squeeze %dma_wait3A_217 : memref<1x128x128xf32, #tpu.memory_space<vmem>> -> memref<128x128xf32, #tpu.memory_space<vmem>>
      tpu.wait_dma2 semaphore(%run_scoped3A_194 : memref<!tpu.dma_semaphore, #tpu.memory_space<semaphore_mem>>) src(%dma_wait3A_218 : memref<128x128xf32, #tpu.memory_space<vmem>>) dst(%dma_wait3A_214 : memref<128x128xf32, #tpu.memory_space<vmem_shared>>)
      tpu.yield
    }) : () -> ()
    %mul3A_29 = arith.constant 5 : i32
    %mul3A_30 = arith.muli %arg1, %mul3A_29 : i32
    %add3A_31 = arith.constant 3 : i32
    %add3A_32 = arith.addi %mul3A_30, %add3A_31 : i32
    %mul3A_33 = arith.constant 128 : i32
    %mul3A_34 = arith.muli %add3A_32, %mul3A_33 : i32
    %run_scoped3A_35 = arith.constant 0 : i32
    "tpu.region"() ({
      %run_scoped3A_194 = tpu.sem_alloc : memref<!tpu.dma_semaphore, #tpu.memory_space<semaphore_mem>>
      %dma_start3A_195 = arith.constant 0 : i32
      %dma_start3A_196 = arith.constant 0 : i32
      %dma_start3A_197 = tpu.memref_slice %arg8[%run_scoped3A_35, %dma_start3A_195, %dma_start3A_196] : memref<2x128x128xf32, #tpu.memory_space<vmem>> -> memref<1x128x128xf32, #tpu.memory_space<vmem>>
      %dma_start3A_198 = tpu.memref_squeeze %dma_start3A_197 : memref<1x128x128xf32, #tpu.memory_space<vmem>> -> memref<128x128xf32, #tpu.memory_space<vmem>>
      %dma_start3A_199 = arith.constant 0 : i32
      %dma_start3A_200 = tpu.memref_slice %arg9[%mul3A_34, %dma_start3A_199] : memref<10240x128xf32, #tpu.memory_space<vmem_shared>> -> memref<128x128xf32, #tpu.memory_space<vmem_shared>>
      %dma_start3A_201 = arith.constant 0 : i32
      %dma_start3A_202 = tpu.memref_slice %arg9[%mul3A_34, %dma_start3A_201] : memref<10240x128xf32, #tpu.memory_space<vmem_shared>> -> memref<128x128xf32, #tpu.memory_space<vmem_shared>>
      %dma_start3A_203 = arith.constant 0 : i32
      %dma_start3A_204 = arith.constant 0 : i32
      %dma_start3A_205 = tpu.memref_slice %arg8[%run_scoped3A_35, %dma_start3A_203, %dma_start3A_204] : memref<2x128x128xf32, #tpu.memory_space<vmem>> -> memref<1x128x128xf32, #tpu.memory_space<vmem>>
      %dma_start3A_206 = tpu.memref_squeeze %dma_start3A_205 : memref<1x128x128xf32, #tpu.memory_space<vmem>> -> memref<128x128xf32, #tpu.memory_space<vmem>>
      tpu.enqueue_dma source(%dma_start3A_206 : memref<128x128xf32, #tpu.memory_space<vmem>>) target(%dma_start3A_202 : memref<128x128xf32, #tpu.memory_space<vmem_shared>>) target_semaphore(%run_scoped3A_194 : memref<!tpu.dma_semaphore, #tpu.memory_space<semaphore_mem>>)
      %dma_wait3A_207 = arith.constant 0 : i32
      %dma_wait3A_208 = arith.constant 0 : i32
      %dma_wait3A_209 = tpu.memref_slice %arg8[%run_scoped3A_35, %dma_wait3A_207, %dma_wait3A_208] : memref<2x128x128xf32, #tpu.memory_space<vmem>> -> memref<1x128x128xf32, #tpu.memory_space<vmem>>
      %dma_wait3A_210 = tpu.memref_squeeze %dma_wait3A_209 : memref<1x128x128xf32, #tpu.memory_space<vmem>> -> memref<128x128xf32, #tpu.memory_space<vmem>>
      %dma_wait3A_211 = arith.constant 0 : i32
      %dma_wait3A_212 = tpu.memref_slice %arg9[%mul3A_34, %dma_wait3A_211] : memref<10240x128xf32, #tpu.memory_space<vmem_shared>> -> memref<128x128xf32, #tpu.memory_space<vmem_shared>>
      %dma_wait3A_213 = arith.constant 0 : i32
      %dma_wait3A_214 = tpu.memref_slice %arg9[%mul3A_34, %dma_wait3A_213] : memref<10240x128xf32, #tpu.memory_space<vmem_shared>> -> memref<128x128xf32, #tpu.memory_space<vmem_shared>>
      %dma_wait3A_215 = arith.constant 0 : i32
      %dma_wait3A_216 = arith.constant 0 : i32
      %dma_wait3A_217 = tpu.memref_slice %arg8[%run_scoped3A_35, %dma_wait3A_215, %dma_wait3A_216] : memref<2x128x128xf32, #tpu.memory_space<vmem>> -> memref<1x128x128xf32, #tpu.memory_space<vmem>>
      %dma_wait3A_218 = tpu.memref_squeeze %dma_wait3A_217 : memref<1x128x128xf32, #tpu.memory_space<vmem>> -> memref<128x128xf32, #tpu.memory_space<vmem>>
      tpu.wait_dma2 semaphore(%run_scoped3A_194 : memref<!tpu.dma_semaphore, #tpu.memory_space<semaphore_mem>>) src(%dma_wait3A_218 : memref<128x128xf32, #tpu.memory_space<vmem>>) dst(%dma_wait3A_214 : memref<128x128xf32, #tpu.memory_space<vmem_shared>>)
      tpu.yield
    }) : () -> ()
    %mul3A_36 = arith.constant 5 : i32
    %mul3A_37 = arith.muli %arg1, %mul3A_36 : i32
    %add3A_38 = arith.constant 4 : i32
    %add3A_39 = arith.addi %mul3A_37, %add3A_38 : i32
    %mul3A_40 = arith.constant 128 : i32
    %mul3A_41 = arith.muli %add3A_39, %mul3A_40 : i32
    %run_scoped3A_42 = arith.constant 0 : i32
    "tpu.region"() ({
      %run_scoped3A_194 = tpu.sem_alloc : memref<!tpu.dma_semaphore, #tpu.memory_space<semaphore_mem>>
      %dma_start3A_195 = arith.constant 0 : i32
      %dma_start3A_196 = arith.constant 0 : i32
      %dma_start3A_197 = tpu.memref_slice %arg8[%run_scoped3A_42, %dma_start3A_195, %dma_start3A_196] : memref<2x128x128xf32, #tpu.memory_space<vmem>> -> memref<1x128x128xf32, #tpu.memory_space<vmem>>
      %dma_start3A_198 = tpu.memref_squeeze %dma_start3A_197 : memref<1x128x128xf32, #tpu.memory_space<vmem>> -> memref<128x128xf32, #tpu.memory_space<vmem>>
      %dma_start3A_199 = arith.constant 0 : i32
      %dma_start3A_200 = tpu.memref_slice %arg9[%mul3A_41, %dma_start3A_199] : memref<10240x128xf32, #tpu.memory_space<vmem_shared>> -> memref<128x128xf32, #tpu.memory_space<vmem_shared>>
      %dma_start3A_201 = arith.constant 0 : i32
      %dma_start3A_202 = tpu.memref_slice %arg9[%mul3A_41, %dma_start3A_201] : memref<10240x128xf32, #tpu.memory_space<vmem_shared>> -> memref<128x128xf32, #tpu.memory_space<vmem_shared>>
      %dma_start3A_203 = arith.constant 0 : i32
      %dma_start3A_204 = arith.constant 0 : i32
      %dma_start3A_205 = tpu.memref_slice %arg8[%run_scoped3A_42, %dma_start3A_203, %dma_start3A_204] : memref<2x128x128xf32, #tpu.memory_space<vmem>> -> memref<1x128x128xf32, #tpu.memory_space<vmem>>
      %dma_start3A_206 = tpu.memref_squeeze %dma_start3A_205 : memref<1x128x128xf32, #tpu.memory_space<vmem>> -> memref<128x128xf32, #tpu.memory_space<vmem>>
      tpu.enqueue_dma source(%dma_start3A_206 : memref<128x128xf32, #tpu.memory_space<vmem>>) target(%dma_start3A_202 : memref<128x128xf32, #tpu.memory_space<vmem_shared>>) target_semaphore(%run_scoped3A_194 : memref<!tpu.dma_semaphore, #tpu.memory_space<semaphore_mem>>)
      %dma_wait3A_207 = arith.constant 0 : i32
      %dma_wait3A_208 = arith.constant 0 : i32
      %dma_wait3A_209 = tpu.memref_slice %arg8[%run_scoped3A_42, %dma_wait3A_207, %dma_wait3A_208] : memref<2x128x128xf32, #tpu.memory_space<vmem>> -> memref<1x128x128xf32, #tpu.memory_space<vmem>>
      %dma_wait3A_210 = tpu.memref_squeeze %dma_wait3A_209 : memref<1x128x128xf32, #tpu.memory_space<vmem>> -> memref<128x128xf32, #tpu.memory_space<vmem>>
      %dma_wait3A_211 = arith.constant 0 : i32
      %dma_wait3A_212 = tpu.memref_slice %arg9[%mul3A_41, %dma_wait3A_211] : memref<10240x128xf32, #tpu.memory_space<vmem_shared>> -> memref<128x128xf32, #tpu.memory_space<vmem_shared>>
      %dma_wait3A_213 = arith.constant 0 : i32
      %dma_wait3A_214 = tpu.memref_slice %arg9[%mul3A_41, %dma_wait3A_213] : memref<10240x128xf32, #tpu.memory_space<vmem_shared>> -> memref<128x128xf32, #tpu.memory_space<vmem_shared>>
      %dma_wait3A_215 = arith.constant 0 : i32
      %dma_wait3A_216 = arith.constant 0 : i32
      %dma_wait3A_217 = tpu.memref_slice %arg8[%run_scoped3A_42, %dma_wait3A_215, %dma_wait3A_216] : memref<2x128x128xf32, #tpu.memory_space<vmem>> -> memref<1x128x128xf32, #tpu.memory_space<vmem>>
      %dma_wait3A_218 = tpu.memref_squeeze %dma_wait3A_217 : memref<1x128x128xf32, #tpu.memory_space<vmem>> -> memref<128x128xf32, #tpu.memory_space<vmem>>
      tpu.wait_dma2 semaphore(%run_scoped3A_194 : memref<!tpu.dma_semaphore, #tpu.memory_space<semaphore_mem>>) src(%dma_wait3A_218 : memref<128x128xf32, #tpu.memory_space<vmem>>) dst(%dma_wait3A_214 : memref<128x128xf32, #tpu.memory_space<vmem_shared>>)
      tpu.yield
    }) : () -> ()
    %run_scoped3A_43 = arith.constant 0 : i32
    %run_scoped3A_44 = arith.constant 0 : i32
    "tpu.region"() ({
      %run_scoped3A_194 = tpu.sem_alloc : memref<!tpu.dma_semaphore, #tpu.memory_space<semaphore_mem>>
      %dma_start3A_195 = arith.constant 0 : i32
      %dma_start3A_196 = tpu.memref_slice %arg6[%run_scoped3A_43, %run_scoped3A_44, %dma_start3A_195] : memref<2x2x128xi32, #tpu.memory_space<vmem>> -> memref<1x1x128xi32, #tpu.memory_space<vmem>>
      %dma_start3A_197 = tpu.memref_squeeze %dma_start3A_196 : memref<1x1x128xi32, #tpu.memory_space<vmem>> -> memref<128xi32, #tpu.memory_space<vmem>>
      %dma_start3A_198 = arith.constant 0 : i32
      %dma_start3A_199 = tpu.memref_slice %arg2[%mul3A_2, %dma_start3A_198] : memref<2560x128xi32, #tpu.memory_space<hbm>> -> memref<1x128xi32, #tpu.memory_space<hbm>>
      %dma_start3A_200 = tpu.memref_squeeze %dma_start3A_199 : memref<1x128xi32, #tpu.memory_space<hbm>> -> memref<128xi32, #tpu.memory_space<hbm>>
      %dma_start3A_201 = arith.constant 0 : i32
      %dma_start3A_202 = tpu.memref_slice %arg6[%run_scoped3A_43, %run_scoped3A_44, %dma_start3A_201] : memref<2x2x128xi32, #tpu.memory_space<vmem>> -> memref<1x1x128xi32, #tpu.memory_space<vmem>>
      %dma_start3A_203 = tpu.memref_squeeze %dma_start3A_202 : memref<1x1x128xi32, #tpu.memory_space<vmem>> -> memref<128xi32, #tpu.memory_space<vmem>>
      %dma_start3A_204 = arith.constant 0 : i32
      %dma_start3A_205 = tpu.memref_slice %arg2[%mul3A_2, %dma_start3A_204] : memref<2560x128xi32, #tpu.memory_space<hbm>> -> memref<1x128xi32, #tpu.memory_space<hbm>>
      %dma_start3A_206 = tpu.memref_squeeze %dma_start3A_205 : memref<1x128xi32, #tpu.memory_space<hbm>> -> memref<128xi32, #tpu.memory_space<hbm>>
      tpu.enqueue_dma source(%dma_start3A_206 : memref<128xi32, #tpu.memory_space<hbm>>) target(%dma_start3A_203 : memref<128xi32, #tpu.memory_space<vmem>>) target_semaphore(%run_scoped3A_194 : memref<!tpu.dma_semaphore, #tpu.memory_space<semaphore_mem>>)
      %dma_wait3A_207 = arith.constant 0 : i32
      %dma_wait3A_208 = tpu.memref_slice %arg6[%run_scoped3A_43, %run_scoped3A_44, %dma_wait3A_207] : memref<2x2x128xi32, #tpu.memory_space<vmem>> -> memref<1x1x128xi32, #tpu.memory_space<vmem>>
      %dma_wait3A_209 = tpu.memref_squeeze %dma_wait3A_208 : memref<1x1x128xi32, #tpu.memory_space<vmem>> -> memref<128xi32, #tpu.memory_space<vmem>>
      %dma_wait3A_210 = arith.constant 0 : i32
      %dma_wait3A_211 = tpu.memref_slice %arg2[%mul3A_2, %dma_wait3A_210] : memref<2560x128xi32, #tpu.memory_space<hbm>> -> memref<1x128xi32, #tpu.memory_space<hbm>>
      %dma_wait3A_212 = tpu.memref_squeeze %dma_wait3A_211 : memref<1x128xi32, #tpu.memory_space<hbm>> -> memref<128xi32, #tpu.memory_space<hbm>>
      %dma_wait3A_213 = arith.constant 0 : i32
      %dma_wait3A_214 = tpu.memref_slice %arg6[%run_scoped3A_43, %run_scoped3A_44, %dma_wait3A_213] : memref<2x2x128xi32, #tpu.memory_space<vmem>> -> memref<1x1x128xi32, #tpu.memory_space<vmem>>
      %dma_wait3A_215 = tpu.memref_squeeze %dma_wait3A_214 : memref<1x1x128xi32, #tpu.memory_space<vmem>> -> memref<128xi32, #tpu.memory_space<vmem>>
      %dma_wait3A_216 = arith.constant 0 : i32
      %dma_wait3A_217 = tpu.memref_slice %arg2[%mul3A_2, %dma_wait3A_216] : memref<2560x128xi32, #tpu.memory_space<hbm>> -> memref<1x128xi32, #tpu.memory_space<hbm>>
      %dma_wait3A_218 = tpu.memref_squeeze %dma_wait3A_217 : memref<1x128xi32, #tpu.memory_space<hbm>> -> memref<128xi32, #tpu.memory_space<hbm>>
      tpu.wait_dma2 semaphore(%run_scoped3A_194 : memref<!tpu.dma_semaphore, #tpu.memory_space<semaphore_mem>>) src(%dma_wait3A_218 : memref<128xi32, #tpu.memory_space<hbm>>) dst(%dma_wait3A_215 : memref<128xi32, #tpu.memory_space<vmem>>)
      tpu.yield
    }) : () -> ()
    %run_scoped3A_45 = arith.constant 0 : i32
    %run_scoped3A_46 = arith.constant 1 : i32
    "tpu.region"() ({
      %run_scoped3A_194 = tpu.sem_alloc : memref<!tpu.dma_semaphore, #tpu.memory_space<semaphore_mem>>
      %dma_start3A_195 = arith.constant 0 : i32
      %dma_start3A_196 = tpu.memref_slice %arg6[%run_scoped3A_45, %run_scoped3A_46, %dma_start3A_195] : memref<2x2x128xi32, #tpu.memory_space<vmem>> -> memref<1x1x128xi32, #tpu.memory_space<vmem>>
      %dma_start3A_197 = tpu.memref_squeeze %dma_start3A_196 : memref<1x1x128xi32, #tpu.memory_space<vmem>> -> memref<128xi32, #tpu.memory_space<vmem>>
      %dma_start3A_198 = arith.constant 0 : i32
      %dma_start3A_199 = tpu.memref_slice %arg3[%mul3A_2, %dma_start3A_198] : memref<2560x128xi32, #tpu.memory_space<hbm>> -> memref<1x128xi32, #tpu.memory_space<hbm>>
      %dma_start3A_200 = tpu.memref_squeeze %dma_start3A_199 : memref<1x128xi32, #tpu.memory_space<hbm>> -> memref<128xi32, #tpu.memory_space<hbm>>
      %dma_start3A_201 = arith.constant 0 : i32
      %dma_start3A_202 = tpu.memref_slice %arg6[%run_scoped3A_45, %run_scoped3A_46, %dma_start3A_201] : memref<2x2x128xi32, #tpu.memory_space<vmem>> -> memref<1x1x128xi32, #tpu.memory_space<vmem>>
      %dma_start3A_203 = tpu.memref_squeeze %dma_start3A_202 : memref<1x1x128xi32, #tpu.memory_space<vmem>> -> memref<128xi32, #tpu.memory_space<vmem>>
      %dma_start3A_204 = arith.constant 0 : i32
      %dma_start3A_205 = tpu.memref_slice %arg3[%mul3A_2, %dma_start3A_204] : memref<2560x128xi32, #tpu.memory_space<hbm>> -> memref<1x128xi32, #tpu.memory_space<hbm>>
      %dma_start3A_206 = tpu.memref_squeeze %dma_start3A_205 : memref<1x128xi32, #tpu.memory_space<hbm>> -> memref<128xi32, #tpu.memory_space<hbm>>
      tpu.enqueue_dma source(%dma_start3A_206 : memref<128xi32, #tpu.memory_space<hbm>>) target(%dma_start3A_203 : memref<128xi32, #tpu.memory_space<vmem>>) target_semaphore(%run_scoped3A_194 : memref<!tpu.dma_semaphore, #tpu.memory_space<semaphore_mem>>)
      %dma_wait3A_207 = arith.constant 0 : i32
      %dma_wait3A_208 = tpu.memref_slice %arg6[%run_scoped3A_45, %run_scoped3A_46, %dma_wait3A_207] : memref<2x2x128xi32, #tpu.memory_space<vmem>> -> memref<1x1x128xi32, #tpu.memory_space<vmem>>
      %dma_wait3A_209 = tpu.memref_squeeze %dma_wait3A_208 : memref<1x1x128xi32, #tpu.memory_space<vmem>> -> memref<128xi32, #tpu.memory_space<vmem>>
      %dma_wait3A_210 = arith.constant 0 : i32
      %dma_wait3A_211 = tpu.memref_slice %arg3[%mul3A_2, %dma_wait3A_210] : memref<2560x128xi32, #tpu.memory_space<hbm>> -> memref<1x128xi32, #tpu.memory_space<hbm>>
      %dma_wait3A_212 = tpu.memref_squeeze %dma_wait3A_211 : memref<1x128xi32, #tpu.memory_space<hbm>> -> memref<128xi32, #tpu.memory_space<hbm>>
      %dma_wait3A_213 = arith.constant 0 : i32
      %dma_wait3A_214 = tpu.memref_slice %arg6[%run_scoped3A_45, %run_scoped3A_46, %dma_wait3A_213] : memref<2x2x128xi32, #tpu.memory_space<vmem>> -> memref<1x1x128xi32, #tpu.memory_space<vmem>>
      %dma_wait3A_215 = tpu.memref_squeeze %dma_wait3A_214 : memref<1x1x128xi32, #tpu.memory_space<vmem>> -> memref<128xi32, #tpu.memory_space<vmem>>
      %dma_wait3A_216 = arith.constant 0 : i32
      %dma_wait3A_217 = tpu.memref_slice %arg3[%mul3A_2, %dma_wait3A_216] : memref<2560x128xi32, #tpu.memory_space<hbm>> -> memref<1x128xi32, #tpu.memory_space<hbm>>
      %dma_wait3A_218 = tpu.memref_squeeze %dma_wait3A_217 : memref<1x128xi32, #tpu.memory_space<hbm>> -> memref<128xi32, #tpu.memory_space<hbm>>
      tpu.wait_dma2 semaphore(%run_scoped3A_194 : memref<!tpu.dma_semaphore, #tpu.memory_space<semaphore_mem>>) src(%dma_wait3A_218 : memref<128xi32, #tpu.memory_space<hbm>>) dst(%dma_wait3A_215 : memref<128xi32, #tpu.memory_space<vmem>>)
      tpu.yield
    }) : () -> ()
    %barrier3A = arith.constant 0 : index
    tpu.barrier barrier_id(%barrier3A)
    %dma_start3A = arith.constant 0 : i32
    %dma_start3A_47 = arith.constant 0 : i32
    %dma_start3A_48 = arith.constant 0 : i32
    %dma_start3A_49 = arith.constant 0 : i32
    %dma_start3A_50 = arith.constant 0 : i32
    %dma_start3A_51 = tpu.memref_slice %arg8[%dma_start3A_48, %dma_start3A_49, %dma_start3A_50] : memref<2x128x128xf32, #tpu.memory_space<vmem>> -> memref<1x128x128xf32, #tpu.memory_space<vmem>>
    %dma_start3A_52 = tpu.memref_squeeze %dma_start3A_51 : memref<1x128x128xf32, #tpu.memory_space<vmem>> -> memref<128x128xf32, #tpu.memory_space<vmem>>
    %dma_start3A_53 = arith.constant 0 : i32
    %dma_start3A_54 = tpu.memref_slice %arg6[%dma_start3A, %dma_start3A_47, %dma_start3A_53] : memref<2x2x128xi32, #tpu.memory_space<vmem>> -> memref<1x1x128xi32, #tpu.memory_space<vmem>>
    %dma_start3A_55 = tpu.memref_squeeze %dma_start3A_54 : memref<1x1x128xi32, #tpu.memory_space<vmem>> -> memref<128xi32, #tpu.memory_space<vmem>>
    %dma_start3A_56 = arith.constant 0 : i32
    %dma_start3A_57 = arith.constant 0 : i32
    %dma_start3A_58 = tpu.memref_slice %arg4[%dma_start3A_56, %dma_start3A_57] : memref<10240x128xf32, #tpu.memory_space<hbm>> -> memref<10240x128xf32, #tpu.memory_space<hbm>>
    tpu.enqueue_indirect_dma source(%dma_start3A_58 : memref<10240x128xf32, #tpu.memory_space<hbm>>) target(%dma_start3A_52 : memref<128x128xf32, #tpu.memory_space<vmem>>) offsets(%dma_start3A_55 : memref<128xi32, #tpu.memory_space<vmem>>) semaphore(%arg10 : memref<!tpu.dma_semaphore, #tpu.memory_space<semaphore_mem>>)
    %add3A_59 = arith.constant 1 : i32
    %add3A_60 = arith.addi %mul3A_2, %add3A_59 : i32
    %dma_start3A_61 = arith.constant 1 : i32
    %dma_start3A_62 = arith.constant 0 : i32
    %dma_start3A_63 = arith.constant 0 : i32
    %dma_start3A_64 = tpu.memref_slice %arg7[%dma_start3A_61, %dma_start3A_62, %dma_start3A_63] : memref<2x2x128xi32, #tpu.memory_space<vmem>> -> memref<1x1x128xi32, #tpu.memory_space<vmem>>
    %dma_start3A_65 = tpu.memref_squeeze %dma_start3A_64 : memref<1x1x128xi32, #tpu.memory_space<vmem>> -> memref<128xi32, #tpu.memory_space<vmem>>
    %dma_start3A_66 = arith.constant 0 : i32
    %dma_start3A_67 = tpu.memref_slice %arg2[%add3A_60, %dma_start3A_66] : memref<2560x128xi32, #tpu.memory_space<hbm>> -> memref<1x128xi32, #tpu.memory_space<hbm>>
    %dma_start3A_68 = tpu.memref_squeeze %dma_start3A_67 : memref<1x128xi32, #tpu.memory_space<hbm>> -> memref<128xi32, #tpu.memory_space<hbm>>
    %dma_start3A_69 = arith.constant 0 : i32
    %dma_start3A_70 = tpu.memref_slice %arg7[%dma_start3A_61, %dma_start3A_62, %dma_start3A_69] : memref<2x2x128xi32, #tpu.memory_space<vmem>> -> memref<1x1x128xi32, #tpu.memory_space<vmem>>
    %dma_start3A_71 = tpu.memref_squeeze %dma_start3A_70 : memref<1x1x128xi32, #tpu.memory_space<vmem>> -> memref<128xi32, #tpu.memory_space<vmem>>
    %dma_start3A_72 = arith.constant 0 : i32
    %dma_start3A_73 = tpu.memref_slice %arg2[%add3A_60, %dma_start3A_72] : memref<2560x128xi32, #tpu.memory_space<hbm>> -> memref<1x128xi32, #tpu.memory_space<hbm>>
    %dma_start3A_74 = tpu.memref_squeeze %dma_start3A_73 : memref<1x128xi32, #tpu.memory_space<hbm>> -> memref<128xi32, #tpu.memory_space<hbm>>
    tpu.enqueue_dma source(%dma_start3A_74 : memref<128xi32, #tpu.memory_space<hbm>>) target(%dma_start3A_71 : memref<128xi32, #tpu.memory_space<vmem>>) target_semaphore(%arg15 : memref<!tpu.dma_semaphore, #tpu.memory_space<semaphore_mem>>)
    %add3A_75 = arith.constant 1 : i32
    %add3A_76 = arith.addi %mul3A_2, %add3A_75 : i32
    %dma_start3A_77 = arith.constant 1 : i32
    %dma_start3A_78 = arith.constant 1 : i32
    %dma_start3A_79 = arith.constant 0 : i32
    %dma_start3A_80 = tpu.memref_slice %arg7[%dma_start3A_77, %dma_start3A_78, %dma_start3A_79] : memref<2x2x128xi32, #tpu.memory_space<vmem>> -> memref<1x1x128xi32, #tpu.memory_space<vmem>>
    %dma_start3A_81 = tpu.memref_squeeze %dma_start3A_80 : memref<1x1x128xi32, #tpu.memory_space<vmem>> -> memref<128xi32, #tpu.memory_space<vmem>>
    %dma_start3A_82 = arith.constant 0 : i32
    %dma_start3A_83 = tpu.memref_slice %arg3[%add3A_76, %dma_start3A_82] : memref<2560x128xi32, #tpu.memory_space<hbm>> -> memref<1x128xi32, #tpu.memory_space<hbm>>
    %dma_start3A_84 = tpu.memref_squeeze %dma_start3A_83 : memref<1x128xi32, #tpu.memory_space<hbm>> -> memref<128xi32, #tpu.memory_space<hbm>>
    %dma_start3A_85 = arith.constant 0 : i32
    %dma_start3A_86 = tpu.memref_slice %arg7[%dma_start3A_77, %dma_start3A_78, %dma_start3A_85] : memref<2x2x128xi32, #tpu.memory_space<vmem>> -> memref<1x1x128xi32, #tpu.memory_space<vmem>>
    %dma_start3A_87 = tpu.memref_squeeze %dma_start3A_86 : memref<1x1x128xi32, #tpu.memory_space<vmem>> -> memref<128xi32, #tpu.memory_space<vmem>>
    %dma_start3A_88 = arith.constant 0 : i32
    %dma_start3A_89 = tpu.memref_slice %arg3[%add3A_76, %dma_start3A_88] : memref<2560x128xi32, #tpu.memory_space<hbm>> -> memref<1x128xi32, #tpu.memory_space<hbm>>
    %dma_start3A_90 = tpu.memref_squeeze %dma_start3A_89 : memref<1x128xi32, #tpu.memory_space<hbm>> -> memref<128xi32, #tpu.memory_space<hbm>>
    tpu.enqueue_dma source(%dma_start3A_90 : memref<128xi32, #tpu.memory_space<hbm>>) target(%dma_start3A_87 : memref<128xi32, #tpu.memory_space<vmem>>) target_semaphore(%arg15 : memref<!tpu.dma_semaphore, #tpu.memory_space<semaphore_mem>>)
    %add3A_91 = arith.constant 2 : i32
    %add3A_92 = arith.addi %mul3A_2, %add3A_91 : i32
    %dma_start3A_93 = arith.constant 0 : i32
    %dma_start3A_94 = arith.constant 0 : i32
    %dma_start3A_95 = arith.constant 0 : i32
    %dma_start3A_96 = tpu.memref_slice %arg7[%dma_start3A_93, %dma_start3A_94, %dma_start3A_95] : memref<2x2x128xi32, #tpu.memory_space<vmem>> -> memref<1x1x128xi32, #tpu.memory_space<vmem>>
    %dma_start3A_97 = tpu.memref_squeeze %dma_start3A_96 : memref<1x1x128xi32, #tpu.memory_space<vmem>> -> memref<128xi32, #tpu.memory_space<vmem>>
    %dma_start3A_98 = arith.constant 0 : i32
    %dma_start3A_99 = tpu.memref_slice %arg2[%add3A_92, %dma_start3A_98] : memref<2560x128xi32, #tpu.memory_space<hbm>> -> memref<1x128xi32, #tpu.memory_space<hbm>>
    %dma_start3A_100 = tpu.memref_squeeze %dma_start3A_99 : memref<1x128xi32, #tpu.memory_space<hbm>> -> memref<128xi32, #tpu.memory_space<hbm>>
    %dma_start3A_101 = arith.constant 0 : i32
    %dma_start3A_102 = tpu.memref_slice %arg7[%dma_start3A_93, %dma_start3A_94, %dma_start3A_101] : memref<2x2x128xi32, #tpu.memory_space<vmem>> -> memref<1x1x128xi32, #tpu.memory_space<vmem>>
    %dma_start3A_103 = tpu.memref_squeeze %dma_start3A_102 : memref<1x1x128xi32, #tpu.memory_space<vmem>> -> memref<128xi32, #tpu.memory_space<vmem>>
    %dma_start3A_104 = arith.constant 0 : i32
    %dma_start3A_105 = tpu.memref_slice %arg2[%add3A_92, %dma_start3A_104] : memref<2560x128xi32, #tpu.memory_space<hbm>> -> memref<1x128xi32, #tpu.memory_space<hbm>>
    %dma_start3A_106 = tpu.memref_squeeze %dma_start3A_105 : memref<1x128xi32, #tpu.memory_space<hbm>> -> memref<128xi32, #tpu.memory_space<hbm>>
    tpu.enqueue_dma source(%dma_start3A_106 : memref<128xi32, #tpu.memory_space<hbm>>) target(%dma_start3A_103 : memref<128xi32, #tpu.memory_space<vmem>>) target_semaphore(%arg14 : memref<!tpu.dma_semaphore, #tpu.memory_space<semaphore_mem>>)
    %add3A_107 = arith.constant 2 : i32
    %add3A_108 = arith.addi %mul3A_2, %add3A_107 : i32
    %dma_start3A_109 = arith.constant 0 : i32
    %dma_start3A_110 = arith.constant 1 : i32
    %dma_start3A_111 = arith.constant 0 : i32
    %dma_start3A_112 = tpu.memref_slice %arg7[%dma_start3A_109, %dma_start3A_110, %dma_start3A_111] : memref<2x2x128xi32, #tpu.memory_space<vmem>> -> memref<1x1x128xi32, #tpu.memory_space<vmem>>
    %dma_start3A_113 = tpu.memref_squeeze %dma_start3A_112 : memref<1x1x128xi32, #tpu.memory_space<vmem>> -> memref<128xi32, #tpu.memory_space<vmem>>
    %dma_start3A_114 = arith.constant 0 : i32
    %dma_start3A_115 = tpu.memref_slice %arg3[%add3A_108, %dma_start3A_114] : memref<2560x128xi32, #tpu.memory_space<hbm>> -> memref<1x128xi32, #tpu.memory_space<hbm>>
    %dma_start3A_116 = tpu.memref_squeeze %dma_start3A_115 : memref<1x128xi32, #tpu.memory_space<hbm>> -> memref<128xi32, #tpu.memory_space<hbm>>
    %dma_start3A_117 = arith.constant 0 : i32
    %dma_start3A_118 = tpu.memref_slice %arg7[%dma_start3A_109, %dma_start3A_110, %dma_start3A_117] : memref<2x2x128xi32, #tpu.memory_space<vmem>> -> memref<1x1x128xi32, #tpu.memory_space<vmem>>
    %dma_start3A_119 = tpu.memref_squeeze %dma_start3A_118 : memref<1x1x128xi32, #tpu.memory_space<vmem>> -> memref<128xi32, #tpu.memory_space<vmem>>
    %dma_start3A_120 = arith.constant 0 : i32
    %dma_start3A_121 = tpu.memref_slice %arg3[%add3A_108, %dma_start3A_120] : memref<2560x128xi32, #tpu.memory_space<hbm>> -> memref<1x128xi32, #tpu.memory_space<hbm>>
    %dma_start3A_122 = tpu.memref_squeeze %dma_start3A_121 : memref<1x128xi32, #tpu.memory_space<hbm>> -> memref<128xi32, #tpu.memory_space<hbm>>
    tpu.enqueue_dma source(%dma_start3A_122 : memref<128xi32, #tpu.memory_space<hbm>>) target(%dma_start3A_119 : memref<128xi32, #tpu.memory_space<vmem>>) target_semaphore(%arg14 : memref<!tpu.dma_semaphore, #tpu.memory_space<semaphore_mem>>)
    %scan3A_123 = arith.constant 0 : i32
    %scan3A_124 = arith.constant 40 : i32
    %scan3A_125 = arith.addi %scan3A_123, %scan3A_124 : i32
    %scan3A_126 = arith.constant 1 : i32
    scf.for %scan3A_194 = %scan3A_123 to %scan3A_125 step %scan3A_126  : i32 {
      %mul3A_195 = arith.constant 2 : i32
      %mul3A_196 = arith.muli %scan3A_194, %mul3A_195 : i32
      %add3A_197 = arith.constant 0 : i32
      %add3A_198 = arith.addi %add3A_197, %mul3A_196 : i32
      %add3A_199 = arith.constant 0 : i32
      %add3A_200 = arith.addi %add3A_198, %add3A_199 : i32
      %dma_wait3A_201 = arith.constant 0 : i32
      %dma_wait3A_202 = arith.constant 0 : i32
      %dma_wait3A_203 = arith.constant 0 : i32
      %dma_wait3A_204 = arith.constant 0 : i32
      %dma_wait3A_205 = arith.constant 0 : i32
      %dma_wait3A_206 = tpu.memref_slice %arg8[%dma_wait3A_203, %dma_wait3A_204, %dma_wait3A_205] : memref<2x128x128xf32, #tpu.memory_space<vmem>> -> memref<1x128x128xf32, #tpu.memory_space<vmem>>
      %dma_wait3A_207 = tpu.memref_squeeze %dma_wait3A_206 : memref<1x128x128xf32, #tpu.memory_space<vmem>> -> memref<128x128xf32, #tpu.memory_space<vmem>>
      %dma_wait3A_208 = arith.constant 0 : i32
      %dma_wait3A_209 = tpu.memref_slice %arg6[%dma_wait3A_201, %dma_wait3A_202, %dma_wait3A_208] : memref<2x2x128xi32, #tpu.memory_space<vmem>> -> memref<1x1x128xi32, #tpu.memory_space<vmem>>
      %dma_wait3A_210 = tpu.memref_squeeze %dma_wait3A_209 : memref<1x1x128xi32, #tpu.memory_space<vmem>> -> memref<128xi32, #tpu.memory_space<vmem>>
      %dma_wait3A_211 = arith.constant 0 : i32
      %dma_wait3A_212 = arith.constant 0 : i32
      %dma_wait3A_213 = tpu.memref_slice %arg4[%dma_wait3A_211, %dma_wait3A_212] : memref<10240x128xf32, #tpu.memory_space<hbm>> -> memref<10240x128xf32, #tpu.memory_space<hbm>>
      tpu.wait_indirect_dma semaphore(%arg10 : memref<!tpu.dma_semaphore, #tpu.memory_space<semaphore_mem>>) src(%dma_wait3A_213 : memref<10240x128xf32, #tpu.memory_space<hbm>>) dst(%dma_wait3A_207 : memref<128x128xf32, #tpu.memory_space<vmem>>)
      %dma_start3A_214 = arith.constant 0 : i32
      %dma_start3A_215 = arith.constant 0 : i32
      %dma_start3A_216 = arith.constant 1 : i32
      %dma_start3A_217 = arith.constant 0 : i32
      %dma_start3A_218 = arith.constant 0 : i32
      %dma_start3A_219 = tpu.memref_slice %arg8[%dma_start3A_214, %dma_start3A_217, %dma_start3A_218] : memref<2x128x128xf32, #tpu.memory_space<vmem>> -> memref<1x128x128xf32, #tpu.memory_space<vmem>>
      %dma_start3A_220 = tpu.memref_squeeze %dma_start3A_219 : memref<1x128x128xf32, #tpu.memory_space<vmem>> -> memref<128x128xf32, #tpu.memory_space<vmem>>
      %dma_start3A_221 = arith.constant 0 : i32
      %dma_start3A_222 = tpu.memref_slice %arg6[%dma_start3A_215, %dma_start3A_216, %dma_start3A_221] : memref<2x2x128xi32, #tpu.memory_space<vmem>> -> memref<1x1x128xi32, #tpu.memory_space<vmem>>
      %dma_start3A_223 = tpu.memref_squeeze %dma_start3A_222 : memref<1x1x128xi32, #tpu.memory_space<vmem>> -> memref<128xi32, #tpu.memory_space<vmem>>
      %dma_start3A_224 = arith.constant 0 : i32
      %dma_start3A_225 = arith.constant 0 : i32
      %dma_start3A_226 = tpu.memref_slice %arg9[%dma_start3A_224, %dma_start3A_225] : memref<10240x128xf32, #tpu.memory_space<vmem_shared>> -> memref<10240x128xf32, #tpu.memory_space<vmem_shared>>
      tpu.enqueue_indirect_dma source(%dma_start3A_220 : memref<128x128xf32, #tpu.memory_space<vmem>>) target(%dma_start3A_226 : memref<10240x128xf32, #tpu.memory_space<vmem_shared>>) offsets(%dma_start3A_223 : memref<128xi32, #tpu.memory_space<vmem>>) semaphore(%arg12 : memref<!tpu.dma_semaphore, #tpu.memory_space<semaphore_mem>>) {add = true}
      %add3A_227 = arith.constant 1 : i32
      %add3A_228 = arith.addi %add3A_200, %add3A_227 : i32
      %lt3A = arith.constant 80 : i32
      %lt3A_229 = arith.cmpi slt, %add3A_228, %lt3A : i32
      %convert_element_type3A = arith.extui %lt3A_229 : i1 to i32
      %cond3A = arith.constant 0 : i32
      %cond3A_230 = arith.cmpi ne, %convert_element_type3A, %cond3A : i32
      scf.if %cond3A_230 {
        %gt3A = arith.constant 0 : i32
        %gt3A_266 = arith.cmpi sgt, %add3A_200, %gt3A : i32
        %convert_element_type3A_267 = arith.extui %gt3A_266 : i1 to i32
        %cond3A_268 = arith.constant 0 : i32
        %cond3A_269 = arith.cmpi ne, %convert_element_type3A_267, %cond3A_268 : i32
        scf.if %cond3A_269 {
          %dma_wait3A_556 = arith.constant 1 : i32
          %dma_wait3A_557 = arith.constant 1 : i32
          %dma_wait3A_558 = arith.constant 1 : i32
          %dma_wait3A_559 = arith.constant 0 : i32
          %dma_wait3A_560 = arith.constant 0 : i32
          %dma_wait3A_561 = tpu.memref_slice %arg8[%dma_wait3A_556, %dma_wait3A_559, %dma_wait3A_560] : memref<2x128x128xf32, #tpu.memory_space<vmem>> -> memref<1x128x128xf32, #tpu.memory_space<vmem>>
          %dma_wait3A_562 = tpu.memref_squeeze %dma_wait3A_561 : memref<1x128x128xf32, #tpu.memory_space<vmem>> -> memref<128x128xf32, #tpu.memory_space<vmem>>
          %dma_wait3A_563 = arith.constant 0 : i32
          %dma_wait3A_564 = tpu.memref_slice %arg6[%dma_wait3A_557, %dma_wait3A_558, %dma_wait3A_563] : memref<2x2x128xi32, #tpu.memory_space<vmem>> -> memref<1x1x128xi32, #tpu.memory_space<vmem>>
          %dma_wait3A_565 = tpu.memref_squeeze %dma_wait3A_564 : memref<1x1x128xi32, #tpu.memory_space<vmem>> -> memref<128xi32, #tpu.memory_space<vmem>>
          %dma_wait3A_566 = arith.constant 0 : i32
          %dma_wait3A_567 = arith.constant 0 : i32
          %dma_wait3A_568 = tpu.memref_slice %arg9[%dma_wait3A_566, %dma_wait3A_567] : memref<10240x128xf32, #tpu.memory_space<vmem_shared>> -> memref<10240x128xf32, #tpu.memory_space<vmem_shared>>
          tpu.wait_indirect_dma semaphore(%arg13 : memref<!tpu.dma_semaphore, #tpu.memory_space<semaphore_mem>>) src(%dma_wait3A_562 : memref<128x128xf32, #tpu.memory_space<vmem>>) dst(%dma_wait3A_568 : memref<10240x128xf32, #tpu.memory_space<vmem_shared>>)
        } else {
        }
        %dma_wait3A_270 = arith.constant 1 : i32
        %dma_wait3A_271 = arith.constant 0 : i32
        %dma_wait3A_272 = arith.constant 0 : i32
        %dma_wait3A_273 = tpu.memref_slice %arg7[%dma_wait3A_270, %dma_wait3A_271, %dma_wait3A_272] : memref<2x2x128xi32, #tpu.memory_space<vmem>> -> memref<1x1x128xi32, #tpu.memory_space<vmem>>
        %dma_wait3A_274 = tpu.memref_squeeze %dma_wait3A_273 : memref<1x1x128xi32, #tpu.memory_space<vmem>> -> memref<128xi32, #tpu.memory_space<vmem>>
        %dma_wait3A_275 = arith.constant 0 : i32
        %dma_wait3A_276 = tpu.memref_slice %arg2[%mul3A_2, %dma_wait3A_275] : memref<2560x128xi32, #tpu.memory_space<hbm>> -> memref<1x128xi32, #tpu.memory_space<hbm>>
        %dma_wait3A_277 = tpu.memref_squeeze %dma_wait3A_276 : memref<1x128xi32, #tpu.memory_space<hbm>> -> memref<128xi32, #tpu.memory_space<hbm>>
        %dma_wait3A_278 = arith.constant 0 : i32
        %dma_wait3A_279 = tpu.memref_slice %arg7[%dma_wait3A_270, %dma_wait3A_271, %dma_wait3A_278] : memref<2x2x128xi32, #tpu.memory_space<vmem>> -> memref<1x1x128xi32, #tpu.memory_space<vmem>>
        %dma_wait3A_280 = tpu.memref_squeeze %dma_wait3A_279 : memref<1x1x128xi32, #tpu.memory_space<vmem>> -> memref<128xi32, #tpu.memory_space<vmem>>
        %dma_wait3A_281 = arith.constant 0 : i32
        %dma_wait3A_282 = tpu.memref_slice %arg2[%mul3A_2, %dma_wait3A_281] : memref<2560x128xi32, #tpu.memory_space<hbm>> -> memref<1x128xi32, #tpu.memory_space<hbm>>
        %dma_wait3A_283 = tpu.memref_squeeze %dma_wait3A_282 : memref<1x128xi32, #tpu.memory_space<hbm>> -> memref<128xi32, #tpu.memory_space<hbm>>
        tpu.wait_dma2 semaphore(%arg15 : memref<!tpu.dma_semaphore, #tpu.memory_space<semaphore_mem>>) src(%dma_wait3A_283 : memref<128xi32, #tpu.memory_space<hbm>>) dst(%dma_wait3A_280 : memref<128xi32, #tpu.memory_space<vmem>>)
        %dma_wait3A_284 = arith.constant 1 : i32
        %dma_wait3A_285 = arith.constant 1 : i32
        %dma_wait3A_286 = arith.constant 0 : i32
        %dma_wait3A_287 = tpu.memref_slice %arg7[%dma_wait3A_284, %dma_wait3A_285, %dma_wait3A_286] : memref<2x2x128xi32, #tpu.memory_space<vmem>> -> memref<1x1x128xi32, #tpu.memory_space<vmem>>
        %dma_wait3A_288 = tpu.memref_squeeze %dma_wait3A_287 : memref<1x1x128xi32, #tpu.memory_space<vmem>> -> memref<128xi32, #tpu.memory_space<vmem>>
        %dma_wait3A_289 = arith.constant 0 : i32
        %dma_wait3A_290 = tpu.memref_slice %arg3[%mul3A_2, %dma_wait3A_289] : memref<2560x128xi32, #tpu.memory_space<hbm>> -> memref<1x128xi32, #tpu.memory_space<hbm>>
        %dma_wait3A_291 = tpu.memref_squeeze %dma_wait3A_290 : memref<1x128xi32, #tpu.memory_space<hbm>> -> memref<128xi32, #tpu.memory_space<hbm>>
        %dma_wait3A_292 = arith.constant 0 : i32
        %dma_wait3A_293 = tpu.memref_slice %arg7[%dma_wait3A_284, %dma_wait3A_285, %dma_wait3A_292] : memref<2x2x128xi32, #tpu.memory_space<vmem>> -> memref<1x1x128xi32, #tpu.memory_space<vmem>>
        %dma_wait3A_294 = tpu.memref_squeeze %dma_wait3A_293 : memref<1x1x128xi32, #tpu.memory_space<vmem>> -> memref<128xi32, #tpu.memory_space<vmem>>
        %dma_wait3A_295 = arith.constant 0 : i32
        %dma_wait3A_296 = tpu.memref_slice %arg3[%mul3A_2, %dma_wait3A_295] : memref<2560x128xi32, #tpu.memory_space<hbm>> -> memref<1x128xi32, #tpu.memory_space<hbm>>
        %dma_wait3A_297 = tpu.memref_squeeze %dma_wait3A_296 : memref<1x128xi32, #tpu.memory_space<hbm>> -> memref<128xi32, #tpu.memory_space<hbm>>
        tpu.wait_dma2 semaphore(%arg15 : memref<!tpu.dma_semaphore, #tpu.memory_space<semaphore_mem>>) src(%dma_wait3A_297 : memref<128xi32, #tpu.memory_space<hbm>>) dst(%dma_wait3A_294 : memref<128xi32, #tpu.memory_space<vmem>>)
        %get3A = arith.constant 1 : i32
        %get3A_298 = arith.constant 0 : i32
        %get3A_299 = arith.index_cast %get3A : i32 to index
        %get3A_300 = arith.index_cast %get3A_298 : i32 to index
        %get3A_301 = arith.constant 0 : index
        %get3A_302 = tpu.vector_load %arg7[%get3A_299, %get3A_300, %get3A_301] {strides = array<i32>} : memref<2x2x128xi32, #tpu.memory_space<vmem>>, vector<1x1x16xi32>,
        %get3A_303 = vector.shape_cast %get3A_302 : vector<1x1x16xi32> to vector<16xi32>
        %swap3A = arith.constant 1 : i32
        %swap3A_304 = arith.constant 0 : i32
        %swap3A_305 = arith.index_cast %swap3A : i32 to index
        %swap3A_306 = arith.index_cast %swap3A_304 : i32 to index
        %swap3A_307 = arith.constant 0 : index
        %swap3A_308 = tpu.vector_load %arg6[%swap3A_305, %swap3A_306, %swap3A_307] {strides = array<i32>} : memref<2x2x128xi32, #tpu.memory_space<vmem>>, vector<1x1x16xi32>,
        %swap3A_309 = vector.shape_cast %swap3A_308 : vector<1x1x16xi32> to vector<16xi32>
        %swap3A_310 = vector.shape_cast %get3A_303 : vector<16xi32> to vector<1x1x16xi32>
        tpu.vector_store %arg6[%swap3A_305, %swap3A_306, %swap3A_307], %swap3A_310 {strides = array<i32>} : memref<2x2x128xi32, #tpu.memory_space<vmem>>, vector<1x1x16xi32>,
        %get3A_311 = arith.constant 1 : i32
        %get3A_312 = arith.constant 0 : i32
        %get3A_313 = arith.index_cast %get3A_311 : i32 to index
        %get3A_314 = arith.index_cast %get3A_312 : i32 to index
        %get3A_315 = arith.constant 16 : index
        %get3A_316 = tpu.vector_load %arg7[%get3A_313, %get3A_314, %get3A_315] {strides = array<i32>} : memref<2x2x128xi32, #tpu.memory_space<vmem>>, vector<1x1x16xi32>,
        %get3A_317 = vector.shape_cast %get3A_316 : vector<1x1x16xi32> to vector<16xi32>
        %swap3A_318 = arith.constant 1 : i32
        %swap3A_319 = arith.constant 0 : i32
        %swap3A_320 = arith.index_cast %swap3A_318 : i32 to index
        %swap3A_321 = arith.index_cast %swap3A_319 : i32 to index
        %swap3A_322 = arith.constant 16 : index
        %swap3A_323 = tpu.vector_load %arg6[%swap3A_320, %swap3A_321, %swap3A_322] {strides = array<i32>} : memref<2x2x128xi32, #tpu.memory_space<vmem>>, vector<1x1x16xi32>,
        %swap3A_324 = vector.shape_cast %swap3A_323 : vector<1x1x16xi32> to vector<16xi32>
        %swap3A_325 = vector.shape_cast %get3A_317 : vector<16xi32> to vector<1x1x16xi32>
        tpu.vector_store %arg6[%swap3A_320, %swap3A_321, %swap3A_322], %swap3A_325 {strides = array<i32>} : memref<2x2x128xi32, #tpu.memory_space<vmem>>, vector<1x1x16xi32>,
        %get3A_326 = arith.constant 1 : i32
        %get3A_327 = arith.constant 0 : i32
        %get3A_328 = arith.index_cast %get3A_326 : i32 to index
        %get3A_329 = arith.index_cast %get3A_327 : i32 to index
        %get3A_330 = arith.constant 32 : index
        %get3A_331 = tpu.vector_load %arg7[%get3A_328, %get3A_329, %get3A_330] {strides = array<i32>} : memref<2x2x128xi32, #tpu.memory_space<vmem>>, vector<1x1x16xi32>,
        %get3A_332 = vector.shape_cast %get3A_331 : vector<1x1x16xi32> to vector<16xi32>
        %swap3A_333 = arith.constant 1 : i32
        %swap3A_334 = arith.constant 0 : i32
        %swap3A_335 = arith.index_cast %swap3A_333 : i32 to index
        %swap3A_336 = arith.index_cast %swap3A_334 : i32 to index
        %swap3A_337 = arith.constant 32 : index
        %swap3A_338 = tpu.vector_load %arg6[%swap3A_335, %swap3A_336, %swap3A_337] {strides = array<i32>} : memref<2x2x128xi32, #tpu.memory_space<vmem>>, vector<1x1x16xi32>,
        %swap3A_339 = vector.shape_cast %swap3A_338 : vector<1x1x16xi32> to vector<16xi32>
        %swap3A_340 = vector.shape_cast %get3A_332 : vector<16xi32> to vector<1x1x16xi32>
        tpu.vector_store %arg6[%swap3A_335, %swap3A_336, %swap3A_337], %swap3A_340 {strides = array<i32>} : memref<2x2x128xi32, #tpu.memory_space<vmem>>, vector<1x1x16xi32>,
        %get3A_341 = arith.constant 1 : i32
        %get3A_342 = arith.constant 0 : i32
        %get3A_343 = arith.index_cast %get3A_341 : i32 to index
        %get3A_344 = arith.index_cast %get3A_342 : i32 to index
        %get3A_345 = arith.constant 48 : index
        %get3A_346 = tpu.vector_load %arg7[%get3A_343, %get3A_344, %get3A_345] {strides = array<i32>} : memref<2x2x128xi32, #tpu.memory_space<vmem>>, vector<1x1x16xi32>,
        %get3A_347 = vector.shape_cast %get3A_346 : vector<1x1x16xi32> to vector<16xi32>
        %swap3A_348 = arith.constant 1 : i32
        %swap3A_349 = arith.constant 0 : i32
        %swap3A_350 = arith.index_cast %swap3A_348 : i32 to index
        %swap3A_351 = arith.index_cast %swap3A_349 : i32 to index
        %swap3A_352 = arith.constant 48 : index
        %swap3A_353 = tpu.vector_load %arg6[%swap3A_350, %swap3A_351, %swap3A_352] {strides = array<i32>} : memref<2x2x128xi32, #tpu.memory_space<vmem>>, vector<1x1x16xi32>,
        %swap3A_354 = vector.shape_cast %swap3A_353 : vector<1x1x16xi32> to vector<16xi32>
        %swap3A_355 = vector.shape_cast %get3A_347 : vector<16xi32> to vector<1x1x16xi32>
        tpu.vector_store %arg6[%swap3A_350, %swap3A_351, %swap3A_352], %swap3A_355 {strides = array<i32>} : memref<2x2x128xi32, #tpu.memory_space<vmem>>, vector<1x1x16xi32>,
        %get3A_356 = arith.constant 1 : i32
        %get3A_357 = arith.constant 0 : i32
        %get3A_358 = arith.index_cast %get3A_356 : i32 to index
        %get3A_359 = arith.index_cast %get3A_357 : i32 to index
        %get3A_360 = arith.constant 64 : index
        %get3A_361 = tpu.vector_load %arg7[%get3A_358, %get3A_359, %get3A_360] {strides = array<i32>} : memref<2x2x128xi32, #tpu.memory_space<vmem>>, vector<1x1x16xi32>,
        %get3A_362 = vector.shape_cast %get3A_361 : vector<1x1x16xi32> to vector<16xi32>
        %swap3A_363 = arith.constant 1 : i32
        %swap3A_364 = arith.constant 0 : i32
        %swap3A_365 = arith.index_cast %swap3A_363 : i32 to index
        %swap3A_366 = arith.index_cast %swap3A_364 : i32 to index
        %swap3A_367 = arith.constant 64 : index
        %swap3A_368 = tpu.vector_load %arg6[%swap3A_365, %swap3A_366, %swap3A_367] {strides = array<i32>} : memref<2x2x128xi32, #tpu.memory_space<vmem>>, vector<1x1x16xi32>,
        %swap3A_369 = vector.shape_cast %swap3A_368 : vector<1x1x16xi32> to vector<16xi32>
        %swap3A_370 = vector.shape_cast %get3A_362 : vector<16xi32> to vector<1x1x16xi32>
        tpu.vector_store %arg6[%swap3A_365, %swap3A_366, %swap3A_367], %swap3A_370 {strides = array<i32>} : memref<2x2x128xi32, #tpu.memory_space<vmem>>, vector<1x1x16xi32>,
        %get3A_371 = arith.constant 1 : i32
        %get3A_372 = arith.constant 0 : i32
        %get3A_373 = arith.index_cast %get3A_371 : i32 to index
        %get3A_374 = arith.index_cast %get3A_372 : i32 to index
        %get3A_375 = arith.constant 80 : index
        %get3A_376 = tpu.vector_load %arg7[%get3A_373, %get3A_374, %get3A_375] {strides = array<i32>} : memref<2x2x128xi32, #tpu.memory_space<vmem>>, vector<1x1x16xi32>,
        %get3A_377 = vector.shape_cast %get3A_376 : vector<1x1x16xi32> to vector<16xi32>
        %swap3A_378 = arith.constant 1 : i32
        %swap3A_379 = arith.constant 0 : i32
        %swap3A_380 = arith.index_cast %swap3A_378 : i32 to index
        %swap3A_381 = arith.index_cast %swap3A_379 : i32 to index
        %swap3A_382 = arith.constant 80 : index
        %swap3A_383 = tpu.vector_load %arg6[%swap3A_380, %swap3A_381, %swap3A_382] {strides = array<i32>} : memref<2x2x128xi32, #tpu.memory_space<vmem>>, vector<1x1x16xi32>,
        %swap3A_384 = vector.shape_cast %swap3A_383 : vector<1x1x16xi32> to vector<16xi32>
        %swap3A_385 = vector.shape_cast %get3A_377 : vector<16xi32> to vector<1x1x16xi32>
        tpu.vector_store %arg6[%swap3A_380, %swap3A_381, %swap3A_382], %swap3A_385 {strides = array<i32>} : memref<2x2x128xi32, #tpu.memory_space<vmem>>, vector<1x1x16xi32>,
        %get3A_386 = arith.constant 1 : i32
        %get3A_387 = arith.constant 0 : i32
        %get3A_388 = arith.index_cast %get3A_386 : i32 to index
        %get3A_389 = arith.index_cast %get3A_387 : i32 to index
        %get3A_390 = arith.constant 96 : index
        %get3A_391 = tpu.vector_load %arg7[%get3A_388, %get3A_389, %get3A_390] {strides = array<i32>} : memref<2x2x128xi32, #tpu.memory_space<vmem>>, vector<1x1x16xi32>,
        %get3A_392 = vector.shape_cast %get3A_391 : vector<1x1x16xi32> to vector<16xi32>
        %swap3A_393 = arith.constant 1 : i32
        %swap3A_394 = arith.constant 0 : i32
        %swap3A_395 = arith.index_cast %swap3A_393 : i32 to index
        %swap3A_396 = arith.index_cast %swap3A_394 : i32 to index
        %swap3A_397 = arith.constant 96 : index
        %swap3A_398 = tpu.vector_load %arg6[%swap3A_395, %swap3A_396, %swap3A_397] {strides = array<i32>} : memref<2x2x128xi32, #tpu.memory_space<vmem>>, vector<1x1x16xi32>,
        %swap3A_399 = vector.shape_cast %swap3A_398 : vector<1x1x16xi32> to vector<16xi32>
        %swap3A_400 = vector.shape_cast %get3A_392 : vector<16xi32> to vector<1x1x16xi32>
        tpu.vector_store %arg6[%swap3A_395, %swap3A_396, %swap3A_397], %swap3A_400 {strides = array<i32>} : memref<2x2x128xi32, #tpu.memory_space<vmem>>, vector<1x1x16xi32>,
        %get3A_401 = arith.constant 1 : i32
        %get3A_402 = arith.constant 0 : i32
        %get3A_403 = arith.index_cast %get3A_401 : i32 to index
        %get3A_404 = arith.index_cast %get3A_402 : i32 to index
        %get3A_405 = arith.constant 112 : index
        %get3A_406 = tpu.vector_load %arg7[%get3A_403, %get3A_404, %get3A_405] {strides = array<i32>} : memref<2x2x128xi32, #tpu.memory_space<vmem>>, vector<1x1x16xi32>,
        %get3A_407 = vector.shape_cast %get3A_406 : vector<1x1x16xi32> to vector<16xi32>
        %swap3A_408 = arith.constant 1 : i32
        %swap3A_409 = arith.constant 0 : i32
        %swap3A_410 = arith.index_cast %swap3A_408 : i32 to index
        %swap3A_411 = arith.index_cast %swap3A_409 : i32 to index
        %swap3A_412 = arith.constant 112 : index
        %swap3A_413 = tpu.vector_load %arg6[%swap3A_410, %swap3A_411, %swap3A_412] {strides = array<i32>} : memref<2x2x128xi32, #tpu.memory_space<vmem>>, vector<1x1x16xi32>,
        %swap3A_414 = vector.shape_cast %swap3A_413 : vector<1x1x16xi32> to vector<16xi32>
        %swap3A_415 = vector.shape_cast %get3A_407 : vector<16xi32> to vector<1x1x16xi32>
        tpu.vector_store %arg6[%swap3A_410, %swap3A_411, %swap3A_412], %swap3A_415 {strides = array<i32>} : memref<2x2x128xi32, #tpu.memory_space<vmem>>, vector<1x1x16xi32>,
        %get3A_416 = arith.constant 1 : i32
        %get3A_417 = arith.constant 1 : i32
        %get3A_418 = arith.index_cast %get3A_416 : i32 to index
        %get3A_419 = arith.index_cast %get3A_417 : i32 to index
        %get3A_420 = arith.constant 0 : index
        %get3A_421 = tpu.vector_load %arg7[%get3A_418, %get3A_419, %get3A_420] {strides = array<i32>} : memref<2x2x128xi32, #tpu.memory_space<vmem>>, vector<1x1x16xi32>,
        %get3A_422 = vector.shape_cast %get3A_421 : vector<1x1x16xi32> to vector<16xi32>
        %swap3A_423 = arith.constant 1 : i32
        %swap3A_424 = arith.constant 1 : i32
        %swap3A_425 = arith.index_cast %swap3A_423 : i32 to index
        %swap3A_426 = arith.index_cast %swap3A_424 : i32 to index
        %swap3A_427 = arith.constant 0 : index
        %swap3A_428 = tpu.vector_load %arg6[%swap3A_425, %swap3A_426, %swap3A_427] {strides = array<i32>} : memref<2x2x128xi32, #tpu.memory_space<vmem>>, vector<1x1x16xi32>,
        %swap3A_429 = vector.shape_cast %swap3A_428 : vector<1x1x16xi32> to vector<16xi32>
        %swap3A_430 = vector.shape_cast %get3A_422 : vector<16xi32> to vector<1x1x16xi32>
        tpu.vector_store %arg6[%swap3A_425, %swap3A_426, %swap3A_427], %swap3A_430 {strides = array<i32>} : memref<2x2x128xi32, #tpu.memory_space<vmem>>, vector<1x1x16xi32>,
        %get3A_431 = arith.constant 1 : i32
        %get3A_432 = arith.constant 1 : i32
        %get3A_433 = arith.index_cast %get3A_431 : i32 to index
        %get3A_434 = arith.index_cast %get3A_432 : i32 to index
        %get3A_435 = arith.constant 16 : index
        %get3A_436 = tpu.vector_load %arg7[%get3A_433, %get3A_434, %get3A_435] {strides = array<i32>} : memref<2x2x128xi32, #tpu.memory_space<vmem>>, vector<1x1x16xi32>,
        %get3A_437 = vector.shape_cast %get3A_436 : vector<1x1x16xi32> to vector<16xi32>
        %swap3A_438 = arith.constant 1 : i32
        %swap3A_439 = arith.constant 1 : i32
        %swap3A_440 = arith.index_cast %swap3A_438 : i32 to index
        %swap3A_441 = arith.index_cast %swap3A_439 : i32 to index
        %swap3A_442 = arith.constant 16 : index
        %swap3A_443 = tpu.vector_load %arg6[%swap3A_440, %swap3A_441, %swap3A_442] {strides = array<i32>} : memref<2x2x128xi32, #tpu.memory_space<vmem>>, vector<1x1x16xi32>,
        %swap3A_444 = vector.shape_cast %swap3A_443 : vector<1x1x16xi32> to vector<16xi32>
        %swap3A_445 = vector.shape_cast %get3A_437 : vector<16xi32> to vector<1x1x16xi32>
        tpu.vector_store %arg6[%swap3A_440, %swap3A_441, %swap3A_442], %swap3A_445 {strides = array<i32>} : memref<2x2x128xi32, #tpu.memory_space<vmem>>, vector<1x1x16xi32>,
        %get3A_446 = arith.constant 1 : i32
        %get3A_447 = arith.constant 1 : i32
        %get3A_448 = arith.index_cast %get3A_446 : i32 to index
        %get3A_449 = arith.index_cast %get3A_447 : i32 to index
        %get3A_450 = arith.constant 32 : index
        %get3A_451 = tpu.vector_load %arg7[%get3A_448, %get3A_449, %get3A_450] {strides = array<i32>} : memref<2x2x128xi32, #tpu.memory_space<vmem>>, vector<1x1x16xi32>,
        %get3A_452 = vector.shape_cast %get3A_451 : vector<1x1x16xi32> to vector<16xi32>
        %swap3A_453 = arith.constant 1 : i32
        %swap3A_454 = arith.constant 1 : i32
        %swap3A_455 = arith.index_cast %swap3A_453 : i32 to index
        %swap3A_456 = arith.index_cast %swap3A_454 : i32 to index
        %swap3A_457 = arith.constant 32 : index
        %swap3A_458 = tpu.vector_load %arg6[%swap3A_455, %swap3A_456, %swap3A_457] {strides = array<i32>} : memref<2x2x128xi32, #tpu.memory_space<vmem>>, vector<1x1x16xi32>,
        %swap3A_459 = vector.shape_cast %swap3A_458 : vector<1x1x16xi32> to vector<16xi32>
        %swap3A_460 = vector.shape_cast %get3A_452 : vector<16xi32> to vector<1x1x16xi32>
        tpu.vector_store %arg6[%swap3A_455, %swap3A_456, %swap3A_457], %swap3A_460 {strides = array<i32>} : memref<2x2x128xi32, #tpu.memory_space<vmem>>, vector<1x1x16xi32>,
        %get3A_461 = arith.constant 1 : i32
        %get3A_462 = arith.constant 1 : i32
        %get3A_463 = arith.index_cast %get3A_461 : i32 to index
        %get3A_464 = arith.index_cast %get3A_462 : i32 to index
        %get3A_465 = arith.constant 48 : index
        %get3A_466 = tpu.vector_load %arg7[%get3A_463, %get3A_464, %get3A_465] {strides = array<i32>} : memref<2x2x128xi32, #tpu.memory_space<vmem>>, vector<1x1x16xi32>,
        %get3A_467 = vector.shape_cast %get3A_466 : vector<1x1x16xi32> to vector<16xi32>
        %swap3A_468 = arith.constant 1 : i32
        %swap3A_469 = arith.constant 1 : i32
        %swap3A_470 = arith.index_cast %swap3A_468 : i32 to index
        %swap3A_471 = arith.index_cast %swap3A_469 : i32 to index
        %swap3A_472 = arith.constant 48 : index
        %swap3A_473 = tpu.vector_load %arg6[%swap3A_470, %swap3A_471, %swap3A_472] {strides = array<i32>} : memref<2x2x128xi32, #tpu.memory_space<vmem>>, vector<1x1x16xi32>,
        %swap3A_474 = vector.shape_cast %swap3A_473 : vector<1x1x16xi32> to vector<16xi32>
        %swap3A_475 = vector.shape_cast %get3A_467 : vector<16xi32> to vector<1x1x16xi32>
        tpu.vector_store %arg6[%swap3A_470, %swap3A_471, %swap3A_472], %swap3A_475 {strides = array<i32>} : memref<2x2x128xi32, #tpu.memory_space<vmem>>, vector<1x1x16xi32>,
        %get3A_476 = arith.constant 1 : i32
        %get3A_477 = arith.constant 1 : i32
        %get3A_478 = arith.index_cast %get3A_476 : i32 to index
        %get3A_479 = arith.index_cast %get3A_477 : i32 to index
        %get3A_480 = arith.constant 64 : index
        %get3A_481 = tpu.vector_load %arg7[%get3A_478, %get3A_479, %get3A_480] {strides = array<i32>} : memref<2x2x128xi32, #tpu.memory_space<vmem>>, vector<1x1x16xi32>,
        %get3A_482 = vector.shape_cast %get3A_481 : vector<1x1x16xi32> to vector<16xi32>
        %swap3A_483 = arith.constant 1 : i32
        %swap3A_484 = arith.constant 1 : i32
        %swap3A_485 = arith.index_cast %swap3A_483 : i32 to index
        %swap3A_486 = arith.index_cast %swap3A_484 : i32 to index
        %swap3A_487 = arith.constant 64 : index
        %swap3A_488 = tpu.vector_load %arg6[%swap3A_485, %swap3A_486, %swap3A_487] {strides = array<i32>} : memref<2x2x128xi32, #tpu.memory_space<vmem>>, vector<1x1x16xi32>,
        %swap3A_489 = vector.shape_cast %swap3A_488 : vector<1x1x16xi32> to vector<16xi32>
        %swap3A_490 = vector.shape_cast %get3A_482 : vector<16xi32> to vector<1x1x16xi32>
        tpu.vector_store %arg6[%swap3A_485, %swap3A_486, %swap3A_487], %swap3A_490 {strides = array<i32>} : memref<2x2x128xi32, #tpu.memory_space<vmem>>, vector<1x1x16xi32>,
        %get3A_491 = arith.constant 1 : i32
        %get3A_492 = arith.constant 1 : i32
        %get3A_493 = arith.index_cast %get3A_491 : i32 to index
        %get3A_494 = arith.index_cast %get3A_492 : i32 to index
        %get3A_495 = arith.constant 80 : index
        %get3A_496 = tpu.vector_load %arg7[%get3A_493, %get3A_494, %get3A_495] {strides = array<i32>} : memref<2x2x128xi32, #tpu.memory_space<vmem>>, vector<1x1x16xi32>,
        %get3A_497 = vector.shape_cast %get3A_496 : vector<1x1x16xi32> to vector<16xi32>
        %swap3A_498 = arith.constant 1 : i32
        %swap3A_499 = arith.constant 1 : i32
        %swap3A_500 = arith.index_cast %swap3A_498 : i32 to index
        %swap3A_501 = arith.index_cast %swap3A_499 : i32 to index
        %swap3A_502 = arith.constant 80 : index
        %swap3A_503 = tpu.vector_load %arg6[%swap3A_500, %swap3A_501, %swap3A_502] {strides = array<i32>} : memref<2x2x128xi32, #tpu.memory_space<vmem>>, vector<1x1x16xi32>,
        %swap3A_504 = vector.shape_cast %swap3A_503 : vector<1x1x16xi32> to vector<16xi32>
        %swap3A_505 = vector.shape_cast %get3A_497 : vector<16xi32> to vector<1x1x16xi32>
        tpu.vector_store %arg6[%swap3A_500, %swap3A_501, %swap3A_502], %swap3A_505 {strides = array<i32>} : memref<2x2x128xi32, #tpu.memory_space<vmem>>, vector<1x1x16xi32>,
        %get3A_506 = arith.constant 1 : i32
        %get3A_507 = arith.constant 1 : i32
        %get3A_508 = arith.index_cast %get3A_506 : i32 to index
        %get3A_509 = arith.index_cast %get3A_507 : i32 to index
        %get3A_510 = arith.constant 96 : index
        %get3A_511 = tpu.vector_load %arg7[%get3A_508, %get3A_509, %get3A_510] {strides = array<i32>} : memref<2x2x128xi32, #tpu.memory_space<vmem>>, vector<1x1x16xi32>,
        %get3A_512 = vector.shape_cast %get3A_511 : vector<1x1x16xi32> to vector<16xi32>
        %swap3A_513 = arith.constant 1 : i32
        %swap3A_514 = arith.constant 1 : i32
        %swap3A_515 = arith.index_cast %swap3A_513 : i32 to index
        %swap3A_516 = arith.index_cast %swap3A_514 : i32 to index
        %swap3A_517 = arith.constant 96 : index
        %swap3A_518 = tpu.vector_load %arg6[%swap3A_515, %swap3A_516, %swap3A_517] {strides = array<i32>} : memref<2x2x128xi32, #tpu.memory_space<vmem>>, vector<1x1x16xi32>,
        %swap3A_519 = vector.shape_cast %swap3A_518 : vector<1x1x16xi32> to vector<16xi32>
        %swap3A_520 = vector.shape_cast %get3A_512 : vector<16xi32> to vector<1x1x16xi32>
        tpu.vector_store %arg6[%swap3A_515, %swap3A_516, %swap3A_517], %swap3A_520 {strides = array<i32>} : memref<2x2x128xi32, #tpu.memory_space<vmem>>, vector<1x1x16xi32>,
        %get3A_521 = arith.constant 1 : i32
        %get3A_522 = arith.constant 1 : i32
        %get3A_523 = arith.index_cast %get3A_521 : i32 to index
        %get3A_524 = arith.index_cast %get3A_522 : i32 to index
        %get3A_525 = arith.constant 112 : index
        %get3A_526 = tpu.vector_load %arg7[%get3A_523, %get3A_524, %get3A_525] {strides = array<i32>} : memref<2x2x128xi32, #tpu.memory_space<vmem>>, vector<1x1x16xi32>,
        %get3A_527 = vector.shape_cast %get3A_526 : vector<1x1x16xi32> to vector<16xi32>
        %swap3A_528 = arith.constant 1 : i32
        %swap3A_529 = arith.constant 1 : i32
        %swap3A_530 = arith.index_cast %swap3A_528 : i32 to index
        %swap3A_531 = arith.index_cast %swap3A_529 : i32 to index
        %swap3A_532 = arith.constant 112 : index
        %swap3A_533 = tpu.vector_load %arg6[%swap3A_530, %swap3A_531, %swap3A_532] {strides = array<i32>} : memref<2x2x128xi32, #tpu.memory_space<vmem>>, vector<1x1x16xi32>,
        %swap3A_534 = vector.shape_cast %swap3A_533 : vector<1x1x16xi32> to vector<16xi32>
        %swap3A_535 = vector.shape_cast %get3A_527 : vector<16xi32> to vector<1x1x16xi32>
        tpu.vector_store %arg6[%swap3A_530, %swap3A_531, %swap3A_532], %swap3A_535 {strides = array<i32>} : memref<2x2x128xi32, #tpu.memory_space<vmem>>, vector<1x1x16xi32>,
        %dma_start3A_536 = arith.constant 1 : i32
        %dma_start3A_537 = arith.constant 0 : i32
        %dma_start3A_538 = arith.constant 1 : i32
        %dma_start3A_539 = arith.constant 0 : i32
        %dma_start3A_540 = arith.constant 0 : i32
        %dma_start3A_541 = tpu.memref_slice %arg8[%dma_start3A_538, %dma_start3A_539, %dma_start3A_540] : memref<2x128x128xf32, #tpu.memory_space<vmem>> -> memref<1x128x128xf32, #tpu.memory_space<vmem>>
        %dma_start3A_542 = tpu.memref_squeeze %dma_start3A_541 : memref<1x128x128xf32, #tpu.memory_space<vmem>> -> memref<128x128xf32, #tpu.memory_space<vmem>>
        %dma_start3A_543 = arith.constant 0 : i32
        %dma_start3A_544 = tpu.memref_slice %arg6[%dma_start3A_536, %dma_start3A_537, %dma_start3A_543] : memref<2x2x128xi32, #tpu.memory_space<vmem>> -> memref<1x1x128xi32, #tpu.memory_space<vmem>>
        %dma_start3A_545 = tpu.memref_squeeze %dma_start3A_544 : memref<1x1x128xi32, #tpu.memory_space<vmem>> -> memref<128xi32, #tpu.memory_space<vmem>>
        %dma_start3A_546 = arith.constant 0 : i32
        %dma_start3A_547 = arith.constant 0 : i32
        %dma_start3A_548 = tpu.memref_slice %arg4[%dma_start3A_546, %dma_start3A_547] : memref<10240x128xf32, #tpu.memory_space<hbm>> -> memref<10240x128xf32, #tpu.memory_space<hbm>>
        tpu.enqueue_indirect_dma source(%dma_start3A_548 : memref<10240x128xf32, #tpu.memory_space<hbm>>) target(%dma_start3A_542 : memref<128x128xf32, #tpu.memory_space<vmem>>) offsets(%dma_start3A_545 : memref<128xi32, #tpu.memory_space<vmem>>) semaphore(%arg11 : memref<!tpu.dma_semaphore, #tpu.memory_space<semaphore_mem>>)
        %add3A_549 = arith.constant 3 : i32
        %add3A_550 = arith.addi %add3A_200, %add3A_549 : i32
        %lt3A_551 = arith.constant 80 : i32
        %lt3A_552 = arith.cmpi slt, %add3A_550, %lt3A_551 : i32
        %convert_element_type3A_553 = arith.extui %lt3A_552 : i1 to i32
        %cond3A_554 = arith.constant 0 : i32
        %cond3A_555 = arith.cmpi ne, %convert_element_type3A_553, %cond3A_554 : i32
        scf.if %cond3A_555 {
          %add3A_556 = arith.constant 3 : i32
          %add3A_557 = arith.addi %add3A_200, %add3A_556 : i32
          %add3A_558 = arith.addi %mul3A_2, %add3A_557 : i32
          %dma_start3A_559 = arith.constant 1 : i32
          %dma_start3A_560 = arith.constant 0 : i32
          %dma_start3A_561 = arith.constant 0 : i32
          %dma_start3A_562 = tpu.memref_slice %arg7[%dma_start3A_559, %dma_start3A_560, %dma_start3A_561] : memref<2x2x128xi32, #tpu.memory_space<vmem>> -> memref<1x1x128xi32, #tpu.memory_space<vmem>>
          %dma_start3A_563 = tpu.memref_squeeze %dma_start3A_562 : memref<1x1x128xi32, #tpu.memory_space<vmem>> -> memref<128xi32, #tpu.memory_space<vmem>>
          %dma_start3A_564 = arith.constant 0 : i32
          %dma_start3A_565 = tpu.memref_slice %arg2[%add3A_558, %dma_start3A_564] : memref<2560x128xi32, #tpu.memory_space<hbm>> -> memref<1x128xi32, #tpu.memory_space<hbm>>
          %dma_start3A_566 = tpu.memref_squeeze %dma_start3A_565 : memref<1x128xi32, #tpu.memory_space<hbm>> -> memref<128xi32, #tpu.memory_space<hbm>>
          %dma_start3A_567 = arith.constant 0 : i32
          %dma_start3A_568 = tpu.memref_slice %arg7[%dma_start3A_559, %dma_start3A_560, %dma_start3A_567] : memref<2x2x128xi32, #tpu.memory_space<vmem>> -> memref<1x1x128xi32, #tpu.memory_space<vmem>>
          %dma_start3A_569 = tpu.memref_squeeze %dma_start3A_568 : memref<1x1x128xi32, #tpu.memory_space<vmem>> -> memref<128xi32, #tpu.memory_space<vmem>>
          %dma_start3A_570 = arith.constant 0 : i32
          %dma_start3A_571 = tpu.memref_slice %arg2[%add3A_558, %dma_start3A_570] : memref<2560x128xi32, #tpu.memory_space<hbm>> -> memref<1x128xi32, #tpu.memory_space<hbm>>
          %dma_start3A_572 = tpu.memref_squeeze %dma_start3A_571 : memref<1x128xi32, #tpu.memory_space<hbm>> -> memref<128xi32, #tpu.memory_space<hbm>>
          tpu.enqueue_dma source(%dma_start3A_572 : memref<128xi32, #tpu.memory_space<hbm>>) target(%dma_start3A_569 : memref<128xi32, #tpu.memory_space<vmem>>) target_semaphore(%arg15 : memref<!tpu.dma_semaphore, #tpu.memory_space<semaphore_mem>>)
          %add3A_573 = arith.addi %mul3A_2, %add3A_557 : i32
          %dma_start3A_574 = arith.constant 1 : i32
          %dma_start3A_575 = arith.constant 1 : i32
          %dma_start3A_576 = arith.constant 0 : i32
          %dma_start3A_577 = tpu.memref_slice %arg7[%dma_start3A_574, %dma_start3A_575, %dma_start3A_576] : memref<2x2x128xi32, #tpu.memory_space<vmem>> -> memref<1x1x128xi32, #tpu.memory_space<vmem>>
          %dma_start3A_578 = tpu.memref_squeeze %dma_start3A_577 : memref<1x1x128xi32, #tpu.memory_space<vmem>> -> memref<128xi32, #tpu.memory_space<vmem>>
          %dma_start3A_579 = arith.constant 0 : i32
          %dma_start3A_580 = tpu.memref_slice %arg3[%add3A_573, %dma_start3A_579] : memref<2560x128xi32, #tpu.memory_space<hbm>> -> memref<1x128xi32, #tpu.memory_space<hbm>>
          %dma_start3A_581 = tpu.memref_squeeze %dma_start3A_580 : memref<1x128xi32, #tpu.memory_space<hbm>> -> memref<128xi32, #tpu.memory_space<hbm>>
          %dma_start3A_582 = arith.constant 0 : i32
          %dma_start3A_583 = tpu.memref_slice %arg7[%dma_start3A_574, %dma_start3A_575, %dma_start3A_582] : memref<2x2x128xi32, #tpu.memory_space<vmem>> -> memref<1x1x128xi32, #tpu.memory_space<vmem>>
          %dma_start3A_584 = tpu.memref_squeeze %dma_start3A_583 : memref<1x1x128xi32, #tpu.memory_space<vmem>> -> memref<128xi32, #tpu.memory_space<vmem>>
          %dma_start3A_585 = arith.constant 0 : i32
          %dma_start3A_586 = tpu.memref_slice %arg3[%add3A_573, %dma_start3A_585] : memref<2560x128xi32, #tpu.memory_space<hbm>> -> memref<1x128xi32, #tpu.memory_space<hbm>>
          %dma_start3A_587 = tpu.memref_squeeze %dma_start3A_586 : memref<1x128xi32, #tpu.memory_space<hbm>> -> memref<128xi32, #tpu.memory_space<hbm>>
          tpu.enqueue_dma source(%dma_start3A_587 : memref<128xi32, #tpu.memory_space<hbm>>) target(%dma_start3A_584 : memref<128xi32, #tpu.memory_space<vmem>>) target_semaphore(%arg15 : memref<!tpu.dma_semaphore, #tpu.memory_space<semaphore_mem>>)
        } else {
        }
      } else {
      }
      %add3A_231 = arith.constant 1 : i32
      %add3A_232 = arith.addi %add3A_198, %add3A_231 : i32
      %dma_wait3A_233 = arith.constant 1 : i32
      %dma_wait3A_234 = arith.constant 0 : i32
      %dma_wait3A_235 = arith.constant 1 : i32
      %dma_wait3A_236 = arith.constant 0 : i32
      %dma_wait3A_237 = arith.constant 0 : i32
      %dma_wait3A_238 = tpu.memref_slice %arg8[%dma_wait3A_235, %dma_wait3A_236, %dma_wait3A_237] : memref<2x128x128xf32, #tpu.memory_space<vmem>> -> memref<1x128x128xf32, #tpu.memory_space<vmem>>
      %dma_wait3A_239 = tpu.memref_squeeze %dma_wait3A_238 : memref<1x128x128xf32, #tpu.memory_space<vmem>> -> memref<128x128xf32, #tpu.memory_space<vmem>>
      %dma_wait3A_240 = arith.constant 0 : i32
      %dma_wait3A_241 = tpu.memref_slice %arg6[%dma_wait3A_233, %dma_wait3A_234, %dma_wait3A_240] : memref<2x2x128xi32, #tpu.memory_space<vmem>> -> memref<1x1x128xi32, #tpu.memory_space<vmem>>
      %dma_wait3A_242 = tpu.memref_squeeze %dma_wait3A_241 : memref<1x1x128xi32, #tpu.memory_space<vmem>> -> memref<128xi32, #tpu.memory_space<vmem>>
      %dma_wait3A_243 = arith.constant 0 : i32
      %dma_wait3A_244 = arith.constant 0 : i32
      %dma_wait3A_245 = tpu.memref_slice %arg4[%dma_wait3A_243, %dma_wait3A_244] : memref<10240x128xf32, #tpu.memory_space<hbm>> -> memref<10240x128xf32, #tpu.memory_space<hbm>>
      tpu.wait_indirect_dma semaphore(%arg11 : memref<!tpu.dma_semaphore, #tpu.memory_space<semaphore_mem>>) src(%dma_wait3A_245 : memref<10240x128xf32, #tpu.memory_space<hbm>>) dst(%dma_wait3A_239 : memref<128x128xf32, #tpu.memory_space<vmem>>)
      %dma_start3A_246 = arith.constant 1 : i32
      %dma_start3A_247 = arith.constant 1 : i32
      %dma_start3A_248 = arith.constant 1 : i32
      %dma_start3A_249 = arith.constant 0 : i32
      %dma_start3A_250 = arith.constant 0 : i32
      %dma_start3A_251 = tpu.memref_slice %arg8[%dma_start3A_246, %dma_start3A_249, %dma_start3A_250] : memref<2x128x128xf32, #tpu.memory_space<vmem>> -> memref<1x128x128xf32, #tpu.memory_space<vmem>>
      %dma_start3A_252 = tpu.memref_squeeze %dma_start3A_251 : memref<1x128x128xf32, #tpu.memory_space<vmem>> -> memref<128x128xf32, #tpu.memory_space<vmem>>
      %dma_start3A_253 = arith.constant 0 : i32
      %dma_start3A_254 = tpu.memref_slice %arg6[%dma_start3A_247, %dma_start3A_248, %dma_start3A_253] : memref<2x2x128xi32, #tpu.memory_space<vmem>> -> memref<1x1x128xi32, #tpu.memory_space<vmem>>
      %dma_start3A_255 = tpu.memref_squeeze %dma_start3A_254 : memref<1x1x128xi32, #tpu.memory_space<vmem>> -> memref<128xi32, #tpu.memory_space<vmem>>
      %dma_start3A_256 = arith.constant 0 : i32
      %dma_start3A_257 = arith.constant 0 : i32
      %dma_start3A_258 = tpu.memref_slice %arg9[%dma_start3A_256, %dma_start3A_257] : memref<10240x128xf32, #tpu.memory_space<vmem_shared>> -> memref<10240x128xf32, #tpu.memory_space<vmem_shared>>
      tpu.enqueue_indirect_dma source(%dma_start3A_252 : memref<128x128xf32, #tpu.memory_space<vmem>>) target(%dma_start3A_258 : memref<10240x128xf32, #tpu.memory_space<vmem_shared>>) offsets(%dma_start3A_255 : memref<128xi32, #tpu.memory_space<vmem>>) semaphore(%arg13 : memref<!tpu.dma_semaphore, #tpu.memory_space<semaphore_mem>>) {add = true}
      %add3A_259 = arith.constant 1 : i32
      %add3A_260 = arith.addi %add3A_232, %add3A_259 : i32
      %lt3A_261 = arith.constant 80 : i32
      %lt3A_262 = arith.cmpi slt, %add3A_260, %lt3A_261 : i32
      %convert_element_type3A_263 = arith.extui %lt3A_262 : i1 to i32
      %cond3A_264 = arith.constant 0 : i32
      %cond3A_265 = arith.cmpi ne, %convert_element_type3A_263, %cond3A_264 : i32
      scf.if %cond3A_265 {
        %gt3A = arith.constant 0 : i32
        %gt3A_266 = arith.cmpi sgt, %add3A_232, %gt3A : i32
        %convert_element_type3A_267 = arith.extui %gt3A_266 : i1 to i32
        %cond3A_268 = arith.constant 0 : i32
        %cond3A_269 = arith.cmpi ne, %convert_element_type3A_267, %cond3A_268 : i32
        scf.if %cond3A_269 {
          %dma_wait3A_556 = arith.constant 0 : i32
          %dma_wait3A_557 = arith.constant 0 : i32
          %dma_wait3A_558 = arith.constant 1 : i32
          %dma_wait3A_559 = arith.constant 0 : i32
          %dma_wait3A_560 = arith.constant 0 : i32
          %dma_wait3A_561 = tpu.memref_slice %arg8[%dma_wait3A_556, %dma_wait3A_559, %dma_wait3A_560] : memref<2x128x128xf32, #tpu.memory_space<vmem>> -> memref<1x128x128xf32, #tpu.memory_space<vmem>>
          %dma_wait3A_562 = tpu.memref_squeeze %dma_wait3A_561 : memref<1x128x128xf32, #tpu.memory_space<vmem>> -> memref<128x128xf32, #tpu.memory_space<vmem>>
          %dma_wait3A_563 = arith.constant 0 : i32
          %dma_wait3A_564 = tpu.memref_slice %arg6[%dma_wait3A_557, %dma_wait3A_558, %dma_wait3A_563] : memref<2x2x128xi32, #tpu.memory_space<vmem>> -> memref<1x1x128xi32, #tpu.memory_space<vmem>>
          %dma_wait3A_565 = tpu.memref_squeeze %dma_wait3A_564 : memref<1x1x128xi32, #tpu.memory_space<vmem>> -> memref<128xi32, #tpu.memory_space<vmem>>
          %dma_wait3A_566 = arith.constant 0 : i32
          %dma_wait3A_567 = arith.constant 0 : i32
          %dma_wait3A_568 = tpu.memref_slice %arg9[%dma_wait3A_566, %dma_wait3A_567] : memref<10240x128xf32, #tpu.memory_space<vmem_shared>> -> memref<10240x128xf32, #tpu.memory_space<vmem_shared>>
          tpu.wait_indirect_dma semaphore(%arg12 : memref<!tpu.dma_semaphore, #tpu.memory_space<semaphore_mem>>) src(%dma_wait3A_562 : memref<128x128xf32, #tpu.memory_space<vmem>>) dst(%dma_wait3A_568 : memref<10240x128xf32, #tpu.memory_space<vmem_shared>>)
        } else {
        }
        %dma_wait3A_270 = arith.constant 0 : i32
        %dma_wait3A_271 = arith.constant 0 : i32
        %dma_wait3A_272 = arith.constant 0 : i32
        %dma_wait3A_273 = tpu.memref_slice %arg7[%dma_wait3A_270, %dma_wait3A_271, %dma_wait3A_272] : memref<2x2x128xi32, #tpu.memory_space<vmem>> -> memref<1x1x128xi32, #tpu.memory_space<vmem>>
        %dma_wait3A_274 = tpu.memref_squeeze %dma_wait3A_273 : memref<1x1x128xi32, #tpu.memory_space<vmem>> -> memref<128xi32, #tpu.memory_space<vmem>>
        %dma_wait3A_275 = arith.constant 0 : i32
        %dma_wait3A_276 = tpu.memref_slice %arg2[%mul3A_2, %dma_wait3A_275] : memref<2560x128xi32, #tpu.memory_space<hbm>> -> memref<1x128xi32, #tpu.memory_space<hbm>>
        %dma_wait3A_277 = tpu.memref_squeeze %dma_wait3A_276 : memref<1x128xi32, #tpu.memory_space<hbm>> -> memref<128xi32, #tpu.memory_space<hbm>>
        %dma_wait3A_278 = arith.constant 0 : i32
        %dma_wait3A_279 = tpu.memref_slice %arg7[%dma_wait3A_270, %dma_wait3A_271, %dma_wait3A_278] : memref<2x2x128xi32, #tpu.memory_space<vmem>> -> memref<1x1x128xi32, #tpu.memory_space<vmem>>
        %dma_wait3A_280 = tpu.memref_squeeze %dma_wait3A_279 : memref<1x1x128xi32, #tpu.memory_space<vmem>> -> memref<128xi32, #tpu.memory_space<vmem>>
        %dma_wait3A_281 = arith.constant 0 : i32
        %dma_wait3A_282 = tpu.memref_slice %arg2[%mul3A_2, %dma_wait3A_281] : memref<2560x128xi32, #tpu.memory_space<hbm>> -> memref<1x128xi32, #tpu.memory_space<hbm>>
        %dma_wait3A_283 = tpu.memref_squeeze %dma_wait3A_282 : memref<1x128xi32, #tpu.memory_space<hbm>> -> memref<128xi32, #tpu.memory_space<hbm>>
        tpu.wait_dma2 semaphore(%arg14 : memref<!tpu.dma_semaphore, #tpu.memory_space<semaphore_mem>>) src(%dma_wait3A_283 : memref<128xi32, #tpu.memory_space<hbm>>) dst(%dma_wait3A_280 : memref<128xi32, #tpu.memory_space<vmem>>)
        %dma_wait3A_284 = arith.constant 0 : i32
        %dma_wait3A_285 = arith.constant 1 : i32
        %dma_wait3A_286 = arith.constant 0 : i32
        %dma_wait3A_287 = tpu.memref_slice %arg7[%dma_wait3A_284, %dma_wait3A_285, %dma_wait3A_286] : memref<2x2x128xi32, #tpu.memory_space<vmem>> -> memref<1x1x128xi32, #tpu.memory_space<vmem>>
        %dma_wait3A_288 = tpu.memref_squeeze %dma_wait3A_287 : memref<1x1x128xi32, #tpu.memory_space<vmem>> -> memref<128xi32, #tpu.memory_space<vmem>>
        %dma_wait3A_289 = arith.constant 0 : i32
        %dma_wait3A_290 = tpu.memref_slice %arg3[%mul3A_2, %dma_wait3A_289] : memref<2560x128xi32, #tpu.memory_space<hbm>> -> memref<1x128xi32, #tpu.memory_space<hbm>>
        %dma_wait3A_291 = tpu.memref_squeeze %dma_wait3A_290 : memref<1x128xi32, #tpu.memory_space<hbm>> -> memref<128xi32, #tpu.memory_space<hbm>>
        %dma_wait3A_292 = arith.constant 0 : i32
        %dma_wait3A_293 = tpu.memref_slice %arg7[%dma_wait3A_284, %dma_wait3A_285, %dma_wait3A_292] : memref<2x2x128xi32, #tpu.memory_space<vmem>> -> memref<1x1x128xi32, #tpu.memory_space<vmem>>
        %dma_wait3A_294 = tpu.memref_squeeze %dma_wait3A_293 : memref<1x1x128xi32, #tpu.memory_space<vmem>> -> memref<128xi32, #tpu.memory_space<vmem>>
        %dma_wait3A_295 = arith.constant 0 : i32
        %dma_wait3A_296 = tpu.memref_slice %arg3[%mul3A_2, %dma_wait3A_295] : memref<2560x128xi32, #tpu.memory_space<hbm>> -> memref<1x128xi32, #tpu.memory_space<hbm>>
        %dma_wait3A_297 = tpu.memref_squeeze %dma_wait3A_296 : memref<1x128xi32, #tpu.memory_space<hbm>> -> memref<128xi32, #tpu.memory_space<hbm>>
        tpu.wait_dma2 semaphore(%arg14 : memref<!tpu.dma_semaphore, #tpu.memory_space<semaphore_mem>>) src(%dma_wait3A_297 : memref<128xi32, #tpu.memory_space<hbm>>) dst(%dma_wait3A_294 : memref<128xi32, #tpu.memory_space<vmem>>)
        %get3A = arith.constant 0 : i32
        %get3A_298 = arith.constant 0 : i32
        %get3A_299 = arith.index_cast %get3A : i32 to index
        %get3A_300 = arith.index_cast %get3A_298 : i32 to index
        %get3A_301 = arith.constant 0 : index
        %get3A_302 = tpu.vector_load %arg7[%get3A_299, %get3A_300, %get3A_301] {strides = array<i32>} : memref<2x2x128xi32, #tpu.memory_space<vmem>>, vector<1x1x16xi32>,
        %get3A_303 = vector.shape_cast %get3A_302 : vector<1x1x16xi32> to vector<16xi32>
        %swap3A = arith.constant 0 : i32
        %swap3A_304 = arith.constant 0 : i32
        %swap3A_305 = arith.index_cast %swap3A : i32 to index
        %swap3A_306 = arith.index_cast %swap3A_304 : i32 to index
        %swap3A_307 = arith.constant 0 : index
        %swap3A_308 = tpu.vector_load %arg6[%swap3A_305, %swap3A_306, %swap3A_307] {strides = array<i32>} : memref<2x2x128xi32, #tpu.memory_space<vmem>>, vector<1x1x16xi32>,
        %swap3A_309 = vector.shape_cast %swap3A_308 : vector<1x1x16xi32> to vector<16xi32>
        %swap3A_310 = vector.shape_cast %get3A_303 : vector<16xi32> to vector<1x1x16xi32>
        tpu.vector_store %arg6[%swap3A_305, %swap3A_306, %swap3A_307], %swap3A_310 {strides = array<i32>} : memref<2x2x128xi32, #tpu.memory_space<vmem>>, vector<1x1x16xi32>,
        %get3A_311 = arith.constant 0 : i32
        %get3A_312 = arith.constant 0 : i32
        %get3A_313 = arith.index_cast %get3A_311 : i32 to index
        %get3A_314 = arith.index_cast %get3A_312 : i32 to index
        %get3A_315 = arith.constant 16 : index
        %get3A_316 = tpu.vector_load %arg7[%get3A_313, %get3A_314, %get3A_315] {strides = array<i32>} : memref<2x2x128xi32, #tpu.memory_space<vmem>>, vector<1x1x16xi32>,
        %get3A_317 = vector.shape_cast %get3A_316 : vector<1x1x16xi32> to vector<16xi32>
        %swap3A_318 = arith.constant 0 : i32
        %swap3A_319 = arith.constant 0 : i32
        %swap3A_320 = arith.index_cast %swap3A_318 : i32 to index
        %swap3A_321 = arith.index_cast %swap3A_319 : i32 to index
        %swap3A_322 = arith.constant 16 : index
        %swap3A_323 = tpu.vector_load %arg6[%swap3A_320, %swap3A_321, %swap3A_322] {strides = array<i32>} : memref<2x2x128xi32, #tpu.memory_space<vmem>>, vector<1x1x16xi32>,
        %swap3A_324 = vector.shape_cast %swap3A_323 : vector<1x1x16xi32> to vector<16xi32>
        %swap3A_325 = vector.shape_cast %get3A_317 : vector<16xi32> to vector<1x1x16xi32>
        tpu.vector_store %arg6[%swap3A_320, %swap3A_321, %swap3A_322], %swap3A_325 {strides = array<i32>} : memref<2x2x128xi32, #tpu.memory_space<vmem>>, vector<1x1x16xi32>,
        %get3A_326 = arith.constant 0 : i32
        %get3A_327 = arith.constant 0 : i32
        %get3A_328 = arith.index_cast %get3A_326 : i32 to index
        %get3A_329 = arith.index_cast %get3A_327 : i32 to index
        %get3A_330 = arith.constant 32 : index
        %get3A_331 = tpu.vector_load %arg7[%get3A_328, %get3A_329, %get3A_330] {strides = array<i32>} : memref<2x2x128xi32, #tpu.memory_space<vmem>>, vector<1x1x16xi32>,
        %get3A_332 = vector.shape_cast %get3A_331 : vector<1x1x16xi32> to vector<16xi32>
        %swap3A_333 = arith.constant 0 : i32
        %swap3A_334 = arith.constant 0 : i32
        %swap3A_335 = arith.index_cast %swap3A_333 : i32 to index
        %swap3A_336 = arith.index_cast %swap3A_334 : i32 to index
        %swap3A_337 = arith.constant 32 : index
        %swap3A_338 = tpu.vector_load %arg6[%swap3A_335, %swap3A_336, %swap3A_337] {strides = array<i32>} : memref<2x2x128xi32, #tpu.memory_space<vmem>>, vector<1x1x16xi32>,
        %swap3A_339 = vector.shape_cast %swap3A_338 : vector<1x1x16xi32> to vector<16xi32>
        %swap3A_340 = vector.shape_cast %get3A_332 : vector<16xi32> to vector<1x1x16xi32>
        tpu.vector_store %arg6[%swap3A_335, %swap3A_336, %swap3A_337], %swap3A_340 {strides = array<i32>} : memref<2x2x128xi32, #tpu.memory_space<vmem>>, vector<1x1x16xi32>,
        %get3A_341 = arith.constant 0 : i32
        %get3A_342 = arith.constant 0 : i32
        %get3A_343 = arith.index_cast %get3A_341 : i32 to index
        %get3A_344 = arith.index_cast %get3A_342 : i32 to index
        %get3A_345 = arith.constant 48 : index
        %get3A_346 = tpu.vector_load %arg7[%get3A_343, %get3A_344, %get3A_345] {strides = array<i32>} : memref<2x2x128xi32, #tpu.memory_space<vmem>>, vector<1x1x16xi32>,
        %get3A_347 = vector.shape_cast %get3A_346 : vector<1x1x16xi32> to vector<16xi32>
        %swap3A_348 = arith.constant 0 : i32
        %swap3A_349 = arith.constant 0 : i32
        %swap3A_350 = arith.index_cast %swap3A_348 : i32 to index
        %swap3A_351 = arith.index_cast %swap3A_349 : i32 to index
        %swap3A_352 = arith.constant 48 : index
        %swap3A_353 = tpu.vector_load %arg6[%swap3A_350, %swap3A_351, %swap3A_352] {strides = array<i32>} : memref<2x2x128xi32, #tpu.memory_space<vmem>>, vector<1x1x16xi32>,
        %swap3A_354 = vector.shape_cast %swap3A_353 : vector<1x1x16xi32> to vector<16xi32>
        %swap3A_355 = vector.shape_cast %get3A_347 : vector<16xi32> to vector<1x1x16xi32>
        tpu.vector_store %arg6[%swap3A_350, %swap3A_351, %swap3A_352], %swap3A_355 {strides = array<i32>} : memref<2x2x128xi32, #tpu.memory_space<vmem>>, vector<1x1x16xi32>,
        %get3A_356 = arith.constant 0 : i32
        %get3A_357 = arith.constant 0 : i32
        %get3A_358 = arith.index_cast %get3A_356 : i32 to index
        %get3A_359 = arith.index_cast %get3A_357 : i32 to index
        %get3A_360 = arith.constant 64 : index
        %get3A_361 = tpu.vector_load %arg7[%get3A_358, %get3A_359, %get3A_360] {strides = array<i32>} : memref<2x2x128xi32, #tpu.memory_space<vmem>>, vector<1x1x16xi32>,
        %get3A_362 = vector.shape_cast %get3A_361 : vector<1x1x16xi32> to vector<16xi32>
        %swap3A_363 = arith.constant 0 : i32
        %swap3A_364 = arith.constant 0 : i32
        %swap3A_365 = arith.index_cast %swap3A_363 : i32 to index
        %swap3A_366 = arith.index_cast %swap3A_364 : i32 to index
        %swap3A_367 = arith.constant 64 : index
        %swap3A_368 = tpu.vector_load %arg6[%swap3A_365, %swap3A_366, %swap3A_367] {strides = array<i32>} : memref<2x2x128xi32, #tpu.memory_space<vmem>>, vector<1x1x16xi32>,
        %swap3A_369 = vector.shape_cast %swap3A_368 : vector<1x1x16xi32> to vector<16xi32>
        %swap3A_370 = vector.shape_cast %get3A_362 : vector<16xi32> to vector<1x1x16xi32>
        tpu.vector_store %arg6[%swap3A_365, %swap3A_366, %swap3A_367], %swap3A_370 {strides = array<i32>} : memref<2x2x128xi32, #tpu.memory_space<vmem>>, vector<1x1x16xi32>,
        %get3A_371 = arith.constant 0 : i32
        %get3A_372 = arith.constant 0 : i32
        %get3A_373 = arith.index_cast %get3A_371 : i32 to index
        %get3A_374 = arith.index_cast %get3A_372 : i32 to index
        %get3A_375 = arith.constant 80 : index
        %get3A_376 = tpu.vector_load %arg7[%get3A_373, %get3A_374, %get3A_375] {strides = array<i32>} : memref<2x2x128xi32, #tpu.memory_space<vmem>>, vector<1x1x16xi32>,
        %get3A_377 = vector.shape_cast %get3A_376 : vector<1x1x16xi32> to vector<16xi32>
        %swap3A_378 = arith.constant 0 : i32
        %swap3A_379 = arith.constant 0 : i32
        %swap3A_380 = arith.index_cast %swap3A_378 : i32 to index
        %swap3A_381 = arith.index_cast %swap3A_379 : i32 to index
        %swap3A_382 = arith.constant 80 : index
        %swap3A_383 = tpu.vector_load %arg6[%swap3A_380, %swap3A_381, %swap3A_382] {strides = array<i32>} : memref<2x2x128xi32, #tpu.memory_space<vmem>>, vector<1x1x16xi32>,
        %swap3A_384 = vector.shape_cast %swap3A_383 : vector<1x1x16xi32> to vector<16xi32>
        %swap3A_385 = vector.shape_cast %get3A_377 : vector<16xi32> to vector<1x1x16xi32>
        tpu.vector_store %arg6[%swap3A_380, %swap3A_381, %swap3A_382], %swap3A_385 {strides = array<i32>} : memref<2x2x128xi32, #tpu.memory_space<vmem>>, vector<1x1x16xi32>,
        %get3A_386 = arith.constant 0 : i32
        %get3A_387 = arith.constant 0 : i32
        %get3A_388 = arith.index_cast %get3A_386 : i32 to index
        %get3A_389 = arith.index_cast %get3A_387 : i32 to index
        %get3A_390 = arith.constant 96 : index
        %get3A_391 = tpu.vector_load %arg7[%get3A_388, %get3A_389, %get3A_390] {strides = array<i32>} : memref<2x2x128xi32, #tpu.memory_space<vmem>>, vector<1x1x16xi32>,
        %get3A_392 = vector.shape_cast %get3A_391 : vector<1x1x16xi32> to vector<16xi32>
        %swap3A_393 = arith.constant 0 : i32
        %swap3A_394 = arith.constant 0 : i32
        %swap3A_395 = arith.index_cast %swap3A_393 : i32 to index
        %swap3A_396 = arith.index_cast %swap3A_394 : i32 to index
        %swap3A_397 = arith.constant 96 : index
        %swap3A_398 = tpu.vector_load %arg6[%swap3A_395, %swap3A_396, %swap3A_397] {strides = array<i32>} : memref<2x2x128xi32, #tpu.memory_space<vmem>>, vector<1x1x16xi32>,
        %swap3A_399 = vector.shape_cast %swap3A_398 : vector<1x1x16xi32> to vector<16xi32>
        %swap3A_400 = vector.shape_cast %get3A_392 : vector<16xi32> to vector<1x1x16xi32>
        tpu.vector_store %arg6[%swap3A_395, %swap3A_396, %swap3A_397], %swap3A_400 {strides = array<i32>} : memref<2x2x128xi32, #tpu.memory_space<vmem>>, vector<1x1x16xi32>,
        %get3A_401 = arith.constant 0 : i32
        %get3A_402 = arith.constant 0 : i32
        %get3A_403 = arith.index_cast %get3A_401 : i32 to index
        %get3A_404 = arith.index_cast %get3A_402 : i32 to index
        %get3A_405 = arith.constant 112 : index
        %get3A_406 = tpu.vector_load %arg7[%get3A_403, %get3A_404, %get3A_405] {strides = array<i32>} : memref<2x2x128xi32, #tpu.memory_space<vmem>>, vector<1x1x16xi32>,
        %get3A_407 = vector.shape_cast %get3A_406 : vector<1x1x16xi32> to vector<16xi32>
        %swap3A_408 = arith.constant 0 : i32
        %swap3A_409 = arith.constant 0 : i32
        %swap3A_410 = arith.index_cast %swap3A_408 : i32 to index
        %swap3A_411 = arith.index_cast %swap3A_409 : i32 to index
        %swap3A_412 = arith.constant 112 : index
        %swap3A_413 = tpu.vector_load %arg6[%swap3A_410, %swap3A_411, %swap3A_412] {strides = array<i32>} : memref<2x2x128xi32, #tpu.memory_space<vmem>>, vector<1x1x16xi32>,
        %swap3A_414 = vector.shape_cast %swap3A_413 : vector<1x1x16xi32> to vector<16xi32>
        %swap3A_415 = vector.shape_cast %get3A_407 : vector<16xi32> to vector<1x1x16xi32>
        tpu.vector_store %arg6[%swap3A_410, %swap3A_411, %swap3A_412], %swap3A_415 {strides = array<i32>} : memref<2x2x128xi32, #tpu.memory_space<vmem>>, vector<1x1x16xi32>,
        %get3A_416 = arith.constant 0 : i32
        %get3A_417 = arith.constant 1 : i32
        %get3A_418 = arith.index_cast %get3A_416 : i32 to index
        %get3A_419 = arith.index_cast %get3A_417 : i32 to index
        %get3A_420 = arith.constant 0 : index
        %get3A_421 = tpu.vector_load %arg7[%get3A_418, %get3A_419, %get3A_420] {strides = array<i32>} : memref<2x2x128xi32, #tpu.memory_space<vmem>>, vector<1x1x16xi32>,
        %get3A_422 = vector.shape_cast %get3A_421 : vector<1x1x16xi32> to vector<16xi32>
        %swap3A_423 = arith.constant 0 : i32
        %swap3A_424 = arith.constant 1 : i32
        %swap3A_425 = arith.index_cast %swap3A_423 : i32 to index
        %swap3A_426 = arith.index_cast %swap3A_424 : i32 to index
        %swap3A_427 = arith.constant 0 : index
        %swap3A_428 = tpu.vector_load %arg6[%swap3A_425, %swap3A_426, %swap3A_427] {strides = array<i32>} : memref<2x2x128xi32, #tpu.memory_space<vmem>>, vector<1x1x16xi32>,
        %swap3A_429 = vector.shape_cast %swap3A_428 : vector<1x1x16xi32> to vector<16xi32>
        %swap3A_430 = vector.shape_cast %get3A_422 : vector<16xi32> to vector<1x1x16xi32>
        tpu.vector_store %arg6[%swap3A_425, %swap3A_426, %swap3A_427], %swap3A_430 {strides = array<i32>} : memref<2x2x128xi32, #tpu.memory_space<vmem>>, vector<1x1x16xi32>,
        %get3A_431 = arith.constant 0 : i32
        %get3A_432 = arith.constant 1 : i32
        %get3A_433 = arith.index_cast %get3A_431 : i32 to index
        %get3A_434 = arith.index_cast %get3A_432 : i32 to index
        %get3A_435 = arith.constant 16 : index
        %get3A_436 = tpu.vector_load %arg7[%get3A_433, %get3A_434, %get3A_435] {strides = array<i32>} : memref<2x2x128xi32, #tpu.memory_space<vmem>>, vector<1x1x16xi32>,
        %get3A_437 = vector.shape_cast %get3A_436 : vector<1x1x16xi32> to vector<16xi32>
        %swap3A_438 = arith.constant 0 : i32
        %swap3A_439 = arith.constant 1 : i32
        %swap3A_440 = arith.index_cast %swap3A_438 : i32 to index
        %swap3A_441 = arith.index_cast %swap3A_439 : i32 to index
        %swap3A_442 = arith.constant 16 : index
        %swap3A_443 = tpu.vector_load %arg6[%swap3A_440, %swap3A_441, %swap3A_442] {strides = array<i32>} : memref<2x2x128xi32, #tpu.memory_space<vmem>>, vector<1x1x16xi32>,
        %swap3A_444 = vector.shape_cast %swap3A_443 : vector<1x1x16xi32> to vector<16xi32>
        %swap3A_445 = vector.shape_cast %get3A_437 : vector<16xi32> to vector<1x1x16xi32>
        tpu.vector_store %arg6[%swap3A_440, %swap3A_441, %swap3A_442], %swap3A_445 {strides = array<i32>} : memref<2x2x128xi32, #tpu.memory_space<vmem>>, vector<1x1x16xi32>,
        %get3A_446 = arith.constant 0 : i32
        %get3A_447 = arith.constant 1 : i32
        %get3A_448 = arith.index_cast %get3A_446 : i32 to index
        %get3A_449 = arith.index_cast %get3A_447 : i32 to index
        %get3A_450 = arith.constant 32 : index
        %get3A_451 = tpu.vector_load %arg7[%get3A_448, %get3A_449, %get3A_450] {strides = array<i32>} : memref<2x2x128xi32, #tpu.memory_space<vmem>>, vector<1x1x16xi32>,
        %get3A_452 = vector.shape_cast %get3A_451 : vector<1x1x16xi32> to vector<16xi32>
        %swap3A_453 = arith.constant 0 : i32
        %swap3A_454 = arith.constant 1 : i32
        %swap3A_455 = arith.index_cast %swap3A_453 : i32 to index
        %swap3A_456 = arith.index_cast %swap3A_454 : i32 to index
        %swap3A_457 = arith.constant 32 : index
        %swap3A_458 = tpu.vector_load %arg6[%swap3A_455, %swap3A_456, %swap3A_457] {strides = array<i32>} : memref<2x2x128xi32, #tpu.memory_space<vmem>>, vector<1x1x16xi32>,
        %swap3A_459 = vector.shape_cast %swap3A_458 : vector<1x1x16xi32> to vector<16xi32>
        %swap3A_460 = vector.shape_cast %get3A_452 : vector<16xi32> to vector<1x1x16xi32>
        tpu.vector_store %arg6[%swap3A_455, %swap3A_456, %swap3A_457], %swap3A_460 {strides = array<i32>} : memref<2x2x128xi32, #tpu.memory_space<vmem>>, vector<1x1x16xi32>,
        %get3A_461 = arith.constant 0 : i32
        %get3A_462 = arith.constant 1 : i32
        %get3A_463 = arith.index_cast %get3A_461 : i32 to index
        %get3A_464 = arith.index_cast %get3A_462 : i32 to index
        %get3A_465 = arith.constant 48 : index
        %get3A_466 = tpu.vector_load %arg7[%get3A_463, %get3A_464, %get3A_465] {strides = array<i32>} : memref<2x2x128xi32, #tpu.memory_space<vmem>>, vector<1x1x16xi32>,
        %get3A_467 = vector.shape_cast %get3A_466 : vector<1x1x16xi32> to vector<16xi32>
        %swap3A_468 = arith.constant 0 : i32
        %swap3A_469 = arith.constant 1 : i32
        %swap3A_470 = arith.index_cast %swap3A_468 : i32 to index
        %swap3A_471 = arith.index_cast %swap3A_469 : i32 to index
        %swap3A_472 = arith.constant 48 : index
        %swap3A_473 = tpu.vector_load %arg6[%swap3A_470, %swap3A_471, %swap3A_472] {strides = array<i32>} : memref<2x2x128xi32, #tpu.memory_space<vmem>>, vector<1x1x16xi32>,
        %swap3A_474 = vector.shape_cast %swap3A_473 : vector<1x1x16xi32> to vector<16xi32>
        %swap3A_475 = vector.shape_cast %get3A_467 : vector<16xi32> to vector<1x1x16xi32>
        tpu.vector_store %arg6[%swap3A_470, %swap3A_471, %swap3A_472], %swap3A_475 {strides = array<i32>} : memref<2x2x128xi32, #tpu.memory_space<vmem>>, vector<1x1x16xi32>,
        %get3A_476 = arith.constant 0 : i32
        %get3A_477 = arith.constant 1 : i32
        %get3A_478 = arith.index_cast %get3A_476 : i32 to index
        %get3A_479 = arith.index_cast %get3A_477 : i32 to index
        %get3A_480 = arith.constant 64 : index
        %get3A_481 = tpu.vector_load %arg7[%get3A_478, %get3A_479, %get3A_480] {strides = array<i32>} : memref<2x2x128xi32, #tpu.memory_space<vmem>>, vector<1x1x16xi32>,
        %get3A_482 = vector.shape_cast %get3A_481 : vector<1x1x16xi32> to vector<16xi32>
        %swap3A_483 = arith.constant 0 : i32
        %swap3A_484 = arith.constant 1 : i32
        %swap3A_485 = arith.index_cast %swap3A_483 : i32 to index
        %swap3A_486 = arith.index_cast %swap3A_484 : i32 to index
        %swap3A_487 = arith.constant 64 : index
        %swap3A_488 = tpu.vector_load %arg6[%swap3A_485, %swap3A_486, %swap3A_487] {strides = array<i32>} : memref<2x2x128xi32, #tpu.memory_space<vmem>>, vector<1x1x16xi32>,
        %swap3A_489 = vector.shape_cast %swap3A_488 : vector<1x1x16xi32> to vector<16xi32>
        %swap3A_490 = vector.shape_cast %get3A_482 : vector<16xi32> to vector<1x1x16xi32>
        tpu.vector_store %arg6[%swap3A_485, %swap3A_486, %swap3A_487], %swap3A_490 {strides = array<i32>} : memref<2x2x128xi32, #tpu.memory_space<vmem>>, vector<1x1x16xi32>,
        %get3A_491 = arith.constant 0 : i32
        %get3A_492 = arith.constant 1 : i32
        %get3A_493 = arith.index_cast %get3A_491 : i32 to index
        %get3A_494 = arith.index_cast %get3A_492 : i32 to index
        %get3A_495 = arith.constant 80 : index
        %get3A_496 = tpu.vector_load %arg7[%get3A_493, %get3A_494, %get3A_495] {strides = array<i32>} : memref<2x2x128xi32, #tpu.memory_space<vmem>>, vector<1x1x16xi32>,
        %get3A_497 = vector.shape_cast %get3A_496 : vector<1x1x16xi32> to vector<16xi32>
        %swap3A_498 = arith.constant 0 : i32
        %swap3A_499 = arith.constant 1 : i32
        %swap3A_500 = arith.index_cast %swap3A_498 : i32 to index
        %swap3A_501 = arith.index_cast %swap3A_499 : i32 to index
        %swap3A_502 = arith.constant 80 : index
        %swap3A_503 = tpu.vector_load %arg6[%swap3A_500, %swap3A_501, %swap3A_502] {strides = array<i32>} : memref<2x2x128xi32, #tpu.memory_space<vmem>>, vector<1x1x16xi32>,
        %swap3A_504 = vector.shape_cast %swap3A_503 : vector<1x1x16xi32> to vector<16xi32>
        %swap3A_505 = vector.shape_cast %get3A_497 : vector<16xi32> to vector<1x1x16xi32>
        tpu.vector_store %arg6[%swap3A_500, %swap3A_501, %swap3A_502], %swap3A_505 {strides = array<i32>} : memref<2x2x128xi32, #tpu.memory_space<vmem>>, vector<1x1x16xi32>,
        %get3A_506 = arith.constant 0 : i32
        %get3A_507 = arith.constant 1 : i32
        %get3A_508 = arith.index_cast %get3A_506 : i32 to index
        %get3A_509 = arith.index_cast %get3A_507 : i32 to index
        %get3A_510 = arith.constant 96 : index
        %get3A_511 = tpu.vector_load %arg7[%get3A_508, %get3A_509, %get3A_510] {strides = array<i32>} : memref<2x2x128xi32, #tpu.memory_space<vmem>>, vector<1x1x16xi32>,
        %get3A_512 = vector.shape_cast %get3A_511 : vector<1x1x16xi32> to vector<16xi32>
        %swap3A_513 = arith.constant 0 : i32
        %swap3A_514 = arith.constant 1 : i32
        %swap3A_515 = arith.index_cast %swap3A_513 : i32 to index
        %swap3A_516 = arith.index_cast %swap3A_514 : i32 to index
        %swap3A_517 = arith.constant 96 : index
        %swap3A_518 = tpu.vector_load %arg6[%swap3A_515, %swap3A_516, %swap3A_517] {strides = array<i32>} : memref<2x2x128xi32, #tpu.memory_space<vmem>>, vector<1x1x16xi32>,
        %swap3A_519 = vector.shape_cast %swap3A_518 : vector<1x1x16xi32> to vector<16xi32>
        %swap3A_520 = vector.shape_cast %get3A_512 : vector<16xi32> to vector<1x1x16xi32>
        tpu.vector_store %arg6[%swap3A_515, %swap3A_516, %swap3A_517], %swap3A_520 {strides = array<i32>} : memref<2x2x128xi32, #tpu.memory_space<vmem>>, vector<1x1x16xi32>,
        %get3A_521 = arith.constant 0 : i32
        %get3A_522 = arith.constant 1 : i32
        %get3A_523 = arith.index_cast %get3A_521 : i32 to index
        %get3A_524 = arith.index_cast %get3A_522 : i32 to index
        %get3A_525 = arith.constant 112 : index
        %get3A_526 = tpu.vector_load %arg7[%get3A_523, %get3A_524, %get3A_525] {strides = array<i32>} : memref<2x2x128xi32, #tpu.memory_space<vmem>>, vector<1x1x16xi32>,
        %get3A_527 = vector.shape_cast %get3A_526 : vector<1x1x16xi32> to vector<16xi32>
        %swap3A_528 = arith.constant 0 : i32
        %swap3A_529 = arith.constant 1 : i32
        %swap3A_530 = arith.index_cast %swap3A_528 : i32 to index
        %swap3A_531 = arith.index_cast %swap3A_529 : i32 to index
        %swap3A_532 = arith.constant 112 : index
        %swap3A_533 = tpu.vector_load %arg6[%swap3A_530, %swap3A_531, %swap3A_532] {strides = array<i32>} : memref<2x2x128xi32, #tpu.memory_space<vmem>>, vector<1x1x16xi32>,
        %swap3A_534 = vector.shape_cast %swap3A_533 : vector<1x1x16xi32> to vector<16xi32>
        %swap3A_535 = vector.shape_cast %get3A_527 : vector<16xi32> to vector<1x1x16xi32>
        tpu.vector_store %arg6[%swap3A_530, %swap3A_531, %swap3A_532], %swap3A_535 {strides = array<i32>} : memref<2x2x128xi32, #tpu.memory_space<vmem>>, vector<1x1x16xi32>,
        %dma_start3A_536 = arith.constant 0 : i32
        %dma_start3A_537 = arith.constant 0 : i32
        %dma_start3A_538 = arith.constant 0 : i32
        %dma_start3A_539 = arith.constant 0 : i32
        %dma_start3A_540 = arith.constant 0 : i32
        %dma_start3A_541 = tpu.memref_slice %arg8[%dma_start3A_538, %dma_start3A_539, %dma_start3A_540] : memref<2x128x128xf32, #tpu.memory_space<vmem>> -> memref<1x128x128xf32, #tpu.memory_space<vmem>>
        %dma_start3A_542 = tpu.memref_squeeze %dma_start3A_541 : memref<1x128x128xf32, #tpu.memory_space<vmem>> -> memref<128x128xf32, #tpu.memory_space<vmem>>
        %dma_start3A_543 = arith.constant 0 : i32
        %dma_start3A_544 = tpu.memref_slice %arg6[%dma_start3A_536, %dma_start3A_537, %dma_start3A_543] : memref<2x2x128xi32, #tpu.memory_space<vmem>> -> memref<1x1x128xi32, #tpu.memory_space<vmem>>
        %dma_start3A_545 = tpu.memref_squeeze %dma_start3A_544 : memref<1x1x128xi32, #tpu.memory_space<vmem>> -> memref<128xi32, #tpu.memory_space<vmem>>
        %dma_start3A_546 = arith.constant 0 : i32
        %dma_start3A_547 = arith.constant 0 : i32
        %dma_start3A_548 = tpu.memref_slice %arg4[%dma_start3A_546, %dma_start3A_547] : memref<10240x128xf32, #tpu.memory_space<hbm>> -> memref<10240x128xf32, #tpu.memory_space<hbm>>
        tpu.enqueue_indirect_dma source(%dma_start3A_548 : memref<10240x128xf32, #tpu.memory_space<hbm>>) target(%dma_start3A_542 : memref<128x128xf32, #tpu.memory_space<vmem>>) offsets(%dma_start3A_545 : memref<128xi32, #tpu.memory_space<vmem>>) semaphore(%arg10 : memref<!tpu.dma_semaphore, #tpu.memory_space<semaphore_mem>>)
        %add3A_549 = arith.constant 3 : i32
        %add3A_550 = arith.addi %add3A_232, %add3A_549 : i32
        %lt3A_551 = arith.constant 80 : i32
        %lt3A_552 = arith.cmpi slt, %add3A_550, %lt3A_551 : i32
        %convert_element_type3A_553 = arith.extui %lt3A_552 : i1 to i32
        %cond3A_554 = arith.constant 0 : i32
        %cond3A_555 = arith.cmpi ne, %convert_element_type3A_553, %cond3A_554 : i32
        scf.if %cond3A_555 {
          %add3A_556 = arith.constant 3 : i32
          %add3A_557 = arith.addi %add3A_232, %add3A_556 : i32
          %add3A_558 = arith.addi %mul3A_2, %add3A_557 : i32
          %dma_start3A_559 = arith.constant 0 : i32
          %dma_start3A_560 = arith.constant 0 : i32
          %dma_start3A_561 = arith.constant 0 : i32
          %dma_start3A_562 = tpu.memref_slice %arg7[%dma_start3A_559, %dma_start3A_560, %dma_start3A_561] : memref<2x2x128xi32, #tpu.memory_space<vmem>> -> memref<1x1x128xi32, #tpu.memory_space<vmem>>
          %dma_start3A_563 = tpu.memref_squeeze %dma_start3A_562 : memref<1x1x128xi32, #tpu.memory_space<vmem>> -> memref<128xi32, #tpu.memory_space<vmem>>
          %dma_start3A_564 = arith.constant 0 : i32
          %dma_start3A_565 = tpu.memref_slice %arg2[%add3A_558, %dma_start3A_564] : memref<2560x128xi32, #tpu.memory_space<hbm>> -> memref<1x128xi32, #tpu.memory_space<hbm>>
          %dma_start3A_566 = tpu.memref_squeeze %dma_start3A_565 : memref<1x128xi32, #tpu.memory_space<hbm>> -> memref<128xi32, #tpu.memory_space<hbm>>
          %dma_start3A_567 = arith.constant 0 : i32
          %dma_start3A_568 = tpu.memref_slice %arg7[%dma_start3A_559, %dma_start3A_560, %dma_start3A_567] : memref<2x2x128xi32, #tpu.memory_space<vmem>> -> memref<1x1x128xi32, #tpu.memory_space<vmem>>
          %dma_start3A_569 = tpu.memref_squeeze %dma_start3A_568 : memref<1x1x128xi32, #tpu.memory_space<vmem>> -> memref<128xi32, #tpu.memory_space<vmem>>
          %dma_start3A_570 = arith.constant 0 : i32
          %dma_start3A_571 = tpu.memref_slice %arg2[%add3A_558, %dma_start3A_570] : memref<2560x128xi32, #tpu.memory_space<hbm>> -> memref<1x128xi32, #tpu.memory_space<hbm>>
          %dma_start3A_572 = tpu.memref_squeeze %dma_start3A_571 : memref<1x128xi32, #tpu.memory_space<hbm>> -> memref<128xi32, #tpu.memory_space<hbm>>
          tpu.enqueue_dma source(%dma_start3A_572 : memref<128xi32, #tpu.memory_space<hbm>>) target(%dma_start3A_569 : memref<128xi32, #tpu.memory_space<vmem>>) target_semaphore(%arg14 : memref<!tpu.dma_semaphore, #tpu.memory_space<semaphore_mem>>)
          %add3A_573 = arith.addi %mul3A_2, %add3A_557 : i32
          %dma_start3A_574 = arith.constant 0 : i32
          %dma_start3A_575 = arith.constant 1 : i32
          %dma_start3A_576 = arith.constant 0 : i32
          %dma_start3A_577 = tpu.memref_slice %arg7[%dma_start3A_574, %dma_start3A_575, %dma_start3A_576] : memref<2x2x128xi32, #tpu.memory_space<vmem>> -> memref<1x1x128xi32, #tpu.memory_space<vmem>>
          %dma_start3A_578 = tpu.memref_squeeze %dma_start3A_577 : memref<1x1x128xi32, #tpu.memory_space<vmem>> -> memref<128xi32, #tpu.memory_space<vmem>>
          %dma_start3A_579 = arith.constant 0 : i32
          %dma_start3A_580 = tpu.memref_slice %arg3[%add3A_573, %dma_start3A_579] : memref<2560x128xi32, #tpu.memory_space<hbm>> -> memref<1x128xi32, #tpu.memory_space<hbm>>
          %dma_start3A_581 = tpu.memref_squeeze %dma_start3A_580 : memref<1x128xi32, #tpu.memory_space<hbm>> -> memref<128xi32, #tpu.memory_space<hbm>>
          %dma_start3A_582 = arith.constant 0 : i32
          %dma_start3A_583 = tpu.memref_slice %arg7[%dma_start3A_574, %dma_start3A_575, %dma_start3A_582] : memref<2x2x128xi32, #tpu.memory_space<vmem>> -> memref<1x1x128xi32, #tpu.memory_space<vmem>>
          %dma_start3A_584 = tpu.memref_squeeze %dma_start3A_583 : memref<1x1x128xi32, #tpu.memory_space<vmem>> -> memref<128xi32, #tpu.memory_space<vmem>>
          %dma_start3A_585 = arith.constant 0 : i32
          %dma_start3A_586 = tpu.memref_slice %arg3[%add3A_573, %dma_start3A_585] : memref<2560x128xi32, #tpu.memory_space<hbm>> -> memref<1x128xi32, #tpu.memory_space<hbm>>
          %dma_start3A_587 = tpu.memref_squeeze %dma_start3A_586 : memref<1x128xi32, #tpu.memory_space<hbm>> -> memref<128xi32, #tpu.memory_space<hbm>>
          tpu.enqueue_dma source(%dma_start3A_587 : memref<128xi32, #tpu.memory_space<hbm>>) target(%dma_start3A_584 : memref<128xi32, #tpu.memory_space<vmem>>) target_semaphore(%arg14 : memref<!tpu.dma_semaphore, #tpu.memory_space<semaphore_mem>>)
        } else {
        }
      } else {
      }
    }
    %scan3A_127 = arith.constant 40 : i32
    %dma_wait3A = arith.constant 0 : i32
    %dma_wait3A_128 = arith.constant 0 : i32
    %dma_wait3A_129 = arith.constant 1 : i32
    %dma_wait3A_130 = arith.constant 0 : i32
    %dma_wait3A_131 = arith.constant 0 : i32
    %dma_wait3A_132 = tpu.memref_slice %arg8[%dma_wait3A, %dma_wait3A_130, %dma_wait3A_131] : memref<2x128x128xf32, #tpu.memory_space<vmem>> -> memref<1x128x128xf32, #tpu.memory_space<vmem>>
    %dma_wait3A_133 = tpu.memref_squeeze %dma_wait3A_132 : memref<1x128x128xf32, #tpu.memory_space<vmem>> -> memref<128x128xf32, #tpu.memory_space<vmem>>
    %dma_wait3A_134 = arith.constant 0 : i32
    %dma_wait3A_135 = tpu.memref_slice %arg6[%dma_wait3A_128, %dma_wait3A_129, %dma_wait3A_134] : memref<2x2x128xi32, #tpu.memory_space<vmem>> -> memref<1x1x128xi32, #tpu.memory_space<vmem>>
    %dma_wait3A_136 = tpu.memref_squeeze %dma_wait3A_135 : memref<1x1x128xi32, #tpu.memory_space<vmem>> -> memref<128xi32, #tpu.memory_space<vmem>>
    %dma_wait3A_137 = arith.constant 0 : i32
    %dma_wait3A_138 = arith.constant 0 : i32
    %dma_wait3A_139 = tpu.memref_slice %arg9[%dma_wait3A_137, %dma_wait3A_138] : memref<10240x128xf32, #tpu.memory_space<vmem_shared>> -> memref<10240x128xf32, #tpu.memory_space<vmem_shared>>
    tpu.wait_indirect_dma semaphore(%arg12 : memref<!tpu.dma_semaphore, #tpu.memory_space<semaphore_mem>>) src(%dma_wait3A_133 : memref<128x128xf32, #tpu.memory_space<vmem>>) dst(%dma_wait3A_139 : memref<10240x128xf32, #tpu.memory_space<vmem_shared>>)
    %dma_wait3A_140 = arith.constant 1 : i32
    %dma_wait3A_141 = arith.constant 1 : i32
    %dma_wait3A_142 = arith.constant 1 : i32
    %dma_wait3A_143 = arith.constant 0 : i32
    %dma_wait3A_144 = arith.constant 0 : i32
    %dma_wait3A_145 = tpu.memref_slice %arg8[%dma_wait3A_140, %dma_wait3A_143, %dma_wait3A_144] : memref<2x128x128xf32, #tpu.memory_space<vmem>> -> memref<1x128x128xf32, #tpu.memory_space<vmem>>
    %dma_wait3A_146 = tpu.memref_squeeze %dma_wait3A_145 : memref<1x128x128xf32, #tpu.memory_space<vmem>> -> memref<128x128xf32, #tpu.memory_space<vmem>>
    %dma_wait3A_147 = arith.constant 0 : i32
    %dma_wait3A_148 = tpu.memref_slice %arg6[%dma_wait3A_141, %dma_wait3A_142, %dma_wait3A_147] : memref<2x2x128xi32, #tpu.memory_space<vmem>> -> memref<1x1x128xi32, #tpu.memory_space<vmem>>
    %dma_wait3A_149 = tpu.memref_squeeze %dma_wait3A_148 : memref<1x1x128xi32, #tpu.memory_space<vmem>> -> memref<128xi32, #tpu.memory_space<vmem>>
    %dma_wait3A_150 = arith.constant 0 : i32
    %dma_wait3A_151 = arith.constant 0 : i32
    %dma_wait3A_152 = tpu.memref_slice %arg9[%dma_wait3A_150, %dma_wait3A_151] : memref<10240x128xf32, #tpu.memory_space<vmem_shared>> -> memref<10240x128xf32, #tpu.memory_space<vmem_shared>>
    tpu.wait_indirect_dma semaphore(%arg13 : memref<!tpu.dma_semaphore, #tpu.memory_space<semaphore_mem>>) src(%dma_wait3A_146 : memref<128x128xf32, #tpu.memory_space<vmem>>) dst(%dma_wait3A_152 : memref<10240x128xf32, #tpu.memory_space<vmem_shared>>)
    %barrier3A_153 = arith.constant 0 : index
    tpu.barrier barrier_id(%barrier3A_153)
    %mul3A_154 = arith.constant 5 : i32
    %mul3A_155 = arith.muli %arg1, %mul3A_154 : i32
    %add3A_156 = arith.constant 0 : i32
    %add3A_157 = arith.addi %mul3A_155, %add3A_156 : i32
    %mul3A_158 = arith.constant 128 : i32
    %mul3A_159 = arith.muli %add3A_157, %mul3A_158 : i32
    %run_scoped3A_160 = arith.constant 0 : i32
    "tpu.region"() ({
      %run_scoped3A_194 = tpu.sem_alloc : memref<!tpu.dma_semaphore, #tpu.memory_space<semaphore_mem>>
      %dma_start3A_195 = arith.constant 0 : i32
      %dma_start3A_196 = arith.constant 0 : i32
      %dma_start3A_197 = tpu.memref_slice %arg8[%run_scoped3A_160, %dma_start3A_195, %dma_start3A_196] : memref<2x128x128xf32, #tpu.memory_space<vmem>> -> memref<1x128x128xf32, #tpu.memory_space<vmem>>
      %dma_start3A_198 = tpu.memref_squeeze %dma_start3A_197 : memref<1x128x128xf32, #tpu.memory_space<vmem>> -> memref<128x128xf32, #tpu.memory_space<vmem>>
      %dma_start3A_199 = arith.constant 0 : i32
      %dma_start3A_200 = tpu.memref_slice %arg9[%mul3A_159, %dma_start3A_199] : memref<10240x128xf32, #tpu.memory_space<vmem_shared>> -> memref<128x128xf32, #tpu.memory_space<vmem_shared>>
      %dma_start3A_201 = arith.constant 0 : i32
      %dma_start3A_202 = arith.constant 0 : i32
      %dma_start3A_203 = tpu.memref_slice %arg8[%run_scoped3A_160, %dma_start3A_201, %dma_start3A_202] : memref<2x128x128xf32, #tpu.memory_space<vmem>> -> memref<1x128x128xf32, #tpu.memory_space<vmem>>
      %dma_start3A_204 = tpu.memref_squeeze %dma_start3A_203 : memref<1x128x128xf32, #tpu.memory_space<vmem>> -> memref<128x128xf32, #tpu.memory_space<vmem>>
      %dma_start3A_205 = arith.constant 0 : i32
      %dma_start3A_206 = tpu.memref_slice %arg9[%mul3A_159, %dma_start3A_205] : memref<10240x128xf32, #tpu.memory_space<vmem_shared>> -> memref<128x128xf32, #tpu.memory_space<vmem_shared>>
      tpu.enqueue_dma source(%dma_start3A_206 : memref<128x128xf32, #tpu.memory_space<vmem_shared>>) target(%dma_start3A_204 : memref<128x128xf32, #tpu.memory_space<vmem>>) target_semaphore(%run_scoped3A_194 : memref<!tpu.dma_semaphore, #tpu.memory_space<semaphore_mem>>)
      %dma_wait3A_207 = arith.constant 0 : i32
      %dma_wait3A_208 = arith.constant 0 : i32
      %dma_wait3A_209 = tpu.memref_slice %arg8[%run_scoped3A_160, %dma_wait3A_207, %dma_wait3A_208] : memref<2x128x128xf32, #tpu.memory_space<vmem>> -> memref<1x128x128xf32, #tpu.memory_space<vmem>>
      %dma_wait3A_210 = tpu.memref_squeeze %dma_wait3A_209 : memref<1x128x128xf32, #tpu.memory_space<vmem>> -> memref<128x128xf32, #tpu.memory_space<vmem>>
      %dma_wait3A_211 = arith.constant 0 : i32
      %dma_wait3A_212 = tpu.memref_slice %arg9[%mul3A_159, %dma_wait3A_211] : memref<10240x128xf32, #tpu.memory_space<vmem_shared>> -> memref<128x128xf32, #tpu.memory_space<vmem_shared>>
      %dma_wait3A_213 = arith.constant 0 : i32
      %dma_wait3A_214 = arith.constant 0 : i32
      %dma_wait3A_215 = tpu.memref_slice %arg8[%run_scoped3A_160, %dma_wait3A_213, %dma_wait3A_214] : memref<2x128x128xf32, #tpu.memory_space<vmem>> -> memref<1x128x128xf32, #tpu.memory_space<vmem>>
      %dma_wait3A_216 = tpu.memref_squeeze %dma_wait3A_215 : memref<1x128x128xf32, #tpu.memory_space<vmem>> -> memref<128x128xf32, #tpu.memory_space<vmem>>
      %dma_wait3A_217 = arith.constant 0 : i32
      %dma_wait3A_218 = tpu.memref_slice %arg9[%mul3A_159, %dma_wait3A_217] : memref<10240x128xf32, #tpu.memory_space<vmem_shared>> -> memref<128x128xf32, #tpu.memory_space<vmem_shared>>
      tpu.wait_dma2 semaphore(%run_scoped3A_194 : memref<!tpu.dma_semaphore, #tpu.memory_space<semaphore_mem>>) src(%dma_wait3A_218 : memref<128x128xf32, #tpu.memory_space<vmem_shared>>) dst(%dma_wait3A_216 : memref<128x128xf32, #tpu.memory_space<vmem>>)
      tpu.yield
    }) : () -> ()
    %run_scoped3A_161 = arith.constant 0 : i32
    "tpu.region"() ({
      %run_scoped3A_194 = tpu.sem_alloc : memref<!tpu.dma_semaphore, #tpu.memory_space<semaphore_mem>>
      %dma_start3A_195 = arith.constant 0 : i32
      %dma_start3A_196 = arith.constant 0 : i32
      %dma_start3A_197 = tpu.memref_slice %arg8[%run_scoped3A_161, %dma_start3A_195, %dma_start3A_196] : memref<2x128x128xf32, #tpu.memory_space<vmem>> -> memref<1x128x128xf32, #tpu.memory_space<vmem>>
      %dma_start3A_198 = tpu.memref_squeeze %dma_start3A_197 : memref<1x128x128xf32, #tpu.memory_space<vmem>> -> memref<128x128xf32, #tpu.memory_space<vmem>>
      %dma_start3A_199 = arith.constant 0 : i32
      %dma_start3A_200 = tpu.memref_slice %arg5[%arg0, %mul3A_159, %dma_start3A_199] : memref<2x10240x128xf32, #tpu.memory_space<hbm>> -> memref<1x128x128xf32, #tpu.memory_space<hbm>>
      %dma_start3A_201 = tpu.memref_squeeze %dma_start3A_200 : memref<1x128x128xf32, #tpu.memory_space<hbm>> -> memref<128x128xf32, #tpu.memory_space<hbm>>
      %dma_start3A_202 = arith.constant 0 : i32
      %dma_start3A_203 = tpu.memref_slice %arg5[%arg0, %mul3A_159, %dma_start3A_202] : memref<2x10240x128xf32, #tpu.memory_space<hbm>> -> memref<1x128x128xf32, #tpu.memory_space<hbm>>
      %dma_start3A_204 = tpu.memref_squeeze %dma_start3A_203 : memref<1x128x128xf32, #tpu.memory_space<hbm>> -> memref<128x128xf32, #tpu.memory_space<hbm>>
      %dma_start3A_205 = arith.constant 0 : i32
      %dma_start3A_206 = arith.constant 0 : i32
      %dma_start3A_207 = tpu.memref_slice %arg8[%run_scoped3A_161, %dma_start3A_205, %dma_start3A_206] : memref<2x128x128xf32, #tpu.memory_space<vmem>> -> memref<1x128x128xf32, #tpu.memory_space<vmem>>
      %dma_start3A_208 = tpu.memref_squeeze %dma_start3A_207 : memref<1x128x128xf32, #tpu.memory_space<vmem>> -> memref<128x128xf32, #tpu.memory_space<vmem>>
      tpu.enqueue_dma source(%dma_start3A_208 : memref<128x128xf32, #tpu.memory_space<vmem>>) target(%dma_start3A_204 : memref<128x128xf32, #tpu.memory_space<hbm>>) target_semaphore(%run_scoped3A_194 : memref<!tpu.dma_semaphore, #tpu.memory_space<semaphore_mem>>)
      %dma_wait3A_209 = arith.constant 0 : i32
      %dma_wait3A_210 = arith.constant 0 : i32
      %dma_wait3A_211 = tpu.memref_slice %arg8[%run_scoped3A_161, %dma_wait3A_209, %dma_wait3A_210] : memref<2x128x128xf32, #tpu.memory_space<vmem>> -> memref<1x128x128xf32, #tpu.memory_space<vmem>>
      %dma_wait3A_212 = tpu.memref_squeeze %dma_wait3A_211 : memref<1x128x128xf32, #tpu.memory_space<vmem>> -> memref<128x128xf32, #tpu.memory_space<vmem>>
      %dma_wait3A_213 = arith.constant 0 : i32
      %dma_wait3A_214 = tpu.memref_slice %arg5[%arg0, %mul3A_159, %dma_wait3A_213] : memref<2x10240x128xf32, #tpu.memory_space<hbm>> -> memref<1x128x128xf32, #tpu.memory_space<hbm>>
      %dma_wait3A_215 = tpu.memref_squeeze %dma_wait3A_214 : memref<1x128x128xf32, #tpu.memory_space<hbm>> -> memref<128x128xf32, #tpu.memory_space<hbm>>
      %dma_wait3A_216 = arith.constant 0 : i32
      %dma_wait3A_217 = tpu.memref_slice %arg5[%arg0, %mul3A_159, %dma_wait3A_216] : memref<2x10240x128xf32, #tpu.memory_space<hbm>> -> memref<1x128x128xf32, #tpu.memory_space<hbm>>
      %dma_wait3A_218 = tpu.memref_squeeze %dma_wait3A_217 : memref<1x128x128xf32, #tpu.memory_space<hbm>> -> memref<128x128xf32, #tpu.memory_space<hbm>>
      %dma_wait3A_219 = arith.constant 0 : i32
      %dma_wait3A_220 = arith.constant 0 : i32
      %dma_wait3A_221 = tpu.memref_slice %arg8[%run_scoped3A_161, %dma_wait3A_219, %dma_wait3A_220] : memref<2x128x128xf32, #tpu.memory_space<vmem>> -> memref<1x128x128xf32, #tpu.memory_space<vmem>>
      %dma_wait3A_222 = tpu.memref_squeeze %dma_wait3A_221 : memref<1x128x128xf32, #tpu.memory_space<vmem>> -> memref<128x128xf32, #tpu.memory_space<vmem>>
      tpu.wait_dma2 semaphore(%run_scoped3A_194 : memref<!tpu.dma_semaphore, #tpu.memory_space<semaphore_mem>>) src(%dma_wait3A_222 : memref<128x128xf32, #tpu.memory_space<vmem>>) dst(%dma_wait3A_218 : memref<128x128xf32, #tpu.memory_space<hbm>>)
      tpu.yield
    }) : () -> ()
    %mul3A_162 = arith.constant 5 : i32
    %mul3A_163 = arith.muli %arg1, %mul3A_162 : i32
    %add3A_164 = arith.constant 1 : i32
    %add3A_165 = arith.addi %mul3A_163, %add3A_164 : i32
    %mul3A_166 = arith.constant 128 : i32
    %mul3A_167 = arith.muli %add3A_165, %mul3A_166 : i32
    %run_scoped3A_168 = arith.constant 0 : i32
    "tpu.region"() ({
      %run_scoped3A_194 = tpu.sem_alloc : memref<!tpu.dma_semaphore, #tpu.memory_space<semaphore_mem>>
      %dma_start3A_195 = arith.constant 0 : i32
      %dma_start3A_196 = arith.constant 0 : i32
      %dma_start3A_197 = tpu.memref_slice %arg8[%run_scoped3A_168, %dma_start3A_195, %dma_start3A_196] : memref<2x128x128xf32, #tpu.memory_space<vmem>> -> memref<1x128x128xf32, #tpu.memory_space<vmem>>
      %dma_start3A_198 = tpu.memref_squeeze %dma_start3A_197 : memref<1x128x128xf32, #tpu.memory_space<vmem>> -> memref<128x128xf32, #tpu.memory_space<vmem>>
      %dma_start3A_199 = arith.constant 0 : i32
      %dma_start3A_200 = tpu.memref_slice %arg9[%mul3A_167, %dma_start3A_199] : memref<10240x128xf32, #tpu.memory_space<vmem_shared>> -> memref<128x128xf32, #tpu.memory_space<vmem_shared>>
      %dma_start3A_201 = arith.constant 0 : i32
      %dma_start3A_202 = arith.constant 0 : i32
      %dma_start3A_203 = tpu.memref_slice %arg8[%run_scoped3A_168, %dma_start3A_201, %dma_start3A_202] : memref<2x128x128xf32, #tpu.memory_space<vmem>> -> memref<1x128x128xf32, #tpu.memory_space<vmem>>
      %dma_start3A_204 = tpu.memref_squeeze %dma_start3A_203 : memref<1x128x128xf32, #tpu.memory_space<vmem>> -> memref<128x128xf32, #tpu.memory_space<vmem>>
      %dma_start3A_205 = arith.constant 0 : i32
      %dma_start3A_206 = tpu.memref_slice %arg9[%mul3A_167, %dma_start3A_205] : memref<10240x128xf32, #tpu.memory_space<vmem_shared>> -> memref<128x128xf32, #tpu.memory_space<vmem_shared>>
      tpu.enqueue_dma source(%dma_start3A_206 : memref<128x128xf32, #tpu.memory_space<vmem_shared>>) target(%dma_start3A_204 : memref<128x128xf32, #tpu.memory_space<vmem>>) target_semaphore(%run_scoped3A_194 : memref<!tpu.dma_semaphore, #tpu.memory_space<semaphore_mem>>)
      %dma_wait3A_207 = arith.constant 0 : i32
      %dma_wait3A_208 = arith.constant 0 : i32
      %dma_wait3A_209 = tpu.memref_slice %arg8[%run_scoped3A_168, %dma_wait3A_207, %dma_wait3A_208] : memref<2x128x128xf32, #tpu.memory_space<vmem>> -> memref<1x128x128xf32, #tpu.memory_space<vmem>>
      %dma_wait3A_210 = tpu.memref_squeeze %dma_wait3A_209 : memref<1x128x128xf32, #tpu.memory_space<vmem>> -> memref<128x128xf32, #tpu.memory_space<vmem>>
      %dma_wait3A_211 = arith.constant 0 : i32
      %dma_wait3A_212 = tpu.memref_slice %arg9[%mul3A_167, %dma_wait3A_211] : memref<10240x128xf32, #tpu.memory_space<vmem_shared>> -> memref<128x128xf32, #tpu.memory_space<vmem_shared>>
      %dma_wait3A_213 = arith.constant 0 : i32
      %dma_wait3A_214 = arith.constant 0 : i32
      %dma_wait3A_215 = tpu.memref_slice %arg8[%run_scoped3A_168, %dma_wait3A_213, %dma_wait3A_214] : memref<2x128x128xf32, #tpu.memory_space<vmem>> -> memref<1x128x128xf32, #tpu.memory_space<vmem>>
      %dma_wait3A_216 = tpu.memref_squeeze %dma_wait3A_215 : memref<1x128x128xf32, #tpu.memory_space<vmem>> -> memref<128x128xf32, #tpu.memory_space<vmem>>
      %dma_wait3A_217 = arith.constant 0 : i32
      %dma_wait3A_218 = tpu.memref_slice %arg9[%mul3A_167, %dma_wait3A_217] : memref<10240x128xf32, #tpu.memory_space<vmem_shared>> -> memref<128x128xf32, #tpu.memory_space<vmem_shared>>
      tpu.wait_dma2 semaphore(%run_scoped3A_194 : memref<!tpu.dma_semaphore, #tpu.memory_space<semaphore_mem>>) src(%dma_wait3A_218 : memref<128x128xf32, #tpu.memory_space<vmem_shared>>) dst(%dma_wait3A_216 : memref<128x128xf32, #tpu.memory_space<vmem>>)
      tpu.yield
    }) : () -> ()
    %run_scoped3A_169 = arith.constant 0 : i32
    "tpu.region"() ({
      %run_scoped3A_194 = tpu.sem_alloc : memref<!tpu.dma_semaphore, #tpu.memory_space<semaphore_mem>>
      %dma_start3A_195 = arith.constant 0 : i32
      %dma_start3A_196 = arith.constant 0 : i32
      %dma_start3A_197 = tpu.memref_slice %arg8[%run_scoped3A_169, %dma_start3A_195, %dma_start3A_196] : memref<2x128x128xf32, #tpu.memory_space<vmem>> -> memref<1x128x128xf32, #tpu.memory_space<vmem>>
      %dma_start3A_198 = tpu.memref_squeeze %dma_start3A_197 : memref<1x128x128xf32, #tpu.memory_space<vmem>> -> memref<128x128xf32, #tpu.memory_space<vmem>>
      %dma_start3A_199 = arith.constant 0 : i32
      %dma_start3A_200 = tpu.memref_slice %arg5[%arg0, %mul3A_167, %dma_start3A_199] : memref<2x10240x128xf32, #tpu.memory_space<hbm>> -> memref<1x128x128xf32, #tpu.memory_space<hbm>>
      %dma_start3A_201 = tpu.memref_squeeze %dma_start3A_200 : memref<1x128x128xf32, #tpu.memory_space<hbm>> -> memref<128x128xf32, #tpu.memory_space<hbm>>
      %dma_start3A_202 = arith.constant 0 : i32
      %dma_start3A_203 = tpu.memref_slice %arg5[%arg0, %mul3A_167, %dma_start3A_202] : memref<2x10240x128xf32, #tpu.memory_space<hbm>> -> memref<1x128x128xf32, #tpu.memory_space<hbm>>
      %dma_start3A_204 = tpu.memref_squeeze %dma_start3A_203 : memref<1x128x128xf32, #tpu.memory_space<hbm>> -> memref<128x128xf32, #tpu.memory_space<hbm>>
      %dma_start3A_205 = arith.constant 0 : i32
      %dma_start3A_206 = arith.constant 0 : i32
      %dma_start3A_207 = tpu.memref_slice %arg8[%run_scoped3A_169, %dma_start3A_205, %dma_start3A_206] : memref<2x128x128xf32, #tpu.memory_space<vmem>> -> memref<1x128x128xf32, #tpu.memory_space<vmem>>
      %dma_start3A_208 = tpu.memref_squeeze %dma_start3A_207 : memref<1x128x128xf32, #tpu.memory_space<vmem>> -> memref<128x128xf32, #tpu.memory_space<vmem>>
      tpu.enqueue_dma source(%dma_start3A_208 : memref<128x128xf32, #tpu.memory_space<vmem>>) target(%dma_start3A_204 : memref<128x128xf32, #tpu.memory_space<hbm>>) target_semaphore(%run_scoped3A_194 : memref<!tpu.dma_semaphore, #tpu.memory_space<semaphore_mem>>)
      %dma_wait3A_209 = arith.constant 0 : i32
      %dma_wait3A_210 = arith.constant 0 : i32
      %dma_wait3A_211 = tpu.memref_slice %arg8[%run_scoped3A_169, %dma_wait3A_209, %dma_wait3A_210] : memref<2x128x128xf32, #tpu.memory_space<vmem>> -> memref<1x128x128xf32, #tpu.memory_space<vmem>>
      %dma_wait3A_212 = tpu.memref_squeeze %dma_wait3A_211 : memref<1x128x128xf32, #tpu.memory_space<vmem>> -> memref<128x128xf32, #tpu.memory_space<vmem>>
      %dma_wait3A_213 = arith.constant 0 : i32
      %dma_wait3A_214 = tpu.memref_slice %arg5[%arg0, %mul3A_167, %dma_wait3A_213] : memref<2x10240x128xf32, #tpu.memory_space<hbm>> -> memref<1x128x128xf32, #tpu.memory_space<hbm>>
      %dma_wait3A_215 = tpu.memref_squeeze %dma_wait3A_214 : memref<1x128x128xf32, #tpu.memory_space<hbm>> -> memref<128x128xf32, #tpu.memory_space<hbm>>
      %dma_wait3A_216 = arith.constant 0 : i32
      %dma_wait3A_217 = tpu.memref_slice %arg5[%arg0, %mul3A_167, %dma_wait3A_216] : memref<2x10240x128xf32, #tpu.memory_space<hbm>> -> memref<1x128x128xf32, #tpu.memory_space<hbm>>
      %dma_wait3A_218 = tpu.memref_squeeze %dma_wait3A_217 : memref<1x128x128xf32, #tpu.memory_space<hbm>> -> memref<128x128xf32, #tpu.memory_space<hbm>>
      %dma_wait3A_219 = arith.constant 0 : i32
      %dma_wait3A_220 = arith.constant 0 : i32
      %dma_wait3A_221 = tpu.memref_slice %arg8[%run_scoped3A_169, %dma_wait3A_219, %dma_wait3A_220] : memref<2x128x128xf32, #tpu.memory_space<vmem>> -> memref<1x128x128xf32, #tpu.memory_space<vmem>>
      %dma_wait3A_222 = tpu.memref_squeeze %dma_wait3A_221 : memref<1x128x128xf32, #tpu.memory_space<vmem>> -> memref<128x128xf32, #tpu.memory_space<vmem>>
      tpu.wait_dma2 semaphore(%run_scoped3A_194 : memref<!tpu.dma_semaphore, #tpu.memory_space<semaphore_mem>>) src(%dma_wait3A_222 : memref<128x128xf32, #tpu.memory_space<vmem>>) dst(%dma_wait3A_218 : memref<128x128xf32, #tpu.memory_space<hbm>>)
      tpu.yield
    }) : () -> ()
    %mul3A_170 = arith.constant 5 : i32
    %mul3A_171 = arith.muli %arg1, %mul3A_170 : i32
    %add3A_172 = arith.constant 2 : i32
    %add3A_173 = arith.addi %mul3A_171, %add3A_172 : i32
    %mul3A_174 = arith.constant 128 : i32
    %mul3A_175 = arith.muli %add3A_173, %mul3A_174 : i32
    %run_scoped3A_176 = arith.constant 0 : i32
    "tpu.region"() ({
      %run_scoped3A_194 = tpu.sem_alloc : memref<!tpu.dma_semaphore, #tpu.memory_space<semaphore_mem>>
      %dma_start3A_195 = arith.constant 0 : i32
      %dma_start3A_196 = arith.constant 0 : i32
      %dma_start3A_197 = tpu.memref_slice %arg8[%run_scoped3A_176, %dma_start3A_195, %dma_start3A_196] : memref<2x128x128xf32, #tpu.memory_space<vmem>> -> memref<1x128x128xf32, #tpu.memory_space<vmem>>
      %dma_start3A_198 = tpu.memref_squeeze %dma_start3A_197 : memref<1x128x128xf32, #tpu.memory_space<vmem>> -> memref<128x128xf32, #tpu.memory_space<vmem>>
      %dma_start3A_199 = arith.constant 0 : i32
      %dma_start3A_200 = tpu.memref_slice %arg9[%mul3A_175, %dma_start3A_199] : memref<10240x128xf32, #tpu.memory_space<vmem_shared>> -> memref<128x128xf32, #tpu.memory_space<vmem_shared>>
      %dma_start3A_201 = arith.constant 0 : i32
      %dma_start3A_202 = arith.constant 0 : i32
      %dma_start3A_203 = tpu.memref_slice %arg8[%run_scoped3A_176, %dma_start3A_201, %dma_start3A_202] : memref<2x128x128xf32, #tpu.memory_space<vmem>> -> memref<1x128x128xf32, #tpu.memory_space<vmem>>
      %dma_start3A_204 = tpu.memref_squeeze %dma_start3A_203 : memref<1x128x128xf32, #tpu.memory_space<vmem>> -> memref<128x128xf32, #tpu.memory_space<vmem>>
      %dma_start3A_205 = arith.constant 0 : i32
      %dma_start3A_206 = tpu.memref_slice %arg9[%mul3A_175, %dma_start3A_205] : memref<10240x128xf32, #tpu.memory_space<vmem_shared>> -> memref<128x128xf32, #tpu.memory_space<vmem_shared>>
      tpu.enqueue_dma source(%dma_start3A_206 : memref<128x128xf32, #tpu.memory_space<vmem_shared>>) target(%dma_start3A_204 : memref<128x128xf32, #tpu.memory_space<vmem>>) target_semaphore(%run_scoped3A_194 : memref<!tpu.dma_semaphore, #tpu.memory_space<semaphore_mem>>)
      %dma_wait3A_207 = arith.constant 0 : i32
      %dma_wait3A_208 = arith.constant 0 : i32
      %dma_wait3A_209 = tpu.memref_slice %arg8[%run_scoped3A_176, %dma_wait3A_207, %dma_wait3A_208] : memref<2x128x128xf32, #tpu.memory_space<vmem>> -> memref<1x128x128xf32, #tpu.memory_space<vmem>>
      %dma_wait3A_210 = tpu.memref_squeeze %dma_wait3A_209 : memref<1x128x128xf32, #tpu.memory_space<vmem>> -> memref<128x128xf32, #tpu.memory_space<vmem>>
      %dma_wait3A_211 = arith.constant 0 : i32
      %dma_wait3A_212 = tpu.memref_slice %arg9[%mul3A_175, %dma_wait3A_211] : memref<10240x128xf32, #tpu.memory_space<vmem_shared>> -> memref<128x128xf32, #tpu.memory_space<vmem_shared>>
      %dma_wait3A_213 = arith.constant 0 : i32
      %dma_wait3A_214 = arith.constant 0 : i32
      %dma_wait3A_215 = tpu.memref_slice %arg8[%run_scoped3A_176, %dma_wait3A_213, %dma_wait3A_214] : memref<2x128x128xf32, #tpu.memory_space<vmem>> -> memref<1x128x128xf32, #tpu.memory_space<vmem>>
      %dma_wait3A_216 = tpu.memref_squeeze %dma_wait3A_215 : memref<1x128x128xf32, #tpu.memory_space<vmem>> -> memref<128x128xf32, #tpu.memory_space<vmem>>
      %dma_wait3A_217 = arith.constant 0 : i32
      %dma_wait3A_218 = tpu.memref_slice %arg9[%mul3A_175, %dma_wait3A_217] : memref<10240x128xf32, #tpu.memory_space<vmem_shared>> -> memref<128x128xf32, #tpu.memory_space<vmem_shared>>
      tpu.wait_dma2 semaphore(%run_scoped3A_194 : memref<!tpu.dma_semaphore, #tpu.memory_space<semaphore_mem>>) src(%dma_wait3A_218 : memref<128x128xf32, #tpu.memory_space<vmem_shared>>) dst(%dma_wait3A_216 : memref<128x128xf32, #tpu.memory_space<vmem>>)
      tpu.yield
    }) : () -> ()
    %run_scoped3A_177 = arith.constant 0 : i32
    "tpu.region"() ({
      %run_scoped3A_194 = tpu.sem_alloc : memref<!tpu.dma_semaphore, #tpu.memory_space<semaphore_mem>>
      %dma_start3A_195 = arith.constant 0 : i32
      %dma_start3A_196 = arith.constant 0 : i32
      %dma_start3A_197 = tpu.memref_slice %arg8[%run_scoped3A_177, %dma_start3A_195, %dma_start3A_196] : memref<2x128x128xf32, #tpu.memory_space<vmem>> -> memref<1x128x128xf32, #tpu.memory_space<vmem>>
      %dma_start3A_198 = tpu.memref_squeeze %dma_start3A_197 : memref<1x128x128xf32, #tpu.memory_space<vmem>> -> memref<128x128xf32, #tpu.memory_space<vmem>>
      %dma_start3A_199 = arith.constant 0 : i32
      %dma_start3A_200 = tpu.memref_slice %arg5[%arg0, %mul3A_175, %dma_start3A_199] : memref<2x10240x128xf32, #tpu.memory_space<hbm>> -> memref<1x128x128xf32, #tpu.memory_space<hbm>>
      %dma_start3A_201 = tpu.memref_squeeze %dma_start3A_200 : memref<1x128x128xf32, #tpu.memory_space<hbm>> -> memref<128x128xf32, #tpu.memory_space<hbm>>
      %dma_start3A_202 = arith.constant 0 : i32
      %dma_start3A_203 = tpu.memref_slice %arg5[%arg0, %mul3A_175, %dma_start3A_202] : memref<2x10240x128xf32, #tpu.memory_space<hbm>> -> memref<1x128x128xf32, #tpu.memory_space<hbm>>
      %dma_start3A_204 = tpu.memref_squeeze %dma_start3A_203 : memref<1x128x128xf32, #tpu.memory_space<hbm>> -> memref<128x128xf32, #tpu.memory_space<hbm>>
      %dma_start3A_205 = arith.constant 0 : i32
      %dma_start3A_206 = arith.constant 0 : i32
      %dma_start3A_207 = tpu.memref_slice %arg8[%run_scoped3A_177, %dma_start3A_205, %dma_start3A_206] : memref<2x128x128xf32, #tpu.memory_space<vmem>> -> memref<1x128x128xf32, #tpu.memory_space<vmem>>
      %dma_start3A_208 = tpu.memref_squeeze %dma_start3A_207 : memref<1x128x128xf32, #tpu.memory_space<vmem>> -> memref<128x128xf32, #tpu.memory_space<vmem>>
      tpu.enqueue_dma source(%dma_start3A_208 : memref<128x128xf32, #tpu.memory_space<vmem>>) target(%dma_start3A_204 : memref<128x128xf32, #tpu.memory_space<hbm>>) target_semaphore(%run_scoped3A_194 : memref<!tpu.dma_semaphore, #tpu.memory_space<semaphore_mem>>)
      %dma_wait3A_209 = arith.constant 0 : i32
      %dma_wait3A_210 = arith.constant 0 : i32
      %dma_wait3A_211 = tpu.memref_slice %arg8[%run_scoped3A_177, %dma_wait3A_209, %dma_wait3A_210] : memref<2x128x128xf32, #tpu.memory_space<vmem>> -> memref<1x128x128xf32, #tpu.memory_space<vmem>>
      %dma_wait3A_212 = tpu.memref_squeeze %dma_wait3A_211 : memref<1x128x128xf32, #tpu.memory_space<vmem>> -> memref<128x128xf32, #tpu.memory_space<vmem>>
      %dma_wait3A_213 = arith.constant 0 : i32
      %dma_wait3A_214 = tpu.memref_slice %arg5[%arg0, %mul3A_175, %dma_wait3A_213] : memref<2x10240x128xf32, #tpu.memory_space<hbm>> -> memref<1x128x128xf32, #tpu.memory_space<hbm>>
      %dma_wait3A_215 = tpu.memref_squeeze %dma_wait3A_214 : memref<1x128x128xf32, #tpu.memory_space<hbm>> -> memref<128x128xf32, #tpu.memory_space<hbm>>
      %dma_wait3A_216 = arith.constant 0 : i32
      %dma_wait3A_217 = tpu.memref_slice %arg5[%arg0, %mul3A_175, %dma_wait3A_216] : memref<2x10240x128xf32, #tpu.memory_space<hbm>> -> memref<1x128x128xf32, #tpu.memory_space<hbm>>
      %dma_wait3A_218 = tpu.memref_squeeze %dma_wait3A_217 : memref<1x128x128xf32, #tpu.memory_space<hbm>> -> memref<128x128xf32, #tpu.memory_space<hbm>>
      %dma_wait3A_219 = arith.constant 0 : i32
      %dma_wait3A_220 = arith.constant 0 : i32
      %dma_wait3A_221 = tpu.memref_slice %arg8[%run_scoped3A_177, %dma_wait3A_219, %dma_wait3A_220] : memref<2x128x128xf32, #tpu.memory_space<vmem>> -> memref<1x128x128xf32, #tpu.memory_space<vmem>>
      %dma_wait3A_222 = tpu.memref_squeeze %dma_wait3A_221 : memref<1x128x128xf32, #tpu.memory_space<vmem>> -> memref<128x128xf32, #tpu.memory_space<vmem>>
      tpu.wait_dma2 semaphore(%run_scoped3A_194 : memref<!tpu.dma_semaphore, #tpu.memory_space<semaphore_mem>>) src(%dma_wait3A_222 : memref<128x128xf32, #tpu.memory_space<vmem>>) dst(%dma_wait3A_218 : memref<128x128xf32, #tpu.memory_space<hbm>>)
      tpu.yield
    }) : () -> ()
    %mul3A_178 = arith.constant 5 : i32
    %mul3A_179 = arith.muli %arg1, %mul3A_178 : i32
    %add3A_180 = arith.constant 3 : i32
    %add3A_181 = arith.addi %mul3A_179, %add3A_180 : i32
    %mul3A_182 = arith.constant 128 : i32
    %mul3A_183 = arith.muli %add3A_181, %mul3A_182 : i32
    %run_scoped3A_184 = arith.constant 0 : i32
    "tpu.region"() ({
      %run_scoped3A_194 = tpu.sem_alloc : memref<!tpu.dma_semaphore, #tpu.memory_space<semaphore_mem>>
      %dma_start3A_195 = arith.constant 0 : i32
      %dma_start3A_196 = arith.constant 0 : i32
      %dma_start3A_197 = tpu.memref_slice %arg8[%run_scoped3A_184, %dma_start3A_195, %dma_start3A_196] : memref<2x128x128xf32, #tpu.memory_space<vmem>> -> memref<1x128x128xf32, #tpu.memory_space<vmem>>
      %dma_start3A_198 = tpu.memref_squeeze %dma_start3A_197 : memref<1x128x128xf32, #tpu.memory_space<vmem>> -> memref<128x128xf32, #tpu.memory_space<vmem>>
      %dma_start3A_199 = arith.constant 0 : i32
      %dma_start3A_200 = tpu.memref_slice %arg9[%mul3A_183, %dma_start3A_199] : memref<10240x128xf32, #tpu.memory_space<vmem_shared>> -> memref<128x128xf32, #tpu.memory_space<vmem_shared>>
      %dma_start3A_201 = arith.constant 0 : i32
      %dma_start3A_202 = arith.constant 0 : i32
      %dma_start3A_203 = tpu.memref_slice %arg8[%run_scoped3A_184, %dma_start3A_201, %dma_start3A_202] : memref<2x128x128xf32, #tpu.memory_space<vmem>> -> memref<1x128x128xf32, #tpu.memory_space<vmem>>
      %dma_start3A_204 = tpu.memref_squeeze %dma_start3A_203 : memref<1x128x128xf32, #tpu.memory_space<vmem>> -> memref<128x128xf32, #tpu.memory_space<vmem>>
      %dma_start3A_205 = arith.constant 0 : i32
      %dma_start3A_206 = tpu.memref_slice %arg9[%mul3A_183, %dma_start3A_205] : memref<10240x128xf32, #tpu.memory_space<vmem_shared>> -> memref<128x128xf32, #tpu.memory_space<vmem_shared>>
      tpu.enqueue_dma source(%dma_start3A_206 : memref<128x128xf32, #tpu.memory_space<vmem_shared>>) target(%dma_start3A_204 : memref<128x128xf32, #tpu.memory_space<vmem>>) target_semaphore(%run_scoped3A_194 : memref<!tpu.dma_semaphore, #tpu.memory_space<semaphore_mem>>)
      %dma_wait3A_207 = arith.constant 0 : i32
      %dma_wait3A_208 = arith.constant 0 : i32
      %dma_wait3A_209 = tpu.memref_slice %arg8[%run_scoped3A_184, %dma_wait3A_207, %dma_wait3A_208] : memref<2x128x128xf32, #tpu.memory_space<vmem>> -> memref<1x128x128xf32, #tpu.memory_space<vmem>>
      %dma_wait3A_210 = tpu.memref_squeeze %dma_wait3A_209 : memref<1x128x128xf32, #tpu.memory_space<vmem>> -> memref<128x128xf32, #tpu.memory_space<vmem>>
      %dma_wait3A_211 = arith.constant 0 : i32
      %dma_wait3A_212 = tpu.memref_slice %arg9[%mul3A_183, %dma_wait3A_211] : memref<10240x128xf32, #tpu.memory_space<vmem_shared>> -> memref<128x128xf32, #tpu.memory_space<vmem_shared>>
      %dma_wait3A_213 = arith.constant 0 : i32
      %dma_wait3A_214 = arith.constant 0 : i32
      %dma_wait3A_215 = tpu.memref_slice %arg8[%run_scoped3A_184, %dma_wait3A_213, %dma_wait3A_214] : memref<2x128x128xf32, #tpu.memory_space<vmem>> -> memref<1x128x128xf32, #tpu.memory_space<vmem>>
      %dma_wait3A_216 = tpu.memref_squeeze %dma_wait3A_215 : memref<1x128x128xf32, #tpu.memory_space<vmem>> -> memref<128x128xf32, #tpu.memory_space<vmem>>
      %dma_wait3A_217 = arith.constant 0 : i32
      %dma_wait3A_218 = tpu.memref_slice %arg9[%mul3A_183, %dma_wait3A_217] : memref<10240x128xf32, #tpu.memory_space<vmem_shared>> -> memref<128x128xf32, #tpu.memory_space<vmem_shared>>
      tpu.wait_dma2 semaphore(%run_scoped3A_194 : memref<!tpu.dma_semaphore, #tpu.memory_space<semaphore_mem>>) src(%dma_wait3A_218 : memref<128x128xf32, #tpu.memory_space<vmem_shared>>) dst(%dma_wait3A_216 : memref<128x128xf32, #tpu.memory_space<vmem>>)
      tpu.yield
    }) : () -> ()
    %run_scoped3A_185 = arith.constant 0 : i32
    "tpu.region"() ({
      %run_scoped3A_194 = tpu.sem_alloc : memref<!tpu.dma_semaphore, #tpu.memory_space<semaphore_mem>>
      %dma_start3A_195 = arith.constant 0 : i32
      %dma_start3A_196 = arith.constant 0 : i32
      %dma_start3A_197 = tpu.memref_slice %arg8[%run_scoped3A_185, %dma_start3A_195, %dma_start3A_196] : memref<2x128x128xf32, #tpu.memory_space<vmem>> -> memref<1x128x128xf32, #tpu.memory_space<vmem>>
      %dma_start3A_198 = tpu.memref_squeeze %dma_start3A_197 : memref<1x128x128xf32, #tpu.memory_space<vmem>> -> memref<128x128xf32, #tpu.memory_space<vmem>>
      %dma_start3A_199 = arith.constant 0 : i32
      %dma_start3A_200 = tpu.memref_slice %arg5[%arg0, %mul3A_183, %dma_start3A_199] : memref<2x10240x128xf32, #tpu.memory_space<hbm>> -> memref<1x128x128xf32, #tpu.memory_space<hbm>>
      %dma_start3A_201 = tpu.memref_squeeze %dma_start3A_200 : memref<1x128x128xf32, #tpu.memory_space<hbm>> -> memref<128x128xf32, #tpu.memory_space<hbm>>
      %dma_start3A_202 = arith.constant 0 : i32
      %dma_start3A_203 = tpu.memref_slice %arg5[%arg0, %mul3A_183, %dma_start3A_202] : memref<2x10240x128xf32, #tpu.memory_space<hbm>> -> memref<1x128x128xf32, #tpu.memory_space<hbm>>
      %dma_start3A_204 = tpu.memref_squeeze %dma_start3A_203 : memref<1x128x128xf32, #tpu.memory_space<hbm>> -> memref<128x128xf32, #tpu.memory_space<hbm>>
      %dma_start3A_205 = arith.constant 0 : i32
      %dma_start3A_206 = arith.constant 0 : i32
      %dma_start3A_207 = tpu.memref_slice %arg8[%run_scoped3A_185, %dma_start3A_205, %dma_start3A_206] : memref<2x128x128xf32, #tpu.memory_space<vmem>> -> memref<1x128x128xf32, #tpu.memory_space<vmem>>
      %dma_start3A_208 = tpu.memref_squeeze %dma_start3A_207 : memref<1x128x128xf32, #tpu.memory_space<vmem>> -> memref<128x128xf32, #tpu.memory_space<vmem>>
      tpu.enqueue_dma source(%dma_start3A_208 : memref<128x128xf32, #tpu.memory_space<vmem>>) target(%dma_start3A_204 : memref<128x128xf32, #tpu.memory_space<hbm>>) target_semaphore(%run_scoped3A_194 : memref<!tpu.dma_semaphore, #tpu.memory_space<semaphore_mem>>)
      %dma_wait3A_209 = arith.constant 0 : i32
      %dma_wait3A_210 = arith.constant 0 : i32
      %dma_wait3A_211 = tpu.memref_slice %arg8[%run_scoped3A_185, %dma_wait3A_209, %dma_wait3A_210] : memref<2x128x128xf32, #tpu.memory_space<vmem>> -> memref<1x128x128xf32, #tpu.memory_space<vmem>>
      %dma_wait3A_212 = tpu.memref_squeeze %dma_wait3A_211 : memref<1x128x128xf32, #tpu.memory_space<vmem>> -> memref<128x128xf32, #tpu.memory_space<vmem>>
      %dma_wait3A_213 = arith.constant 0 : i32
      %dma_wait3A_214 = tpu.memref_slice %arg5[%arg0, %mul3A_183, %dma_wait3A_213] : memref<2x10240x128xf32, #tpu.memory_space<hbm>> -> memref<1x128x128xf32, #tpu.memory_space<hbm>>
      %dma_wait3A_215 = tpu.memref_squeeze %dma_wait3A_214 : memref<1x128x128xf32, #tpu.memory_space<hbm>> -> memref<128x128xf32, #tpu.memory_space<hbm>>
      %dma_wait3A_216 = arith.constant 0 : i32
      %dma_wait3A_217 = tpu.memref_slice %arg5[%arg0, %mul3A_183, %dma_wait3A_216] : memref<2x10240x128xf32, #tpu.memory_space<hbm>> -> memref<1x128x128xf32, #tpu.memory_space<hbm>>
      %dma_wait3A_218 = tpu.memref_squeeze %dma_wait3A_217 : memref<1x128x128xf32, #tpu.memory_space<hbm>> -> memref<128x128xf32, #tpu.memory_space<hbm>>
      %dma_wait3A_219 = arith.constant 0 : i32
      %dma_wait3A_220 = arith.constant 0 : i32
      %dma_wait3A_221 = tpu.memref_slice %arg8[%run_scoped3A_185, %dma_wait3A_219, %dma_wait3A_220] : memref<2x128x128xf32, #tpu.memory_space<vmem>> -> memref<1x128x128xf32, #tpu.memory_space<vmem>>
      %dma_wait3A_222 = tpu.memref_squeeze %dma_wait3A_221 : memref<1x128x128xf32, #tpu.memory_space<vmem>> -> memref<128x128xf32, #tpu.memory_space<vmem>>
      tpu.wait_dma2 semaphore(%run_scoped3A_194 : memref<!tpu.dma_semaphore, #tpu.memory_space<semaphore_mem>>) src(%dma_wait3A_222 : memref<128x128xf32, #tpu.memory_space<vmem>>) dst(%dma_wait3A_218 : memref<128x128xf32, #tpu.memory_space<hbm>>)
      tpu.yield
    }) : () -> ()
    %mul3A_186 = arith.constant 5 : i32
    %mul3A_187 = arith.muli %arg1, %mul3A_186 : i32
    %add3A_188 = arith.constant 4 : i32
    %add3A_189 = arith.addi %mul3A_187, %add3A_188 : i32
    %mul3A_190 = arith.constant 128 : i32
    %mul3A_191 = arith.muli %add3A_189, %mul3A_190 : i32
    %run_scoped3A_192 = arith.constant 0 : i32
    "tpu.region"() ({
      %run_scoped3A_194 = tpu.sem_alloc : memref<!tpu.dma_semaphore, #tpu.memory_space<semaphore_mem>>
      %dma_start3A_195 = arith.constant 0 : i32
      %dma_start3A_196 = arith.constant 0 : i32
      %dma_start3A_197 = tpu.memref_slice %arg8[%run_scoped3A_192, %dma_start3A_195, %dma_start3A_196] : memref<2x128x128xf32, #tpu.memory_space<vmem>> -> memref<1x128x128xf32, #tpu.memory_space<vmem>>
      %dma_start3A_198 = tpu.memref_squeeze %dma_start3A_197 : memref<1x128x128xf32, #tpu.memory_space<vmem>> -> memref<128x128xf32, #tpu.memory_space<vmem>>
      %dma_start3A_199 = arith.constant 0 : i32
      %dma_start3A_200 = tpu.memref_slice %arg9[%mul3A_191, %dma_start3A_199] : memref<10240x128xf32, #tpu.memory_space<vmem_shared>> -> memref<128x128xf32, #tpu.memory_space<vmem_shared>>
      %dma_start3A_201 = arith.constant 0 : i32
      %dma_start3A_202 = arith.constant 0 : i32
      %dma_start3A_203 = tpu.memref_slice %arg8[%run_scoped3A_192, %dma_start3A_201, %dma_start3A_202] : memref<2x128x128xf32, #tpu.memory_space<vmem>> -> memref<1x128x128xf32, #tpu.memory_space<vmem>>
      %dma_start3A_204 = tpu.memref_squeeze %dma_start3A_203 : memref<1x128x128xf32, #tpu.memory_space<vmem>> -> memref<128x128xf32, #tpu.memory_space<vmem>>
      %dma_start3A_205 = arith.constant 0 : i32
      %dma_start3A_206 = tpu.memref_slice %arg9[%mul3A_191, %dma_start3A_205] : memref<10240x128xf32, #tpu.memory_space<vmem_shared>> -> memref<128x128xf32, #tpu.memory_space<vmem_shared>>
      tpu.enqueue_dma source(%dma_start3A_206 : memref<128x128xf32, #tpu.memory_space<vmem_shared>>) target(%dma_start3A_204 : memref<128x128xf32, #tpu.memory_space<vmem>>) target_semaphore(%run_scoped3A_194 : memref<!tpu.dma_semaphore, #tpu.memory_space<semaphore_mem>>)
      %dma_wait3A_207 = arith.constant 0 : i32
      %dma_wait3A_208 = arith.constant 0 : i32
      %dma_wait3A_209 = tpu.memref_slice %arg8[%run_scoped3A_192, %dma_wait3A_207, %dma_wait3A_208] : memref<2x128x128xf32, #tpu.memory_space<vmem>> -> memref<1x128x128xf32, #tpu.memory_space<vmem>>
      %dma_wait3A_210 = tpu.memref_squeeze %dma_wait3A_209 : memref<1x128x128xf32, #tpu.memory_space<vmem>> -> memref<128x128xf32, #tpu.memory_space<vmem>>
      %dma_wait3A_211 = arith.constant 0 : i32
      %dma_wait3A_212 = tpu.memref_slice %arg9[%mul3A_191, %dma_wait3A_211] : memref<10240x128xf32, #tpu.memory_space<vmem_shared>> -> memref<128x128xf32, #tpu.memory_space<vmem_shared>>
      %dma_wait3A_213 = arith.constant 0 : i32
      %dma_wait3A_214 = arith.constant 0 : i32
      %dma_wait3A_215 = tpu.memref_slice %arg8[%run_scoped3A_192, %dma_wait3A_213, %dma_wait3A_214] : memref<2x128x128xf32, #tpu.memory_space<vmem>> -> memref<1x128x128xf32, #tpu.memory_space<vmem>>
      %dma_wait3A_216 = tpu.memref_squeeze %dma_wait3A_215 : memref<1x128x128xf32, #tpu.memory_space<vmem>> -> memref<128x128xf32, #tpu.memory_space<vmem>>
      %dma_wait3A_217 = arith.constant 0 : i32
      %dma_wait3A_218 = tpu.memref_slice %arg9[%mul3A_191, %dma_wait3A_217] : memref<10240x128xf32, #tpu.memory_space<vmem_shared>> -> memref<128x128xf32, #tpu.memory_space<vmem_shared>>
      tpu.wait_dma2 semaphore(%run_scoped3A_194 : memref<!tpu.dma_semaphore, #tpu.memory_space<semaphore_mem>>) src(%dma_wait3A_218 : memref<128x128xf32, #tpu.memory_space<vmem_shared>>) dst(%dma_wait3A_216 : memref<128x128xf32, #tpu.memory_space<vmem>>)
      tpu.yield
    }) : () -> ()
    %run_scoped3A_193 = arith.constant 0 : i32
    "tpu.region"() ({
      %run_scoped3A_194 = tpu.sem_alloc : memref<!tpu.dma_semaphore, #tpu.memory_space<semaphore_mem>>
      %dma_start3A_195 = arith.constant 0 : i32
      %dma_start3A_196 = arith.constant 0 : i32
      %dma_start3A_197 = tpu.memref_slice %arg8[%run_scoped3A_193, %dma_start3A_195, %dma_start3A_196] : memref<2x128x128xf32, #tpu.memory_space<vmem>> -> memref<1x128x128xf32, #tpu.memory_space<vmem>>
      %dma_start3A_198 = tpu.memref_squeeze %dma_start3A_197 : memref<1x128x128xf32, #tpu.memory_space<vmem>> -> memref<128x128xf32, #tpu.memory_space<vmem>>
      %dma_start3A_199 = arith.constant 0 : i32
      %dma_start3A_200 = tpu.memref_slice %arg5[%arg0, %mul3A_191, %dma_start3A_199] : memref<2x10240x128xf32, #tpu.memory_space<hbm>> -> memref<1x128x128xf32, #tpu.memory_space<hbm>>
      %dma_start3A_201 = tpu.memref_squeeze %dma_start3A_200 : memref<1x128x128xf32, #tpu.memory_space<hbm>> -> memref<128x128xf32, #tpu.memory_space<hbm>>
      %dma_start3A_202 = arith.constant 0 : i32
      %dma_start3A_203 = tpu.memref_slice %arg5[%arg0, %mul3A_191, %dma_start3A_202] : memref<2x10240x128xf32, #tpu.memory_space<hbm>> -> memref<1x128x128xf32, #tpu.memory_space<hbm>>
      %dma_start3A_204 = tpu.memref_squeeze %dma_start3A_203 : memref<1x128x128xf32, #tpu.memory_space<hbm>> -> memref<128x128xf32, #tpu.memory_space<hbm>>
      %dma_start3A_205 = arith.constant 0 : i32
      %dma_start3A_206 = arith.constant 0 : i32
      %dma_start3A_207 = tpu.memref_slice %arg8[%run_scoped3A_193, %dma_start3A_205, %dma_start3A_206] : memref<2x128x128xf32, #tpu.memory_space<vmem>> -> memref<1x128x128xf32, #tpu.memory_space<vmem>>
      %dma_start3A_208 = tpu.memref_squeeze %dma_start3A_207 : memref<1x128x128xf32, #tpu.memory_space<vmem>> -> memref<128x128xf32, #tpu.memory_space<vmem>>
      tpu.enqueue_dma source(%dma_start3A_208 : memref<128x128xf32, #tpu.memory_space<vmem>>) target(%dma_start3A_204 : memref<128x128xf32, #tpu.memory_space<hbm>>) target_semaphore(%run_scoped3A_194 : memref<!tpu.dma_semaphore, #tpu.memory_space<semaphore_mem>>)
      %dma_wait3A_209 = arith.constant 0 : i32
      %dma_wait3A_210 = arith.constant 0 : i32
      %dma_wait3A_211 = tpu.memref_slice %arg8[%run_scoped3A_193, %dma_wait3A_209, %dma_wait3A_210] : memref<2x128x128xf32, #tpu.memory_space<vmem>> -> memref<1x128x128xf32, #tpu.memory_space<vmem>>
      %dma_wait3A_212 = tpu.memref_squeeze %dma_wait3A_211 : memref<1x128x128xf32, #tpu.memory_space<vmem>> -> memref<128x128xf32, #tpu.memory_space<vmem>>
      %dma_wait3A_213 = arith.constant 0 : i32
      %dma_wait3A_214 = tpu.memref_slice %arg5[%arg0, %mul3A_191, %dma_wait3A_213] : memref<2x10240x128xf32, #tpu.memory_space<hbm>> -> memref<1x128x128xf32, #tpu.memory_space<hbm>>
      %dma_wait3A_215 = tpu.memref_squeeze %dma_wait3A_214 : memref<1x128x128xf32, #tpu.memory_space<hbm>> -> memref<128x128xf32, #tpu.memory_space<hbm>>
      %dma_wait3A_216 = arith.constant 0 : i32
      %dma_wait3A_217 = tpu.memref_slice %arg5[%arg0, %mul3A_191, %dma_wait3A_216] : memref<2x10240x128xf32, #tpu.memory_space<hbm>> -> memref<1x128x128xf32, #tpu.memory_space<hbm>>
      %dma_wait3A_218 = tpu.memref_squeeze %dma_wait3A_217 : memref<1x128x128xf32, #tpu.memory_space<hbm>> -> memref<128x128xf32, #tpu.memory_space<hbm>>
      %dma_wait3A_219 = arith.constant 0 : i32
      %dma_wait3A_220 = arith.constant 0 : i32
      %dma_wait3A_221 = tpu.memref_slice %arg8[%run_scoped3A_193, %dma_wait3A_219, %dma_wait3A_220] : memref<2x128x128xf32, #tpu.memory_space<vmem>> -> memref<1x128x128xf32, #tpu.memory_space<vmem>>
      %dma_wait3A_222 = tpu.memref_squeeze %dma_wait3A_221 : memref<1x128x128xf32, #tpu.memory_space<vmem>> -> memref<128x128xf32, #tpu.memory_space<vmem>>
      tpu.wait_dma2 semaphore(%run_scoped3A_194 : memref<!tpu.dma_semaphore, #tpu.memory_space<semaphore_mem>>) src(%dma_wait3A_222 : memref<128x128xf32, #tpu.memory_space<vmem>>) dst(%dma_wait3A_218 : memref<128x128xf32, #tpu.memory_space<hbm>>)
      tpu.yield
    }) : () -> ()
    return
  }
}

#map = affine_map<(d0, d1) -> (0, 0)>
#map1 = affine_map<(d0, d1) -> (0, 0, 0)>
module attributes {stable_mosaic.version = 14 : i64} {
  func.func @k(%arg0: i32, %arg1: i32, %arg2: memref<2560x128xi32, #tpu.memory_space<hbm>>, %arg3: memref<2560x128xi32, #tpu.memory_space<hbm>>, %arg4: memref<10240x128xf32, #tpu.memory_space<hbm>>, %arg5: memref<2x10240x128xf32, #tpu.memory_space<hbm>>, %arg6: memref<2x2x128xi32, #tpu.memory_space<vmem>>, %arg7: memref<2x2x128xi32, #tpu.memory_space<vmem>>, %arg8: memref<2x128x128xf32, #tpu.memory_space<vmem>>, %arg9: memref<10240x128xf32, #tpu.memory_space<vmem_shared>>, %arg10: memref<!tpu.dma_semaphore, #tpu.memory_space<semaphore_mem>>, %arg11: memref<!tpu.dma_semaphore, #tpu.memory_space<semaphore_mem>>, %arg12: memref<!tpu.dma_semaphore, #tpu.memory_space<semaphore_mem>>, %arg13: memref<!tpu.dma_semaphore, #tpu.memory_space<semaphore_mem>>, %arg14: memref<!tpu.dma_semaphore, #tpu.memory_space<semaphore_mem>>, %arg15: memref<!tpu.dma_semaphore, #tpu.memory_space<semaphore_mem>>) attributes {dimension_semantics = [#tpu.dimension_semantics<core_parallel>, #tpu.dimension_semantics<subcore_parallel>], iteration_bounds = array<i64: 2, 16>, scalar_prefetch = 0 : i64, scratch_operands = 10 : i64, tpu.core_type = #tpu.core_type<sc_vector_subcore>, window_params = [{transform_indices = #map}, {transform_indices = #map}, {transform_indices = #map}, {transform_indices = #map1}]} {
    %mul3A = arith.constant 2 : i32
    %mul3A_0 = arith.muli %arg1, %mul3A : i32
    %add3A = arith.addi %mul3A_0, %arg0 : i32
    %mul3A_1 = arith.constant 80 : i32
    %mul3A_2 = arith.muli %add3A, %mul3A_1 : i32
    %scan3A = arith.constant 0 : i32
    %scan3A_3 = arith.constant 0 : i32
    %scan3A_4 = arith.constant 128 : i32
    %scan3A_5 = arith.addi %scan3A_3, %scan3A_4 : i32
    %scan3A_6 = arith.constant 1 : i32
    %scan3A_7 = scf.for %scan3A_194 = %scan3A_3 to %scan3A_5 step %scan3A_6 iter_args(%scan3A_195 = %scan3A) -> (i32)  : i32 {
      %broadcast_in_dim3A = arith.constant 0.000000e+00 : f32
      %broadcast_in_dim3A_196 = vector.broadcast %broadcast_in_dim3A : f32 to vector<16xf32>
      %swap3A = arith.constant 0 : i32
      %swap3A_197 = arith.index_cast %swap3A : i32 to index
      %swap3A_198 = arith.index_cast %scan3A_194 : i32 to index
      %swap3A_199 = arith.constant 0 : index
      %swap3A_200 = tpu.vector_load %arg8[%swap3A_197, %swap3A_198, %swap3A_199] {strides = array<i32>} : memref<2x128x128xf32, #tpu.memory_space<vmem>>, vector<1x1x16xf32>,
      %swap3A_201 = vector.shape_cast %swap3A_200 : vector<1x1x16xf32> to vector<16xf32>
      %swap3A_202 = vector.shape_cast %broadcast_in_dim3A_196 : vector<16xf32> to vector<1x1x16xf32>
      tpu.vector_store %arg8[%swap3A_197, %swap3A_198, %swap3A_199], %swap3A_202 {strides = array<i32>} : memref<2x128x128xf32, #tpu.memory_space<vmem>>, vector<1x1x16xf32>,
      %broadcast_in_dim3A_203 = arith.constant 0.000000e+00 : f32
      %broadcast_in_dim3A_204 = vector.broadcast %broadcast_in_dim3A_203 : f32 to vector<16xf32>
      %swap3A_205 = arith.constant 0 : i32
      %swap3A_206 = arith.index_cast %swap3A_205 : i32 to index
      %swap3A_207 = arith.index_cast %scan3A_194 : i32 to index
      %swap3A_208 = arith.constant 16 : index
      %swap3A_209 = tpu.vector_load %arg8[%swap3A_206, %swap3A_207, %swap3A_208] {strides = array<i32>} : memref<2x128x128xf32, #tpu.memory_space<vmem>>, vector<1x1x16xf32>,
      %swap3A_210 = vector.shape_cast %swap3A_209 : vector<1x1x16xf32> to vector<16xf32>
      %swap3A_211 = vector.shape_cast %broadcast_in_dim3A_204 : vector<16xf32> to vector<1x1x16xf32>
      tpu.vector_store %arg8[%swap3A_206, %swap3A_207, %swap3A_208], %swap3A_211 {strides = array<i32>} : memref<2x128x128xf32, #tpu.memory_space<vmem>>, vector<1x1x16xf32>,
      %broadcast_in_dim3A_212 = arith.constant 0.000000e+00 : f32
      %broadcast_in_dim3A_213 = vector.broadcast %broadcast_in_dim3A_212 : f32 to vector<16xf32>
      %swap3A_214 = arith.constant 0 : i32
      %swap3A_215 = arith.index_cast %swap3A_214 : i32 to index
      %swap3A_216 = arith.index_cast %scan3A_194 : i32 to index
      %swap3A_217 = arith.constant 32 : index
      %swap3A_218 = tpu.vector_load %arg8[%swap3A_215, %swap3A_216, %swap3A_217] {strides = array<i32>} : memref<2x128x128xf32, #tpu.memory_space<vmem>>, vector<1x1x16xf32>,
      %swap3A_219 = vector.shape_cast %swap3A_218 : vector<1x1x16xf32> to vector<16xf32>
      %swap3A_220 = vector.shape_cast %broadcast_in_dim3A_213 : vector<16xf32> to vector<1x1x16xf32>
      tpu.vector_store %arg8[%swap3A_215, %swap3A_216, %swap3A_217], %swap3A_220 {strides = array<i32>} : memref<2x128x128xf32, #tpu.memory_space<vmem>>, vector<1x1x16xf32>,
      %broadcast_in_dim3A_221 = arith.constant 0.000000e+00 : f32
      %broadcast_in_dim3A_222 = vector.broadcast %broadcast_in_dim3A_221 : f32 to vector<16xf32>
      %swap3A_223 = arith.constant 0 : i32
      %swap3A_224 = arith.index_cast %swap3A_223 : i32 to index
      %swap3A_225 = arith.index_cast %scan3A_194 : i32 to index
      %swap3A_226 = arith.constant 48 : index
      %swap3A_227 = tpu.vector_load %arg8[%swap3A_224, %swap3A_225, %swap3A_226] {strides = array<i32>} : memref<2x128x128xf32, #tpu.memory_space<vmem>>, vector<1x1x16xf32>,
      %swap3A_228 = vector.shape_cast %swap3A_227 : vector<1x1x16xf32> to vector<16xf32>
      %swap3A_229 = vector.shape_cast %broadcast_in_dim3A_222 : vector<16xf32> to vector<1x1x16xf32>
      tpu.vector_store %arg8[%swap3A_224, %swap3A_225, %swap3A_226], %swap3A_229 {strides = array<i32>} : memref<2x128x128xf32, #tpu.memory_space<vmem>>, vector<1x1x16xf32>,
      %broadcast_in_dim3A_230 = arith.constant 0.000000e+00 : f32
      %broadcast_in_dim3A_231 = vector.broadcast %broadcast_in_dim3A_230 : f32 to vector<16xf32>
      %swap3A_232 = arith.constant 0 : i32
      %swap3A_233 = arith.index_cast %swap3A_232 : i32 to index
      %swap3A_234 = arith.index_cast %scan3A_194 : i32 to index
      %swap3A_235 = arith.constant 64 : index
      %swap3A_236 = tpu.vector_load %arg8[%swap3A_233, %swap3A_234, %swap3A_235] {strides = array<i32>} : memref<2x128x128xf32, #tpu.memory_space<vmem>>, vector<1x1x16xf32>,
      %swap3A_237 = vector.shape_cast %swap3A_236 : vector<1x1x16xf32> to vector<16xf32>
      %swap3A_238 = vector.shape_cast %broadcast_in_dim3A_231 : vector<16xf32> to vector<1x1x16xf32>
      tpu.vector_store %arg8[%swap3A_233, %swap3A_234, %swap3A_235], %swap3A_238 {strides = array<i32>} : memref<2x128x128xf32, #tpu.memory_space<vmem>>, vector<1x1x16xf32>,
      %broadcast_in_dim3A_239 = arith.constant 0.000000e+00 : f32
      %broadcast_in_dim3A_240 = vector.broadcast %broadcast_in_dim3A_239 : f32 to vector<16xf32>
      %swap3A_241 = arith.constant 0 : i32
      %swap3A_242 = arith.index_cast %swap3A_241 : i32 to index
      %swap3A_243 = arith.index_cast %scan3A_194 : i32 to index
      %swap3A_244 = arith.constant 80 : index
      %swap3A_245 = tpu.vector_load %arg8[%swap3A_242, %swap3A_243, %swap3A_244] {strides = array<i32>} : memref<2x128x128xf32, #tpu.memory_space<vmem>>, vector<1x1x16xf32>,
      %swap3A_246 = vector.shape_cast %swap3A_245 : vector<1x1x16xf32> to vector<16xf32>
      %swap3A_247 = vector.shape_cast %broadcast_in_dim3A_240 : vector<16xf32> to vector<1x1x16xf32>
      tpu.vector_store %arg8[%swap3A_242, %swap3A_243, %swap3A_244], %swap3A_247 {strides = array<i32>} : memref<2x128x128xf32, #tpu.memory_space<vmem>>, vector<1x1x16xf32>,
      %broadcast_in_dim3A_248 = arith.constant 0.000000e+00 : f32
      %broadcast_in_dim3A_249 = vector.broadcast %broadcast_in_dim3A_248 : f32 to vector<16xf32>
      %swap3A_250 = arith.constant 0 : i32
      %swap3A_251 = arith.index_cast %swap3A_250 : i32 to index
      %swap3A_252 = arith.index_cast %scan3A_194 : i32 to index
      %swap3A_253 = arith.constant 96 : index
      %swap3A_254 = tpu.vector_load %arg8[%swap3A_251, %swap3A_252, %swap3A_253] {strides = array<i32>} : memref<2x128x128xf32, #tpu.memory_space<vmem>>, vector<1x1x16xf32>,
      %swap3A_255 = vector.shape_cast %swap3A_254 : vector<1x1x16xf32> to vector<16xf32>
      %swap3A_256 = vector.shape_cast %broadcast_in_dim3A_249 : vector<16xf32> to vector<1x1x16xf32>
      tpu.vector_store %arg8[%swap3A_251, %swap3A_252, %swap3A_253], %swap3A_256 {strides = array<i32>} : memref<2x128x128xf32, #tpu.memory_space<vmem>>, vector<1x1x16xf32>,
      %broadcast_in_dim3A_257 = arith.constant 0.000000e+00 : f32
      %broadcast_in_dim3A_258 = vector.broadcast %broadcast_in_dim3A_257 : f32 to vector<16xf32>
      %swap3A_259 = arith.constant 0 : i32
      %swap3A_260 = arith.index_cast %swap3A_259 : i32 to index
      %swap3A_261 = arith.index_cast %scan3A_194 : i32 to index
      %swap3A_262 = arith.constant 112 : index
      %swap3A_263 = tpu.vector_load %arg8[%swap3A_260, %swap3A_261, %swap3A_262] {strides = array<i32>} : memref<2x128x128xf32, #tpu.memory_space<vmem>>, vector<1x1x16xf32>,
      %swap3A_264 = vector.shape_cast %swap3A_263 : vector<1x1x16xf32> to vector<16xf32>
      %swap3A_265 = vector.shape_cast %broadcast_in_dim3A_258 : vector<16xf32> to vector<1x1x16xf32>
      tpu.vector_store %arg8[%swap3A_260, %swap3A_261, %swap3A_262], %swap3A_265 {strides = array<i32>} : memref<2x128x128xf32, #tpu.memory_space<vmem>>, vector<1x1x16xf32>,
      %scan3A_266 = arith.constant 0 : i32
      scf.yield %scan3A_266 : i32
    }
    %scan3A_8 = arith.constant 128 : i32
    %mul3A_9 = arith.constant 5 : i32
    %mul3A_10 = arith.muli %arg1, %mul3A_9 : i32
    %add3A_11 = arith.constant 0 : i32
    %add3A_12 = arith.addi %mul3A_10, %add3A_11 : i32
    %mul3A_13 = arith.constant 128 : i32
    %mul3A_14 = arith.muli %add3A_12, %mul3A_13 : i32
    %run_scoped3A = arith.constant 0 : i32
    "tpu.region"() ({
      %run_scoped3A_194 = tpu.sem_alloc : memref<!tpu.dma_semaphore, #tpu.memory_space<semaphore_mem>>
      %dma_start3A_195 = arith.constant 0 : i32
      %dma_start3A_196 = arith.constant 0 : i32
      %dma_start3A_197 = tpu.memref_slice %arg8[%run_scoped3A, %dma_start3A_195, %dma_start3A_196] : memref<2x128x128xf32, #tpu.memory_space<vmem>> -> memref<1x128x128xf32, #tpu.memory_space<vmem>>
      %dma_start3A_198 = tpu.memref_squeeze %dma_start3A_197 : memref<1x128x128xf32, #tpu.memory_space<vmem>> -> memref<128x128xf32, #tpu.memory_space<vmem>>
      %dma_start3A_199 = arith.constant 0 : i32
      %dma_start3A_200 = tpu.memref_slice %arg9[%mul3A_14, %dma_start3A_199] : memref<10240x128xf32, #tpu.memory_space<vmem_shared>> -> memref<128x128xf32, #tpu.memory_space<vmem_shared>>
      %dma_start3A_201 = arith.constant 0 : i32
      %dma_start3A_202 = tpu.memref_slice %arg9[%mul3A_14, %dma_start3A_201] : memref<10240x128xf32, #tpu.memory_space<vmem_shared>> -> memref<128x128xf32, #tpu.memory_space<vmem_shared>>
      %dma_start3A_203 = arith.constant 0 : i32
      %dma_start3A_204 = arith.constant 0 : i32
      %dma_start3A_205 = tpu.memref_slice %arg8[%run_scoped3A, %dma_start3A_203, %dma_start3A_204] : memref<2x128x128xf32, #tpu.memory_space<vmem>> -> memref<1x128x128xf32, #tpu.memory_space<vmem>>
      %dma_start3A_206 = tpu.memref_squeeze %dma_start3A_205 : memref<1x128x128xf32, #tpu.memory_space<vmem>> -> memref<128x128xf32, #tpu.memory_space<vmem>>
      tpu.enqueue_dma source(%dma_start3A_206 : memref<128x128xf32, #tpu.memory_space<vmem>>) target(%dma_start3A_202 : memref<128x128xf32, #tpu.memory_space<vmem_shared>>) target_semaphore(%run_scoped3A_194 : memref<!tpu.dma_semaphore, #tpu.memory_space<semaphore_mem>>)
      %dma_wait3A_207 = arith.constant 0 : i32
      %dma_wait3A_208 = arith.constant 0 : i32
      %dma_wait3A_209 = tpu.memref_slice %arg8[%run_scoped3A, %dma_wait3A_207, %dma_wait3A_208] : memref<2x128x128xf32, #tpu.memory_space<vmem>> -> memref<1x128x128xf32, #tpu.memory_space<vmem>>
      %dma_wait3A_210 = tpu.memref_squeeze %dma_wait3A_209 : memref<1x128x128xf32, #tpu.memory_space<vmem>> -> memref<128x128xf32, #tpu.memory_space<vmem>>
      %dma_wait3A_211 = arith.constant 0 : i32
      %dma_wait3A_212 = tpu.memref_slice %arg9[%mul3A_14, %dma_wait3A_211] : memref<10240x128xf32, #tpu.memory_space<vmem_shared>> -> memref<128x128xf32, #tpu.memory_space<vmem_shared>>
      %dma_wait3A_213 = arith.constant 0 : i32
      %dma_wait3A_214 = tpu.memref_slice %arg9[%mul3A_14, %dma_wait3A_213] : memref<10240x128xf32, #tpu.memory_space<vmem_shared>> -> memref<128x128xf32, #tpu.memory_space<vmem_shared>>
      %dma_wait3A_215 = arith.constant 0 : i32
      %dma_wait3A_216 = arith.constant 0 : i32
      %dma_wait3A_217 = tpu.memref_slice %arg8[%run_scoped3A, %dma_wait3A_215, %dma_wait3A_216] : memref<2x128x128xf32, #tpu.memory_space<vmem>> -> memref<1x128x128xf32, #tpu.memory_space<vmem>>
      %dma_wait3A_218 = tpu.memref_squeeze %dma_wait3A_217 : memref<1x128x128xf32, #tpu.memory_space<vmem>> -> memref<128x128xf32, #tpu.memory_space<vmem>>
      tpu.wait_dma2 semaphore(%run_scoped3A_194 : memref<!tpu.dma_semaphore, #tpu.memory_space<semaphore_mem>>) src(%dma_wait3A_218 : memref<128x128xf32, #tpu.memory_space<vmem>>) dst(%dma_wait3A_214 : memref<128x128xf32, #tpu.memory_space<vmem_shared>>)
      tpu.yield
    }) : () -> ()
    %mul3A_15 = arith.constant 5 : i32
    %mul3A_16 = arith.muli %arg1, %mul3A_15 : i32
    %add3A_17 = arith.constant 1 : i32
    %add3A_18 = arith.addi %mul3A_16, %add3A_17 : i32
    %mul3A_19 = arith.constant 128 : i32
    %mul3A_20 = arith.muli %add3A_18, %mul3A_19 : i32
    %run_scoped3A_21 = arith.constant 0 : i32
    "tpu.region"() ({
      %run_scoped3A_194 = tpu.sem_alloc : memref<!tpu.dma_semaphore, #tpu.memory_space<semaphore_mem>>
      %dma_start3A_195 = arith.constant 0 : i32
      %dma_start3A_196 = arith.constant 0 : i32
      %dma_start3A_197 = tpu.memref_slice %arg8[%run_scoped3A_21, %dma_start3A_195, %dma_start3A_196] : memref<2x128x128xf32, #tpu.memory_space<vmem>> -> memref<1x128x128xf32, #tpu.memory_space<vmem>>
      %dma_start3A_198 = tpu.memref_squeeze %dma_start3A_197 : memref<1x128x128xf32, #tpu.memory_space<vmem>> -> memref<128x128xf32, #tpu.memory_space<vmem>>
      %dma_start3A_199 = arith.constant 0 : i32
      %dma_start3A_200 = tpu.memref_slice %arg9[%mul3A_20, %dma_start3A_199] : memref<10240x128xf32, #tpu.memory_space<vmem_shared>> -> memref<128x128xf32, #tpu.memory_space<vmem_shared>>
      %dma_start3A_201 = arith.constant 0 : i32
      %dma_start3A_202 = tpu.memref_slice %arg9[%mul3A_20, %dma_start3A_201] : memref<10240x128xf32, #tpu.memory_space<vmem_shared>> -> memref<128x128xf32, #tpu.memory_space<vmem_shared>>
      %dma_start3A_203 = arith.constant 0 : i32
      %dma_start3A_204 = arith.constant 0 : i32
      %dma_start3A_205 = tpu.memref_slice %arg8[%run_scoped3A_21, %dma_start3A_203, %dma_start3A_204] : memref<2x128x128xf32, #tpu.memory_space<vmem>> -> memref<1x128x128xf32, #tpu.memory_space<vmem>>
      %dma_start3A_206 = tpu.memref_squeeze %dma_start3A_205 : memref<1x128x128xf32, #tpu.memory_space<vmem>> -> memref<128x128xf32, #tpu.memory_space<vmem>>
      tpu.enqueue_dma source(%dma_start3A_206 : memref<128x128xf32, #tpu.memory_space<vmem>>) target(%dma_start3A_202 : memref<128x128xf32, #tpu.memory_space<vmem_shared>>) target_semaphore(%run_scoped3A_194 : memref<!tpu.dma_semaphore, #tpu.memory_space<semaphore_mem>>)
      %dma_wait3A_207 = arith.constant 0 : i32
      %dma_wait3A_208 = arith.constant 0 : i32
      %dma_wait3A_209 = tpu.memref_slice %arg8[%run_scoped3A_21, %dma_wait3A_207, %dma_wait3A_208] : memref<2x128x128xf32, #tpu.memory_space<vmem>> -> memref<1x128x128xf32, #tpu.memory_space<vmem>>
      %dma_wait3A_210 = tpu.memref_squeeze %dma_wait3A_209 : memref<1x128x128xf32, #tpu.memory_space<vmem>> -> memref<128x128xf32, #tpu.memory_space<vmem>>
      %dma_wait3A_211 = arith.constant 0 : i32
      %dma_wait3A_212 = tpu.memref_slice %arg9[%mul3A_20, %dma_wait3A_211] : memref<10240x128xf32, #tpu.memory_space<vmem_shared>> -> memref<128x128xf32, #tpu.memory_space<vmem_shared>>
      %dma_wait3A_213 = arith.constant 0 : i32
      %dma_wait3A_214 = tpu.memref_slice %arg9[%mul3A_20, %dma_wait3A_213] : memref<10240x128xf32, #tpu.memory_space<vmem_shared>> -> memref<128x128xf32, #tpu.memory_space<vmem_shared>>
      %dma_wait3A_215 = arith.constant 0 : i32
      %dma_wait3A_216 = arith.constant 0 : i32
      %dma_wait3A_217 = tpu.memref_slice %arg8[%run_scoped3A_21, %dma_wait3A_215, %dma_wait3A_216] : memref<2x128x128xf32, #tpu.memory_space<vmem>> -> memref<1x128x128xf32, #tpu.memory_space<vmem>>
      %dma_wait3A_218 = tpu.memref_squeeze %dma_wait3A_217 : memref<1x128x128xf32, #tpu.memory_space<vmem>> -> memref<128x128xf32, #tpu.memory_space<vmem>>
      tpu.wait_dma2 semaphore(%run_scoped3A_194 : memref<!tpu.dma_semaphore, #tpu.memory_space<semaphore_mem>>) src(%dma_wait3A_218 : memref<128x128xf32, #tpu.memory_space<vmem>>) dst(%dma_wait3A_214 : memref<128x128xf32, #tpu.memory_space<vmem_shared>>)
      tpu.yield
    }) : () -> ()
    %mul3A_22 = arith.constant 5 : i32
    %mul3A_23 = arith.muli %arg1, %mul3A_22 : i32
    %add3A_24 = arith.constant 2 : i32
    %add3A_25 = arith.addi %mul3A_23, %add3A_24 : i32
    %mul3A_26 = arith.constant 128 : i32
    %mul3A_27 = arith.muli %add3A_25, %mul3A_26 : i32
    %run_scoped3A_28 = arith.constant 0 : i32
    "tpu.region"() ({
      %run_scoped3A_194 = tpu.sem_alloc : memref<!tpu.dma_semaphore, #tpu.memory_space<semaphore_mem>>
      %dma_start3A_195 = arith.constant 0 : i32
      %dma_start3A_196 = arith.constant 0 : i32
      %dma_start3A_197 = tpu.memref_slice %arg8[%run_scoped3A_28, %dma_start3A_195, %dma_start3A_196] : memref<2x128x128xf32, #tpu.memory_space<vmem>> -> memref<1x128x128xf32, #tpu.memory_space<vmem>>
      %dma_start3A_198 = tpu.memref_squeeze %dma_start3A_197 : memref<1x128x128xf32, #tpu.memory_space<vmem>> -> memref<128x128xf32, #tpu.memory_space<vmem>>
      %dma_start3A_199 = arith.constant 0 : i32
      %dma_start3A_200 = tpu.memref_slice %arg9[%mul3A_27, %dma_start3A_199] : memref<10240x128xf32, #tpu.memory_space<vmem_shared>> -> memref<128x128xf32, #tpu.memory_space<vmem_shared>>
      %dma_start3A_201 = arith.constant 0 : i32
      %dma_start3A_202 = tpu.memref_slice %arg9[%mul3A_27, %dma_start3A_201] : memref<10240x128xf32, #tpu.memory_space<vmem_shared>> -> memref<128x128xf32, #tpu.memory_space<vmem_shared>>
      %dma_start3A_203 = arith.constant 0 : i32
      %dma_start3A_204 = arith.constant 0 : i32
      %dma_start3A_205 = tpu.memref_slice %arg8[%run_scoped3A_28, %dma_start3A_203, %dma_start3A_204] : memref<2x128x128xf32, #tpu.memory_space<vmem>> -> memref<1x128x128xf32, #tpu.memory_space<vmem>>
      %dma_start3A_206 = tpu.memref_squeeze %dma_start3A_205 : memref<1x128x128xf32, #tpu.memory_space<vmem>> -> memref<128x128xf32, #tpu.memory_space<vmem>>
      tpu.enqueue_dma source(%dma_start3A_206 : memref<128x128xf32, #tpu.memory_space<vmem>>) target(%dma_start3A_202 : memref<128x128xf32, #tpu.memory_space<vmem_shared>>) target_semaphore(%run_scoped3A_194 : memref<!tpu.dma_semaphore, #tpu.memory_space<semaphore_mem>>)
      %dma_wait3A_207 = arith.constant 0 : i32
      %dma_wait3A_208 = arith.constant 0 : i32
      %dma_wait3A_209 = tpu.memref_slice %arg8[%run_scoped3A_28, %dma_wait3A_207, %dma_wait3A_208] : memref<2x128x128xf32, #tpu.memory_space<vmem>> -> memref<1x128x128xf32, #tpu.memory_space<vmem>>
      %dma_wait3A_210 = tpu.memref_squeeze %dma_wait3A_209 : memref<1x128x128xf32, #tpu.memory_space<vmem>> -> memref<128x128xf32, #tpu.memory_space<vmem>>
      %dma_wait3A_211 = arith.constant 0 : i32
      %dma_wait3A_212 = tpu.memref_slice %arg9[%mul3A_27, %dma_wait3A_211] : memref<10240x128xf32, #tpu.memory_space<vmem_shared>> -> memref<128x128xf32, #tpu.memory_space<vmem_shared>>
      %dma_wait3A_213 = arith.constant 0 : i32
      %dma_wait3A_214 = tpu.memref_slice %arg9[%mul3A_27, %dma_wait3A_213] : memref<10240x128xf32, #tpu.memory_space<vmem_shared>> -> memref<128x128xf32, #tpu.memory_space<vmem_shared>>
      %dma_wait3A_215 = arith.constant 0 : i32
      %dma_wait3A_216 = arith.constant 0 : i32
      %dma_wait3A_217 = tpu.memref_slice %arg8[%run_scoped3A_28, %dma_wait3A_215, %dma_wait3A_216] : memref<2x128x128xf32, #tpu.memory_space<vmem>> -> memref<1x128x128xf32, #tpu.memory_space<vmem>>
      %dma_wait3A_218 = tpu.memref_squeeze %dma_wait3A_217 : memref<1x128x128xf32, #tpu.memory_space<vmem>> -> memref<128x128xf32, #tpu.memory_space<vmem>>
      tpu.wait_dma2 semaphore(%run_scoped3A_194 : memref<!tpu.dma_semaphore, #tpu.memory_space<semaphore_mem>>) src(%dma_wait3A_218 : memref<128x128xf32, #tpu.memory_space<vmem>>) dst(%dma_wait3A_214 : memref<128x128xf32, #tpu.memory_space<vmem_shared>>)
      tpu.yield
    }) : () -> ()
    %mul3A_29 = arith.constant 5 : i32
    %mul3A_30 = arith.muli %arg1, %mul3A_29 : i32
    %add3A_31 = arith.constant 3 : i32
    %add3A_32 = arith.addi %mul3A_30, %add3A_31 : i32
    %mul3A_33 = arith.constant 128 : i32
    %mul3A_34 = arith.muli %add3A_32, %mul3A_33 : i32
    %run_scoped3A_35 = arith.constant 0 : i32
    "tpu.region"() ({
      %run_scoped3A_194 = tpu.sem_alloc : memref<!tpu.dma_semaphore, #tpu.memory_space<semaphore_mem>>
      %dma_start3A_195 = arith.constant 0 : i32
      %dma_start3A_196 = arith.constant 0 : i32
      %dma_start3A_197 = tpu.memref_slice %arg8[%run_scoped3A_35, %dma_start3A_195, %dma_start3A_196] : memref<2x128x128xf32, #tpu.memory_space<vmem>> -> memref<1x128x128xf32, #tpu.memory_space<vmem>>
      %dma_start3A_198 = tpu.memref_squeeze %dma_start3A_197 : memref<1x128x128xf32, #tpu.memory_space<vmem>> -> memref<128x128xf32, #tpu.memory_space<vmem>>
      %dma_start3A_199 = arith.constant 0 : i32
      %dma_start3A_200 = tpu.memref_slice %arg9[%mul3A_34, %dma_start3A_199] : memref<10240x128xf32, #tpu.memory_space<vmem_shared>> -> memref<128x128xf32, #tpu.memory_space<vmem_shared>>
      %dma_start3A_201 = arith.constant 0 : i32
      %dma_start3A_202 = tpu.memref_slice %arg9[%mul3A_34, %dma_start3A_201] : memref<10240x128xf32, #tpu.memory_space<vmem_shared>> -> memref<128x128xf32, #tpu.memory_space<vmem_shared>>
      %dma_start3A_203 = arith.constant 0 : i32
      %dma_start3A_204 = arith.constant 0 : i32
      %dma_start3A_205 = tpu.memref_slice %arg8[%run_scoped3A_35, %dma_start3A_203, %dma_start3A_204] : memref<2x128x128xf32, #tpu.memory_space<vmem>> -> memref<1x128x128xf32, #tpu.memory_space<vmem>>
      %dma_start3A_206 = tpu.memref_squeeze %dma_start3A_205 : memref<1x128x128xf32, #tpu.memory_space<vmem>> -> memref<128x128xf32, #tpu.memory_space<vmem>>
      tpu.enqueue_dma source(%dma_start3A_206 : memref<128x128xf32, #tpu.memory_space<vmem>>) target(%dma_start3A_202 : memref<128x128xf32, #tpu.memory_space<vmem_shared>>) target_semaphore(%run_scoped3A_194 : memref<!tpu.dma_semaphore, #tpu.memory_space<semaphore_mem>>)
      %dma_wait3A_207 = arith.constant 0 : i32
      %dma_wait3A_208 = arith.constant 0 : i32
      %dma_wait3A_209 = tpu.memref_slice %arg8[%run_scoped3A_35, %dma_wait3A_207, %dma_wait3A_208] : memref<2x128x128xf32, #tpu.memory_space<vmem>> -> memref<1x128x128xf32, #tpu.memory_space<vmem>>
      %dma_wait3A_210 = tpu.memref_squeeze %dma_wait3A_209 : memref<1x128x128xf32, #tpu.memory_space<vmem>> -> memref<128x128xf32, #tpu.memory_space<vmem>>
      %dma_wait3A_211 = arith.constant 0 : i32
      %dma_wait3A_212 = tpu.memref_slice %arg9[%mul3A_34, %dma_wait3A_211] : memref<10240x128xf32, #tpu.memory_space<vmem_shared>> -> memref<128x128xf32, #tpu.memory_space<vmem_shared>>
      %dma_wait3A_213 = arith.constant 0 : i32
      %dma_wait3A_214 = tpu.memref_slice %arg9[%mul3A_34, %dma_wait3A_213] : memref<10240x128xf32, #tpu.memory_space<vmem_shared>> -> memref<128x128xf32, #tpu.memory_space<vmem_shared>>
      %dma_wait3A_215 = arith.constant 0 : i32
      %dma_wait3A_216 = arith.constant 0 : i32
      %dma_wait3A_217 = tpu.memref_slice %arg8[%run_scoped3A_35, %dma_wait3A_215, %dma_wait3A_216] : memref<2x128x128xf32, #tpu.memory_space<vmem>> -> memref<1x128x128xf32, #tpu.memory_space<vmem>>
      %dma_wait3A_218 = tpu.memref_squeeze %dma_wait3A_217 : memref<1x128x128xf32, #tpu.memory_space<vmem>> -> memref<128x128xf32, #tpu.memory_space<vmem>>
      tpu.wait_dma2 semaphore(%run_scoped3A_194 : memref<!tpu.dma_semaphore, #tpu.memory_space<semaphore_mem>>) src(%dma_wait3A_218 : memref<128x128xf32, #tpu.memory_space<vmem>>) dst(%dma_wait3A_214 : memref<128x128xf32, #tpu.memory_space<vmem_shared>>)
      tpu.yield
    }) : () -> ()
    %mul3A_36 = arith.constant 5 : i32
    %mul3A_37 = arith.muli %arg1, %mul3A_36 : i32
    %add3A_38 = arith.constant 4 : i32
    %add3A_39 = arith.addi %mul3A_37, %add3A_38 : i32
    %mul3A_40 = arith.constant 128 : i32
    %mul3A_41 = arith.muli %add3A_39, %mul3A_40 : i32
    %run_scoped3A_42 = arith.constant 0 : i32
    "tpu.region"() ({
      %run_scoped3A_194 = tpu.sem_alloc : memref<!tpu.dma_semaphore, #tpu.memory_space<semaphore_mem>>
      %dma_start3A_195 = arith.constant 0 : i32
      %dma_start3A_196 = arith.constant 0 : i32
      %dma_start3A_197 = tpu.memref_slice %arg8[%run_scoped3A_42, %dma_start3A_195, %dma_start3A_196] : memref<2x128x128xf32, #tpu.memory_space<vmem>> -> memref<1x128x128xf32, #tpu.memory_space<vmem>>
      %dma_start3A_198 = tpu.memref_squeeze %dma_start3A_197 : memref<1x128x128xf32, #tpu.memory_space<vmem>> -> memref<128x128xf32, #tpu.memory_space<vmem>>
      %dma_start3A_199 = arith.constant 0 : i32
      %dma_start3A_200 = tpu.memref_slice %arg9[%mul3A_41, %dma_start3A_199] : memref<10240x128xf32, #tpu.memory_space<vmem_shared>> -> memref<128x128xf32, #tpu.memory_space<vmem_shared>>
      %dma_start3A_201 = arith.constant 0 : i32
      %dma_start3A_202 = tpu.memref_slice %arg9[%mul3A_41, %dma_start3A_201] : memref<10240x128xf32, #tpu.memory_space<vmem_shared>> -> memref<128x128xf32, #tpu.memory_space<vmem_shared>>
      %dma_start3A_203 = arith.constant 0 : i32
      %dma_start3A_204 = arith.constant 0 : i32
      %dma_start3A_205 = tpu.memref_slice %arg8[%run_scoped3A_42, %dma_start3A_203, %dma_start3A_204] : memref<2x128x128xf32, #tpu.memory_space<vmem>> -> memref<1x128x128xf32, #tpu.memory_space<vmem>>
      %dma_start3A_206 = tpu.memref_squeeze %dma_start3A_205 : memref<1x128x128xf32, #tpu.memory_space<vmem>> -> memref<128x128xf32, #tpu.memory_space<vmem>>
      tpu.enqueue_dma source(%dma_start3A_206 : memref<128x128xf32, #tpu.memory_space<vmem>>) target(%dma_start3A_202 : memref<128x128xf32, #tpu.memory_space<vmem_shared>>) target_semaphore(%run_scoped3A_194 : memref<!tpu.dma_semaphore, #tpu.memory_space<semaphore_mem>>)
      %dma_wait3A_207 = arith.constant 0 : i32
      %dma_wait3A_208 = arith.constant 0 : i32
      %dma_wait3A_209 = tpu.memref_slice %arg8[%run_scoped3A_42, %dma_wait3A_207, %dma_wait3A_208] : memref<2x128x128xf32, #tpu.memory_space<vmem>> -> memref<1x128x128xf32, #tpu.memory_space<vmem>>
      %dma_wait3A_210 = tpu.memref_squeeze %dma_wait3A_209 : memref<1x128x128xf32, #tpu.memory_space<vmem>> -> memref<128x128xf32, #tpu.memory_space<vmem>>
      %dma_wait3A_211 = arith.constant 0 : i32
      %dma_wait3A_212 = tpu.memref_slice %arg9[%mul3A_41, %dma_wait3A_211] : memref<10240x128xf32, #tpu.memory_space<vmem_shared>> -> memref<128x128xf32, #tpu.memory_space<vmem_shared>>
      %dma_wait3A_213 = arith.constant 0 : i32
      %dma_wait3A_214 = tpu.memref_slice %arg9[%mul3A_41, %dma_wait3A_213] : memref<10240x128xf32, #tpu.memory_space<vmem_shared>> -> memref<128x128xf32, #tpu.memory_space<vmem_shared>>
      %dma_wait3A_215 = arith.constant 0 : i32
      %dma_wait3A_216 = arith.constant 0 : i32
      %dma_wait3A_217 = tpu.memref_slice %arg8[%run_scoped3A_42, %dma_wait3A_215, %dma_wait3A_216] : memref<2x128x128xf32, #tpu.memory_space<vmem>> -> memref<1x128x128xf32, #tpu.memory_space<vmem>>
      %dma_wait3A_218 = tpu.memref_squeeze %dma_wait3A_217 : memref<1x128x128xf32, #tpu.memory_space<vmem>> -> memref<128x128xf32, #tpu.memory_space<vmem>>
      tpu.wait_dma2 semaphore(%run_scoped3A_194 : memref<!tpu.dma_semaphore, #tpu.memory_space<semaphore_mem>>) src(%dma_wait3A_218 : memref<128x128xf32, #tpu.memory_space<vmem>>) dst(%dma_wait3A_214 : memref<128x128xf32, #tpu.memory_space<vmem_shared>>)
      tpu.yield
    }) : () -> ()
    %run_scoped3A_43 = arith.constant 0 : i32
    %run_scoped3A_44 = arith.constant 0 : i32
    "tpu.region"() ({
      %run_scoped3A_194 = tpu.sem_alloc : memref<!tpu.dma_semaphore, #tpu.memory_space<semaphore_mem>>
      %dma_start3A_195 = arith.constant 0 : i32
      %dma_start3A_196 = tpu.memref_slice %arg6[%run_scoped3A_43, %run_scoped3A_44, %dma_start3A_195] : memref<2x2x128xi32, #tpu.memory_space<vmem>> -> memref<1x1x128xi32, #tpu.memory_space<vmem>>
      %dma_start3A_197 = tpu.memref_squeeze %dma_start3A_196 : memref<1x1x128xi32, #tpu.memory_space<vmem>> -> memref<128xi32, #tpu.memory_space<vmem>>
      %dma_start3A_198 = arith.constant 0 : i32
      %dma_start3A_199 = tpu.memref_slice %arg2[%mul3A_2, %dma_start3A_198] : memref<2560x128xi32, #tpu.memory_space<hbm>> -> memref<1x128xi32, #tpu.memory_space<hbm>>
      %dma_start3A_200 = tpu.memref_squeeze %dma_start3A_199 : memref<1x128xi32, #tpu.memory_space<hbm>> -> memref<128xi32, #tpu.memory_space<hbm>>
      %dma_start3A_201 = arith.constant 0 : i32
      %dma_start3A_202 = tpu.memref_slice %arg6[%run_scoped3A_43, %run_scoped3A_44, %dma_start3A_201] : memref<2x2x128xi32, #tpu.memory_space<vmem>> -> memref<1x1x128xi32, #tpu.memory_space<vmem>>
      %dma_start3A_203 = tpu.memref_squeeze %dma_start3A_202 : memref<1x1x128xi32, #tpu.memory_space<vmem>> -> memref<128xi32, #tpu.memory_space<vmem>>
      %dma_start3A_204 = arith.constant 0 : i32
      %dma_start3A_205 = tpu.memref_slice %arg2[%mul3A_2, %dma_start3A_204] : memref<2560x128xi32, #tpu.memory_space<hbm>> -> memref<1x128xi32, #tpu.memory_space<hbm>>
      %dma_start3A_206 = tpu.memref_squeeze %dma_start3A_205 : memref<1x128xi32, #tpu.memory_space<hbm>> -> memref<128xi32, #tpu.memory_space<hbm>>
      tpu.enqueue_dma source(%dma_start3A_206 : memref<128xi32, #tpu.memory_space<hbm>>) target(%dma_start3A_203 : memref<128xi32, #tpu.memory_space<vmem>>) target_semaphore(%run_scoped3A_194 : memref<!tpu.dma_semaphore, #tpu.memory_space<semaphore_mem>>)
      %dma_wait3A_207 = arith.constant 0 : i32
      %dma_wait3A_208 = tpu.memref_slice %arg6[%run_scoped3A_43, %run_scoped3A_44, %dma_wait3A_207] : memref<2x2x128xi32, #tpu.memory_space<vmem>> -> memref<1x1x128xi32, #tpu.memory_space<vmem>>
      %dma_wait3A_209 = tpu.memref_squeeze %dma_wait3A_208 : memref<1x1x128xi32, #tpu.memory_space<vmem>> -> memref<128xi32, #tpu.memory_space<vmem>>
      %dma_wait3A_210 = arith.constant 0 : i32
      %dma_wait3A_211 = tpu.memref_slice %arg2[%mul3A_2, %dma_wait3A_210] : memref<2560x128xi32, #tpu.memory_space<hbm>> -> memref<1x128xi32, #tpu.memory_space<hbm>>
      %dma_wait3A_212 = tpu.memref_squeeze %dma_wait3A_211 : memref<1x128xi32, #tpu.memory_space<hbm>> -> memref<128xi32, #tpu.memory_space<hbm>>
      %dma_wait3A_213 = arith.constant 0 : i32
      %dma_wait3A_214 = tpu.memref_slice %arg6[%run_scoped3A_43, %run_scoped3A_44, %dma_wait3A_213] : memref<2x2x128xi32, #tpu.memory_space<vmem>> -> memref<1x1x128xi32, #tpu.memory_space<vmem>>
      %dma_wait3A_215 = tpu.memref_squeeze %dma_wait3A_214 : memref<1x1x128xi32, #tpu.memory_space<vmem>> -> memref<128xi32, #tpu.memory_space<vmem>>
      %dma_wait3A_216 = arith.constant 0 : i32
      %dma_wait3A_217 = tpu.memref_slice %arg2[%mul3A_2, %dma_wait3A_216] : memref<2560x128xi32, #tpu.memory_space<hbm>> -> memref<1x128xi32, #tpu.memory_space<hbm>>
      %dma_wait3A_218 = tpu.memref_squeeze %dma_wait3A_217 : memref<1x128xi32, #tpu.memory_space<hbm>> -> memref<128xi32, #tpu.memory_space<hbm>>
      tpu.wait_dma2 semaphore(%run_scoped3A_194 : memref<!tpu.dma_semaphore, #tpu.memory_space<semaphore_mem>>) src(%dma_wait3A_218 : memref<128xi32, #tpu.memory_space<hbm>>) dst(%dma_wait3A_215 : memref<128xi32, #tpu.memory_space<vmem>>)
      tpu.yield
    }) : () -> ()
    %run_scoped3A_45 = arith.constant 0 : i32
    %run_scoped3A_46 = arith.constant 1 : i32
    "tpu.region"() ({
      %run_scoped3A_194 = tpu.sem_alloc : memref<!tpu.dma_semaphore, #tpu.memory_space<semaphore_mem>>
      %dma_start3A_195 = arith.constant 0 : i32
      %dma_start3A_196 = tpu.memref_slice %arg6[%run_scoped3A_45, %run_scoped3A_46, %dma_start3A_195] : memref<2x2x128xi32, #tpu.memory_space<vmem>> -> memref<1x1x128xi32, #tpu.memory_space<vmem>>
      %dma_start3A_197 = tpu.memref_squeeze %dma_start3A_196 : memref<1x1x128xi32, #tpu.memory_space<vmem>> -> memref<128xi32, #tpu.memory_space<vmem>>
      %dma_start3A_198 = arith.constant 0 : i32
      %dma_start3A_199 = tpu.memref_slice %arg3[%mul3A_2, %dma_start3A_198] : memref<2560x128xi32, #tpu.memory_space<hbm>> -> memref<1x128xi32, #tpu.memory_space<hbm>>
      %dma_start3A_200 = tpu.memref_squeeze %dma_start3A_199 : memref<1x128xi32, #tpu.memory_space<hbm>> -> memref<128xi32, #tpu.memory_space<hbm>>
      %dma_start3A_201 = arith.constant 0 : i32
      %dma_start3A_202 = tpu.memref_slice %arg6[%run_scoped3A_45, %run_scoped3A_46, %dma_start3A_201] : memref<2x2x128xi32, #tpu.memory_space<vmem>> -> memref<1x1x128xi32, #tpu.memory_space<vmem>>
      %dma_start3A_203 = tpu.memref_squeeze %dma_start3A_202 : memref<1x1x128xi32, #tpu.memory_space<vmem>> -> memref<128xi32, #tpu.memory_space<vmem>>
      %dma_start3A_204 = arith.constant 0 : i32
      %dma_start3A_205 = tpu.memref_slice %arg3[%mul3A_2, %dma_start3A_204] : memref<2560x128xi32, #tpu.memory_space<hbm>> -> memref<1x128xi32, #tpu.memory_space<hbm>>
      %dma_start3A_206 = tpu.memref_squeeze %dma_start3A_205 : memref<1x128xi32, #tpu.memory_space<hbm>> -> memref<128xi32, #tpu.memory_space<hbm>>
      tpu.enqueue_dma source(%dma_start3A_206 : memref<128xi32, #tpu.memory_space<hbm>>) target(%dma_start3A_203 : memref<128xi32, #tpu.memory_space<vmem>>) target_semaphore(%run_scoped3A_194 : memref<!tpu.dma_semaphore, #tpu.memory_space<semaphore_mem>>)
      %dma_wait3A_207 = arith.constant 0 : i32
      %dma_wait3A_208 = tpu.memref_slice %arg6[%run_scoped3A_45, %run_scoped3A_46, %dma_wait3A_207] : memref<2x2x128xi32, #tpu.memory_space<vmem>> -> memref<1x1x128xi32, #tpu.memory_space<vmem>>
      %dma_wait3A_209 = tpu.memref_squeeze %dma_wait3A_208 : memref<1x1x128xi32, #tpu.memory_space<vmem>> -> memref<128xi32, #tpu.memory_space<vmem>>
      %dma_wait3A_210 = arith.constant 0 : i32
      %dma_wait3A_211 = tpu.memref_slice %arg3[%mul3A_2, %dma_wait3A_210] : memref<2560x128xi32, #tpu.memory_space<hbm>> -> memref<1x128xi32, #tpu.memory_space<hbm>>
      %dma_wait3A_212 = tpu.memref_squeeze %dma_wait3A_211 : memref<1x128xi32, #tpu.memory_space<hbm>> -> memref<128xi32, #tpu.memory_space<hbm>>
      %dma_wait3A_213 = arith.constant 0 : i32
      %dma_wait3A_214 = tpu.memref_slice %arg6[%run_scoped3A_45, %run_scoped3A_46, %dma_wait3A_213] : memref<2x2x128xi32, #tpu.memory_space<vmem>> -> memref<1x1x128xi32, #tpu.memory_space<vmem>>
      %dma_wait3A_215 = tpu.memref_squeeze %dma_wait3A_214 : memref<1x1x128xi32, #tpu.memory_space<vmem>> -> memref<128xi32, #tpu.memory_space<vmem>>
      %dma_wait3A_216 = arith.constant 0 : i32
      %dma_wait3A_217 = tpu.memref_slice %arg3[%mul3A_2, %dma_wait3A_216] : memref<2560x128xi32, #tpu.memory_space<hbm>> -> memref<1x128xi32, #tpu.memory_space<hbm>>
      %dma_wait3A_218 = tpu.memref_squeeze %dma_wait3A_217 : memref<1x128xi32, #tpu.memory_space<hbm>> -> memref<128xi32, #tpu.memory_space<hbm>>
      tpu.wait_dma2 semaphore(%run_scoped3A_194 : memref<!tpu.dma_semaphore, #tpu.memory_space<semaphore_mem>>) src(%dma_wait3A_218 : memref<128xi32, #tpu.memory_space<hbm>>) dst(%dma_wait3A_215 : memref<128xi32, #tpu.memory_space<vmem>>)
      tpu.yield
    }) : () -> ()
    %barrier3A = arith.constant 0 : index
    tpu.barrier barrier_id(%barrier3A)
    %dma_start3A = arith.constant 0 : i32
    %dma_start3A_47 = arith.constant 0 : i32
    %dma_start3A_48 = arith.constant 0 : i32
    %dma_start3A_49 = arith.constant 0 : i32
    %dma_start3A_50 = arith.constant 0 : i32
    %dma_start3A_51 = tpu.memref_slice %arg8[%dma_start3A_48, %dma_start3A_49, %dma_start3A_50] : memref<2x128x128xf32, #tpu.memory_space<vmem>> -> memref<1x128x128xf32, #tpu.memory_space<vmem>>
    %dma_start3A_52 = tpu.memref_squeeze %dma_start3A_51 : memref<1x128x128xf32, #tpu.memory_space<vmem>> -> memref<128x128xf32, #tpu.memory_space<vmem>>
    %dma_start3A_53 = arith.constant 0 : i32
    %dma_start3A_54 = tpu.memref_slice %arg6[%dma_start3A, %dma_start3A_47, %dma_start3A_53] : memref<2x2x128xi32, #tpu.memory_space<vmem>> -> memref<1x1x128xi32, #tpu.memory_space<vmem>>
    %dma_start3A_55 = tpu.memref_squeeze %dma_start3A_54 : memref<1x1x128xi32, #tpu.memory_space<vmem>> -> memref<128xi32, #tpu.memory_space<vmem>>
    %dma_start3A_56 = arith.constant 0 : i32
    %dma_start3A_57 = arith.constant 0 : i32
    %dma_start3A_58 = tpu.memref_slice %arg4[%dma_start3A_56, %dma_start3A_57] : memref<10240x128xf32, #tpu.memory_space<hbm>> -> memref<10240x128xf32, #tpu.memory_space<hbm>>
    tpu.enqueue_indirect_dma source(%dma_start3A_58 : memref<10240x128xf32, #tpu.memory_space<hbm>>) target(%dma_start3A_52 : memref<128x128xf32, #tpu.memory_space<vmem>>) offsets(%dma_start3A_55 : memref<128xi32, #tpu.memory_space<vmem>>) semaphore(%arg10 : memref<!tpu.dma_semaphore, #tpu.memory_space<semaphore_mem>>)
    %add3A_59 = arith.constant 1 : i32
    %add3A_60 = arith.addi %mul3A_2, %add3A_59 : i32
    %dma_start3A_61 = arith.constant 1 : i32
    %dma_start3A_62 = arith.constant 0 : i32
    %dma_start3A_63 = arith.constant 0 : i32
    %dma_start3A_64 = tpu.memref_slice %arg7[%dma_start3A_61, %dma_start3A_62, %dma_start3A_63] : memref<2x2x128xi32, #tpu.memory_space<vmem>> -> memref<1x1x128xi32, #tpu.memory_space<vmem>>
    %dma_start3A_65 = tpu.memref_squeeze %dma_start3A_64 : memref<1x1x128xi32, #tpu.memory_space<vmem>> -> memref<128xi32, #tpu.memory_space<vmem>>
    %dma_start3A_66 = arith.constant 0 : i32
    %dma_start3A_67 = tpu.memref_slice %arg2[%add3A_60, %dma_start3A_66] : memref<2560x128xi32, #tpu.memory_space<hbm>> -> memref<1x128xi32, #tpu.memory_space<hbm>>
    %dma_start3A_68 = tpu.memref_squeeze %dma_start3A_67 : memref<1x128xi32, #tpu.memory_space<hbm>> -> memref<128xi32, #tpu.memory_space<hbm>>
    %dma_start3A_69 = arith.constant 0 : i32
    %dma_start3A_70 = tpu.memref_slice %arg7[%dma_start3A_61, %dma_start3A_62, %dma_start3A_69] : memref<2x2x128xi32, #tpu.memory_space<vmem>> -> memref<1x1x128xi32, #tpu.memory_space<vmem>>
    %dma_start3A_71 = tpu.memref_squeeze %dma_start3A_70 : memref<1x1x128xi32, #tpu.memory_space<vmem>> -> memref<128xi32, #tpu.memory_space<vmem>>
    %dma_start3A_72 = arith.constant 0 : i32
    %dma_start3A_73 = tpu.memref_slice %arg2[%add3A_60, %dma_start3A_72] : memref<2560x128xi32, #tpu.memory_space<hbm>> -> memref<1x128xi32, #tpu.memory_space<hbm>>
    %dma_start3A_74 = tpu.memref_squeeze %dma_start3A_73 : memref<1x128xi32, #tpu.memory_space<hbm>> -> memref<128xi32, #tpu.memory_space<hbm>>
    tpu.enqueue_dma source(%dma_start3A_74 : memref<128xi32, #tpu.memory_space<hbm>>) target(%dma_start3A_71 : memref<128xi32, #tpu.memory_space<vmem>>) target_semaphore(%arg15 : memref<!tpu.dma_semaphore, #tpu.memory_space<semaphore_mem>>)
    %add3A_75 = arith.constant 1 : i32
    %add3A_76 = arith.addi %mul3A_2, %add3A_75 : i32
    %dma_start3A_77 = arith.constant 1 : i32
    %dma_start3A_78 = arith.constant 1 : i32
    %dma_start3A_79 = arith.constant 0 : i32
    %dma_start3A_80 = tpu.memref_slice %arg7[%dma_start3A_77, %dma_start3A_78, %dma_start3A_79] : memref<2x2x128xi32, #tpu.memory_space<vmem>> -> memref<1x1x128xi32, #tpu.memory_space<vmem>>
    %dma_start3A_81 = tpu.memref_squeeze %dma_start3A_80 : memref<1x1x128xi32, #tpu.memory_space<vmem>> -> memref<128xi32, #tpu.memory_space<vmem>>
    %dma_start3A_82 = arith.constant 0 : i32
    %dma_start3A_83 = tpu.memref_slice %arg3[%add3A_76, %dma_start3A_82] : memref<2560x128xi32, #tpu.memory_space<hbm>> -> memref<1x128xi32, #tpu.memory_space<hbm>>
    %dma_start3A_84 = tpu.memref_squeeze %dma_start3A_83 : memref<1x128xi32, #tpu.memory_space<hbm>> -> memref<128xi32, #tpu.memory_space<hbm>>
    %dma_start3A_85 = arith.constant 0 : i32
    %dma_start3A_86 = tpu.memref_slice %arg7[%dma_start3A_77, %dma_start3A_78, %dma_start3A_85] : memref<2x2x128xi32, #tpu.memory_space<vmem>> -> memref<1x1x128xi32, #tpu.memory_space<vmem>>
    %dma_start3A_87 = tpu.memref_squeeze %dma_start3A_86 : memref<1x1x128xi32, #tpu.memory_space<vmem>> -> memref<128xi32, #tpu.memory_space<vmem>>
    %dma_start3A_88 = arith.constant 0 : i32
    %dma_start3A_89 = tpu.memref_slice %arg3[%add3A_76, %dma_start3A_88] : memref<2560x128xi32, #tpu.memory_space<hbm>> -> memref<1x128xi32, #tpu.memory_space<hbm>>
    %dma_start3A_90 = tpu.memref_squeeze %dma_start3A_89 : memref<1x128xi32, #tpu.memory_space<hbm>> -> memref<128xi32, #tpu.memory_space<hbm>>
    tpu.enqueue_dma source(%dma_start3A_90 : memref<128xi32, #tpu.memory_space<hbm>>) target(%dma_start3A_87 : memref<128xi32, #tpu.memory_space<vmem>>) target_semaphore(%arg15 : memref<!tpu.dma_semaphore, #tpu.memory_space<semaphore_mem>>)
    %add3A_91 = arith.constant 2 : i32
    %add3A_92 = arith.addi %mul3A_2, %add3A_91 : i32
    %dma_start3A_93 = arith.constant 0 : i32
    %dma_start3A_94 = arith.constant 0 : i32
    %dma_start3A_95 = arith.constant 0 : i32
    %dma_start3A_96 = tpu.memref_slice %arg7[%dma_start3A_93, %dma_start3A_94, %dma_start3A_95] : memref<2x2x128xi32, #tpu.memory_space<vmem>> -> memref<1x1x128xi32, #tpu.memory_space<vmem>>
    %dma_start3A_97 = tpu.memref_squeeze %dma_start3A_96 : memref<1x1x128xi32, #tpu.memory_space<vmem>> -> memref<128xi32, #tpu.memory_space<vmem>>
    %dma_start3A_98 = arith.constant 0 : i32
    %dma_start3A_99 = tpu.memref_slice %arg2[%add3A_92, %dma_start3A_98] : memref<2560x128xi32, #tpu.memory_space<hbm>> -> memref<1x128xi32, #tpu.memory_space<hbm>>
    %dma_start3A_100 = tpu.memref_squeeze %dma_start3A_99 : memref<1x128xi32, #tpu.memory_space<hbm>> -> memref<128xi32, #tpu.memory_space<hbm>>
    %dma_start3A_101 = arith.constant 0 : i32
    %dma_start3A_102 = tpu.memref_slice %arg7[%dma_start3A_93, %dma_start3A_94, %dma_start3A_101] : memref<2x2x128xi32, #tpu.memory_space<vmem>> -> memref<1x1x128xi32, #tpu.memory_space<vmem>>
    %dma_start3A_103 = tpu.memref_squeeze %dma_start3A_102 : memref<1x1x128xi32, #tpu.memory_space<vmem>> -> memref<128xi32, #tpu.memory_space<vmem>>
    %dma_start3A_104 = arith.constant 0 : i32
    %dma_start3A_105 = tpu.memref_slice %arg2[%add3A_92, %dma_start3A_104] : memref<2560x128xi32, #tpu.memory_space<hbm>> -> memref<1x128xi32, #tpu.memory_space<hbm>>
    %dma_start3A_106 = tpu.memref_squeeze %dma_start3A_105 : memref<1x128xi32, #tpu.memory_space<hbm>> -> memref<128xi32, #tpu.memory_space<hbm>>
    tpu.enqueue_dma source(%dma_start3A_106 : memref<128xi32, #tpu.memory_space<hbm>>) target(%dma_start3A_103 : memref<128xi32, #tpu.memory_space<vmem>>) target_semaphore(%arg14 : memref<!tpu.dma_semaphore, #tpu.memory_space<semaphore_mem>>)
    %add3A_107 = arith.constant 2 : i32
    %add3A_108 = arith.addi %mul3A_2, %add3A_107 : i32
    %dma_start3A_109 = arith.constant 0 : i32
    %dma_start3A_110 = arith.constant 1 : i32
    %dma_start3A_111 = arith.constant 0 : i32
    %dma_start3A_112 = tpu.memref_slice %arg7[%dma_start3A_109, %dma_start3A_110, %dma_start3A_111] : memref<2x2x128xi32, #tpu.memory_space<vmem>> -> memref<1x1x128xi32, #tpu.memory_space<vmem>>
    %dma_start3A_113 = tpu.memref_squeeze %dma_start3A_112 : memref<1x1x128xi32, #tpu.memory_space<vmem>> -> memref<128xi32, #tpu.memory_space<vmem>>
    %dma_start3A_114 = arith.constant 0 : i32
    %dma_start3A_115 = tpu.memref_slice %arg3[%add3A_108, %dma_start3A_114] : memref<2560x128xi32, #tpu.memory_space<hbm>> -> memref<1x128xi32, #tpu.memory_space<hbm>>
    %dma_start3A_116 = tpu.memref_squeeze %dma_start3A_115 : memref<1x128xi32, #tpu.memory_space<hbm>> -> memref<128xi32, #tpu.memory_space<hbm>>
    %dma_start3A_117 = arith.constant 0 : i32
    %dma_start3A_118 = tpu.memref_slice %arg7[%dma_start3A_109, %dma_start3A_110, %dma_start3A_117] : memref<2x2x128xi32, #tpu.memory_space<vmem>> -> memref<1x1x128xi32, #tpu.memory_space<vmem>>
    %dma_start3A_119 = tpu.memref_squeeze %dma_start3A_118 : memref<1x1x128xi32, #tpu.memory_space<vmem>> -> memref<128xi32, #tpu.memory_space<vmem>>
    %dma_start3A_120 = arith.constant 0 : i32
    %dma_start3A_121 = tpu.memref_slice %arg3[%add3A_108, %dma_start3A_120] : memref<2560x128xi32, #tpu.memory_space<hbm>> -> memref<1x128xi32, #tpu.memory_space<hbm>>
    %dma_start3A_122 = tpu.memref_squeeze %dma_start3A_121 : memref<1x128xi32, #tpu.memory_space<hbm>> -> memref<128xi32, #tpu.memory_space<hbm>>
    tpu.enqueue_dma source(%dma_start3A_122 : memref<128xi32, #tpu.memory_space<hbm>>) target(%dma_start3A_119 : memref<128xi32, #tpu.memory_space<vmem>>) target_semaphore(%arg14 : memref<!tpu.dma_semaphore, #tpu.memory_space<semaphore_mem>>)
    %scan3A_123 = arith.constant 0 : i32
    %scan3A_124 = arith.constant 40 : i32
    %scan3A_125 = arith.addi %scan3A_123, %scan3A_124 : i32
    %scan3A_126 = arith.constant 1 : i32
    scf.for %scan3A_194 = %scan3A_123 to %scan3A_125 step %scan3A_126  : i32 {
      %mul3A_195 = arith.constant 2 : i32
      %mul3A_196 = arith.muli %scan3A_194, %mul3A_195 : i32
      %add3A_197 = arith.constant 0 : i32
      %add3A_198 = arith.addi %add3A_197, %mul3A_196 : i32
      %add3A_199 = arith.constant 0 : i32
      %add3A_200 = arith.addi %add3A_198, %add3A_199 : i32
      %dma_wait3A_201 = arith.constant 0 : i32
      %dma_wait3A_202 = arith.constant 0 : i32
      %dma_wait3A_203 = arith.constant 0 : i32
      %dma_wait3A_204 = arith.constant 0 : i32
      %dma_wait3A_205 = arith.constant 0 : i32
      %dma_wait3A_206 = tpu.memref_slice %arg8[%dma_wait3A_203, %dma_wait3A_204, %dma_wait3A_205] : memref<2x128x128xf32, #tpu.memory_space<vmem>> -> memref<1x128x128xf32, #tpu.memory_space<vmem>>
      %dma_wait3A_207 = tpu.memref_squeeze %dma_wait3A_206 : memref<1x128x128xf32, #tpu.memory_space<vmem>> -> memref<128x128xf32, #tpu.memory_space<vmem>>
      %dma_wait3A_208 = arith.constant 0 : i32
      %dma_wait3A_209 = tpu.memref_slice %arg6[%dma_wait3A_201, %dma_wait3A_202, %dma_wait3A_208] : memref<2x2x128xi32, #tpu.memory_space<vmem>> -> memref<1x1x128xi32, #tpu.memory_space<vmem>>
      %dma_wait3A_210 = tpu.memref_squeeze %dma_wait3A_209 : memref<1x1x128xi32, #tpu.memory_space<vmem>> -> memref<128xi32, #tpu.memory_space<vmem>>
      %dma_wait3A_211 = arith.constant 0 : i32
      %dma_wait3A_212 = arith.constant 0 : i32
      %dma_wait3A_213 = tpu.memref_slice %arg4[%dma_wait3A_211, %dma_wait3A_212] : memref<10240x128xf32, #tpu.memory_space<hbm>> -> memref<10240x128xf32, #tpu.memory_space<hbm>>
      tpu.wait_indirect_dma semaphore(%arg10 : memref<!tpu.dma_semaphore, #tpu.memory_space<semaphore_mem>>) src(%dma_wait3A_213 : memref<10240x128xf32, #tpu.memory_space<hbm>>) dst(%dma_wait3A_207 : memref<128x128xf32, #tpu.memory_space<vmem>>)
      %dma_start3A_214 = arith.constant 0 : i32
      %dma_start3A_215 = arith.constant 0 : i32
      %dma_start3A_216 = arith.constant 1 : i32
      %dma_start3A_217 = arith.constant 0 : i32
      %dma_start3A_218 = arith.constant 0 : i32
      %dma_start3A_219 = tpu.memref_slice %arg8[%dma_start3A_214, %dma_start3A_217, %dma_start3A_218] : memref<2x128x128xf32, #tpu.memory_space<vmem>> -> memref<1x128x128xf32, #tpu.memory_space<vmem>>
      %dma_start3A_220 = tpu.memref_squeeze %dma_start3A_219 : memref<1x128x128xf32, #tpu.memory_space<vmem>> -> memref<128x128xf32, #tpu.memory_space<vmem>>
      %dma_start3A_221 = arith.constant 0 : i32
      %dma_start3A_222 = tpu.memref_slice %arg6[%dma_start3A_215, %dma_start3A_216, %dma_start3A_221] : memref<2x2x128xi32, #tpu.memory_space<vmem>> -> memref<1x1x128xi32, #tpu.memory_space<vmem>>
      %dma_start3A_223 = tpu.memref_squeeze %dma_start3A_222 : memref<1x1x128xi32, #tpu.memory_space<vmem>> -> memref<128xi32, #tpu.memory_space<vmem>>
      %dma_start3A_224 = arith.constant 0 : i32
      %dma_start3A_225 = arith.constant 0 : i32
      %dma_start3A_226 = tpu.memref_slice %arg9[%dma_start3A_224, %dma_start3A_225] : memref<10240x128xf32, #tpu.memory_space<vmem_shared>> -> memref<10240x128xf32, #tpu.memory_space<vmem_shared>>
      tpu.enqueue_indirect_dma source(%dma_start3A_220 : memref<128x128xf32, #tpu.memory_space<vmem>>) target(%dma_start3A_226 : memref<10240x128xf32, #tpu.memory_space<vmem_shared>>) offsets(%dma_start3A_223 : memref<128xi32, #tpu.memory_space<vmem>>) semaphore(%arg12 : memref<!tpu.dma_semaphore, #tpu.memory_space<semaphore_mem>>) {add = true}
      %add3A_227 = arith.constant 1 : i32
      %add3A_228 = arith.addi %add3A_200, %add3A_227 : i32
      %lt3A = arith.constant 80 : i32
      %lt3A_229 = arith.cmpi slt, %add3A_228, %lt3A : i32
      %convert_element_type3A = arith.extui %lt3A_229 : i1 to i32
      %cond3A = arith.constant 0 : i32
      %cond3A_230 = arith.cmpi ne, %convert_element_type3A, %cond3A : i32
      scf.if %cond3A_230 {
        %gt3A = arith.constant 0 : i32
        %gt3A_266 = arith.cmpi sgt, %add3A_200, %gt3A : i32
        %convert_element_type3A_267 = arith.extui %gt3A_266 : i1 to i32
        %cond3A_268 = arith.constant 0 : i32
        %cond3A_269 = arith.cmpi ne, %convert_element_type3A_267, %cond3A_268 : i32
        scf.if %cond3A_269 {
          %dma_wait3A_556 = arith.constant 1 : i32
          %dma_wait3A_557 = arith.constant 1 : i32
          %dma_wait3A_558 = arith.constant 1 : i32
          %dma_wait3A_559 = arith.constant 0 : i32
          %dma_wait3A_560 = arith.constant 0 : i32
          %dma_wait3A_561 = tpu.memref_slice %arg8[%dma_wait3A_556, %dma_wait3A_559, %dma_wait3A_560] : memref<2x128x128xf32, #tpu.memory_space<vmem>> -> memref<1x128x128xf32, #tpu.memory_space<vmem>>
          %dma_wait3A_562 = tpu.memref_squeeze %dma_wait3A_561 : memref<1x128x128xf32, #tpu.memory_space<vmem>> -> memref<128x128xf32, #tpu.memory_space<vmem>>
          %dma_wait3A_563 = arith.constant 0 : i32
          %dma_wait3A_564 = tpu.memref_slice %arg6[%dma_wait3A_557, %dma_wait3A_558, %dma_wait3A_563] : memref<2x2x128xi32, #tpu.memory_space<vmem>> -> memref<1x1x128xi32, #tpu.memory_space<vmem>>
          %dma_wait3A_565 = tpu.memref_squeeze %dma_wait3A_564 : memref<1x1x128xi32, #tpu.memory_space<vmem>> -> memref<128xi32, #tpu.memory_space<vmem>>
          %dma_wait3A_566 = arith.constant 0 : i32
          %dma_wait3A_567 = arith.constant 0 : i32
          %dma_wait3A_568 = tpu.memref_slice %arg9[%dma_wait3A_566, %dma_wait3A_567] : memref<10240x128xf32, #tpu.memory_space<vmem_shared>> -> memref<10240x128xf32, #tpu.memory_space<vmem_shared>>
          tpu.wait_indirect_dma semaphore(%arg13 : memref<!tpu.dma_semaphore, #tpu.memory_space<semaphore_mem>>) src(%dma_wait3A_562 : memref<128x128xf32, #tpu.memory_space<vmem>>) dst(%dma_wait3A_568 : memref<10240x128xf32, #tpu.memory_space<vmem_shared>>)
        } else {
        }
        %dma_wait3A_270 = arith.constant 1 : i32
        %dma_wait3A_271 = arith.constant 0 : i32
        %dma_wait3A_272 = arith.constant 0 : i32
        %dma_wait3A_273 = tpu.memref_slice %arg7[%dma_wait3A_270, %dma_wait3A_271, %dma_wait3A_272] : memref<2x2x128xi32, #tpu.memory_space<vmem>> -> memref<1x1x128xi32, #tpu.memory_space<vmem>>
        %dma_wait3A_274 = tpu.memref_squeeze %dma_wait3A_273 : memref<1x1x128xi32, #tpu.memory_space<vmem>> -> memref<128xi32, #tpu.memory_space<vmem>>
        %dma_wait3A_275 = arith.constant 0 : i32
        %dma_wait3A_276 = tpu.memref_slice %arg2[%mul3A_2, %dma_wait3A_275] : memref<2560x128xi32, #tpu.memory_space<hbm>> -> memref<1x128xi32, #tpu.memory_space<hbm>>
        %dma_wait3A_277 = tpu.memref_squeeze %dma_wait3A_276 : memref<1x128xi32, #tpu.memory_space<hbm>> -> memref<128xi32, #tpu.memory_space<hbm>>
        %dma_wait3A_278 = arith.constant 0 : i32
        %dma_wait3A_279 = tpu.memref_slice %arg7[%dma_wait3A_270, %dma_wait3A_271, %dma_wait3A_278] : memref<2x2x128xi32, #tpu.memory_space<vmem>> -> memref<1x1x128xi32, #tpu.memory_space<vmem>>
        %dma_wait3A_280 = tpu.memref_squeeze %dma_wait3A_279 : memref<1x1x128xi32, #tpu.memory_space<vmem>> -> memref<128xi32, #tpu.memory_space<vmem>>
        %dma_wait3A_281 = arith.constant 0 : i32
        %dma_wait3A_282 = tpu.memref_slice %arg2[%mul3A_2, %dma_wait3A_281] : memref<2560x128xi32, #tpu.memory_space<hbm>> -> memref<1x128xi32, #tpu.memory_space<hbm>>
        %dma_wait3A_283 = tpu.memref_squeeze %dma_wait3A_282 : memref<1x128xi32, #tpu.memory_space<hbm>> -> memref<128xi32, #tpu.memory_space<hbm>>
        tpu.wait_dma2 semaphore(%arg15 : memref<!tpu.dma_semaphore, #tpu.memory_space<semaphore_mem>>) src(%dma_wait3A_283 : memref<128xi32, #tpu.memory_space<hbm>>) dst(%dma_wait3A_280 : memref<128xi32, #tpu.memory_space<vmem>>)
        %dma_wait3A_284 = arith.constant 1 : i32
        %dma_wait3A_285 = arith.constant 1 : i32
        %dma_wait3A_286 = arith.constant 0 : i32
        %dma_wait3A_287 = tpu.memref_slice %arg7[%dma_wait3A_284, %dma_wait3A_285, %dma_wait3A_286] : memref<2x2x128xi32, #tpu.memory_space<vmem>> -> memref<1x1x128xi32, #tpu.memory_space<vmem>>
        %dma_wait3A_288 = tpu.memref_squeeze %dma_wait3A_287 : memref<1x1x128xi32, #tpu.memory_space<vmem>> -> memref<128xi32, #tpu.memory_space<vmem>>
        %dma_wait3A_289 = arith.constant 0 : i32
        %dma_wait3A_290 = tpu.memref_slice %arg3[%mul3A_2, %dma_wait3A_289] : memref<2560x128xi32, #tpu.memory_space<hbm>> -> memref<1x128xi32, #tpu.memory_space<hbm>>
        %dma_wait3A_291 = tpu.memref_squeeze %dma_wait3A_290 : memref<1x128xi32, #tpu.memory_space<hbm>> -> memref<128xi32, #tpu.memory_space<hbm>>
        %dma_wait3A_292 = arith.constant 0 : i32
        %dma_wait3A_293 = tpu.memref_slice %arg7[%dma_wait3A_284, %dma_wait3A_285, %dma_wait3A_292] : memref<2x2x128xi32, #tpu.memory_space<vmem>> -> memref<1x1x128xi32, #tpu.memory_space<vmem>>
        %dma_wait3A_294 = tpu.memref_squeeze %dma_wait3A_293 : memref<1x1x128xi32, #tpu.memory_space<vmem>> -> memref<128xi32, #tpu.memory_space<vmem>>
        %dma_wait3A_295 = arith.constant 0 : i32
        %dma_wait3A_296 = tpu.memref_slice %arg3[%mul3A_2, %dma_wait3A_295] : memref<2560x128xi32, #tpu.memory_space<hbm>> -> memref<1x128xi32, #tpu.memory_space<hbm>>
        %dma_wait3A_297 = tpu.memref_squeeze %dma_wait3A_296 : memref<1x128xi32, #tpu.memory_space<hbm>> -> memref<128xi32, #tpu.memory_space<hbm>>
        tpu.wait_dma2 semaphore(%arg15 : memref<!tpu.dma_semaphore, #tpu.memory_space<semaphore_mem>>) src(%dma_wait3A_297 : memref<128xi32, #tpu.memory_space<hbm>>) dst(%dma_wait3A_294 : memref<128xi32, #tpu.memory_space<vmem>>)
        %get3A = arith.constant 1 : i32
        %get3A_298 = arith.constant 0 : i32
        %get3A_299 = arith.index_cast %get3A : i32 to index
        %get3A_300 = arith.index_cast %get3A_298 : i32 to index
        %get3A_301 = arith.constant 0 : index
        %get3A_302 = tpu.vector_load %arg7[%get3A_299, %get3A_300, %get3A_301] {strides = array<i32>} : memref<2x2x128xi32, #tpu.memory_space<vmem>>, vector<1x1x16xi32>,
        %get3A_303 = vector.shape_cast %get3A_302 : vector<1x1x16xi32> to vector<16xi32>
        %swap3A = arith.constant 1 : i32
        %swap3A_304 = arith.constant 0 : i32
        %swap3A_305 = arith.index_cast %swap3A : i32 to index
        %swap3A_306 = arith.index_cast %swap3A_304 : i32 to index
        %swap3A_307 = arith.constant 0 : index
        %swap3A_308 = tpu.vector_load %arg6[%swap3A_305, %swap3A_306, %swap3A_307] {strides = array<i32>} : memref<2x2x128xi32, #tpu.memory_space<vmem>>, vector<1x1x16xi32>,
        %swap3A_309 = vector.shape_cast %swap3A_308 : vector<1x1x16xi32> to vector<16xi32>
        %swap3A_310 = vector.shape_cast %get3A_303 : vector<16xi32> to vector<1x1x16xi32>
        tpu.vector_store %arg6[%swap3A_305, %swap3A_306, %swap3A_307], %swap3A_310 {strides = array<i32>} : memref<2x2x128xi32, #tpu.memory_space<vmem>>, vector<1x1x16xi32>,
        %get3A_311 = arith.constant 1 : i32
        %get3A_312 = arith.constant 0 : i32
        %get3A_313 = arith.index_cast %get3A_311 : i32 to index
        %get3A_314 = arith.index_cast %get3A_312 : i32 to index
        %get3A_315 = arith.constant 16 : index
        %get3A_316 = tpu.vector_load %arg7[%get3A_313, %get3A_314, %get3A_315] {strides = array<i32>} : memref<2x2x128xi32, #tpu.memory_space<vmem>>, vector<1x1x16xi32>,
        %get3A_317 = vector.shape_cast %get3A_316 : vector<1x1x16xi32> to vector<16xi32>
        %swap3A_318 = arith.constant 1 : i32
        %swap3A_319 = arith.constant 0 : i32
        %swap3A_320 = arith.index_cast %swap3A_318 : i32 to index
        %swap3A_321 = arith.index_cast %swap3A_319 : i32 to index
        %swap3A_322 = arith.constant 16 : index
        %swap3A_323 = tpu.vector_load %arg6[%swap3A_320, %swap3A_321, %swap3A_322] {strides = array<i32>} : memref<2x2x128xi32, #tpu.memory_space<vmem>>, vector<1x1x16xi32>,
        %swap3A_324 = vector.shape_cast %swap3A_323 : vector<1x1x16xi32> to vector<16xi32>
        %swap3A_325 = vector.shape_cast %get3A_317 : vector<16xi32> to vector<1x1x16xi32>
        tpu.vector_store %arg6[%swap3A_320, %swap3A_321, %swap3A_322], %swap3A_325 {strides = array<i32>} : memref<2x2x128xi32, #tpu.memory_space<vmem>>, vector<1x1x16xi32>,
        %get3A_326 = arith.constant 1 : i32
        %get3A_327 = arith.constant 0 : i32
        %get3A_328 = arith.index_cast %get3A_326 : i32 to index
        %get3A_329 = arith.index_cast %get3A_327 : i32 to index
        %get3A_330 = arith.constant 32 : index
        %get3A_331 = tpu.vector_load %arg7[%get3A_328, %get3A_329, %get3A_330] {strides = array<i32>} : memref<2x2x128xi32, #tpu.memory_space<vmem>>, vector<1x1x16xi32>,
        %get3A_332 = vector.shape_cast %get3A_331 : vector<1x1x16xi32> to vector<16xi32>
        %swap3A_333 = arith.constant 1 : i32
        %swap3A_334 = arith.constant 0 : i32
        %swap3A_335 = arith.index_cast %swap3A_333 : i32 to index
        %swap3A_336 = arith.index_cast %swap3A_334 : i32 to index
        %swap3A_337 = arith.constant 32 : index
        %swap3A_338 = tpu.vector_load %arg6[%swap3A_335, %swap3A_336, %swap3A_337] {strides = array<i32>} : memref<2x2x128xi32, #tpu.memory_space<vmem>>, vector<1x1x16xi32>,
        %swap3A_339 = vector.shape_cast %swap3A_338 : vector<1x1x16xi32> to vector<16xi32>
        %swap3A_340 = vector.shape_cast %get3A_332 : vector<16xi32> to vector<1x1x16xi32>
        tpu.vector_store %arg6[%swap3A_335, %swap3A_336, %swap3A_337], %swap3A_340 {strides = array<i32>} : memref<2x2x128xi32, #tpu.memory_space<vmem>>, vector<1x1x16xi32>,
        %get3A_341 = arith.constant 1 : i32
        %get3A_342 = arith.constant 0 : i32
        %get3A_343 = arith.index_cast %get3A_341 : i32 to index
        %get3A_344 = arith.index_cast %get3A_342 : i32 to index
        %get3A_345 = arith.constant 48 : index
        %get3A_346 = tpu.vector_load %arg7[%get3A_343, %get3A_344, %get3A_345] {strides = array<i32>} : memref<2x2x128xi32, #tpu.memory_space<vmem>>, vector<1x1x16xi32>,
        %get3A_347 = vector.shape_cast %get3A_346 : vector<1x1x16xi32> to vector<16xi32>
        %swap3A_348 = arith.constant 1 : i32
        %swap3A_349 = arith.constant 0 : i32
        %swap3A_350 = arith.index_cast %swap3A_348 : i32 to index
        %swap3A_351 = arith.index_cast %swap3A_349 : i32 to index
        %swap3A_352 = arith.constant 48 : index
        %swap3A_353 = tpu.vector_load %arg6[%swap3A_350, %swap3A_351, %swap3A_352] {strides = array<i32>} : memref<2x2x128xi32, #tpu.memory_space<vmem>>, vector<1x1x16xi32>,
        %swap3A_354 = vector.shape_cast %swap3A_353 : vector<1x1x16xi32> to vector<16xi32>
        %swap3A_355 = vector.shape_cast %get3A_347 : vector<16xi32> to vector<1x1x16xi32>
        tpu.vector_store %arg6[%swap3A_350, %swap3A_351, %swap3A_352], %swap3A_355 {strides = array<i32>} : memref<2x2x128xi32, #tpu.memory_space<vmem>>, vector<1x1x16xi32>,
        %get3A_356 = arith.constant 1 : i32
        %get3A_357 = arith.constant 0 : i32
        %get3A_358 = arith.index_cast %get3A_356 : i32 to index
        %get3A_359 = arith.index_cast %get3A_357 : i32 to index
        %get3A_360 = arith.constant 64 : index
        %get3A_361 = tpu.vector_load %arg7[%get3A_358, %get3A_359, %get3A_360] {strides = array<i32>} : memref<2x2x128xi32, #tpu.memory_space<vmem>>, vector<1x1x16xi32>,
        %get3A_362 = vector.shape_cast %get3A_361 : vector<1x1x16xi32> to vector<16xi32>
        %swap3A_363 = arith.constant 1 : i32
        %swap3A_364 = arith.constant 0 : i32
        %swap3A_365 = arith.index_cast %swap3A_363 : i32 to index
        %swap3A_366 = arith.index_cast %swap3A_364 : i32 to index
        %swap3A_367 = arith.constant 64 : index
        %swap3A_368 = tpu.vector_load %arg6[%swap3A_365, %swap3A_366, %swap3A_367] {strides = array<i32>} : memref<2x2x128xi32, #tpu.memory_space<vmem>>, vector<1x1x16xi32>,
        %swap3A_369 = vector.shape_cast %swap3A_368 : vector<1x1x16xi32> to vector<16xi32>
        %swap3A_370 = vector.shape_cast %get3A_362 : vector<16xi32> to vector<1x1x16xi32>
        tpu.vector_store %arg6[%swap3A_365, %swap3A_366, %swap3A_367], %swap3A_370 {strides = array<i32>} : memref<2x2x128xi32, #tpu.memory_space<vmem>>, vector<1x1x16xi32>,
        %get3A_371 = arith.constant 1 : i32
        %get3A_372 = arith.constant 0 : i32
        %get3A_373 = arith.index_cast %get3A_371 : i32 to index
        %get3A_374 = arith.index_cast %get3A_372 : i32 to index
        %get3A_375 = arith.constant 80 : index
        %get3A_376 = tpu.vector_load %arg7[%get3A_373, %get3A_374, %get3A_375] {strides = array<i32>} : memref<2x2x128xi32, #tpu.memory_space<vmem>>, vector<1x1x16xi32>,
        %get3A_377 = vector.shape_cast %get3A_376 : vector<1x1x16xi32> to vector<16xi32>
        %swap3A_378 = arith.constant 1 : i32
        %swap3A_379 = arith.constant 0 : i32
        %swap3A_380 = arith.index_cast %swap3A_378 : i32 to index
        %swap3A_381 = arith.index_cast %swap3A_379 : i32 to index
        %swap3A_382 = arith.constant 80 : index
        %swap3A_383 = tpu.vector_load %arg6[%swap3A_380, %swap3A_381, %swap3A_382] {strides = array<i32>} : memref<2x2x128xi32, #tpu.memory_space<vmem>>, vector<1x1x16xi32>,
        %swap3A_384 = vector.shape_cast %swap3A_383 : vector<1x1x16xi32> to vector<16xi32>
        %swap3A_385 = vector.shape_cast %get3A_377 : vector<16xi32> to vector<1x1x16xi32>
        tpu.vector_store %arg6[%swap3A_380, %swap3A_381, %swap3A_382], %swap3A_385 {strides = array<i32>} : memref<2x2x128xi32, #tpu.memory_space<vmem>>, vector<1x1x16xi32>,
        %get3A_386 = arith.constant 1 : i32
        %get3A_387 = arith.constant 0 : i32
        %get3A_388 = arith.index_cast %get3A_386 : i32 to index
        %get3A_389 = arith.index_cast %get3A_387 : i32 to index
        %get3A_390 = arith.constant 96 : index
        %get3A_391 = tpu.vector_load %arg7[%get3A_388, %get3A_389, %get3A_390] {strides = array<i32>} : memref<2x2x128xi32, #tpu.memory_space<vmem>>, vector<1x1x16xi32>,
        %get3A_392 = vector.shape_cast %get3A_391 : vector<1x1x16xi32> to vector<16xi32>
        %swap3A_393 = arith.constant 1 : i32
        %swap3A_394 = arith.constant 0 : i32
        %swap3A_395 = arith.index_cast %swap3A_393 : i32 to index
        %swap3A_396 = arith.index_cast %swap3A_394 : i32 to index
        %swap3A_397 = arith.constant 96 : index
        %swap3A_398 = tpu.vector_load %arg6[%swap3A_395, %swap3A_396, %swap3A_397] {strides = array<i32>} : memref<2x2x128xi32, #tpu.memory_space<vmem>>, vector<1x1x16xi32>,
        %swap3A_399 = vector.shape_cast %swap3A_398 : vector<1x1x16xi32> to vector<16xi32>
        %swap3A_400 = vector.shape_cast %get3A_392 : vector<16xi32> to vector<1x1x16xi32>
        tpu.vector_store %arg6[%swap3A_395, %swap3A_396, %swap3A_397], %swap3A_400 {strides = array<i32>} : memref<2x2x128xi32, #tpu.memory_space<vmem>>, vector<1x1x16xi32>,
        %get3A_401 = arith.constant 1 : i32
        %get3A_402 = arith.constant 0 : i32
        %get3A_403 = arith.index_cast %get3A_401 : i32 to index
        %get3A_404 = arith.index_cast %get3A_402 : i32 to index
        %get3A_405 = arith.constant 112 : index
        %get3A_406 = tpu.vector_load %arg7[%get3A_403, %get3A_404, %get3A_405] {strides = array<i32>} : memref<2x2x128xi32, #tpu.memory_space<vmem>>, vector<1x1x16xi32>,
        %get3A_407 = vector.shape_cast %get3A_406 : vector<1x1x16xi32> to vector<16xi32>
        %swap3A_408 = arith.constant 1 : i32
        %swap3A_409 = arith.constant 0 : i32
        %swap3A_410 = arith.index_cast %swap3A_408 : i32 to index
        %swap3A_411 = arith.index_cast %swap3A_409 : i32 to index
        %swap3A_412 = arith.constant 112 : index
        %swap3A_413 = tpu.vector_load %arg6[%swap3A_410, %swap3A_411, %swap3A_412] {strides = array<i32>} : memref<2x2x128xi32, #tpu.memory_space<vmem>>, vector<1x1x16xi32>,
        %swap3A_414 = vector.shape_cast %swap3A_413 : vector<1x1x16xi32> to vector<16xi32>
        %swap3A_415 = vector.shape_cast %get3A_407 : vector<16xi32> to vector<1x1x16xi32>
        tpu.vector_store %arg6[%swap3A_410, %swap3A_411, %swap3A_412], %swap3A_415 {strides = array<i32>} : memref<2x2x128xi32, #tpu.memory_space<vmem>>, vector<1x1x16xi32>,
        %get3A_416 = arith.constant 1 : i32
        %get3A_417 = arith.constant 1 : i32
        %get3A_418 = arith.index_cast %get3A_416 : i32 to index
        %get3A_419 = arith.index_cast %get3A_417 : i32 to index
        %get3A_420 = arith.constant 0 : index
        %get3A_421 = tpu.vector_load %arg7[%get3A_418, %get3A_419, %get3A_420] {strides = array<i32>} : memref<2x2x128xi32, #tpu.memory_space<vmem>>, vector<1x1x16xi32>,
        %get3A_422 = vector.shape_cast %get3A_421 : vector<1x1x16xi32> to vector<16xi32>
        %swap3A_423 = arith.constant 1 : i32
        %swap3A_424 = arith.constant 1 : i32
        %swap3A_425 = arith.index_cast %swap3A_423 : i32 to index
        %swap3A_426 = arith.index_cast %swap3A_424 : i32 to index
        %swap3A_427 = arith.constant 0 : index
        %swap3A_428 = tpu.vector_load %arg6[%swap3A_425, %swap3A_426, %swap3A_427] {strides = array<i32>} : memref<2x2x128xi32, #tpu.memory_space<vmem>>, vector<1x1x16xi32>,
        %swap3A_429 = vector.shape_cast %swap3A_428 : vector<1x1x16xi32> to vector<16xi32>
        %swap3A_430 = vector.shape_cast %get3A_422 : vector<16xi32> to vector<1x1x16xi32>
        tpu.vector_store %arg6[%swap3A_425, %swap3A_426, %swap3A_427], %swap3A_430 {strides = array<i32>} : memref<2x2x128xi32, #tpu.memory_space<vmem>>, vector<1x1x16xi32>,
        %get3A_431 = arith.constant 1 : i32
        %get3A_432 = arith.constant 1 : i32
        %get3A_433 = arith.index_cast %get3A_431 : i32 to index
        %get3A_434 = arith.index_cast %get3A_432 : i32 to index
        %get3A_435 = arith.constant 16 : index
        %get3A_436 = tpu.vector_load %arg7[%get3A_433, %get3A_434, %get3A_435] {strides = array<i32>} : memref<2x2x128xi32, #tpu.memory_space<vmem>>, vector<1x1x16xi32>,
        %get3A_437 = vector.shape_cast %get3A_436 : vector<1x1x16xi32> to vector<16xi32>
        %swap3A_438 = arith.constant 1 : i32
        %swap3A_439 = arith.constant 1 : i32
        %swap3A_440 = arith.index_cast %swap3A_438 : i32 to index
        %swap3A_441 = arith.index_cast %swap3A_439 : i32 to index
        %swap3A_442 = arith.constant 16 : index
        %swap3A_443 = tpu.vector_load %arg6[%swap3A_440, %swap3A_441, %swap3A_442] {strides = array<i32>} : memref<2x2x128xi32, #tpu.memory_space<vmem>>, vector<1x1x16xi32>,
        %swap3A_444 = vector.shape_cast %swap3A_443 : vector<1x1x16xi32> to vector<16xi32>
        %swap3A_445 = vector.shape_cast %get3A_437 : vector<16xi32> to vector<1x1x16xi32>
        tpu.vector_store %arg6[%swap3A_440, %swap3A_441, %swap3A_442], %swap3A_445 {strides = array<i32>} : memref<2x2x128xi32, #tpu.memory_space<vmem>>, vector<1x1x16xi32>,
        %get3A_446 = arith.constant 1 : i32
        %get3A_447 = arith.constant 1 : i32
        %get3A_448 = arith.index_cast %get3A_446 : i32 to index
        %get3A_449 = arith.index_cast %get3A_447 : i32 to index
        %get3A_450 = arith.constant 32 : index
        %get3A_451 = tpu.vector_load %arg7[%get3A_448, %get3A_449, %get3A_450] {strides = array<i32>} : memref<2x2x128xi32, #tpu.memory_space<vmem>>, vector<1x1x16xi32>,
        %get3A_452 = vector.shape_cast %get3A_451 : vector<1x1x16xi32> to vector<16xi32>
        %swap3A_453 = arith.constant 1 : i32
        %swap3A_454 = arith.constant 1 : i32
        %swap3A_455 = arith.index_cast %swap3A_453 : i32 to index
        %swap3A_456 = arith.index_cast %swap3A_454 : i32 to index
        %swap3A_457 = arith.constant 32 : index
        %swap3A_458 = tpu.vector_load %arg6[%swap3A_455, %swap3A_456, %swap3A_457] {strides = array<i32>} : memref<2x2x128xi32, #tpu.memory_space<vmem>>, vector<1x1x16xi32>,
        %swap3A_459 = vector.shape_cast %swap3A_458 : vector<1x1x16xi32> to vector<16xi32>
        %swap3A_460 = vector.shape_cast %get3A_452 : vector<16xi32> to vector<1x1x16xi32>
        tpu.vector_store %arg6[%swap3A_455, %swap3A_456, %swap3A_457], %swap3A_460 {strides = array<i32>} : memref<2x2x128xi32, #tpu.memory_space<vmem>>, vector<1x1x16xi32>,
        %get3A_461 = arith.constant 1 : i32
        %get3A_462 = arith.constant 1 : i32
        %get3A_463 = arith.index_cast %get3A_461 : i32 to index
        %get3A_464 = arith.index_cast %get3A_462 : i32 to index
        %get3A_465 = arith.constant 48 : index
        %get3A_466 = tpu.vector_load %arg7[%get3A_463, %get3A_464, %get3A_465] {strides = array<i32>} : memref<2x2x128xi32, #tpu.memory_space<vmem>>, vector<1x1x16xi32>,
        %get3A_467 = vector.shape_cast %get3A_466 : vector<1x1x16xi32> to vector<16xi32>
        %swap3A_468 = arith.constant 1 : i32
        %swap3A_469 = arith.constant 1 : i32
        %swap3A_470 = arith.index_cast %swap3A_468 : i32 to index
        %swap3A_471 = arith.index_cast %swap3A_469 : i32 to index
        %swap3A_472 = arith.constant 48 : index
        %swap3A_473 = tpu.vector_load %arg6[%swap3A_470, %swap3A_471, %swap3A_472] {strides = array<i32>} : memref<2x2x128xi32, #tpu.memory_space<vmem>>, vector<1x1x16xi32>,
        %swap3A_474 = vector.shape_cast %swap3A_473 : vector<1x1x16xi32> to vector<16xi32>
        %swap3A_475 = vector.shape_cast %get3A_467 : vector<16xi32> to vector<1x1x16xi32>
        tpu.vector_store %arg6[%swap3A_470, %swap3A_471, %swap3A_472], %swap3A_475 {strides = array<i32>} : memref<2x2x128xi32, #tpu.memory_space<vmem>>, vector<1x1x16xi32>,
        %get3A_476 = arith.constant 1 : i32
        %get3A_477 = arith.constant 1 : i32
        %get3A_478 = arith.index_cast %get3A_476 : i32 to index
        %get3A_479 = arith.index_cast %get3A_477 : i32 to index
        %get3A_480 = arith.constant 64 : index
        %get3A_481 = tpu.vector_load %arg7[%get3A_478, %get3A_479, %get3A_480] {strides = array<i32>} : memref<2x2x128xi32, #tpu.memory_space<vmem>>, vector<1x1x16xi32>,
        %get3A_482 = vector.shape_cast %get3A_481 : vector<1x1x16xi32> to vector<16xi32>
        %swap3A_483 = arith.constant 1 : i32
        %swap3A_484 = arith.constant 1 : i32
        %swap3A_485 = arith.index_cast %swap3A_483 : i32 to index
        %swap3A_486 = arith.index_cast %swap3A_484 : i32 to index
        %swap3A_487 = arith.constant 64 : index
        %swap3A_488 = tpu.vector_load %arg6[%swap3A_485, %swap3A_486, %swap3A_487] {strides = array<i32>} : memref<2x2x128xi32, #tpu.memory_space<vmem>>, vector<1x1x16xi32>,
        %swap3A_489 = vector.shape_cast %swap3A_488 : vector<1x1x16xi32> to vector<16xi32>
        %swap3A_490 = vector.shape_cast %get3A_482 : vector<16xi32> to vector<1x1x16xi32>
        tpu.vector_store %arg6[%swap3A_485, %swap3A_486, %swap3A_487], %swap3A_490 {strides = array<i32>} : memref<2x2x128xi32, #tpu.memory_space<vmem>>, vector<1x1x16xi32>,
        %get3A_491 = arith.constant 1 : i32
        %get3A_492 = arith.constant 1 : i32
        %get3A_493 = arith.index_cast %get3A_491 : i32 to index
        %get3A_494 = arith.index_cast %get3A_492 : i32 to index
        %get3A_495 = arith.constant 80 : index
        %get3A_496 = tpu.vector_load %arg7[%get3A_493, %get3A_494, %get3A_495] {strides = array<i32>} : memref<2x2x128xi32, #tpu.memory_space<vmem>>, vector<1x1x16xi32>,
        %get3A_497 = vector.shape_cast %get3A_496 : vector<1x1x16xi32> to vector<16xi32>
        %swap3A_498 = arith.constant 1 : i32
        %swap3A_499 = arith.constant 1 : i32
        %swap3A_500 = arith.index_cast %swap3A_498 : i32 to index
        %swap3A_501 = arith.index_cast %swap3A_499 : i32 to index
        %swap3A_502 = arith.constant 80 : index
        %swap3A_503 = tpu.vector_load %arg6[%swap3A_500, %swap3A_501, %swap3A_502] {strides = array<i32>} : memref<2x2x128xi32, #tpu.memory_space<vmem>>, vector<1x1x16xi32>,
        %swap3A_504 = vector.shape_cast %swap3A_503 : vector<1x1x16xi32> to vector<16xi32>
        %swap3A_505 = vector.shape_cast %get3A_497 : vector<16xi32> to vector<1x1x16xi32>
        tpu.vector_store %arg6[%swap3A_500, %swap3A_501, %swap3A_502], %swap3A_505 {strides = array<i32>} : memref<2x2x128xi32, #tpu.memory_space<vmem>>, vector<1x1x16xi32>,
        %get3A_506 = arith.constant 1 : i32
        %get3A_507 = arith.constant 1 : i32
        %get3A_508 = arith.index_cast %get3A_506 : i32 to index
        %get3A_509 = arith.index_cast %get3A_507 : i32 to index
        %get3A_510 = arith.constant 96 : index
        %get3A_511 = tpu.vector_load %arg7[%get3A_508, %get3A_509, %get3A_510] {strides = array<i32>} : memref<2x2x128xi32, #tpu.memory_space<vmem>>, vector<1x1x16xi32>,
        %get3A_512 = vector.shape_cast %get3A_511 : vector<1x1x16xi32> to vector<16xi32>
        %swap3A_513 = arith.constant 1 : i32
        %swap3A_514 = arith.constant 1 : i32
        %swap3A_515 = arith.index_cast %swap3A_513 : i32 to index
        %swap3A_516 = arith.index_cast %swap3A_514 : i32 to index
        %swap3A_517 = arith.constant 96 : index
        %swap3A_518 = tpu.vector_load %arg6[%swap3A_515, %swap3A_516, %swap3A_517] {strides = array<i32>} : memref<2x2x128xi32, #tpu.memory_space<vmem>>, vector<1x1x16xi32>,
        %swap3A_519 = vector.shape_cast %swap3A_518 : vector<1x1x16xi32> to vector<16xi32>
        %swap3A_520 = vector.shape_cast %get3A_512 : vector<16xi32> to vector<1x1x16xi32>
        tpu.vector_store %arg6[%swap3A_515, %swap3A_516, %swap3A_517], %swap3A_520 {strides = array<i32>} : memref<2x2x128xi32, #tpu.memory_space<vmem>>, vector<1x1x16xi32>,
        %get3A_521 = arith.constant 1 : i32
        %get3A_522 = arith.constant 1 : i32
        %get3A_523 = arith.index_cast %get3A_521 : i32 to index
        %get3A_524 = arith.index_cast %get3A_522 : i32 to index
        %get3A_525 = arith.constant 112 : index
        %get3A_526 = tpu.vector_load %arg7[%get3A_523, %get3A_524, %get3A_525] {strides = array<i32>} : memref<2x2x128xi32, #tpu.memory_space<vmem>>, vector<1x1x16xi32>,
        %get3A_527 = vector.shape_cast %get3A_526 : vector<1x1x16xi32> to vector<16xi32>
        %swap3A_528 = arith.constant 1 : i32
        %swap3A_529 = arith.constant 1 : i32
        %swap3A_530 = arith.index_cast %swap3A_528 : i32 to index
        %swap3A_531 = arith.index_cast %swap3A_529 : i32 to index
        %swap3A_532 = arith.constant 112 : index
        %swap3A_533 = tpu.vector_load %arg6[%swap3A_530, %swap3A_531, %swap3A_532] {strides = array<i32>} : memref<2x2x128xi32, #tpu.memory_space<vmem>>, vector<1x1x16xi32>,
        %swap3A_534 = vector.shape_cast %swap3A_533 : vector<1x1x16xi32> to vector<16xi32>
        %swap3A_535 = vector.shape_cast %get3A_527 : vector<16xi32> to vector<1x1x16xi32>
        tpu.vector_store %arg6[%swap3A_530, %swap3A_531, %swap3A_532], %swap3A_535 {strides = array<i32>} : memref<2x2x128xi32, #tpu.memory_space<vmem>>, vector<1x1x16xi32>,
        %dma_start3A_536 = arith.constant 1 : i32
        %dma_start3A_537 = arith.constant 0 : i32
        %dma_start3A_538 = arith.constant 1 : i32
        %dma_start3A_539 = arith.constant 0 : i32
        %dma_start3A_540 = arith.constant 0 : i32
        %dma_start3A_541 = tpu.memref_slice %arg8[%dma_start3A_538, %dma_start3A_539, %dma_start3A_540] : memref<2x128x128xf32, #tpu.memory_space<vmem>> -> memref<1x128x128xf32, #tpu.memory_space<vmem>>
        %dma_start3A_542 = tpu.memref_squeeze %dma_start3A_541 : memref<1x128x128xf32, #tpu.memory_space<vmem>> -> memref<128x128xf32, #tpu.memory_space<vmem>>
        %dma_start3A_543 = arith.constant 0 : i32
        %dma_start3A_544 = tpu.memref_slice %arg6[%dma_start3A_536, %dma_start3A_537, %dma_start3A_543] : memref<2x2x128xi32, #tpu.memory_space<vmem>> -> memref<1x1x128xi32, #tpu.memory_space<vmem>>
        %dma_start3A_545 = tpu.memref_squeeze %dma_start3A_544 : memref<1x1x128xi32, #tpu.memory_space<vmem>> -> memref<128xi32, #tpu.memory_space<vmem>>
        %dma_start3A_546 = arith.constant 0 : i32
        %dma_start3A_547 = arith.constant 0 : i32
        %dma_start3A_548 = tpu.memref_slice %arg4[%dma_start3A_546, %dma_start3A_547] : memref<10240x128xf32, #tpu.memory_space<hbm>> -> memref<10240x128xf32, #tpu.memory_space<hbm>>
        tpu.enqueue_indirect_dma source(%dma_start3A_548 : memref<10240x128xf32, #tpu.memory_space<hbm>>) target(%dma_start3A_542 : memref<128x128xf32, #tpu.memory_space<vmem>>) offsets(%dma_start3A_545 : memref<128xi32, #tpu.memory_space<vmem>>) semaphore(%arg11 : memref<!tpu.dma_semaphore, #tpu.memory_space<semaphore_mem>>)
        %add3A_549 = arith.constant 3 : i32
        %add3A_550 = arith.addi %add3A_200, %add3A_549 : i32
        %lt3A_551 = arith.constant 80 : i32
        %lt3A_552 = arith.cmpi slt, %add3A_550, %lt3A_551 : i32
        %convert_element_type3A_553 = arith.extui %lt3A_552 : i1 to i32
        %cond3A_554 = arith.constant 0 : i32
        %cond3A_555 = arith.cmpi ne, %convert_element_type3A_553, %cond3A_554 : i32
        scf.if %cond3A_555 {
          %add3A_556 = arith.constant 3 : i32
          %add3A_557 = arith.addi %add3A_200, %add3A_556 : i32
          %add3A_558 = arith.addi %mul3A_2, %add3A_557 : i32
          %dma_start3A_559 = arith.constant 1 : i32
          %dma_start3A_560 = arith.constant 0 : i32
          %dma_start3A_561 = arith.constant 0 : i32
          %dma_start3A_562 = tpu.memref_slice %arg7[%dma_start3A_559, %dma_start3A_560, %dma_start3A_561] : memref<2x2x128xi32, #tpu.memory_space<vmem>> -> memref<1x1x128xi32, #tpu.memory_space<vmem>>
          %dma_start3A_563 = tpu.memref_squeeze %dma_start3A_562 : memref<1x1x128xi32, #tpu.memory_space<vmem>> -> memref<128xi32, #tpu.memory_space<vmem>>
          %dma_start3A_564 = arith.constant 0 : i32
          %dma_start3A_565 = tpu.memref_slice %arg2[%add3A_558, %dma_start3A_564] : memref<2560x128xi32, #tpu.memory_space<hbm>> -> memref<1x128xi32, #tpu.memory_space<hbm>>
          %dma_start3A_566 = tpu.memref_squeeze %dma_start3A_565 : memref<1x128xi32, #tpu.memory_space<hbm>> -> memref<128xi32, #tpu.memory_space<hbm>>
          %dma_start3A_567 = arith.constant 0 : i32
          %dma_start3A_568 = tpu.memref_slice %arg7[%dma_start3A_559, %dma_start3A_560, %dma_start3A_567] : memref<2x2x128xi32, #tpu.memory_space<vmem>> -> memref<1x1x128xi32, #tpu.memory_space<vmem>>
          %dma_start3A_569 = tpu.memref_squeeze %dma_start3A_568 : memref<1x1x128xi32, #tpu.memory_space<vmem>> -> memref<128xi32, #tpu.memory_space<vmem>>
          %dma_start3A_570 = arith.constant 0 : i32
          %dma_start3A_571 = tpu.memref_slice %arg2[%add3A_558, %dma_start3A_570] : memref<2560x128xi32, #tpu.memory_space<hbm>> -> memref<1x128xi32, #tpu.memory_space<hbm>>
          %dma_start3A_572 = tpu.memref_squeeze %dma_start3A_571 : memref<1x128xi32, #tpu.memory_space<hbm>> -> memref<128xi32, #tpu.memory_space<hbm>>
          tpu.enqueue_dma source(%dma_start3A_572 : memref<128xi32, #tpu.memory_space<hbm>>) target(%dma_start3A_569 : memref<128xi32, #tpu.memory_space<vmem>>) target_semaphore(%arg15 : memref<!tpu.dma_semaphore, #tpu.memory_space<semaphore_mem>>)
          %add3A_573 = arith.addi %mul3A_2, %add3A_557 : i32
          %dma_start3A_574 = arith.constant 1 : i32
          %dma_start3A_575 = arith.constant 1 : i32
          %dma_start3A_576 = arith.constant 0 : i32
          %dma_start3A_577 = tpu.memref_slice %arg7[%dma_start3A_574, %dma_start3A_575, %dma_start3A_576] : memref<2x2x128xi32, #tpu.memory_space<vmem>> -> memref<1x1x128xi32, #tpu.memory_space<vmem>>
          %dma_start3A_578 = tpu.memref_squeeze %dma_start3A_577 : memref<1x1x128xi32, #tpu.memory_space<vmem>> -> memref<128xi32, #tpu.memory_space<vmem>>
          %dma_start3A_579 = arith.constant 0 : i32
          %dma_start3A_580 = tpu.memref_slice %arg3[%add3A_573, %dma_start3A_579] : memref<2560x128xi32, #tpu.memory_space<hbm>> -> memref<1x128xi32, #tpu.memory_space<hbm>>
          %dma_start3A_581 = tpu.memref_squeeze %dma_start3A_580 : memref<1x128xi32, #tpu.memory_space<hbm>> -> memref<128xi32, #tpu.memory_space<hbm>>
          %dma_start3A_582 = arith.constant 0 : i32
          %dma_start3A_583 = tpu.memref_slice %arg7[%dma_start3A_574, %dma_start3A_575, %dma_start3A_582] : memref<2x2x128xi32, #tpu.memory_space<vmem>> -> memref<1x1x128xi32, #tpu.memory_space<vmem>>
          %dma_start3A_584 = tpu.memref_squeeze %dma_start3A_583 : memref<1x1x128xi32, #tpu.memory_space<vmem>> -> memref<128xi32, #tpu.memory_space<vmem>>
          %dma_start3A_585 = arith.constant 0 : i32
          %dma_start3A_586 = tpu.memref_slice %arg3[%add3A_573, %dma_start3A_585] : memref<2560x128xi32, #tpu.memory_space<hbm>> -> memref<1x128xi32, #tpu.memory_space<hbm>>
          %dma_start3A_587 = tpu.memref_squeeze %dma_start3A_586 : memref<1x128xi32, #tpu.memory_space<hbm>> -> memref<128xi32, #tpu.memory_space<hbm>>
          tpu.enqueue_dma source(%dma_start3A_587 : memref<128xi32, #tpu.memory_space<hbm>>) target(%dma_start3A_584 : memref<128xi32, #tpu.memory_space<vmem>>) target_semaphore(%arg15 : memref<!tpu.dma_semaphore, #tpu.memory_space<semaphore_mem>>)
        } else {
        }
      } else {
      }
      %add3A_231 = arith.constant 1 : i32
      %add3A_232 = arith.addi %add3A_198, %add3A_231 : i32
      %dma_wait3A_233 = arith.constant 1 : i32
      %dma_wait3A_234 = arith.constant 0 : i32
      %dma_wait3A_235 = arith.constant 1 : i32
      %dma_wait3A_236 = arith.constant 0 : i32
      %dma_wait3A_237 = arith.constant 0 : i32
      %dma_wait3A_238 = tpu.memref_slice %arg8[%dma_wait3A_235, %dma_wait3A_236, %dma_wait3A_237] : memref<2x128x128xf32, #tpu.memory_space<vmem>> -> memref<1x128x128xf32, #tpu.memory_space<vmem>>
      %dma_wait3A_239 = tpu.memref_squeeze %dma_wait3A_238 : memref<1x128x128xf32, #tpu.memory_space<vmem>> -> memref<128x128xf32, #tpu.memory_space<vmem>>
      %dma_wait3A_240 = arith.constant 0 : i32
      %dma_wait3A_241 = tpu.memref_slice %arg6[%dma_wait3A_233, %dma_wait3A_234, %dma_wait3A_240] : memref<2x2x128xi32, #tpu.memory_space<vmem>> -> memref<1x1x128xi32, #tpu.memory_space<vmem>>
      %dma_wait3A_242 = tpu.memref_squeeze %dma_wait3A_241 : memref<1x1x128xi32, #tpu.memory_space<vmem>> -> memref<128xi32, #tpu.memory_space<vmem>>
      %dma_wait3A_243 = arith.constant 0 : i32
      %dma_wait3A_244 = arith.constant 0 : i32
      %dma_wait3A_245 = tpu.memref_slice %arg4[%dma_wait3A_243, %dma_wait3A_244] : memref<10240x128xf32, #tpu.memory_space<hbm>> -> memref<10240x128xf32, #tpu.memory_space<hbm>>
      tpu.wait_indirect_dma semaphore(%arg11 : memref<!tpu.dma_semaphore, #tpu.memory_space<semaphore_mem>>) src(%dma_wait3A_245 : memref<10240x128xf32, #tpu.memory_space<hbm>>) dst(%dma_wait3A_239 : memref<128x128xf32, #tpu.memory_space<vmem>>)
      %dma_start3A_246 = arith.constant 1 : i32
      %dma_start3A_247 = arith.constant 1 : i32
      %dma_start3A_248 = arith.constant 1 : i32
      %dma_start3A_249 = arith.constant 0 : i32
      %dma_start3A_250 = arith.constant 0 : i32
      %dma_start3A_251 = tpu.memref_slice %arg8[%dma_start3A_246, %dma_start3A_249, %dma_start3A_250] : memref<2x128x128xf32, #tpu.memory_space<vmem>> -> memref<1x128x128xf32, #tpu.memory_space<vmem>>
      %dma_start3A_252 = tpu.memref_squeeze %dma_start3A_251 : memref<1x128x128xf32, #tpu.memory_space<vmem>> -> memref<128x128xf32, #tpu.memory_space<vmem>>
      %dma_start3A_253 = arith.constant 0 : i32
      %dma_start3A_254 = tpu.memref_slice %arg6[%dma_start3A_247, %dma_start3A_248, %dma_start3A_253] : memref<2x2x128xi32, #tpu.memory_space<vmem>> -> memref<1x1x128xi32, #tpu.memory_space<vmem>>
      %dma_start3A_255 = tpu.memref_squeeze %dma_start3A_254 : memref<1x1x128xi32, #tpu.memory_space<vmem>> -> memref<128xi32, #tpu.memory_space<vmem>>
      %dma_start3A_256 = arith.constant 0 : i32
      %dma_start3A_257 = arith.constant 0 : i32
      %dma_start3A_258 = tpu.memref_slice %arg9[%dma_start3A_256, %dma_start3A_257] : memref<10240x128xf32, #tpu.memory_space<vmem_shared>> -> memref<10240x128xf32, #tpu.memory_space<vmem_shared>>
      tpu.enqueue_indirect_dma source(%dma_start3A_252 : memref<128x128xf32, #tpu.memory_space<vmem>>) target(%dma_start3A_258 : memref<10240x128xf32, #tpu.memory_space<vmem_shared>>) offsets(%dma_start3A_255 : memref<128xi32, #tpu.memory_space<vmem>>) semaphore(%arg13 : memref<!tpu.dma_semaphore, #tpu.memory_space<semaphore_mem>>) {add = true}
      %add3A_259 = arith.constant 1 : i32
      %add3A_260 = arith.addi %add3A_232, %add3A_259 : i32
      %lt3A_261 = arith.constant 80 : i32
      %lt3A_262 = arith.cmpi slt, %add3A_260, %lt3A_261 : i32
      %convert_element_type3A_263 = arith.extui %lt3A_262 : i1 to i32
      %cond3A_264 = arith.constant 0 : i32
      %cond3A_265 = arith.cmpi ne, %convert_element_type3A_263, %cond3A_264 : i32
      scf.if %cond3A_265 {
        %gt3A = arith.constant 0 : i32
        %gt3A_266 = arith.cmpi sgt, %add3A_232, %gt3A : i32
        %convert_element_type3A_267 = arith.extui %gt3A_266 : i1 to i32
        %cond3A_268 = arith.constant 0 : i32
        %cond3A_269 = arith.cmpi ne, %convert_element_type3A_267, %cond3A_268 : i32
        scf.if %cond3A_269 {
          %dma_wait3A_556 = arith.constant 0 : i32
          %dma_wait3A_557 = arith.constant 0 : i32
          %dma_wait3A_558 = arith.constant 1 : i32
          %dma_wait3A_559 = arith.constant 0 : i32
          %dma_wait3A_560 = arith.constant 0 : i32
          %dma_wait3A_561 = tpu.memref_slice %arg8[%dma_wait3A_556, %dma_wait3A_559, %dma_wait3A_560] : memref<2x128x128xf32, #tpu.memory_space<vmem>> -> memref<1x128x128xf32, #tpu.memory_space<vmem>>
          %dma_wait3A_562 = tpu.memref_squeeze %dma_wait3A_561 : memref<1x128x128xf32, #tpu.memory_space<vmem>> -> memref<128x128xf32, #tpu.memory_space<vmem>>
          %dma_wait3A_563 = arith.constant 0 : i32
          %dma_wait3A_564 = tpu.memref_slice %arg6[%dma_wait3A_557, %dma_wait3A_558, %dma_wait3A_563] : memref<2x2x128xi32, #tpu.memory_space<vmem>> -> memref<1x1x128xi32, #tpu.memory_space<vmem>>
          %dma_wait3A_565 = tpu.memref_squeeze %dma_wait3A_564 : memref<1x1x128xi32, #tpu.memory_space<vmem>> -> memref<128xi32, #tpu.memory_space<vmem>>
          %dma_wait3A_566 = arith.constant 0 : i32
          %dma_wait3A_567 = arith.constant 0 : i32
          %dma_wait3A_568 = tpu.memref_slice %arg9[%dma_wait3A_566, %dma_wait3A_567] : memref<10240x128xf32, #tpu.memory_space<vmem_shared>> -> memref<10240x128xf32, #tpu.memory_space<vmem_shared>>
          tpu.wait_indirect_dma semaphore(%arg12 : memref<!tpu.dma_semaphore, #tpu.memory_space<semaphore_mem>>) src(%dma_wait3A_562 : memref<128x128xf32, #tpu.memory_space<vmem>>) dst(%dma_wait3A_568 : memref<10240x128xf32, #tpu.memory_space<vmem_shared>>)
        } else {
        }
        %dma_wait3A_270 = arith.constant 0 : i32
        %dma_wait3A_271 = arith.constant 0 : i32
        %dma_wait3A_272 = arith.constant 0 : i32
        %dma_wait3A_273 = tpu.memref_slice %arg7[%dma_wait3A_270, %dma_wait3A_271, %dma_wait3A_272] : memref<2x2x128xi32, #tpu.memory_space<vmem>> -> memref<1x1x128xi32, #tpu.memory_space<vmem>>
        %dma_wait3A_274 = tpu.memref_squeeze %dma_wait3A_273 : memref<1x1x128xi32, #tpu.memory_space<vmem>> -> memref<128xi32, #tpu.memory_space<vmem>>
        %dma_wait3A_275 = arith.constant 0 : i32
        %dma_wait3A_276 = tpu.memref_slice %arg2[%mul3A_2, %dma_wait3A_275] : memref<2560x128xi32, #tpu.memory_space<hbm>> -> memref<1x128xi32, #tpu.memory_space<hbm>>
        %dma_wait3A_277 = tpu.memref_squeeze %dma_wait3A_276 : memref<1x128xi32, #tpu.memory_space<hbm>> -> memref<128xi32, #tpu.memory_space<hbm>>
        %dma_wait3A_278 = arith.constant 0 : i32
        %dma_wait3A_279 = tpu.memref_slice %arg7[%dma_wait3A_270, %dma_wait3A_271, %dma_wait3A_278] : memref<2x2x128xi32, #tpu.memory_space<vmem>> -> memref<1x1x128xi32, #tpu.memory_space<vmem>>
        %dma_wait3A_280 = tpu.memref_squeeze %dma_wait3A_279 : memref<1x1x128xi32, #tpu.memory_space<vmem>> -> memref<128xi32, #tpu.memory_space<vmem>>
        %dma_wait3A_281 = arith.constant 0 : i32
        %dma_wait3A_282 = tpu.memref_slice %arg2[%mul3A_2, %dma_wait3A_281] : memref<2560x128xi32, #tpu.memory_space<hbm>> -> memref<1x128xi32, #tpu.memory_space<hbm>>
        %dma_wait3A_283 = tpu.memref_squeeze %dma_wait3A_282 : memref<1x128xi32, #tpu.memory_space<hbm>> -> memref<128xi32, #tpu.memory_space<hbm>>
        tpu.wait_dma2 semaphore(%arg14 : memref<!tpu.dma_semaphore, #tpu.memory_space<semaphore_mem>>) src(%dma_wait3A_283 : memref<128xi32, #tpu.memory_space<hbm>>) dst(%dma_wait3A_280 : memref<128xi32, #tpu.memory_space<vmem>>)
        %dma_wait3A_284 = arith.constant 0 : i32
        %dma_wait3A_285 = arith.constant 1 : i32
        %dma_wait3A_286 = arith.constant 0 : i32
        %dma_wait3A_287 = tpu.memref_slice %arg7[%dma_wait3A_284, %dma_wait3A_285, %dma_wait3A_286] : memref<2x2x128xi32, #tpu.memory_space<vmem>> -> memref<1x1x128xi32, #tpu.memory_space<vmem>>
        %dma_wait3A_288 = tpu.memref_squeeze %dma_wait3A_287 : memref<1x1x128xi32, #tpu.memory_space<vmem>> -> memref<128xi32, #tpu.memory_space<vmem>>
        %dma_wait3A_289 = arith.constant 0 : i32
        %dma_wait3A_290 = tpu.memref_slice %arg3[%mul3A_2, %dma_wait3A_289] : memref<2560x128xi32, #tpu.memory_space<hbm>> -> memref<1x128xi32, #tpu.memory_space<hbm>>
        %dma_wait3A_291 = tpu.memref_squeeze %dma_wait3A_290 : memref<1x128xi32, #tpu.memory_space<hbm>> -> memref<128xi32, #tpu.memory_space<hbm>>
        %dma_wait3A_292 = arith.constant 0 : i32
        %dma_wait3A_293 = tpu.memref_slice %arg7[%dma_wait3A_284, %dma_wait3A_285, %dma_wait3A_292] : memref<2x2x128xi32, #tpu.memory_space<vmem>> -> memref<1x1x128xi32, #tpu.memory_space<vmem>>
        %dma_wait3A_294 = tpu.memref_squeeze %dma_wait3A_293 : memref<1x1x128xi32, #tpu.memory_space<vmem>> -> memref<128xi32, #tpu.memory_space<vmem>>
        %dma_wait3A_295 = arith.constant 0 : i32
        %dma_wait3A_296 = tpu.memref_slice %arg3[%mul3A_2, %dma_wait3A_295] : memref<2560x128xi32, #tpu.memory_space<hbm>> -> memref<1x128xi32, #tpu.memory_space<hbm>>
        %dma_wait3A_297 = tpu.memref_squeeze %dma_wait3A_296 : memref<1x128xi32, #tpu.memory_space<hbm>> -> memref<128xi32, #tpu.memory_space<hbm>>
        tpu.wait_dma2 semaphore(%arg14 : memref<!tpu.dma_semaphore, #tpu.memory_space<semaphore_mem>>) src(%dma_wait3A_297 : memref<128xi32, #tpu.memory_space<hbm>>) dst(%dma_wait3A_294 : memref<128xi32, #tpu.memory_space<vmem>>)
        %get3A = arith.constant 0 : i32
        %get3A_298 = arith.constant 0 : i32
        %get3A_299 = arith.index_cast %get3A : i32 to index
        %get3A_300 = arith.index_cast %get3A_298 : i32 to index
        %get3A_301 = arith.constant 0 : index
        %get3A_302 = tpu.vector_load %arg7[%get3A_299, %get3A_300, %get3A_301] {strides = array<i32>} : memref<2x2x128xi32, #tpu.memory_space<vmem>>, vector<1x1x16xi32>,
        %get3A_303 = vector.shape_cast %get3A_302 : vector<1x1x16xi32> to vector<16xi32>
        %swap3A = arith.constant 0 : i32
        %swap3A_304 = arith.constant 0 : i32
        %swap3A_305 = arith.index_cast %swap3A : i32 to index
        %swap3A_306 = arith.index_cast %swap3A_304 : i32 to index
        %swap3A_307 = arith.constant 0 : index
        %swap3A_308 = tpu.vector_load %arg6[%swap3A_305, %swap3A_306, %swap3A_307] {strides = array<i32>} : memref<2x2x128xi32, #tpu.memory_space<vmem>>, vector<1x1x16xi32>,
        %swap3A_309 = vector.shape_cast %swap3A_308 : vector<1x1x16xi32> to vector<16xi32>
        %swap3A_310 = vector.shape_cast %get3A_303 : vector<16xi32> to vector<1x1x16xi32>
        tpu.vector_store %arg6[%swap3A_305, %swap3A_306, %swap3A_307], %swap3A_310 {strides = array<i32>} : memref<2x2x128xi32, #tpu.memory_space<vmem>>, vector<1x1x16xi32>,
        %get3A_311 = arith.constant 0 : i32
        %get3A_312 = arith.constant 0 : i32
        %get3A_313 = arith.index_cast %get3A_311 : i32 to index
        %get3A_314 = arith.index_cast %get3A_312 : i32 to index
        %get3A_315 = arith.constant 16 : index
        %get3A_316 = tpu.vector_load %arg7[%get3A_313, %get3A_314, %get3A_315] {strides = array<i32>} : memref<2x2x128xi32, #tpu.memory_space<vmem>>, vector<1x1x16xi32>,
        %get3A_317 = vector.shape_cast %get3A_316 : vector<1x1x16xi32> to vector<16xi32>
        %swap3A_318 = arith.constant 0 : i32
        %swap3A_319 = arith.constant 0 : i32
        %swap3A_320 = arith.index_cast %swap3A_318 : i32 to index
        %swap3A_321 = arith.index_cast %swap3A_319 : i32 to index
        %swap3A_322 = arith.constant 16 : index
        %swap3A_323 = tpu.vector_load %arg6[%swap3A_320, %swap3A_321, %swap3A_322] {strides = array<i32>} : memref<2x2x128xi32, #tpu.memory_space<vmem>>, vector<1x1x16xi32>,
        %swap3A_324 = vector.shape_cast %swap3A_323 : vector<1x1x16xi32> to vector<16xi32>
        %swap3A_325 = vector.shape_cast %get3A_317 : vector<16xi32> to vector<1x1x16xi32>
        tpu.vector_store %arg6[%swap3A_320, %swap3A_321, %swap3A_322], %swap3A_325 {strides = array<i32>} : memref<2x2x128xi32, #tpu.memory_space<vmem>>, vector<1x1x16xi32>,
        %get3A_326 = arith.constant 0 : i32
        %get3A_327 = arith.constant 0 : i32
        %get3A_328 = arith.index_cast %get3A_326 : i32 to index
        %get3A_329 = arith.index_cast %get3A_327 : i32 to index
        %get3A_330 = arith.constant 32 : index
        %get3A_331 = tpu.vector_load %arg7[%get3A_328, %get3A_329, %get3A_330] {strides = array<i32>} : memref<2x2x128xi32, #tpu.memory_space<vmem>>, vector<1x1x16xi32>,
        %get3A_332 = vector.shape_cast %get3A_331 : vector<1x1x16xi32> to vector<16xi32>
        %swap3A_333 = arith.constant 0 : i32
        %swap3A_334 = arith.constant 0 : i32
        %swap3A_335 = arith.index_cast %swap3A_333 : i32 to index
        %swap3A_336 = arith.index_cast %swap3A_334 : i32 to index
        %swap3A_337 = arith.constant 32 : index
        %swap3A_338 = tpu.vector_load %arg6[%swap3A_335, %swap3A_336, %swap3A_337] {strides = array<i32>} : memref<2x2x128xi32, #tpu.memory_space<vmem>>, vector<1x1x16xi32>,
        %swap3A_339 = vector.shape_cast %swap3A_338 : vector<1x1x16xi32> to vector<16xi32>
        %swap3A_340 = vector.shape_cast %get3A_332 : vector<16xi32> to vector<1x1x16xi32>
        tpu.vector_store %arg6[%swap3A_335, %swap3A_336, %swap3A_337], %swap3A_340 {strides = array<i32>} : memref<2x2x128xi32, #tpu.memory_space<vmem>>, vector<1x1x16xi32>,
        %get3A_341 = arith.constant 0 : i32
        %get3A_342 = arith.constant 0 : i32
        %get3A_343 = arith.index_cast %get3A_341 : i32 to index
        %get3A_344 = arith.index_cast %get3A_342 : i32 to index
        %get3A_345 = arith.constant 48 : index
        %get3A_346 = tpu.vector_load %arg7[%get3A_343, %get3A_344, %get3A_345] {strides = array<i32>} : memref<2x2x128xi32, #tpu.memory_space<vmem>>, vector<1x1x16xi32>,
        %get3A_347 = vector.shape_cast %get3A_346 : vector<1x1x16xi32> to vector<16xi32>
        %swap3A_348 = arith.constant 0 : i32
        %swap3A_349 = arith.constant 0 : i32
        %swap3A_350 = arith.index_cast %swap3A_348 : i32 to index
        %swap3A_351 = arith.index_cast %swap3A_349 : i32 to index
        %swap3A_352 = arith.constant 48 : index
        %swap3A_353 = tpu.vector_load %arg6[%swap3A_350, %swap3A_351, %swap3A_352] {strides = array<i32>} : memref<2x2x128xi32, #tpu.memory_space<vmem>>, vector<1x1x16xi32>,
        %swap3A_354 = vector.shape_cast %swap3A_353 : vector<1x1x16xi32> to vector<16xi32>
        %swap3A_355 = vector.shape_cast %get3A_347 : vector<16xi32> to vector<1x1x16xi32>
        tpu.vector_store %arg6[%swap3A_350, %swap3A_351, %swap3A_352], %swap3A_355 {strides = array<i32>} : memref<2x2x128xi32, #tpu.memory_space<vmem>>, vector<1x1x16xi32>,
        %get3A_356 = arith.constant 0 : i32
        %get3A_357 = arith.constant 0 : i32
        %get3A_358 = arith.index_cast %get3A_356 : i32 to index
        %get3A_359 = arith.index_cast %get3A_357 : i32 to index
        %get3A_360 = arith.constant 64 : index
        %get3A_361 = tpu.vector_load %arg7[%get3A_358, %get3A_359, %get3A_360] {strides = array<i32>} : memref<2x2x128xi32, #tpu.memory_space<vmem>>, vector<1x1x16xi32>,
        %get3A_362 = vector.shape_cast %get3A_361 : vector<1x1x16xi32> to vector<16xi32>
        %swap3A_363 = arith.constant 0 : i32
        %swap3A_364 = arith.constant 0 : i32
        %swap3A_365 = arith.index_cast %swap3A_363 : i32 to index
        %swap3A_366 = arith.index_cast %swap3A_364 : i32 to index
        %swap3A_367 = arith.constant 64 : index
        %swap3A_368 = tpu.vector_load %arg6[%swap3A_365, %swap3A_366, %swap3A_367] {strides = array<i32>} : memref<2x2x128xi32, #tpu.memory_space<vmem>>, vector<1x1x16xi32>,
        %swap3A_369 = vector.shape_cast %swap3A_368 : vector<1x1x16xi32> to vector<16xi32>
        %swap3A_370 = vector.shape_cast %get3A_362 : vector<16xi32> to vector<1x1x16xi32>
        tpu.vector_store %arg6[%swap3A_365, %swap3A_366, %swap3A_367], %swap3A_370 {strides = array<i32>} : memref<2x2x128xi32, #tpu.memory_space<vmem>>, vector<1x1x16xi32>,
        %get3A_371 = arith.constant 0 : i32
        %get3A_372 = arith.constant 0 : i32
        %get3A_373 = arith.index_cast %get3A_371 : i32 to index
        %get3A_374 = arith.index_cast %get3A_372 : i32 to index
        %get3A_375 = arith.constant 80 : index
        %get3A_376 = tpu.vector_load %arg7[%get3A_373, %get3A_374, %get3A_375] {strides = array<i32>} : memref<2x2x128xi32, #tpu.memory_space<vmem>>, vector<1x1x16xi32>,
        %get3A_377 = vector.shape_cast %get3A_376 : vector<1x1x16xi32> to vector<16xi32>
        %swap3A_378 = arith.constant 0 : i32
        %swap3A_379 = arith.constant 0 : i32
        %swap3A_380 = arith.index_cast %swap3A_378 : i32 to index
        %swap3A_381 = arith.index_cast %swap3A_379 : i32 to index
        %swap3A_382 = arith.constant 80 : index
        %swap3A_383 = tpu.vector_load %arg6[%swap3A_380, %swap3A_381, %swap3A_382] {strides = array<i32>} : memref<2x2x128xi32, #tpu.memory_space<vmem>>, vector<1x1x16xi32>,
        %swap3A_384 = vector.shape_cast %swap3A_383 : vector<1x1x16xi32> to vector<16xi32>
        %swap3A_385 = vector.shape_cast %get3A_377 : vector<16xi32> to vector<1x1x16xi32>
        tpu.vector_store %arg6[%swap3A_380, %swap3A_381, %swap3A_382], %swap3A_385 {strides = array<i32>} : memref<2x2x128xi32, #tpu.memory_space<vmem>>, vector<1x1x16xi32>,
        %get3A_386 = arith.constant 0 : i32
        %get3A_387 = arith.constant 0 : i32
        %get3A_388 = arith.index_cast %get3A_386 : i32 to index
        %get3A_389 = arith.index_cast %get3A_387 : i32 to index
        %get3A_390 = arith.constant 96 : index
        %get3A_391 = tpu.vector_load %arg7[%get3A_388, %get3A_389, %get3A_390] {strides = array<i32>} : memref<2x2x128xi32, #tpu.memory_space<vmem>>, vector<1x1x16xi32>,
        %get3A_392 = vector.shape_cast %get3A_391 : vector<1x1x16xi32> to vector<16xi32>
        %swap3A_393 = arith.constant 0 : i32
        %swap3A_394 = arith.constant 0 : i32
        %swap3A_395 = arith.index_cast %swap3A_393 : i32 to index
        %swap3A_396 = arith.index_cast %swap3A_394 : i32 to index
        %swap3A_397 = arith.constant 96 : index
        %swap3A_398 = tpu.vector_load %arg6[%swap3A_395, %swap3A_396, %swap3A_397] {strides = array<i32>} : memref<2x2x128xi32, #tpu.memory_space<vmem>>, vector<1x1x16xi32>,
        %swap3A_399 = vector.shape_cast %swap3A_398 : vector<1x1x16xi32> to vector<16xi32>
        %swap3A_400 = vector.shape_cast %get3A_392 : vector<16xi32> to vector<1x1x16xi32>
        tpu.vector_store %arg6[%swap3A_395, %swap3A_396, %swap3A_397], %swap3A_400 {strides = array<i32>} : memref<2x2x128xi32, #tpu.memory_space<vmem>>, vector<1x1x16xi32>,
        %get3A_401 = arith.constant 0 : i32
        %get3A_402 = arith.constant 0 : i32
        %get3A_403 = arith.index_cast %get3A_401 : i32 to index
        %get3A_404 = arith.index_cast %get3A_402 : i32 to index
        %get3A_405 = arith.constant 112 : index
        %get3A_406 = tpu.vector_load %arg7[%get3A_403, %get3A_404, %get3A_405] {strides = array<i32>} : memref<2x2x128xi32, #tpu.memory_space<vmem>>, vector<1x1x16xi32>,
        %get3A_407 = vector.shape_cast %get3A_406 : vector<1x1x16xi32> to vector<16xi32>
        %swap3A_408 = arith.constant 0 : i32
        %swap3A_409 = arith.constant 0 : i32
        %swap3A_410 = arith.index_cast %swap3A_408 : i32 to index
        %swap3A_411 = arith.index_cast %swap3A_409 : i32 to index
        %swap3A_412 = arith.constant 112 : index
        %swap3A_413 = tpu.vector_load %arg6[%swap3A_410, %swap3A_411, %swap3A_412] {strides = array<i32>} : memref<2x2x128xi32, #tpu.memory_space<vmem>>, vector<1x1x16xi32>,
        %swap3A_414 = vector.shape_cast %swap3A_413 : vector<1x1x16xi32> to vector<16xi32>
        %swap3A_415 = vector.shape_cast %get3A_407 : vector<16xi32> to vector<1x1x16xi32>
        tpu.vector_store %arg6[%swap3A_410, %swap3A_411, %swap3A_412], %swap3A_415 {strides = array<i32>} : memref<2x2x128xi32, #tpu.memory_space<vmem>>, vector<1x1x16xi32>,
        %get3A_416 = arith.constant 0 : i32
        %get3A_417 = arith.constant 1 : i32
        %get3A_418 = arith.index_cast %get3A_416 : i32 to index
        %get3A_419 = arith.index_cast %get3A_417 : i32 to index
        %get3A_420 = arith.constant 0 : index
        %get3A_421 = tpu.vector_load %arg7[%get3A_418, %get3A_419, %get3A_420] {strides = array<i32>} : memref<2x2x128xi32, #tpu.memory_space<vmem>>, vector<1x1x16xi32>,
        %get3A_422 = vector.shape_cast %get3A_421 : vector<1x1x16xi32> to vector<16xi32>
        %swap3A_423 = arith.constant 0 : i32
        %swap3A_424 = arith.constant 1 : i32
        %swap3A_425 = arith.index_cast %swap3A_423 : i32 to index
        %swap3A_426 = arith.index_cast %swap3A_424 : i32 to index
        %swap3A_427 = arith.constant 0 : index
        %swap3A_428 = tpu.vector_load %arg6[%swap3A_425, %swap3A_426, %swap3A_427] {strides = array<i32>} : memref<2x2x128xi32, #tpu.memory_space<vmem>>, vector<1x1x16xi32>,
        %swap3A_429 = vector.shape_cast %swap3A_428 : vector<1x1x16xi32> to vector<16xi32>
        %swap3A_430 = vector.shape_cast %get3A_422 : vector<16xi32> to vector<1x1x16xi32>
        tpu.vector_store %arg6[%swap3A_425, %swap3A_426, %swap3A_427], %swap3A_430 {strides = array<i32>} : memref<2x2x128xi32, #tpu.memory_space<vmem>>, vector<1x1x16xi32>,
        %get3A_431 = arith.constant 0 : i32
        %get3A_432 = arith.constant 1 : i32
        %get3A_433 = arith.index_cast %get3A_431 : i32 to index
        %get3A_434 = arith.index_cast %get3A_432 : i32 to index
        %get3A_435 = arith.constant 16 : index
        %get3A_436 = tpu.vector_load %arg7[%get3A_433, %get3A_434, %get3A_435] {strides = array<i32>} : memref<2x2x128xi32, #tpu.memory_space<vmem>>, vector<1x1x16xi32>,
        %get3A_437 = vector.shape_cast %get3A_436 : vector<1x1x16xi32> to vector<16xi32>
        %swap3A_438 = arith.constant 0 : i32
        %swap3A_439 = arith.constant 1 : i32
        %swap3A_440 = arith.index_cast %swap3A_438 : i32 to index
        %swap3A_441 = arith.index_cast %swap3A_439 : i32 to index
        %swap3A_442 = arith.constant 16 : index
        %swap3A_443 = tpu.vector_load %arg6[%swap3A_440, %swap3A_441, %swap3A_442] {strides = array<i32>} : memref<2x2x128xi32, #tpu.memory_space<vmem>>, vector<1x1x16xi32>,
        %swap3A_444 = vector.shape_cast %swap3A_443 : vector<1x1x16xi32> to vector<16xi32>
        %swap3A_445 = vector.shape_cast %get3A_437 : vector<16xi32> to vector<1x1x16xi32>
        tpu.vector_store %arg6[%swap3A_440, %swap3A_441, %swap3A_442], %swap3A_445 {strides = array<i32>} : memref<2x2x128xi32, #tpu.memory_space<vmem>>, vector<1x1x16xi32>,
        %get3A_446 = arith.constant 0 : i32
        %get3A_447 = arith.constant 1 : i32
        %get3A_448 = arith.index_cast %get3A_446 : i32 to index
        %get3A_449 = arith.index_cast %get3A_447 : i32 to index
        %get3A_450 = arith.constant 32 : index
        %get3A_451 = tpu.vector_load %arg7[%get3A_448, %get3A_449, %get3A_450] {strides = array<i32>} : memref<2x2x128xi32, #tpu.memory_space<vmem>>, vector<1x1x16xi32>,
        %get3A_452 = vector.shape_cast %get3A_451 : vector<1x1x16xi32> to vector<16xi32>
        %swap3A_453 = arith.constant 0 : i32
        %swap3A_454 = arith.constant 1 : i32
        %swap3A_455 = arith.index_cast %swap3A_453 : i32 to index
        %swap3A_456 = arith.index_cast %swap3A_454 : i32 to index
        %swap3A_457 = arith.constant 32 : index
        %swap3A_458 = tpu.vector_load %arg6[%swap3A_455, %swap3A_456, %swap3A_457] {strides = array<i32>} : memref<2x2x128xi32, #tpu.memory_space<vmem>>, vector<1x1x16xi32>,
        %swap3A_459 = vector.shape_cast %swap3A_458 : vector<1x1x16xi32> to vector<16xi32>
        %swap3A_460 = vector.shape_cast %get3A_452 : vector<16xi32> to vector<1x1x16xi32>
        tpu.vector_store %arg6[%swap3A_455, %swap3A_456, %swap3A_457], %swap3A_460 {strides = array<i32>} : memref<2x2x128xi32, #tpu.memory_space<vmem>>, vector<1x1x16xi32>,
        %get3A_461 = arith.constant 0 : i32
        %get3A_462 = arith.constant 1 : i32
        %get3A_463 = arith.index_cast %get3A_461 : i32 to index
        %get3A_464 = arith.index_cast %get3A_462 : i32 to index
        %get3A_465 = arith.constant 48 : index
        %get3A_466 = tpu.vector_load %arg7[%get3A_463, %get3A_464, %get3A_465] {strides = array<i32>} : memref<2x2x128xi32, #tpu.memory_space<vmem>>, vector<1x1x16xi32>,
        %get3A_467 = vector.shape_cast %get3A_466 : vector<1x1x16xi32> to vector<16xi32>
        %swap3A_468 = arith.constant 0 : i32
        %swap3A_469 = arith.constant 1 : i32
        %swap3A_470 = arith.index_cast %swap3A_468 : i32 to index
        %swap3A_471 = arith.index_cast %swap3A_469 : i32 to index
        %swap3A_472 = arith.constant 48 : index
        %swap3A_473 = tpu.vector_load %arg6[%swap3A_470, %swap3A_471, %swap3A_472] {strides = array<i32>} : memref<2x2x128xi32, #tpu.memory_space<vmem>>, vector<1x1x16xi32>,
        %swap3A_474 = vector.shape_cast %swap3A_473 : vector<1x1x16xi32> to vector<16xi32>
        %swap3A_475 = vector.shape_cast %get3A_467 : vector<16xi32> to vector<1x1x16xi32>
        tpu.vector_store %arg6[%swap3A_470, %swap3A_471, %swap3A_472], %swap3A_475 {strides = array<i32>} : memref<2x2x128xi32, #tpu.memory_space<vmem>>, vector<1x1x16xi32>,
        %get3A_476 = arith.constant 0 : i32
        %get3A_477 = arith.constant 1 : i32
        %get3A_478 = arith.index_cast %get3A_476 : i32 to index
        %get3A_479 = arith.index_cast %get3A_477 : i32 to index
        %get3A_480 = arith.constant 64 : index
        %get3A_481 = tpu.vector_load %arg7[%get3A_478, %get3A_479, %get3A_480] {strides = array<i32>} : memref<2x2x128xi32, #tpu.memory_space<vmem>>, vector<1x1x16xi32>,
        %get3A_482 = vector.shape_cast %get3A_481 : vector<1x1x16xi32> to vector<16xi32>
        %swap3A_483 = arith.constant 0 : i32
        %swap3A_484 = arith.constant 1 : i32
        %swap3A_485 = arith.index_cast %swap3A_483 : i32 to index
        %swap3A_486 = arith.index_cast %swap3A_484 : i32 to index
        %swap3A_487 = arith.constant 64 : index
        %swap3A_488 = tpu.vector_load %arg6[%swap3A_485, %swap3A_486, %swap3A_487] {strides = array<i32>} : memref<2x2x128xi32, #tpu.memory_space<vmem>>, vector<1x1x16xi32>,
        %swap3A_489 = vector.shape_cast %swap3A_488 : vector<1x1x16xi32> to vector<16xi32>
        %swap3A_490 = vector.shape_cast %get3A_482 : vector<16xi32> to vector<1x1x16xi32>
        tpu.vector_store %arg6[%swap3A_485, %swap3A_486, %swap3A_487], %swap3A_490 {strides = array<i32>} : memref<2x2x128xi32, #tpu.memory_space<vmem>>, vector<1x1x16xi32>,
        %get3A_491 = arith.constant 0 : i32
        %get3A_492 = arith.constant 1 : i32
        %get3A_493 = arith.index_cast %get3A_491 : i32 to index
        %get3A_494 = arith.index_cast %get3A_492 : i32 to index
        %get3A_495 = arith.constant 80 : index
        %get3A_496 = tpu.vector_load %arg7[%get3A_493, %get3A_494, %get3A_495] {strides = array<i32>} : memref<2x2x128xi32, #tpu.memory_space<vmem>>, vector<1x1x16xi32>,
        %get3A_497 = vector.shape_cast %get3A_496 : vector<1x1x16xi32> to vector<16xi32>
        %swap3A_498 = arith.constant 0 : i32
        %swap3A_499 = arith.constant 1 : i32
        %swap3A_500 = arith.index_cast %swap3A_498 : i32 to index
        %swap3A_501 = arith.index_cast %swap3A_499 : i32 to index
        %swap3A_502 = arith.constant 80 : index
        %swap3A_503 = tpu.vector_load %arg6[%swap3A_500, %swap3A_501, %swap3A_502] {strides = array<i32>} : memref<2x2x128xi32, #tpu.memory_space<vmem>>, vector<1x1x16xi32>,
        %swap3A_504 = vector.shape_cast %swap3A_503 : vector<1x1x16xi32> to vector<16xi32>
        %swap3A_505 = vector.shape_cast %get3A_497 : vector<16xi32> to vector<1x1x16xi32>
        tpu.vector_store %arg6[%swap3A_500, %swap3A_501, %swap3A_502], %swap3A_505 {strides = array<i32>} : memref<2x2x128xi32, #tpu.memory_space<vmem>>, vector<1x1x16xi32>,
        %get3A_506 = arith.constant 0 : i32
        %get3A_507 = arith.constant 1 : i32
        %get3A_508 = arith.index_cast %get3A_506 : i32 to index
        %get3A_509 = arith.index_cast %get3A_507 : i32 to index
        %get3A_510 = arith.constant 96 : index
        %get3A_511 = tpu.vector_load %arg7[%get3A_508, %get3A_509, %get3A_510] {strides = array<i32>} : memref<2x2x128xi32, #tpu.memory_space<vmem>>, vector<1x1x16xi32>,
        %get3A_512 = vector.shape_cast %get3A_511 : vector<1x1x16xi32> to vector<16xi32>
        %swap3A_513 = arith.constant 0 : i32
        %swap3A_514 = arith.constant 1 : i32
        %swap3A_515 = arith.index_cast %swap3A_513 : i32 to index
        %swap3A_516 = arith.index_cast %swap3A_514 : i32 to index
        %swap3A_517 = arith.constant 96 : index
        %swap3A_518 = tpu.vector_load %arg6[%swap3A_515, %swap3A_516, %swap3A_517] {strides = array<i32>} : memref<2x2x128xi32, #tpu.memory_space<vmem>>, vector<1x1x16xi32>,
        %swap3A_519 = vector.shape_cast %swap3A_518 : vector<1x1x16xi32> to vector<16xi32>
        %swap3A_520 = vector.shape_cast %get3A_512 : vector<16xi32> to vector<1x1x16xi32>
        tpu.vector_store %arg6[%swap3A_515, %swap3A_516, %swap3A_517], %swap3A_520 {strides = array<i32>} : memref<2x2x128xi32, #tpu.memory_space<vmem>>, vector<1x1x16xi32>,
        %get3A_521 = arith.constant 0 : i32
        %get3A_522 = arith.constant 1 : i32
        %get3A_523 = arith.index_cast %get3A_521 : i32 to index
        %get3A_524 = arith.index_cast %get3A_522 : i32 to index
        %get3A_525 = arith.constant 112 : index
        %get3A_526 = tpu.vector_load %arg7[%get3A_523, %get3A_524, %get3A_525] {strides = array<i32>} : memref<2x2x128xi32, #tpu.memory_space<vmem>>, vector<1x1x16xi32>,
        %get3A_527 = vector.shape_cast %get3A_526 : vector<1x1x16xi32> to vector<16xi32>
        %swap3A_528 = arith.constant 0 : i32
        %swap3A_529 = arith.constant 1 : i32
        %swap3A_530 = arith.index_cast %swap3A_528 : i32 to index
        %swap3A_531 = arith.index_cast %swap3A_529 : i32 to index
        %swap3A_532 = arith.constant 112 : index
        %swap3A_533 = tpu.vector_load %arg6[%swap3A_530, %swap3A_531, %swap3A_532] {strides = array<i32>} : memref<2x2x128xi32, #tpu.memory_space<vmem>>, vector<1x1x16xi32>,
        %swap3A_534 = vector.shape_cast %swap3A_533 : vector<1x1x16xi32> to vector<16xi32>
        %swap3A_535 = vector.shape_cast %get3A_527 : vector<16xi32> to vector<1x1x16xi32>
        tpu.vector_store %arg6[%swap3A_530, %swap3A_531, %swap3A_532], %swap3A_535 {strides = array<i32>} : memref<2x2x128xi32, #tpu.memory_space<vmem>>, vector<1x1x16xi32>,
        %dma_start3A_536 = arith.constant 0 : i32
        %dma_start3A_537 = arith.constant 0 : i32
        %dma_start3A_538 = arith.constant 0 : i32
        %dma_start3A_539 = arith.constant 0 : i32
        %dma_start3A_540 = arith.constant 0 : i32
        %dma_start3A_541 = tpu.memref_slice %arg8[%dma_start3A_538, %dma_start3A_539, %dma_start3A_540] : memref<2x128x128xf32, #tpu.memory_space<vmem>> -> memref<1x128x128xf32, #tpu.memory_space<vmem>>
        %dma_start3A_542 = tpu.memref_squeeze %dma_start3A_541 : memref<1x128x128xf32, #tpu.memory_space<vmem>> -> memref<128x128xf32, #tpu.memory_space<vmem>>
        %dma_start3A_543 = arith.constant 0 : i32
        %dma_start3A_544 = tpu.memref_slice %arg6[%dma_start3A_536, %dma_start3A_537, %dma_start3A_543] : memref<2x2x128xi32, #tpu.memory_space<vmem>> -> memref<1x1x128xi32, #tpu.memory_space<vmem>>
        %dma_start3A_545 = tpu.memref_squeeze %dma_start3A_544 : memref<1x1x128xi32, #tpu.memory_space<vmem>> -> memref<128xi32, #tpu.memory_space<vmem>>
        %dma_start3A_546 = arith.constant 0 : i32
        %dma_start3A_547 = arith.constant 0 : i32
        %dma_start3A_548 = tpu.memref_slice %arg4[%dma_start3A_546, %dma_start3A_547] : memref<10240x128xf32, #tpu.memory_space<hbm>> -> memref<10240x128xf32, #tpu.memory_space<hbm>>
        tpu.enqueue_indirect_dma source(%dma_start3A_548 : memref<10240x128xf32, #tpu.memory_space<hbm>>) target(%dma_start3A_542 : memref<128x128xf32, #tpu.memory_space<vmem>>) offsets(%dma_start3A_545 : memref<128xi32, #tpu.memory_space<vmem>>) semaphore(%arg10 : memref<!tpu.dma_semaphore, #tpu.memory_space<semaphore_mem>>)
        %add3A_549 = arith.constant 3 : i32
        %add3A_550 = arith.addi %add3A_232, %add3A_549 : i32
        %lt3A_551 = arith.constant 80 : i32
        %lt3A_552 = arith.cmpi slt, %add3A_550, %lt3A_551 : i32
        %convert_element_type3A_553 = arith.extui %lt3A_552 : i1 to i32
        %cond3A_554 = arith.constant 0 : i32
        %cond3A_555 = arith.cmpi ne, %convert_element_type3A_553, %cond3A_554 : i32
        scf.if %cond3A_555 {
          %add3A_556 = arith.constant 3 : i32
          %add3A_557 = arith.addi %add3A_232, %add3A_556 : i32
          %add3A_558 = arith.addi %mul3A_2, %add3A_557 : i32
          %dma_start3A_559 = arith.constant 0 : i32
          %dma_start3A_560 = arith.constant 0 : i32
          %dma_start3A_561 = arith.constant 0 : i32
          %dma_start3A_562 = tpu.memref_slice %arg7[%dma_start3A_559, %dma_start3A_560, %dma_start3A_561] : memref<2x2x128xi32, #tpu.memory_space<vmem>> -> memref<1x1x128xi32, #tpu.memory_space<vmem>>
          %dma_start3A_563 = tpu.memref_squeeze %dma_start3A_562 : memref<1x1x128xi32, #tpu.memory_space<vmem>> -> memref<128xi32, #tpu.memory_space<vmem>>
          %dma_start3A_564 = arith.constant 0 : i32
          %dma_start3A_565 = tpu.memref_slice %arg2[%add3A_558, %dma_start3A_564] : memref<2560x128xi32, #tpu.memory_space<hbm>> -> memref<1x128xi32, #tpu.memory_space<hbm>>
          %dma_start3A_566 = tpu.memref_squeeze %dma_start3A_565 : memref<1x128xi32, #tpu.memory_space<hbm>> -> memref<128xi32, #tpu.memory_space<hbm>>
          %dma_start3A_567 = arith.constant 0 : i32
          %dma_start3A_568 = tpu.memref_slice %arg7[%dma_start3A_559, %dma_start3A_560, %dma_start3A_567] : memref<2x2x128xi32, #tpu.memory_space<vmem>> -> memref<1x1x128xi32, #tpu.memory_space<vmem>>
          %dma_start3A_569 = tpu.memref_squeeze %dma_start3A_568 : memref<1x1x128xi32, #tpu.memory_space<vmem>> -> memref<128xi32, #tpu.memory_space<vmem>>
          %dma_start3A_570 = arith.constant 0 : i32
          %dma_start3A_571 = tpu.memref_slice %arg2[%add3A_558, %dma_start3A_570] : memref<2560x128xi32, #tpu.memory_space<hbm>> -> memref<1x128xi32, #tpu.memory_space<hbm>>
          %dma_start3A_572 = tpu.memref_squeeze %dma_start3A_571 : memref<1x128xi32, #tpu.memory_space<hbm>> -> memref<128xi32, #tpu.memory_space<hbm>>
          tpu.enqueue_dma source(%dma_start3A_572 : memref<128xi32, #tpu.memory_space<hbm>>) target(%dma_start3A_569 : memref<128xi32, #tpu.memory_space<vmem>>) target_semaphore(%arg14 : memref<!tpu.dma_semaphore, #tpu.memory_space<semaphore_mem>>)
          %add3A_573 = arith.addi %mul3A_2, %add3A_557 : i32
          %dma_start3A_574 = arith.constant 0 : i32
          %dma_start3A_575 = arith.constant 1 : i32
          %dma_start3A_576 = arith.constant 0 : i32
          %dma_start3A_577 = tpu.memref_slice %arg7[%dma_start3A_574, %dma_start3A_575, %dma_start3A_576] : memref<2x2x128xi32, #tpu.memory_space<vmem>> -> memref<1x1x128xi32, #tpu.memory_space<vmem>>
          %dma_start3A_578 = tpu.memref_squeeze %dma_start3A_577 : memref<1x1x128xi32, #tpu.memory_space<vmem>> -> memref<128xi32, #tpu.memory_space<vmem>>
          %dma_start3A_579 = arith.constant 0 : i32
          %dma_start3A_580 = tpu.memref_slice %arg3[%add3A_573, %dma_start3A_579] : memref<2560x128xi32, #tpu.memory_space<hbm>> -> memref<1x128xi32, #tpu.memory_space<hbm>>
          %dma_start3A_581 = tpu.memref_squeeze %dma_start3A_580 : memref<1x128xi32, #tpu.memory_space<hbm>> -> memref<128xi32, #tpu.memory_space<hbm>>
          %dma_start3A_582 = arith.constant 0 : i32
          %dma_start3A_583 = tpu.memref_slice %arg7[%dma_start3A_574, %dma_start3A_575, %dma_start3A_582] : memref<2x2x128xi32, #tpu.memory_space<vmem>> -> memref<1x1x128xi32, #tpu.memory_space<vmem>>
          %dma_start3A_584 = tpu.memref_squeeze %dma_start3A_583 : memref<1x1x128xi32, #tpu.memory_space<vmem>> -> memref<128xi32, #tpu.memory_space<vmem>>
          %dma_start3A_585 = arith.constant 0 : i32
          %dma_start3A_586 = tpu.memref_slice %arg3[%add3A_573, %dma_start3A_585] : memref<2560x128xi32, #tpu.memory_space<hbm>> -> memref<1x128xi32, #tpu.memory_space<hbm>>
          %dma_start3A_587 = tpu.memref_squeeze %dma_start3A_586 : memref<1x128xi32, #tpu.memory_space<hbm>> -> memref<128xi32, #tpu.memory_space<hbm>>
          tpu.enqueue_dma source(%dma_start3A_587 : memref<128xi32, #tpu.memory_space<hbm>>) target(%dma_start3A_584 : memref<128xi32, #tpu.memory_space<vmem>>) target_semaphore(%arg14 : memref<!tpu.dma_semaphore, #tpu.memory_space<semaphore_mem>>)
        } else {
        }
      } else {
      }
    }
    %scan3A_127 = arith.constant 40 : i32
    %dma_wait3A = arith.constant 0 : i32
    %dma_wait3A_128 = arith.constant 0 : i32
    %dma_wait3A_129 = arith.constant 1 : i32
    %dma_wait3A_130 = arith.constant 0 : i32
    %dma_wait3A_131 = arith.constant 0 : i32
    %dma_wait3A_132 = tpu.memref_slice %arg8[%dma_wait3A, %dma_wait3A_130, %dma_wait3A_131] : memref<2x128x128xf32, #tpu.memory_space<vmem>> -> memref<1x128x128xf32, #tpu.memory_space<vmem>>
    %dma_wait3A_133 = tpu.memref_squeeze %dma_wait3A_132 : memref<1x128x128xf32, #tpu.memory_space<vmem>> -> memref<128x128xf32, #tpu.memory_space<vmem>>
    %dma_wait3A_134 = arith.constant 0 : i32
    %dma_wait3A_135 = tpu.memref_slice %arg6[%dma_wait3A_128, %dma_wait3A_129, %dma_wait3A_134] : memref<2x2x128xi32, #tpu.memory_space<vmem>> -> memref<1x1x128xi32, #tpu.memory_space<vmem>>
    %dma_wait3A_136 = tpu.memref_squeeze %dma_wait3A_135 : memref<1x1x128xi32, #tpu.memory_space<vmem>> -> memref<128xi32, #tpu.memory_space<vmem>>
    %dma_wait3A_137 = arith.constant 0 : i32
    %dma_wait3A_138 = arith.constant 0 : i32
    %dma_wait3A_139 = tpu.memref_slice %arg9[%dma_wait3A_137, %dma_wait3A_138] : memref<10240x128xf32, #tpu.memory_space<vmem_shared>> -> memref<10240x128xf32, #tpu.memory_space<vmem_shared>>
    tpu.wait_indirect_dma semaphore(%arg12 : memref<!tpu.dma_semaphore, #tpu.memory_space<semaphore_mem>>) src(%dma_wait3A_133 : memref<128x128xf32, #tpu.memory_space<vmem>>) dst(%dma_wait3A_139 : memref<10240x128xf32, #tpu.memory_space<vmem_shared>>)
    %dma_wait3A_140 = arith.constant 1 : i32
    %dma_wait3A_141 = arith.constant 1 : i32
    %dma_wait3A_142 = arith.constant 1 : i32
    %dma_wait3A_143 = arith.constant 0 : i32
    %dma_wait3A_144 = arith.constant 0 : i32
    %dma_wait3A_145 = tpu.memref_slice %arg8[%dma_wait3A_140, %dma_wait3A_143, %dma_wait3A_144] : memref<2x128x128xf32, #tpu.memory_space<vmem>> -> memref<1x128x128xf32, #tpu.memory_space<vmem>>
    %dma_wait3A_146 = tpu.memref_squeeze %dma_wait3A_145 : memref<1x128x128xf32, #tpu.memory_space<vmem>> -> memref<128x128xf32, #tpu.memory_space<vmem>>
    %dma_wait3A_147 = arith.constant 0 : i32
    %dma_wait3A_148 = tpu.memref_slice %arg6[%dma_wait3A_141, %dma_wait3A_142, %dma_wait3A_147] : memref<2x2x128xi32, #tpu.memory_space<vmem>> -> memref<1x1x128xi32, #tpu.memory_space<vmem>>
    %dma_wait3A_149 = tpu.memref_squeeze %dma_wait3A_148 : memref<1x1x128xi32, #tpu.memory_space<vmem>> -> memref<128xi32, #tpu.memory_space<vmem>>
    %dma_wait3A_150 = arith.constant 0 : i32
    %dma_wait3A_151 = arith.constant 0 : i32
    %dma_wait3A_152 = tpu.memref_slice %arg9[%dma_wait3A_150, %dma_wait3A_151] : memref<10240x128xf32, #tpu.memory_space<vmem_shared>> -> memref<10240x128xf32, #tpu.memory_space<vmem_shared>>
    tpu.wait_indirect_dma semaphore(%arg13 : memref<!tpu.dma_semaphore, #tpu.memory_space<semaphore_mem>>) src(%dma_wait3A_146 : memref<128x128xf32, #tpu.memory_space<vmem>>) dst(%dma_wait3A_152 : memref<10240x128xf32, #tpu.memory_space<vmem_shared>>)
    %barrier3A_153 = arith.constant 0 : index
    tpu.barrier barrier_id(%barrier3A_153)
    %mul3A_154 = arith.constant 5 : i32
    %mul3A_155 = arith.muli %arg1, %mul3A_154 : i32
    %add3A_156 = arith.constant 0 : i32
    %add3A_157 = arith.addi %mul3A_155, %add3A_156 : i32
    %mul3A_158 = arith.constant 128 : i32
    %mul3A_159 = arith.muli %add3A_157, %mul3A_158 : i32
    %run_scoped3A_160 = arith.constant 0 : i32
    "tpu.region"() ({
      %run_scoped3A_194 = tpu.sem_alloc : memref<!tpu.dma_semaphore, #tpu.memory_space<semaphore_mem>>
      %dma_start3A_195 = arith.constant 0 : i32
      %dma_start3A_196 = arith.constant 0 : i32
      %dma_start3A_197 = tpu.memref_slice %arg8[%run_scoped3A_160, %dma_start3A_195, %dma_start3A_196] : memref<2x128x128xf32, #tpu.memory_space<vmem>> -> memref<1x128x128xf32, #tpu.memory_space<vmem>>
      %dma_start3A_198 = tpu.memref_squeeze %dma_start3A_197 : memref<1x128x128xf32, #tpu.memory_space<vmem>> -> memref<128x128xf32, #tpu.memory_space<vmem>>
      %dma_start3A_199 = arith.constant 0 : i32
      %dma_start3A_200 = tpu.memref_slice %arg9[%mul3A_159, %dma_start3A_199] : memref<10240x128xf32, #tpu.memory_space<vmem_shared>> -> memref<128x128xf32, #tpu.memory_space<vmem_shared>>
      %dma_start3A_201 = arith.constant 0 : i32
      %dma_start3A_202 = arith.constant 0 : i32
      %dma_start3A_203 = tpu.memref_slice %arg8[%run_scoped3A_160, %dma_start3A_201, %dma_start3A_202] : memref<2x128x128xf32, #tpu.memory_space<vmem>> -> memref<1x128x128xf32, #tpu.memory_space<vmem>>
      %dma_start3A_204 = tpu.memref_squeeze %dma_start3A_203 : memref<1x128x128xf32, #tpu.memory_space<vmem>> -> memref<128x128xf32, #tpu.memory_space<vmem>>
      %dma_start3A_205 = arith.constant 0 : i32
      %dma_start3A_206 = tpu.memref_slice %arg9[%mul3A_159, %dma_start3A_205] : memref<10240x128xf32, #tpu.memory_space<vmem_shared>> -> memref<128x128xf32, #tpu.memory_space<vmem_shared>>
      tpu.enqueue_dma source(%dma_start3A_206 : memref<128x128xf32, #tpu.memory_space<vmem_shared>>) target(%dma_start3A_204 : memref<128x128xf32, #tpu.memory_space<vmem>>) target_semaphore(%run_scoped3A_194 : memref<!tpu.dma_semaphore, #tpu.memory_space<semaphore_mem>>)
      %dma_wait3A_207 = arith.constant 0 : i32
      %dma_wait3A_208 = arith.constant 0 : i32
      %dma_wait3A_209 = tpu.memref_slice %arg8[%run_scoped3A_160, %dma_wait3A_207, %dma_wait3A_208] : memref<2x128x128xf32, #tpu.memory_space<vmem>> -> memref<1x128x128xf32, #tpu.memory_space<vmem>>
      %dma_wait3A_210 = tpu.memref_squeeze %dma_wait3A_209 : memref<1x128x128xf32, #tpu.memory_space<vmem>> -> memref<128x128xf32, #tpu.memory_space<vmem>>
      %dma_wait3A_211 = arith.constant 0 : i32
      %dma_wait3A_212 = tpu.memref_slice %arg9[%mul3A_159, %dma_wait3A_211] : memref<10240x128xf32, #tpu.memory_space<vmem_shared>> -> memref<128x128xf32, #tpu.memory_space<vmem_shared>>
      %dma_wait3A_213 = arith.constant 0 : i32
      %dma_wait3A_214 = arith.constant 0 : i32
      %dma_wait3A_215 = tpu.memref_slice %arg8[%run_scoped3A_160, %dma_wait3A_213, %dma_wait3A_214] : memref<2x128x128xf32, #tpu.memory_space<vmem>> -> memref<1x128x128xf32, #tpu.memory_space<vmem>>
      %dma_wait3A_216 = tpu.memref_squeeze %dma_wait3A_215 : memref<1x128x128xf32, #tpu.memory_space<vmem>> -> memref<128x128xf32, #tpu.memory_space<vmem>>
      %dma_wait3A_217 = arith.constant 0 : i32
      %dma_wait3A_218 = tpu.memref_slice %arg9[%mul3A_159, %dma_wait3A_217] : memref<10240x128xf32, #tpu.memory_space<vmem_shared>> -> memref<128x128xf32, #tpu.memory_space<vmem_shared>>
      tpu.wait_dma2 semaphore(%run_scoped3A_194 : memref<!tpu.dma_semaphore, #tpu.memory_space<semaphore_mem>>) src(%dma_wait3A_218 : memref<128x128xf32, #tpu.memory_space<vmem_shared>>) dst(%dma_wait3A_216 : memref<128x128xf32, #tpu.memory_space<vmem>>)
      tpu.yield
    }) : () -> ()
    %run_scoped3A_161 = arith.constant 0 : i32
    "tpu.region"() ({
      %run_scoped3A_194 = tpu.sem_alloc : memref<!tpu.dma_semaphore, #tpu.memory_space<semaphore_mem>>
      %dma_start3A_195 = arith.constant 0 : i32
      %dma_start3A_196 = arith.constant 0 : i32
      %dma_start3A_197 = tpu.memref_slice %arg8[%run_scoped3A_161, %dma_start3A_195, %dma_start3A_196] : memref<2x128x128xf32, #tpu.memory_space<vmem>> -> memref<1x128x128xf32, #tpu.memory_space<vmem>>
      %dma_start3A_198 = tpu.memref_squeeze %dma_start3A_197 : memref<1x128x128xf32, #tpu.memory_space<vmem>> -> memref<128x128xf32, #tpu.memory_space<vmem>>
      %dma_start3A_199 = arith.constant 0 : i32
      %dma_start3A_200 = tpu.memref_slice %arg5[%arg0, %mul3A_159, %dma_start3A_199] : memref<2x10240x128xf32, #tpu.memory_space<hbm>> -> memref<1x128x128xf32, #tpu.memory_space<hbm>>
      %dma_start3A_201 = tpu.memref_squeeze %dma_start3A_200 : memref<1x128x128xf32, #tpu.memory_space<hbm>> -> memref<128x128xf32, #tpu.memory_space<hbm>>
      %dma_start3A_202 = arith.constant 0 : i32
      %dma_start3A_203 = tpu.memref_slice %arg5[%arg0, %mul3A_159, %dma_start3A_202] : memref<2x10240x128xf32, #tpu.memory_space<hbm>> -> memref<1x128x128xf32, #tpu.memory_space<hbm>>
      %dma_start3A_204 = tpu.memref_squeeze %dma_start3A_203 : memref<1x128x128xf32, #tpu.memory_space<hbm>> -> memref<128x128xf32, #tpu.memory_space<hbm>>
      %dma_start3A_205 = arith.constant 0 : i32
      %dma_start3A_206 = arith.constant 0 : i32
      %dma_start3A_207 = tpu.memref_slice %arg8[%run_scoped3A_161, %dma_start3A_205, %dma_start3A_206] : memref<2x128x128xf32, #tpu.memory_space<vmem>> -> memref<1x128x128xf32, #tpu.memory_space<vmem>>
      %dma_start3A_208 = tpu.memref_squeeze %dma_start3A_207 : memref<1x128x128xf32, #tpu.memory_space<vmem>> -> memref<128x128xf32, #tpu.memory_space<vmem>>
      tpu.enqueue_dma source(%dma_start3A_208 : memref<128x128xf32, #tpu.memory_space<vmem>>) target(%dma_start3A_204 : memref<128x128xf32, #tpu.memory_space<hbm>>) target_semaphore(%run_scoped3A_194 : memref<!tpu.dma_semaphore, #tpu.memory_space<semaphore_mem>>)
      %dma_wait3A_209 = arith.constant 0 : i32
      %dma_wait3A_210 = arith.constant 0 : i32
      %dma_wait3A_211 = tpu.memref_slice %arg8[%run_scoped3A_161, %dma_wait3A_209, %dma_wait3A_210] : memref<2x128x128xf32, #tpu.memory_space<vmem>> -> memref<1x128x128xf32, #tpu.memory_space<vmem>>
      %dma_wait3A_212 = tpu.memref_squeeze %dma_wait3A_211 : memref<1x128x128xf32, #tpu.memory_space<vmem>> -> memref<128x128xf32, #tpu.memory_space<vmem>>
      %dma_wait3A_213 = arith.constant 0 : i32
      %dma_wait3A_214 = tpu.memref_slice %arg5[%arg0, %mul3A_159, %dma_wait3A_213] : memref<2x10240x128xf32, #tpu.memory_space<hbm>> -> memref<1x128x128xf32, #tpu.memory_space<hbm>>
      %dma_wait3A_215 = tpu.memref_squeeze %dma_wait3A_214 : memref<1x128x128xf32, #tpu.memory_space<hbm>> -> memref<128x128xf32, #tpu.memory_space<hbm>>
      %dma_wait3A_216 = arith.constant 0 : i32
      %dma_wait3A_217 = tpu.memref_slice %arg5[%arg0, %mul3A_159, %dma_wait3A_216] : memref<2x10240x128xf32, #tpu.memory_space<hbm>> -> memref<1x128x128xf32, #tpu.memory_space<hbm>>
      %dma_wait3A_218 = tpu.memref_squeeze %dma_wait3A_217 : memref<1x128x128xf32, #tpu.memory_space<hbm>> -> memref<128x128xf32, #tpu.memory_space<hbm>>
      %dma_wait3A_219 = arith.constant 0 : i32
      %dma_wait3A_220 = arith.constant 0 : i32
      %dma_wait3A_221 = tpu.memref_slice %arg8[%run_scoped3A_161, %dma_wait3A_219, %dma_wait3A_220] : memref<2x128x128xf32, #tpu.memory_space<vmem>> -> memref<1x128x128xf32, #tpu.memory_space<vmem>>
      %dma_wait3A_222 = tpu.memref_squeeze %dma_wait3A_221 : memref<1x128x128xf32, #tpu.memory_space<vmem>> -> memref<128x128xf32, #tpu.memory_space<vmem>>
      tpu.wait_dma2 semaphore(%run_scoped3A_194 : memref<!tpu.dma_semaphore, #tpu.memory_space<semaphore_mem>>) src(%dma_wait3A_222 : memref<128x128xf32, #tpu.memory_space<vmem>>) dst(%dma_wait3A_218 : memref<128x128xf32, #tpu.memory_space<hbm>>)
      tpu.yield
    }) : () -> ()
    %mul3A_162 = arith.constant 5 : i32
    %mul3A_163 = arith.muli %arg1, %mul3A_162 : i32
    %add3A_164 = arith.constant 1 : i32
    %add3A_165 = arith.addi %mul3A_163, %add3A_164 : i32
    %mul3A_166 = arith.constant 128 : i32
    %mul3A_167 = arith.muli %add3A_165, %mul3A_166 : i32
    %run_scoped3A_168 = arith.constant 0 : i32
    "tpu.region"() ({
      %run_scoped3A_194 = tpu.sem_alloc : memref<!tpu.dma_semaphore, #tpu.memory_space<semaphore_mem>>
      %dma_start3A_195 = arith.constant 0 : i32
      %dma_start3A_196 = arith.constant 0 : i32
      %dma_start3A_197 = tpu.memref_slice %arg8[%run_scoped3A_168, %dma_start3A_195, %dma_start3A_196] : memref<2x128x128xf32, #tpu.memory_space<vmem>> -> memref<1x128x128xf32, #tpu.memory_space<vmem>>
      %dma_start3A_198 = tpu.memref_squeeze %dma_start3A_197 : memref<1x128x128xf32, #tpu.memory_space<vmem>> -> memref<128x128xf32, #tpu.memory_space<vmem>>
      %dma_start3A_199 = arith.constant 0 : i32
      %dma_start3A_200 = tpu.memref_slice %arg9[%mul3A_167, %dma_start3A_199] : memref<10240x128xf32, #tpu.memory_space<vmem_shared>> -> memref<128x128xf32, #tpu.memory_space<vmem_shared>>
      %dma_start3A_201 = arith.constant 0 : i32
      %dma_start3A_202 = arith.constant 0 : i32
      %dma_start3A_203 = tpu.memref_slice %arg8[%run_scoped3A_168, %dma_start3A_201, %dma_start3A_202] : memref<2x128x128xf32, #tpu.memory_space<vmem>> -> memref<1x128x128xf32, #tpu.memory_space<vmem>>
      %dma_start3A_204 = tpu.memref_squeeze %dma_start3A_203 : memref<1x128x128xf32, #tpu.memory_space<vmem>> -> memref<128x128xf32, #tpu.memory_space<vmem>>
      %dma_start3A_205 = arith.constant 0 : i32
      %dma_start3A_206 = tpu.memref_slice %arg9[%mul3A_167, %dma_start3A_205] : memref<10240x128xf32, #tpu.memory_space<vmem_shared>> -> memref<128x128xf32, #tpu.memory_space<vmem_shared>>
      tpu.enqueue_dma source(%dma_start3A_206 : memref<128x128xf32, #tpu.memory_space<vmem_shared>>) target(%dma_start3A_204 : memref<128x128xf32, #tpu.memory_space<vmem>>) target_semaphore(%run_scoped3A_194 : memref<!tpu.dma_semaphore, #tpu.memory_space<semaphore_mem>>)
      %dma_wait3A_207 = arith.constant 0 : i32
      %dma_wait3A_208 = arith.constant 0 : i32
      %dma_wait3A_209 = tpu.memref_slice %arg8[%run_scoped3A_168, %dma_wait3A_207, %dma_wait3A_208] : memref<2x128x128xf32, #tpu.memory_space<vmem>> -> memref<1x128x128xf32, #tpu.memory_space<vmem>>
      %dma_wait3A_210 = tpu.memref_squeeze %dma_wait3A_209 : memref<1x128x128xf32, #tpu.memory_space<vmem>> -> memref<128x128xf32, #tpu.memory_space<vmem>>
      %dma_wait3A_211 = arith.constant 0 : i32
      %dma_wait3A_212 = tpu.memref_slice %arg9[%mul3A_167, %dma_wait3A_211] : memref<10240x128xf32, #tpu.memory_space<vmem_shared>> -> memref<128x128xf32, #tpu.memory_space<vmem_shared>>
      %dma_wait3A_213 = arith.constant 0 : i32
      %dma_wait3A_214 = arith.constant 0 : i32
      %dma_wait3A_215 = tpu.memref_slice %arg8[%run_scoped3A_168, %dma_wait3A_213, %dma_wait3A_214] : memref<2x128x128xf32, #tpu.memory_space<vmem>> -> memref<1x128x128xf32, #tpu.memory_space<vmem>>
      %dma_wait3A_216 = tpu.memref_squeeze %dma_wait3A_215 : memref<1x128x128xf32, #tpu.memory_space<vmem>> -> memref<128x128xf32, #tpu.memory_space<vmem>>
      %dma_wait3A_217 = arith.constant 0 : i32
      %dma_wait3A_218 = tpu.memref_slice %arg9[%mul3A_167, %dma_wait3A_217] : memref<10240x128xf32, #tpu.memory_space<vmem_shared>> -> memref<128x128xf32, #tpu.memory_space<vmem_shared>>
      tpu.wait_dma2 semaphore(%run_scoped3A_194 : memref<!tpu.dma_semaphore, #tpu.memory_space<semaphore_mem>>) src(%dma_wait3A_218 : memref<128x128xf32, #tpu.memory_space<vmem_shared>>) dst(%dma_wait3A_216 : memref<128x128xf32, #tpu.memory_space<vmem>>)
      tpu.yield
    }) : () -> ()
    %run_scoped3A_169 = arith.constant 0 : i32
    "tpu.region"() ({
      %run_scoped3A_194 = tpu.sem_alloc : memref<!tpu.dma_semaphore, #tpu.memory_space<semaphore_mem>>
      %dma_start3A_195 = arith.constant 0 : i32
      %dma_start3A_196 = arith.constant 0 : i32
      %dma_start3A_197 = tpu.memref_slice %arg8[%run_scoped3A_169, %dma_start3A_195, %dma_start3A_196] : memref<2x128x128xf32, #tpu.memory_space<vmem>> -> memref<1x128x128xf32, #tpu.memory_space<vmem>>
      %dma_start3A_198 = tpu.memref_squeeze %dma_start3A_197 : memref<1x128x128xf32, #tpu.memory_space<vmem>> -> memref<128x128xf32, #tpu.memory_space<vmem>>
      %dma_start3A_199 = arith.constant 0 : i32
      %dma_start3A_200 = tpu.memref_slice %arg5[%arg0, %mul3A_167, %dma_start3A_199] : memref<2x10240x128xf32, #tpu.memory_space<hbm>> -> memref<1x128x128xf32, #tpu.memory_space<hbm>>
      %dma_start3A_201 = tpu.memref_squeeze %dma_start3A_200 : memref<1x128x128xf32, #tpu.memory_space<hbm>> -> memref<128x128xf32, #tpu.memory_space<hbm>>
      %dma_start3A_202 = arith.constant 0 : i32
      %dma_start3A_203 = tpu.memref_slice %arg5[%arg0, %mul3A_167, %dma_start3A_202] : memref<2x10240x128xf32, #tpu.memory_space<hbm>> -> memref<1x128x128xf32, #tpu.memory_space<hbm>>
      %dma_start3A_204 = tpu.memref_squeeze %dma_start3A_203 : memref<1x128x128xf32, #tpu.memory_space<hbm>> -> memref<128x128xf32, #tpu.memory_space<hbm>>
      %dma_start3A_205 = arith.constant 0 : i32
      %dma_start3A_206 = arith.constant 0 : i32
      %dma_start3A_207 = tpu.memref_slice %arg8[%run_scoped3A_169, %dma_start3A_205, %dma_start3A_206] : memref<2x128x128xf32, #tpu.memory_space<vmem>> -> memref<1x128x128xf32, #tpu.memory_space<vmem>>
      %dma_start3A_208 = tpu.memref_squeeze %dma_start3A_207 : memref<1x128x128xf32, #tpu.memory_space<vmem>> -> memref<128x128xf32, #tpu.memory_space<vmem>>
      tpu.enqueue_dma source(%dma_start3A_208 : memref<128x128xf32, #tpu.memory_space<vmem>>) target(%dma_start3A_204 : memref<128x128xf32, #tpu.memory_space<hbm>>) target_semaphore(%run_scoped3A_194 : memref<!tpu.dma_semaphore, #tpu.memory_space<semaphore_mem>>)
      %dma_wait3A_209 = arith.constant 0 : i32
      %dma_wait3A_210 = arith.constant 0 : i32
      %dma_wait3A_211 = tpu.memref_slice %arg8[%run_scoped3A_169, %dma_wait3A_209, %dma_wait3A_210] : memref<2x128x128xf32, #tpu.memory_space<vmem>> -> memref<1x128x128xf32, #tpu.memory_space<vmem>>
      %dma_wait3A_212 = tpu.memref_squeeze %dma_wait3A_211 : memref<1x128x128xf32, #tpu.memory_space<vmem>> -> memref<128x128xf32, #tpu.memory_space<vmem>>
      %dma_wait3A_213 = arith.constant 0 : i32
      %dma_wait3A_214 = tpu.memref_slice %arg5[%arg0, %mul3A_167, %dma_wait3A_213] : memref<2x10240x128xf32, #tpu.memory_space<hbm>> -> memref<1x128x128xf32, #tpu.memory_space<hbm>>
      %dma_wait3A_215 = tpu.memref_squeeze %dma_wait3A_214 : memref<1x128x128xf32, #tpu.memory_space<hbm>> -> memref<128x128xf32, #tpu.memory_space<hbm>>
      %dma_wait3A_216 = arith.constant 0 : i32
      %dma_wait3A_217 = tpu.memref_slice %arg5[%arg0, %mul3A_167, %dma_wait3A_216] : memref<2x10240x128xf32, #tpu.memory_space<hbm>> -> memref<1x128x128xf32, #tpu.memory_space<hbm>>
      %dma_wait3A_218 = tpu.memref_squeeze %dma_wait3A_217 : memref<1x128x128xf32, #tpu.memory_space<hbm>> -> memref<128x128xf32, #tpu.memory_space<hbm>>
      %dma_wait3A_219 = arith.constant 0 : i32
      %dma_wait3A_220 = arith.constant 0 : i32
      %dma_wait3A_221 = tpu.memref_slice %arg8[%run_scoped3A_169, %dma_wait3A_219, %dma_wait3A_220] : memref<2x128x128xf32, #tpu.memory_space<vmem>> -> memref<1x128x128xf32, #tpu.memory_space<vmem>>
      %dma_wait3A_222 = tpu.memref_squeeze %dma_wait3A_221 : memref<1x128x128xf32, #tpu.memory_space<vmem>> -> memref<128x128xf32, #tpu.memory_space<vmem>>
      tpu.wait_dma2 semaphore(%run_scoped3A_194 : memref<!tpu.dma_semaphore, #tpu.memory_space<semaphore_mem>>) src(%dma_wait3A_222 : memref<128x128xf32, #tpu.memory_space<vmem>>) dst(%dma_wait3A_218 : memref<128x128xf32, #tpu.memory_space<hbm>>)
      tpu.yield
    }) : () -> ()
    %mul3A_170 = arith.constant 5 : i32
    %mul3A_171 = arith.muli %arg1, %mul3A_170 : i32
    %add3A_172 = arith.constant 2 : i32
    %add3A_173 = arith.addi %mul3A_171, %add3A_172 : i32
    %mul3A_174 = arith.constant 128 : i32
    %mul3A_175 = arith.muli %add3A_173, %mul3A_174 : i32
    %run_scoped3A_176 = arith.constant 0 : i32
    "tpu.region"() ({
      %run_scoped3A_194 = tpu.sem_alloc : memref<!tpu.dma_semaphore, #tpu.memory_space<semaphore_mem>>
      %dma_start3A_195 = arith.constant 0 : i32
      %dma_start3A_196 = arith.constant 0 : i32
      %dma_start3A_197 = tpu.memref_slice %arg8[%run_scoped3A_176, %dma_start3A_195, %dma_start3A_196] : memref<2x128x128xf32, #tpu.memory_space<vmem>> -> memref<1x128x128xf32, #tpu.memory_space<vmem>>
      %dma_start3A_198 = tpu.memref_squeeze %dma_start3A_197 : memref<1x128x128xf32, #tpu.memory_space<vmem>> -> memref<128x128xf32, #tpu.memory_space<vmem>>
      %dma_start3A_199 = arith.constant 0 : i32
      %dma_start3A_200 = tpu.memref_slice %arg9[%mul3A_175, %dma_start3A_199] : memref<10240x128xf32, #tpu.memory_space<vmem_shared>> -> memref<128x128xf32, #tpu.memory_space<vmem_shared>>
      %dma_start3A_201 = arith.constant 0 : i32
      %dma_start3A_202 = arith.constant 0 : i32
      %dma_start3A_203 = tpu.memref_slice %arg8[%run_scoped3A_176, %dma_start3A_201, %dma_start3A_202] : memref<2x128x128xf32, #tpu.memory_space<vmem>> -> memref<1x128x128xf32, #tpu.memory_space<vmem>>
      %dma_start3A_204 = tpu.memref_squeeze %dma_start3A_203 : memref<1x128x128xf32, #tpu.memory_space<vmem>> -> memref<128x128xf32, #tpu.memory_space<vmem>>
      %dma_start3A_205 = arith.constant 0 : i32
      %dma_start3A_206 = tpu.memref_slice %arg9[%mul3A_175, %dma_start3A_205] : memref<10240x128xf32, #tpu.memory_space<vmem_shared>> -> memref<128x128xf32, #tpu.memory_space<vmem_shared>>
      tpu.enqueue_dma source(%dma_start3A_206 : memref<128x128xf32, #tpu.memory_space<vmem_shared>>) target(%dma_start3A_204 : memref<128x128xf32, #tpu.memory_space<vmem>>) target_semaphore(%run_scoped3A_194 : memref<!tpu.dma_semaphore, #tpu.memory_space<semaphore_mem>>)
      %dma_wait3A_207 = arith.constant 0 : i32
      %dma_wait3A_208 = arith.constant 0 : i32
      %dma_wait3A_209 = tpu.memref_slice %arg8[%run_scoped3A_176, %dma_wait3A_207, %dma_wait3A_208] : memref<2x128x128xf32, #tpu.memory_space<vmem>> -> memref<1x128x128xf32, #tpu.memory_space<vmem>>
      %dma_wait3A_210 = tpu.memref_squeeze %dma_wait3A_209 : memref<1x128x128xf32, #tpu.memory_space<vmem>> -> memref<128x128xf32, #tpu.memory_space<vmem>>
      %dma_wait3A_211 = arith.constant 0 : i32
      %dma_wait3A_212 = tpu.memref_slice %arg9[%mul3A_175, %dma_wait3A_211] : memref<10240x128xf32, #tpu.memory_space<vmem_shared>> -> memref<128x128xf32, #tpu.memory_space<vmem_shared>>
      %dma_wait3A_213 = arith.constant 0 : i32
      %dma_wait3A_214 = arith.constant 0 : i32
      %dma_wait3A_215 = tpu.memref_slice %arg8[%run_scoped3A_176, %dma_wait3A_213, %dma_wait3A_214] : memref<2x128x128xf32, #tpu.memory_space<vmem>> -> memref<1x128x128xf32, #tpu.memory_space<vmem>>
      %dma_wait3A_216 = tpu.memref_squeeze %dma_wait3A_215 : memref<1x128x128xf32, #tpu.memory_space<vmem>> -> memref<128x128xf32, #tpu.memory_space<vmem>>
      %dma_wait3A_217 = arith.constant 0 : i32
      %dma_wait3A_218 = tpu.memref_slice %arg9[%mul3A_175, %dma_wait3A_217] : memref<10240x128xf32, #tpu.memory_space<vmem_shared>> -> memref<128x128xf32, #tpu.memory_space<vmem_shared>>
      tpu.wait_dma2 semaphore(%run_scoped3A_194 : memref<!tpu.dma_semaphore, #tpu.memory_space<semaphore_mem>>) src(%dma_wait3A_218 : memref<128x128xf32, #tpu.memory_space<vmem_shared>>) dst(%dma_wait3A_216 : memref<128x128xf32, #tpu.memory_space<vmem>>)
      tpu.yield
    }) : () -> ()
    %run_scoped3A_177 = arith.constant 0 : i32
    "tpu.region"() ({
      %run_scoped3A_194 = tpu.sem_alloc : memref<!tpu.dma_semaphore, #tpu.memory_space<semaphore_mem>>
      %dma_start3A_195 = arith.constant 0 : i32
      %dma_start3A_196 = arith.constant 0 : i32
      %dma_start3A_197 = tpu.memref_slice %arg8[%run_scoped3A_177, %dma_start3A_195, %dma_start3A_196] : memref<2x128x128xf32, #tpu.memory_space<vmem>> -> memref<1x128x128xf32, #tpu.memory_space<vmem>>
      %dma_start3A_198 = tpu.memref_squeeze %dma_start3A_197 : memref<1x128x128xf32, #tpu.memory_space<vmem>> -> memref<128x128xf32, #tpu.memory_space<vmem>>
      %dma_start3A_199 = arith.constant 0 : i32
      %dma_start3A_200 = tpu.memref_slice %arg5[%arg0, %mul3A_175, %dma_start3A_199] : memref<2x10240x128xf32, #tpu.memory_space<hbm>> -> memref<1x128x128xf32, #tpu.memory_space<hbm>>
      %dma_start3A_201 = tpu.memref_squeeze %dma_start3A_200 : memref<1x128x128xf32, #tpu.memory_space<hbm>> -> memref<128x128xf32, #tpu.memory_space<hbm>>
      %dma_start3A_202 = arith.constant 0 : i32
      %dma_start3A_203 = tpu.memref_slice %arg5[%arg0, %mul3A_175, %dma_start3A_202] : memref<2x10240x128xf32, #tpu.memory_space<hbm>> -> memref<1x128x128xf32, #tpu.memory_space<hbm>>
      %dma_start3A_204 = tpu.memref_squeeze %dma_start3A_203 : memref<1x128x128xf32, #tpu.memory_space<hbm>> -> memref<128x128xf32, #tpu.memory_space<hbm>>
      %dma_start3A_205 = arith.constant 0 : i32
      %dma_start3A_206 = arith.constant 0 : i32
      %dma_start3A_207 = tpu.memref_slice %arg8[%run_scoped3A_177, %dma_start3A_205, %dma_start3A_206] : memref<2x128x128xf32, #tpu.memory_space<vmem>> -> memref<1x128x128xf32, #tpu.memory_space<vmem>>
      %dma_start3A_208 = tpu.memref_squeeze %dma_start3A_207 : memref<1x128x128xf32, #tpu.memory_space<vmem>> -> memref<128x128xf32, #tpu.memory_space<vmem>>
      tpu.enqueue_dma source(%dma_start3A_208 : memref<128x128xf32, #tpu.memory_space<vmem>>) target(%dma_start3A_204 : memref<128x128xf32, #tpu.memory_space<hbm>>) target_semaphore(%run_scoped3A_194 : memref<!tpu.dma_semaphore, #tpu.memory_space<semaphore_mem>>)
      %dma_wait3A_209 = arith.constant 0 : i32
      %dma_wait3A_210 = arith.constant 0 : i32
      %dma_wait3A_211 = tpu.memref_slice %arg8[%run_scoped3A_177, %dma_wait3A_209, %dma_wait3A_210] : memref<2x128x128xf32, #tpu.memory_space<vmem>> -> memref<1x128x128xf32, #tpu.memory_space<vmem>>
      %dma_wait3A_212 = tpu.memref_squeeze %dma_wait3A_211 : memref<1x128x128xf32, #tpu.memory_space<vmem>> -> memref<128x128xf32, #tpu.memory_space<vmem>>
      %dma_wait3A_213 = arith.constant 0 : i32
      %dma_wait3A_214 = tpu.memref_slice %arg5[%arg0, %mul3A_175, %dma_wait3A_213] : memref<2x10240x128xf32, #tpu.memory_space<hbm>> -> memref<1x128x128xf32, #tpu.memory_space<hbm>>
      %dma_wait3A_215 = tpu.memref_squeeze %dma_wait3A_214 : memref<1x128x128xf32, #tpu.memory_space<hbm>> -> memref<128x128xf32, #tpu.memory_space<hbm>>
      %dma_wait3A_216 = arith.constant 0 : i32
      %dma_wait3A_217 = tpu.memref_slice %arg5[%arg0, %mul3A_175, %dma_wait3A_216] : memref<2x10240x128xf32, #tpu.memory_space<hbm>> -> memref<1x128x128xf32, #tpu.memory_space<hbm>>
      %dma_wait3A_218 = tpu.memref_squeeze %dma_wait3A_217 : memref<1x128x128xf32, #tpu.memory_space<hbm>> -> memref<128x128xf32, #tpu.memory_space<hbm>>
      %dma_wait3A_219 = arith.constant 0 : i32
      %dma_wait3A_220 = arith.constant 0 : i32
      %dma_wait3A_221 = tpu.memref_slice %arg8[%run_scoped3A_177, %dma_wait3A_219, %dma_wait3A_220] : memref<2x128x128xf32, #tpu.memory_space<vmem>> -> memref<1x128x128xf32, #tpu.memory_space<vmem>>
      %dma_wait3A_222 = tpu.memref_squeeze %dma_wait3A_221 : memref<1x128x128xf32, #tpu.memory_space<vmem>> -> memref<128x128xf32, #tpu.memory_space<vmem>>
      tpu.wait_dma2 semaphore(%run_scoped3A_194 : memref<!tpu.dma_semaphore, #tpu.memory_space<semaphore_mem>>) src(%dma_wait3A_222 : memref<128x128xf32, #tpu.memory_space<vmem>>) dst(%dma_wait3A_218 : memref<128x128xf32, #tpu.memory_space<hbm>>)
      tpu.yield
    }) : () -> ()
    %mul3A_178 = arith.constant 5 : i32
    %mul3A_179 = arith.muli %arg1, %mul3A_178 : i32
    %add3A_180 = arith.constant 3 : i32
    %add3A_181 = arith.addi %mul3A_179, %add3A_180 : i32
    %mul3A_182 = arith.constant 128 : i32
    %mul3A_183 = arith.muli %add3A_181, %mul3A_182 : i32
    %run_scoped3A_184 = arith.constant 0 : i32
    "tpu.region"() ({
      %run_scoped3A_194 = tpu.sem_alloc : memref<!tpu.dma_semaphore, #tpu.memory_space<semaphore_mem>>
      %dma_start3A_195 = arith.constant 0 : i32
      %dma_start3A_196 = arith.constant 0 : i32
      %dma_start3A_197 = tpu.memref_slice %arg8[%run_scoped3A_184, %dma_start3A_195, %dma_start3A_196] : memref<2x128x128xf32, #tpu.memory_space<vmem>> -> memref<1x128x128xf32, #tpu.memory_space<vmem>>
      %dma_start3A_198 = tpu.memref_squeeze %dma_start3A_197 : memref<1x128x128xf32, #tpu.memory_space<vmem>> -> memref<128x128xf32, #tpu.memory_space<vmem>>
      %dma_start3A_199 = arith.constant 0 : i32
      %dma_start3A_200 = tpu.memref_slice %arg9[%mul3A_183, %dma_start3A_199] : memref<10240x128xf32, #tpu.memory_space<vmem_shared>> -> memref<128x128xf32, #tpu.memory_space<vmem_shared>>
      %dma_start3A_201 = arith.constant 0 : i32
      %dma_start3A_202 = arith.constant 0 : i32
      %dma_start3A_203 = tpu.memref_slice %arg8[%run_scoped3A_184, %dma_start3A_201, %dma_start3A_202] : memref<2x128x128xf32, #tpu.memory_space<vmem>> -> memref<1x128x128xf32, #tpu.memory_space<vmem>>
      %dma_start3A_204 = tpu.memref_squeeze %dma_start3A_203 : memref<1x128x128xf32, #tpu.memory_space<vmem>> -> memref<128x128xf32, #tpu.memory_space<vmem>>
      %dma_start3A_205 = arith.constant 0 : i32
      %dma_start3A_206 = tpu.memref_slice %arg9[%mul3A_183, %dma_start3A_205] : memref<10240x128xf32, #tpu.memory_space<vmem_shared>> -> memref<128x128xf32, #tpu.memory_space<vmem_shared>>
      tpu.enqueue_dma source(%dma_start3A_206 : memref<128x128xf32, #tpu.memory_space<vmem_shared>>) target(%dma_start3A_204 : memref<128x128xf32, #tpu.memory_space<vmem>>) target_semaphore(%run_scoped3A_194 : memref<!tpu.dma_semaphore, #tpu.memory_space<semaphore_mem>>)
      %dma_wait3A_207 = arith.constant 0 : i32
      %dma_wait3A_208 = arith.constant 0 : i32
      %dma_wait3A_209 = tpu.memref_slice %arg8[%run_scoped3A_184, %dma_wait3A_207, %dma_wait3A_208] : memref<2x128x128xf32, #tpu.memory_space<vmem>> -> memref<1x128x128xf32, #tpu.memory_space<vmem>>
      %dma_wait3A_210 = tpu.memref_squeeze %dma_wait3A_209 : memref<1x128x128xf32, #tpu.memory_space<vmem>> -> memref<128x128xf32, #tpu.memory_space<vmem>>
      %dma_wait3A_211 = arith.constant 0 : i32
      %dma_wait3A_212 = tpu.memref_slice %arg9[%mul3A_183, %dma_wait3A_211] : memref<10240x128xf32, #tpu.memory_space<vmem_shared>> -> memref<128x128xf32, #tpu.memory_space<vmem_shared>>
      %dma_wait3A_213 = arith.constant 0 : i32
      %dma_wait3A_214 = arith.constant 0 : i32
      %dma_wait3A_215 = tpu.memref_slice %arg8[%run_scoped3A_184, %dma_wait3A_213, %dma_wait3A_214] : memref<2x128x128xf32, #tpu.memory_space<vmem>> -> memref<1x128x128xf32, #tpu.memory_space<vmem>>
      %dma_wait3A_216 = tpu.memref_squeeze %dma_wait3A_215 : memref<1x128x128xf32, #tpu.memory_space<vmem>> -> memref<128x128xf32, #tpu.memory_space<vmem>>
      %dma_wait3A_217 = arith.constant 0 : i32
      %dma_wait3A_218 = tpu.memref_slice %arg9[%mul3A_183, %dma_wait3A_217] : memref<10240x128xf32, #tpu.memory_space<vmem_shared>> -> memref<128x128xf32, #tpu.memory_space<vmem_shared>>
      tpu.wait_dma2 semaphore(%run_scoped3A_194 : memref<!tpu.dma_semaphore, #tpu.memory_space<semaphore_mem>>) src(%dma_wait3A_218 : memref<128x128xf32, #tpu.memory_space<vmem_shared>>) dst(%dma_wait3A_216 : memref<128x128xf32, #tpu.memory_space<vmem>>)
      tpu.yield
    }) : () -> ()
    %run_scoped3A_185 = arith.constant 0 : i32
    "tpu.region"() ({
      %run_scoped3A_194 = tpu.sem_alloc : memref<!tpu.dma_semaphore, #tpu.memory_space<semaphore_mem>>
      %dma_start3A_195 = arith.constant 0 : i32
      %dma_start3A_196 = arith.constant 0 : i32
      %dma_start3A_197 = tpu.memref_slice %arg8[%run_scoped3A_185, %dma_start3A_195, %dma_start3A_196] : memref<2x128x128xf32, #tpu.memory_space<vmem>> -> memref<1x128x128xf32, #tpu.memory_space<vmem>>
      %dma_start3A_198 = tpu.memref_squeeze %dma_start3A_197 : memref<1x128x128xf32, #tpu.memory_space<vmem>> -> memref<128x128xf32, #tpu.memory_space<vmem>>
      %dma_start3A_199 = arith.constant 0 : i32
      %dma_start3A_200 = tpu.memref_slice %arg5[%arg0, %mul3A_183, %dma_start3A_199] : memref<2x10240x128xf32, #tpu.memory_space<hbm>> -> memref<1x128x128xf32, #tpu.memory_space<hbm>>
      %dma_start3A_201 = tpu.memref_squeeze %dma_start3A_200 : memref<1x128x128xf32, #tpu.memory_space<hbm>> -> memref<128x128xf32, #tpu.memory_space<hbm>>
      %dma_start3A_202 = arith.constant 0 : i32
      %dma_start3A_203 = tpu.memref_slice %arg5[%arg0, %mul3A_183, %dma_start3A_202] : memref<2x10240x128xf32, #tpu.memory_space<hbm>> -> memref<1x128x128xf32, #tpu.memory_space<hbm>>
      %dma_start3A_204 = tpu.memref_squeeze %dma_start3A_203 : memref<1x128x128xf32, #tpu.memory_space<hbm>> -> memref<128x128xf32, #tpu.memory_space<hbm>>
      %dma_start3A_205 = arith.constant 0 : i32
      %dma_start3A_206 = arith.constant 0 : i32
      %dma_start3A_207 = tpu.memref_slice %arg8[%run_scoped3A_185, %dma_start3A_205, %dma_start3A_206] : memref<2x128x128xf32, #tpu.memory_space<vmem>> -> memref<1x128x128xf32, #tpu.memory_space<vmem>>
      %dma_start3A_208 = tpu.memref_squeeze %dma_start3A_207 : memref<1x128x128xf32, #tpu.memory_space<vmem>> -> memref<128x128xf32, #tpu.memory_space<vmem>>
      tpu.enqueue_dma source(%dma_start3A_208 : memref<128x128xf32, #tpu.memory_space<vmem>>) target(%dma_start3A_204 : memref<128x128xf32, #tpu.memory_space<hbm>>) target_semaphore(%run_scoped3A_194 : memref<!tpu.dma_semaphore, #tpu.memory_space<semaphore_mem>>)
      %dma_wait3A_209 = arith.constant 0 : i32
      %dma_wait3A_210 = arith.constant 0 : i32
      %dma_wait3A_211 = tpu.memref_slice %arg8[%run_scoped3A_185, %dma_wait3A_209, %dma_wait3A_210] : memref<2x128x128xf32, #tpu.memory_space<vmem>> -> memref<1x128x128xf32, #tpu.memory_space<vmem>>
      %dma_wait3A_212 = tpu.memref_squeeze %dma_wait3A_211 : memref<1x128x128xf32, #tpu.memory_space<vmem>> -> memref<128x128xf32, #tpu.memory_space<vmem>>
      %dma_wait3A_213 = arith.constant 0 : i32
      %dma_wait3A_214 = tpu.memref_slice %arg5[%arg0, %mul3A_183, %dma_wait3A_213] : memref<2x10240x128xf32, #tpu.memory_space<hbm>> -> memref<1x128x128xf32, #tpu.memory_space<hbm>>
      %dma_wait3A_215 = tpu.memref_squeeze %dma_wait3A_214 : memref<1x128x128xf32, #tpu.memory_space<hbm>> -> memref<128x128xf32, #tpu.memory_space<hbm>>
      %dma_wait3A_216 = arith.constant 0 : i32
      %dma_wait3A_217 = tpu.memref_slice %arg5[%arg0, %mul3A_183, %dma_wait3A_216] : memref<2x10240x128xf32, #tpu.memory_space<hbm>> -> memref<1x128x128xf32, #tpu.memory_space<hbm>>
      %dma_wait3A_218 = tpu.memref_squeeze %dma_wait3A_217 : memref<1x128x128xf32, #tpu.memory_space<hbm>> -> memref<128x128xf32, #tpu.memory_space<hbm>>
      %dma_wait3A_219 = arith.constant 0 : i32
      %dma_wait3A_220 = arith.constant 0 : i32
      %dma_wait3A_221 = tpu.memref_slice %arg8[%run_scoped3A_185, %dma_wait3A_219, %dma_wait3A_220] : memref<2x128x128xf32, #tpu.memory_space<vmem>> -> memref<1x128x128xf32, #tpu.memory_space<vmem>>
      %dma_wait3A_222 = tpu.memref_squeeze %dma_wait3A_221 : memref<1x128x128xf32, #tpu.memory_space<vmem>> -> memref<128x128xf32, #tpu.memory_space<vmem>>
      tpu.wait_dma2 semaphore(%run_scoped3A_194 : memref<!tpu.dma_semaphore, #tpu.memory_space<semaphore_mem>>) src(%dma_wait3A_222 : memref<128x128xf32, #tpu.memory_space<vmem>>) dst(%dma_wait3A_218 : memref<128x128xf32, #tpu.memory_space<hbm>>)
      tpu.yield
    }) : () -> ()
    %mul3A_186 = arith.constant 5 : i32
    %mul3A_187 = arith.muli %arg1, %mul3A_186 : i32
    %add3A_188 = arith.constant 4 : i32
    %add3A_189 = arith.addi %mul3A_187, %add3A_188 : i32
    %mul3A_190 = arith.constant 128 : i32
    %mul3A_191 = arith.muli %add3A_189, %mul3A_190 : i32
    %run_scoped3A_192 = arith.constant 0 : i32
    "tpu.region"() ({
      %run_scoped3A_194 = tpu.sem_alloc : memref<!tpu.dma_semaphore, #tpu.memory_space<semaphore_mem>>
      %dma_start3A_195 = arith.constant 0 : i32
      %dma_start3A_196 = arith.constant 0 : i32
      %dma_start3A_197 = tpu.memref_slice %arg8[%run_scoped3A_192, %dma_start3A_195, %dma_start3A_196] : memref<2x128x128xf32, #tpu.memory_space<vmem>> -> memref<1x128x128xf32, #tpu.memory_space<vmem>>
      %dma_start3A_198 = tpu.memref_squeeze %dma_start3A_197 : memref<1x128x128xf32, #tpu.memory_space<vmem>> -> memref<128x128xf32, #tpu.memory_space<vmem>>
      %dma_start3A_199 = arith.constant 0 : i32
      %dma_start3A_200 = tpu.memref_slice %arg9[%mul3A_191, %dma_start3A_199] : memref<10240x128xf32, #tpu.memory_space<vmem_shared>> -> memref<128x128xf32, #tpu.memory_space<vmem_shared>>
      %dma_start3A_201 = arith.constant 0 : i32
      %dma_start3A_202 = arith.constant 0 : i32
      %dma_start3A_203 = tpu.memref_slice %arg8[%run_scoped3A_192, %dma_start3A_201, %dma_start3A_202] : memref<2x128x128xf32, #tpu.memory_space<vmem>> -> memref<1x128x128xf32, #tpu.memory_space<vmem>>
      %dma_start3A_204 = tpu.memref_squeeze %dma_start3A_203 : memref<1x128x128xf32, #tpu.memory_space<vmem>> -> memref<128x128xf32, #tpu.memory_space<vmem>>
      %dma_start3A_205 = arith.constant 0 : i32
      %dma_start3A_206 = tpu.memref_slice %arg9[%mul3A_191, %dma_start3A_205] : memref<10240x128xf32, #tpu.memory_space<vmem_shared>> -> memref<128x128xf32, #tpu.memory_space<vmem_shared>>
      tpu.enqueue_dma source(%dma_start3A_206 : memref<128x128xf32, #tpu.memory_space<vmem_shared>>) target(%dma_start3A_204 : memref<128x128xf32, #tpu.memory_space<vmem>>) target_semaphore(%run_scoped3A_194 : memref<!tpu.dma_semaphore, #tpu.memory_space<semaphore_mem>>)
      %dma_wait3A_207 = arith.constant 0 : i32
      %dma_wait3A_208 = arith.constant 0 : i32
      %dma_wait3A_209 = tpu.memref_slice %arg8[%run_scoped3A_192, %dma_wait3A_207, %dma_wait3A_208] : memref<2x128x128xf32, #tpu.memory_space<vmem>> -> memref<1x128x128xf32, #tpu.memory_space<vmem>>
      %dma_wait3A_210 = tpu.memref_squeeze %dma_wait3A_209 : memref<1x128x128xf32, #tpu.memory_space<vmem>> -> memref<128x128xf32, #tpu.memory_space<vmem>>
      %dma_wait3A_211 = arith.constant 0 : i32
      %dma_wait3A_212 = tpu.memref_slice %arg9[%mul3A_191, %dma_wait3A_211] : memref<10240x128xf32, #tpu.memory_space<vmem_shared>> -> memref<128x128xf32, #tpu.memory_space<vmem_shared>>
      %dma_wait3A_213 = arith.constant 0 : i32
      %dma_wait3A_214 = arith.constant 0 : i32
      %dma_wait3A_215 = tpu.memref_slice %arg8[%run_scoped3A_192, %dma_wait3A_213, %dma_wait3A_214] : memref<2x128x128xf32, #tpu.memory_space<vmem>> -> memref<1x128x128xf32, #tpu.memory_space<vmem>>
      %dma_wait3A_216 = tpu.memref_squeeze %dma_wait3A_215 : memref<1x128x128xf32, #tpu.memory_space<vmem>> -> memref<128x128xf32, #tpu.memory_space<vmem>>
      %dma_wait3A_217 = arith.constant 0 : i32
      %dma_wait3A_218 = tpu.memref_slice %arg9[%mul3A_191, %dma_wait3A_217] : memref<10240x128xf32, #tpu.memory_space<vmem_shared>> -> memref<128x128xf32, #tpu.memory_space<vmem_shared>>
      tpu.wait_dma2 semaphore(%run_scoped3A_194 : memref<!tpu.dma_semaphore, #tpu.memory_space<semaphore_mem>>) src(%dma_wait3A_218 : memref<128x128xf32, #tpu.memory_space<vmem_shared>>) dst(%dma_wait3A_216 : memref<128x128xf32, #tpu.memory_space<vmem>>)
      tpu.yield
    }) : () -> ()
    %run_scoped3A_193 = arith.constant 0 : i32
    "tpu.region"() ({
      %run_scoped3A_194 = tpu.sem_alloc : memref<!tpu.dma_semaphore, #tpu.memory_space<semaphore_mem>>
      %dma_start3A_195 = arith.constant 0 : i32
      %dma_start3A_196 = arith.constant 0 : i32
      %dma_start3A_197 = tpu.memref_slice %arg8[%run_scoped3A_193, %dma_start3A_195, %dma_start3A_196] : memref<2x128x128xf32, #tpu.memory_space<vmem>> -> memref<1x128x128xf32, #tpu.memory_space<vmem>>
      %dma_start3A_198 = tpu.memref_squeeze %dma_start3A_197 : memref<1x128x128xf32, #tpu.memory_space<vmem>> -> memref<128x128xf32, #tpu.memory_space<vmem>>
      %dma_start3A_199 = arith.constant 0 : i32
      %dma_start3A_200 = tpu.memref_slice %arg5[%arg0, %mul3A_191, %dma_start3A_199] : memref<2x10240x128xf32, #tpu.memory_space<hbm>> -> memref<1x128x128xf32, #tpu.memory_space<hbm>>
      %dma_start3A_201 = tpu.memref_squeeze %dma_start3A_200 : memref<1x128x128xf32, #tpu.memory_space<hbm>> -> memref<128x128xf32, #tpu.memory_space<hbm>>
      %dma_start3A_202 = arith.constant 0 : i32
      %dma_start3A_203 = tpu.memref_slice %arg5[%arg0, %mul3A_191, %dma_start3A_202] : memref<2x10240x128xf32, #tpu.memory_space<hbm>> -> memref<1x128x128xf32, #tpu.memory_space<hbm>>
      %dma_start3A_204 = tpu.memref_squeeze %dma_start3A_203 : memref<1x128x128xf32, #tpu.memory_space<hbm>> -> memref<128x128xf32, #tpu.memory_space<hbm>>
      %dma_start3A_205 = arith.constant 0 : i32
      %dma_start3A_206 = arith.constant 0 : i32
      %dma_start3A_207 = tpu.memref_slice %arg8[%run_scoped3A_193, %dma_start3A_205, %dma_start3A_206] : memref<2x128x128xf32, #tpu.memory_space<vmem>> -> memref<1x128x128xf32, #tpu.memory_space<vmem>>
      %dma_start3A_208 = tpu.memref_squeeze %dma_start3A_207 : memref<1x128x128xf32, #tpu.memory_space<vmem>> -> memref<128x128xf32, #tpu.memory_space<vmem>>
      tpu.enqueue_dma source(%dma_start3A_208 : memref<128x128xf32, #tpu.memory_space<vmem>>) target(%dma_start3A_204 : memref<128x128xf32, #tpu.memory_space<hbm>>) target_semaphore(%run_scoped3A_194 : memref<!tpu.dma_semaphore, #tpu.memory_space<semaphore_mem>>)
      %dma_wait3A_209 = arith.constant 0 : i32
      %dma_wait3A_210 = arith.constant 0 : i32
      %dma_wait3A_211 = tpu.memref_slice %arg8[%run_scoped3A_193, %dma_wait3A_209, %dma_wait3A_210] : memref<2x128x128xf32, #tpu.memory_space<vmem>> -> memref<1x128x128xf32, #tpu.memory_space<vmem>>
      %dma_wait3A_212 = tpu.memref_squeeze %dma_wait3A_211 : memref<1x128x128xf32, #tpu.memory_space<vmem>> -> memref<128x128xf32, #tpu.memory_space<vmem>>
      %dma_wait3A_213 = arith.constant 0 : i32
      %dma_wait3A_214 = tpu.memref_slice %arg5[%arg0, %mul3A_191, %dma_wait3A_213] : memref<2x10240x128xf32, #tpu.memory_space<hbm>> -> memref<1x128x128xf32, #tpu.memory_space<hbm>>
      %dma_wait3A_215 = tpu.memref_squeeze %dma_wait3A_214 : memref<1x128x128xf32, #tpu.memory_space<hbm>> -> memref<128x128xf32, #tpu.memory_space<hbm>>
      %dma_wait3A_216 = arith.constant 0 : i32
      %dma_wait3A_217 = tpu.memref_slice %arg5[%arg0, %mul3A_191, %dma_wait3A_216] : memref<2x10240x128xf32, #tpu.memory_space<hbm>> -> memref<1x128x128xf32, #tpu.memory_space<hbm>>
      %dma_wait3A_218 = tpu.memref_squeeze %dma_wait3A_217 : memref<1x128x128xf32, #tpu.memory_space<hbm>> -> memref<128x128xf32, #tpu.memory_space<hbm>>
      %dma_wait3A_219 = arith.constant 0 : i32
      %dma_wait3A_220 = arith.constant 0 : i32
      %dma_wait3A_221 = tpu.memref_slice %arg8[%run_scoped3A_193, %dma_wait3A_219, %dma_wait3A_220] : memref<2x128x128xf32, #tpu.memory_space<vmem>> -> memref<1x128x128xf32, #tpu.memory_space<vmem>>
      %dma_wait3A_222 = tpu.memref_squeeze %dma_wait3A_221 : memref<1x128x128xf32, #tpu.memory_space<vmem>> -> memref<128x128xf32, #tpu.memory_space<vmem>>
      tpu.wait_dma2 semaphore(%run_scoped3A_194 : memref<!tpu.dma_semaphore, #tpu.memory_space<semaphore_mem>>) src(%dma_wait3A_222 : memref<128x128xf32, #tpu.memory_space<vmem>>) dst(%dma_wait3A_218 : memref<128x128xf32, #tpu.memory_space<hbm>>)
      tpu.yield
    }) : () -> ()
    return
  }
}

module attributes {stable_mosaic.version = 14 : i64} {
  func.func @body(%arg0: memref<10000x128xf32, #tpu.memory_space<vmem>>, %arg1: memref<128x128xf32, #tpu.memory_space<vmem>>, %arg2: memref<128xf32, #tpu.memory_space<vmem>>, %arg3: memref<128xf32, #tpu.memory_space<vmem>>, %arg4: memref<2x10240x1xf32, #tpu.memory_space<vmem>>, %arg5: memref<10240x128xf32, #tpu.memory_space<vmem>>, %arg6: memref<10000x1xf32, #tpu.memory_space<vmem>>) attributes {dimension_semantics = [], scalar_prefetch = 0 : i64, scratch_operands = 0 : i64, tpu.core_type = #tpu.core_type<tc>} {
    %get3A = arith.constant 0 : index
    %get3A_0 = arith.constant 0 : index
    %get3A_1 = vector.load %arg0[%get3A, %get3A_0] : memref<10000x128xf32, #tpu.memory_space<vmem>>, vector<10000x128xf32>
    %reduce_sum3A = arith.constant dense<0.000000e+00> : vector<128xf32>
    %reduce_sum3A_2 = vector.multi_reduction <add>, %get3A_1, %reduce_sum3A [0] : vector<10000x128xf32> to vector<128xf32>
    %broadcast_in_dim3A = vector.shape_cast %reduce_sum3A_2 : vector<128xf32> to vector<1x128xf32>
    %div3A = arith.constant 1.000000e+04 : f32
    %div3A_3 = vector.broadcast %div3A : f32 to vector<1x128xf32>
    %div3A_4 = arith.divf %broadcast_in_dim3A, %div3A_3 : vector<1x128xf32>
    %sub3A = vector.broadcast %div3A_4 : vector<1x128xf32> to vector<10000x128xf32>
    %sub3A_5 = arith.subf %get3A_1, %sub3A : vector<10000x128xf32>
    %mul3A = arith.mulf %sub3A_5, %sub3A_5 : vector<10000x128xf32>
    %reduce_sum3A_6 = arith.constant dense<0.000000e+00> : vector<128xf32>
    %reduce_sum3A_7 = vector.multi_reduction <add>, %mul3A, %reduce_sum3A_6 [0] : vector<10000x128xf32> to vector<128xf32>
    %broadcast_in_dim3A_8 = vector.shape_cast %reduce_sum3A_7 : vector<128xf32> to vector<1x128xf32>
    %div3A_9 = arith.constant 1.000000e+04 : f32
    %div3A_10 = vector.broadcast %div3A_9 : f32 to vector<1x128xf32>
    %div3A_11 = arith.divf %broadcast_in_dim3A_8, %div3A_10 : vector<1x128xf32>
    %add3A = arith.constant 9.99999974E-6 : f32
    %add3A_12 = vector.broadcast %add3A : f32 to vector<1x128xf32>
    %add3A_13 = arith.addf %div3A_11, %add3A_12 : vector<1x128xf32>
    %rsqrt3A = math.rsqrt %add3A_13 : vector<1x128xf32>
    %mul3A_14 = vector.broadcast %rsqrt3A : vector<1x128xf32> to vector<10000x128xf32>
    %mul3A_15 = arith.mulf %sub3A_5, %mul3A_14 : vector<10000x128xf32>
    %get3A_16 = arith.constant 0 : index
    %get3A_17 = vector.load %arg2[%get3A_16] : memref<128xf32, #tpu.memory_space<vmem>>, vector<128xf32>
    %broadcast_in_dim3A_18 = vector.shape_cast %get3A_17 : vector<128xf32> to vector<1x128xf32>
    %mul3A_19 = vector.broadcast %broadcast_in_dim3A_18 : vector<1x128xf32> to vector<10000x128xf32>
    %mul3A_20 = arith.mulf %mul3A_15, %mul3A_19 : vector<10000x128xf32>
    %get3A_21 = arith.constant 0 : index
    %get3A_22 = vector.load %arg3[%get3A_21] : memref<128xf32, #tpu.memory_space<vmem>>, vector<128xf32>
    %broadcast_in_dim3A_23 = vector.shape_cast %get3A_22 : vector<128xf32> to vector<1x128xf32>
    %add3A_24 = vector.broadcast %broadcast_in_dim3A_23 : vector<1x128xf32> to vector<10000x128xf32>
    %add3A_25 = arith.addf %mul3A_20, %add3A_24 : vector<10000x128xf32>
    %get3A_26 = arith.constant 0 : index
    %get3A_27 = arith.constant 0 : index
    %get3A_28 = arith.constant 0 : index
    %get3A_29 = vector.load %arg4[%get3A_26, %get3A_27, %get3A_28] : memref<2x10240x1xf32, #tpu.memory_space<vmem>>, vector<1x10000x1xf32>
    %get3A_30 = vector.shape_cast %get3A_29 : vector<1x10000x1xf32> to vector<10000x1xf32>
    %get3A_31 = arith.constant 1 : index
    %get3A_32 = arith.constant 0 : index
    %get3A_33 = arith.constant 0 : index
    %get3A_34 = vector.load %arg4[%get3A_31, %get3A_32, %get3A_33] : memref<2x10240x1xf32, #tpu.memory_space<vmem>>, vector<1x10000x1xf32>
    %get3A_35 = vector.shape_cast %get3A_34 : vector<1x10000x1xf32> to vector<10000x1xf32>
    %add3A_36 = arith.addf %get3A_30, %get3A_35 : vector<10000x1xf32>
    %add3A_37 = arith.constant 1.000000e+00 : f32
    %add3A_38 = vector.broadcast %add3A_37 : f32 to vector<10000x1xf32>
    %add3A_39 = arith.addf %add3A_36, %add3A_38 : vector<10000x1xf32>
    %rsqrt3A_40 = math.rsqrt %add3A_39 : vector<10000x1xf32>
    %get3A_41 = arith.constant 0 : index
    %get3A_42 = arith.constant 0 : index
    %get3A_43 = vector.load %arg1[%get3A_41, %get3A_42] : memref<128x128xf32, #tpu.memory_space<vmem>>, vector<128x128xf32>
    %dot_general3A = arith.constant dense<0.000000e+00> : vector<10000x128xf32>
    %dot_general3A_44 = tpu.matmul %add3A_25, %get3A_43, %dot_general3A {dimension_numbers = #tpu.dot_dimension_numbers<[1], [0], [0], [1], [0, 0, 1, 1], [], []>, transpose_lhs_hint = false} : vector<10000x128xf32>, vector<128x128xf32>, vector<10000x128xf32> -> vector<10000x128xf32>
    %mul3A_45 = vector.broadcast %rsqrt3A_40 : vector<10000x1xf32> to vector<10000x128xf32>
    %mul3A_46 = arith.mulf %dot_general3A_44, %mul3A_45 : vector<10000x128xf32>
    %swap3A = arith.constant 0 : index
    %swap3A_47 = arith.constant 0 : index
    %swap3A_48 = vector.load %arg5[%swap3A, %swap3A_47] : memref<10240x128xf32, #tpu.memory_space<vmem>>, vector<10000x128xf32>
    tpu.vector_store %arg5[%swap3A, %swap3A_47], %mul3A_46 {strides = array<i32>} : memref<10240x128xf32, #tpu.memory_space<vmem>>, vector<10000x128xf32>,
    %broadcast_in_dim3A_49 = arith.constant 0.000000e+00 : f32
    %broadcast_in_dim3A_50 = vector.broadcast %broadcast_in_dim3A_49 : f32 to vector<240x128xf32>
    %swap3A_51 = arith.constant 10000 : index
    %swap3A_52 = arith.constant 0 : index
    %swap3A_53 = vector.load %arg5[%swap3A_51, %swap3A_52] : memref<10240x128xf32, #tpu.memory_space<vmem>>, vector<240x128xf32>
    tpu.vector_store %arg5[%swap3A_51, %swap3A_52], %broadcast_in_dim3A_50 {strides = array<i32>} : memref<10240x128xf32, #tpu.memory_space<vmem>>, vector<240x128xf32>,
    %swap3A_54 = arith.constant 0 : index
    %swap3A_55 = arith.constant 0 : index
    %swap3A_56 = vector.load %arg6[%swap3A_54, %swap3A_55] : memref<10000x1xf32, #tpu.memory_space<vmem>>, vector<10000x1xf32>
    tpu.vector_store %arg6[%swap3A_54, %swap3A_55], %rsqrt3A_40 {strides = array<i32>} : memref<10000x1xf32, #tpu.memory_space<vmem>>, vector<10000x1xf32>,
    return
  }
}

module attributes {stable_mosaic.version = 14 : i64} {
  func.func @body(%arg0: memref<2x10240x128xf32, #tpu.memory_space<vmem>>, %arg1: memref<10240x128xf32, #tpu.memory_space<vmem>>, %arg2: memref<10000x1xf32, #tpu.memory_space<vmem>>, %arg3: memref<128xf32, #tpu.memory_space<vmem>>, %arg4: memref<128xf32, #tpu.memory_space<vmem>>, %arg5: memref<128xf32, #tpu.memory_space<vmem>>, %arg6: memref<128x128xf32, #tpu.memory_space<vmem>>, %arg7: memref<10240x128xf32, #tpu.memory_space<vmem>>) attributes {dimension_semantics = [], scalar_prefetch = 0 : i64, scratch_operands = 0 : i64, tpu.core_type = #tpu.core_type<tc>} {
    %get3A = arith.constant 0 : index
    %get3A_0 = arith.constant 0 : index
    %get3A_1 = vector.load %arg2[%get3A, %get3A_0] : memref<10000x1xf32, #tpu.memory_space<vmem>>, vector<10000x1xf32>
    %get3A_2 = arith.constant 0 : index
    %get3A_3 = arith.constant 0 : index
    %get3A_4 = arith.constant 0 : index
    %get3A_5 = vector.load %arg0[%get3A_2, %get3A_3, %get3A_4] : memref<2x10240x128xf32, #tpu.memory_space<vmem>>, vector<1x10000x128xf32>
    %get3A_6 = vector.shape_cast %get3A_5 : vector<1x10000x128xf32> to vector<10000x128xf32>
    %get3A_7 = arith.constant 1 : index
    %get3A_8 = arith.constant 0 : index
    %get3A_9 = arith.constant 0 : index
    %get3A_10 = vector.load %arg0[%get3A_7, %get3A_8, %get3A_9] : memref<2x10240x128xf32, #tpu.memory_space<vmem>>, vector<1x10000x128xf32>
    %get3A_11 = vector.shape_cast %get3A_10 : vector<1x10000x128xf32> to vector<10000x128xf32>
    %add3A = arith.addf %get3A_6, %get3A_11 : vector<10000x128xf32>
    %get3A_12 = arith.constant 0 : index
    %get3A_13 = arith.constant 0 : index
    %get3A_14 = vector.load %arg1[%get3A_12, %get3A_13] : memref<10240x128xf32, #tpu.memory_space<vmem>>, vector<10000x128xf32>
    %add3A_15 = arith.addf %add3A, %get3A_14 : vector<10000x128xf32>
    %mul3A = vector.broadcast %get3A_1 : vector<10000x1xf32> to vector<10000x128xf32>
    %mul3A_16 = arith.mulf %add3A_15, %mul3A : vector<10000x128xf32>
    %get3A_17 = arith.constant 0 : index
    %get3A_18 = vector.load %arg3[%get3A_17] : memref<128xf32, #tpu.memory_space<vmem>>, vector<128xf32>
    %broadcast_in_dim3A = vector.shape_cast %get3A_18 : vector<128xf32> to vector<1x128xf32>
    %add3A_19 = vector.broadcast %broadcast_in_dim3A : vector<1x128xf32> to vector<10000x128xf32>
    %add3A_20 = arith.addf %mul3A_16, %add3A_19 : vector<10000x128xf32>
    %max3A = arith.constant 0.000000e+00 : f32
    %max3A_21 = vector.broadcast %max3A : f32 to vector<10000x128xf32>
    %max3A_22 = arith.maximumf %add3A_20, %max3A_21 : vector<10000x128xf32>
    %reduce_sum3A = arith.constant dense<0.000000e+00> : vector<128xf32>
    %reduce_sum3A_23 = vector.multi_reduction <add>, %max3A_22, %reduce_sum3A [0] : vector<10000x128xf32> to vector<128xf32>
    %broadcast_in_dim3A_24 = vector.shape_cast %reduce_sum3A_23 : vector<128xf32> to vector<1x128xf32>
    %div3A = arith.constant 1.000000e+04 : f32
    %div3A_25 = vector.broadcast %div3A : f32 to vector<1x128xf32>
    %div3A_26 = arith.divf %broadcast_in_dim3A_24, %div3A_25 : vector<1x128xf32>
    %sub3A = vector.broadcast %div3A_26 : vector<1x128xf32> to vector<10000x128xf32>
    %sub3A_27 = arith.subf %max3A_22, %sub3A : vector<10000x128xf32>
    %mul3A_28 = arith.mulf %sub3A_27, %sub3A_27 : vector<10000x128xf32>
    %reduce_sum3A_29 = arith.constant dense<0.000000e+00> : vector<128xf32>
    %reduce_sum3A_30 = vector.multi_reduction <add>, %mul3A_28, %reduce_sum3A_29 [0] : vector<10000x128xf32> to vector<128xf32>
    %broadcast_in_dim3A_31 = vector.shape_cast %reduce_sum3A_30 : vector<128xf32> to vector<1x128xf32>
    %div3A_32 = arith.constant 1.000000e+04 : f32
    %div3A_33 = vector.broadcast %div3A_32 : f32 to vector<1x128xf32>
    %div3A_34 = arith.divf %broadcast_in_dim3A_31, %div3A_33 : vector<1x128xf32>
    %add3A_35 = arith.constant 9.99999974E-6 : f32
    %add3A_36 = vector.broadcast %add3A_35 : f32 to vector<1x128xf32>
    %add3A_37 = arith.addf %div3A_34, %add3A_36 : vector<1x128xf32>
    %rsqrt3A = math.rsqrt %add3A_37 : vector<1x128xf32>
    %mul3A_38 = vector.broadcast %rsqrt3A : vector<1x128xf32> to vector<10000x128xf32>
    %mul3A_39 = arith.mulf %sub3A_27, %mul3A_38 : vector<10000x128xf32>
    %get3A_40 = arith.constant 0 : index
    %get3A_41 = vector.load %arg4[%get3A_40] : memref<128xf32, #tpu.memory_space<vmem>>, vector<128xf32>
    %broadcast_in_dim3A_42 = vector.shape_cast %get3A_41 : vector<128xf32> to vector<1x128xf32>
    %mul3A_43 = vector.broadcast %broadcast_in_dim3A_42 : vector<1x128xf32> to vector<10000x128xf32>
    %mul3A_44 = arith.mulf %mul3A_39, %mul3A_43 : vector<10000x128xf32>
    %get3A_45 = arith.constant 0 : index
    %get3A_46 = vector.load %arg5[%get3A_45] : memref<128xf32, #tpu.memory_space<vmem>>, vector<128xf32>
    %broadcast_in_dim3A_47 = vector.shape_cast %get3A_46 : vector<128xf32> to vector<1x128xf32>
    %add3A_48 = vector.broadcast %broadcast_in_dim3A_47 : vector<1x128xf32> to vector<10000x128xf32>
    %add3A_49 = arith.addf %mul3A_44, %add3A_48 : vector<10000x128xf32>
    %get3A_50 = arith.constant 0 : index
    %get3A_51 = arith.constant 0 : index
    %get3A_52 = vector.load %arg6[%get3A_50, %get3A_51] : memref<128x128xf32, #tpu.memory_space<vmem>>, vector<128x128xf32>
    %dot_general3A = arith.constant dense<0.000000e+00> : vector<10000x128xf32>
    %dot_general3A_53 = tpu.matmul %add3A_49, %get3A_52, %dot_general3A {dimension_numbers = #tpu.dot_dimension_numbers<[1], [0], [0], [1], [0, 0, 1, 1], [], []>, transpose_lhs_hint = false} : vector<10000x128xf32>, vector<128x128xf32>, vector<10000x128xf32> -> vector<10000x128xf32>
    %mul3A_54 = vector.broadcast %get3A_1 : vector<10000x1xf32> to vector<10000x128xf32>
    %mul3A_55 = arith.mulf %dot_general3A_53, %mul3A_54 : vector<10000x128xf32>
    %swap3A = arith.constant 0 : index
    %swap3A_56 = arith.constant 0 : index
    %swap3A_57 = vector.load %arg7[%swap3A, %swap3A_56] : memref<10240x128xf32, #tpu.memory_space<vmem>>, vector<10000x128xf32>
    tpu.vector_store %arg7[%swap3A, %swap3A_56], %mul3A_55 {strides = array<i32>} : memref<10240x128xf32, #tpu.memory_space<vmem>>, vector<10000x128xf32>,
    %broadcast_in_dim3A_58 = arith.constant 0.000000e+00 : f32
    %broadcast_in_dim3A_59 = vector.broadcast %broadcast_in_dim3A_58 : f32 to vector<240x128xf32>
    %swap3A_60 = arith.constant 10000 : index
    %swap3A_61 = arith.constant 0 : index
    %swap3A_62 = vector.load %arg7[%swap3A_60, %swap3A_61] : memref<10240x128xf32, #tpu.memory_space<vmem>>, vector<240x128xf32>
    tpu.vector_store %arg7[%swap3A_60, %swap3A_61], %broadcast_in_dim3A_59 {strides = array<i32>} : memref<10240x128xf32, #tpu.memory_space<vmem>>, vector<240x128xf32>,
    return
  }
}

module attributes {stable_mosaic.version = 14 : i64} {
  func.func @body(%arg0: memref<2x10240x128xf32, #tpu.memory_space<vmem>>, %arg1: memref<10240x128xf32, #tpu.memory_space<vmem>>, %arg2: memref<10000x1xf32, #tpu.memory_space<vmem>>, %arg3: memref<128xf32, #tpu.memory_space<vmem>>, %arg4: memref<10000x128xf32, #tpu.memory_space<vmem>>, %arg5: memref<10000x128xf32, #tpu.memory_space<vmem>>) attributes {dimension_semantics = [], scalar_prefetch = 0 : i64, scratch_operands = 0 : i64, tpu.core_type = #tpu.core_type<tc>} {
    %get3A = arith.constant 0 : index
    %get3A_0 = arith.constant 0 : index
    %get3A_1 = arith.constant 0 : index
    %get3A_2 = vector.load %arg0[%get3A, %get3A_0, %get3A_1] : memref<2x10240x128xf32, #tpu.memory_space<vmem>>, vector<1x10000x128xf32>
    %get3A_3 = vector.shape_cast %get3A_2 : vector<1x10000x128xf32> to vector<10000x128xf32>
    %get3A_4 = arith.constant 1 : index
    %get3A_5 = arith.constant 0 : index
    %get3A_6 = arith.constant 0 : index
    %get3A_7 = vector.load %arg0[%get3A_4, %get3A_5, %get3A_6] : memref<2x10240x128xf32, #tpu.memory_space<vmem>>, vector<1x10000x128xf32>
    %get3A_8 = vector.shape_cast %get3A_7 : vector<1x10000x128xf32> to vector<10000x128xf32>
    %add3A = arith.addf %get3A_3, %get3A_8 : vector<10000x128xf32>
    %get3A_9 = arith.constant 0 : index
    %get3A_10 = arith.constant 0 : index
    %get3A_11 = vector.load %arg1[%get3A_9, %get3A_10] : memref<10240x128xf32, #tpu.memory_space<vmem>>, vector<10000x128xf32>
    %add3A_12 = arith.addf %add3A, %get3A_11 : vector<10000x128xf32>
    %get3A_13 = arith.constant 0 : index
    %get3A_14 = arith.constant 0 : index
    %get3A_15 = vector.load %arg2[%get3A_13, %get3A_14] : memref<10000x1xf32, #tpu.memory_space<vmem>>, vector<10000x1xf32>
    %mul3A = vector.broadcast %get3A_15 : vector<10000x1xf32> to vector<10000x128xf32>
    %mul3A_16 = arith.mulf %add3A_12, %mul3A : vector<10000x128xf32>
    %get3A_17 = arith.constant 0 : index
    %get3A_18 = vector.load %arg3[%get3A_17] : memref<128xf32, #tpu.memory_space<vmem>>, vector<128xf32>
    %broadcast_in_dim3A = vector.shape_cast %get3A_18 : vector<128xf32> to vector<1x128xf32>
    %add3A_19 = vector.broadcast %broadcast_in_dim3A : vector<1x128xf32> to vector<10000x128xf32>
    %add3A_20 = arith.addf %mul3A_16, %add3A_19 : vector<10000x128xf32>
    %max3A = arith.constant 0.000000e+00 : f32
    %max3A_21 = vector.broadcast %max3A : f32 to vector<10000x128xf32>
    %max3A_22 = arith.maximumf %add3A_20, %max3A_21 : vector<10000x128xf32>
    %get3A_23 = arith.constant 0 : index
    %get3A_24 = arith.constant 0 : index
    %get3A_25 = vector.load %arg4[%get3A_23, %get3A_24] : memref<10000x128xf32, #tpu.memory_space<vmem>>, vector<10000x128xf32>
    %add3A_26 = arith.addf %max3A_22, %get3A_25 : vector<10000x128xf32>
    %swap3A = arith.constant 0 : index
    %swap3A_27 = arith.constant 0 : index
    %swap3A_28 = vector.load %arg5[%swap3A, %swap3A_27] : memref<10000x128xf32, #tpu.memory_space<vmem>>, vector<10000x128xf32>
    tpu.vector_store %arg5[%swap3A, %swap3A_27], %add3A_26 {strides = array<i32>} : memref<10000x128xf32, #tpu.memory_space<vmem>>, vector<10000x128xf32>,
    return
  }
}

</mosaic_0001>

<sc_bundles>
// kernel: kernel.11.cloned.1.call-start
scs
__scs_entry_jumppad:
0x0: {  	(pc) =	sbr.rel $0x88, $3  }
0x1: {  	(tag) =	ssettag $0x0;
	lr =	simm.s32 $0x1  }
0x2: {  	[smem:$0x3F97] =	sst lr;
	_ =	strace $0xD0000000  }
0x3: {  	_ = 	snop  }
0x4: {  	_ = 	snop  }
0x5: {  	_ = 	snop  }
0x6: {  	_ = 	snop  }
0x7: {  	_ = 	snop  }
__scs_overlays_trampoline_lowered:
0x8: {  	[smem:$0x3FA6] =	sst s0  }
0x9: {  	[smem:$0x3FA7] =	sst s1  }
0xa: {  	[smem:$0x3FA8] =	sst s2  }
0xb: {  	[smem:$0x3FA9] =	sst s3  }
0xc: {  	[smem:$0x3FAA] =	sst s4  }
0xd: {  	[smem:$0x3FAB] =	sst s5  }
0xe: {  	[smem:$0x3FAC] =	sst s6  }
0xf: {  	[smem:$0x3FAD] =	sst s7  }
0x10: {  	[smem:$0x3FAE] =	sst s8  }
0x11: {  	[smem:$0x3FAF] =	sst s9;
	s0 =	simm.s32 @!p0 $0x0  }
0x12: {  	s1 =	sld [smem:$0x3F95];
	s0 =	simm.s32 @p0 $0x1  }
0x13: {  	[smem:$0x3FB0] =	sst s0;
	s0 =	simm.s32 @!p1 $0x0  }
0x14: {  	s2 =	sld [smem:$0x3F94];
	s0 =	simm.s32 @p1 $0x1  }
0x15: {  	[smem:$0x3FB1] =	sst s0;
	s0 =	simm.s32 @!p2 $0x0  }
0x16: {  	s3 =	sld [smem:$0x3FDB];
	s0 =	simm.s32 @p2 $0x1  }
0x17: {  	s4 =	simm.s32 $0x1BF5;
	[smem:$0x3FB3] =	sst s0  }
0x18: {  	s0 =	sld [smem:$0x3F96];
	_ =	swait.ge [sflag:s4], $0x0  }
0x19: {  	s7 =	sld [smem:$0x3F97]  }
0x1a: {  	s8 =	sadd.s32 $0xFFFFE003, lr  }
0x1b: {  	s9 =	sadd.s32 $0xFFFFFEF7, lr;
	s5 =	simm.s32 $0xFFFFFFFF;
	p2 =	slt.u32 s8, $0xFFFFF086  }
0x1c: {  	p1 =	slt.u32 s9, $0xF7A;
	s5 =	simm.s32 @!p2 $0x0  }
0x1d: {  	s5 =	simm.s32 @p1 $0x1;
	p0 =	seq.s32 s7, s2  }
0x1e: {  	s7 =	smul.u32 @!p0 $0xF7A, s2;
	p2 =	seq.s32 @!p0 s5, $0x0  }
0x1f: {  	s9 =	smul.u32 $0xF7A, s1;
	s8 =	simm.s32 @!p0 $0x1BF5;
	p2 =	por !p2, p0  }
0x20: {  	[sflag:s8] =	ssyncset.s32 @!p0 $0xFFFFF086;
	s6 =	sadd.s32 @!p0 s3, s7;
	s7 =	simm.s32 @!p0 $0x108  }
0x21: {  	s3 =	sadd.s32 s3, s9;
	s6 =	sadd.s32 @!p0 $0x88, s6;
	s7 =	simm.s32 @p2 $0x1082  }
0x22: {  	[simem:s7], [sflag:s8] =	dma.local @!p0 [hbm:s6], $0xF7A  }
0x23: {  	s9 =	sor.u32 $0xD0000000, s2;
	s6 =	simm.s32 $0x108;
	_ =	swait.ge @!p0 [sflag:s8], $0x0  }
0x24: {  	s3 =	sadd.s32 $0x88, s3;
	s6 =	simm.s32 @!p1 $0x1082;
	[sflag:s4] =	ssyncset.s32 $0xFFFFF086  }
0x25: {  	[simem:s6], [sflag:s4] =	dma.local [hbm:s3], $0xF7A  }
0x26: {  	[smem:$0x3F97] =	sst s1;
	(tag) =	ssettag s2;
	_ =	strace s9  }
0x27: {  	s1 =	sld [smem:$0x3FA7]  }
0x28: {  	s2 =	sld [smem:$0x3FA8]  }
0x29: {  	s4 =	sld [smem:$0x3FAA]  }
0x2a: {  	p0 =	seq.s32 s5, $0x0;
	s5 =	sld [smem:$0x3FAB]  }
0x2b: {  	s6 =	sld [smem:$0x3FAC]  }
0x2c: {  	s7 =	sld [smem:$0x3FAD]  }
0x2d: {  	s3 =	simm.s32 $0x108;
	s8 =	sld [smem:$0x3FAE]  }
0x2e: {  	s3 =	simm.s32 @!p0 $0x1082;
	s9 =	sld [smem:$0x3FAF]  }
0x2f: {  	lr =	sadd.s32 s0, s3;
	s0 =	sld [smem:$0x3FA6]  }
0x30: {  	s3 =	sld [smem:$0x3FA9]  }
0x31: {  	[smem:$0x3FB2] =	sst s10  }
0x32: {  	s10 =	sld [smem:$0x3FB0];
	_ =	sdelay $0x3  }
0x33: {  	p0 =	seq.s32 s10, $0x1;
	s10 =	sld [smem:$0x3FB2];
	_ =	sdelay $0x3  }
0x34: {  	[smem:$0x3FB2] =	sst s10  }
0x35: {  	s10 =	sld [smem:$0x3FB1];
	_ =	sdelay $0x3  }
0x36: {  	p1 =	seq.s32 s10, $0x1;
	s10 =	sld [smem:$0x3FB2];
	_ =	sdelay $0x3  }
0x37: {  	[smem:$0x3FB2] =	sst s10  }
0x38: {  	s10 =	sld [smem:$0x3FB3]  }
0x39: {  	_ = 	snop;
	(pc) =	sbr.ind lr, $3  }
0x3a: {  	_ = 	snop  }
0x3b: {  	_ = 	snop  }
0x3c: {  	p2 =	seq.s32 s10, $0x1;
	s10 =	sld [smem:$0x3FB2]  }
0x3d: {  	_ =	shalt  }
0x3e: {  	_ =	shalt  }
0x3f: {  	_ =	shalt  }
0x40: {  	_ =	shalt  }
0x41: {  	_ =	shalt  }
0x42: {  	_ =	shalt  }
0x43: {  	_ =	shalt  }
0x44: {  	_ =	shalt  }
0x45: {  	_ =	shalt  }
0x46: {  	_ =	shalt  }
0x47: {  	_ =	shalt  }
0x48: {  	_ =	shalt  }
0x49: {  	_ =	shalt  }
0x4a: {  	_ =	shalt  }
0x4b: {  	_ =	shalt  }
0x4c: {  	_ =	shalt  }
0x4d: {  	_ =	shalt  }
0x4e: {  	_ =	shalt  }
0x4f: {  	_ =	shalt  }
0x50: {  	_ =	shalt  }
0x51: {  	_ =	shalt  }
0x52: {  	_ =	shalt  }
0x53: {  	_ =	shalt  }
0x54: {  	_ =	shalt  }
0x55: {  	_ =	shalt  }
0x56: {  	_ =	shalt  }
0x57: {  	_ =	shalt  }
0x58: {  	_ =	shalt  }
0x59: {  	_ =	shalt  }
0x5a: {  	_ =	shalt  }
0x5b: {  	_ =	shalt  }
0x5c: {  	_ =	shalt  }
0x5d: {  	_ =	shalt  }
0x5e: {  	_ =	shalt  }
0x5f: {  	_ =	shalt  }
0x60: {  	_ =	shalt  }
0x61: {  	_ =	shalt  }
0x62: {  	_ =	shalt  }
0x63: {  	_ =	shalt  }
0x64: {  	_ =	shalt  }
0x65: {  	_ =	shalt  }
0x66: {  	_ =	shalt  }
0x67: {  	_ =	shalt  }
0x68: {  	_ =	shalt  }
0x69: {  	_ =	shalt  }
0x6a: {  	_ =	shalt  }
0x6b: {  	_ =	shalt  }
0x6c: {  	_ =	shalt  }
0x6d: {  	_ =	shalt  }
0x6e: {  	_ =	shalt  }
0x6f: {  	_ =	shalt  }
0x70: {  	_ =	shalt  }
0x71: {  	_ =	shalt  }
0x72: {  	_ =	shalt  }
0x73: {  	_ =	shalt  }
0x74: {  	_ =	shalt  }
0x75: {  	_ =	shalt  }
0x76: {  	_ =	shalt  }
0x77: {  	_ =	shalt  }
0x78: {  	_ =	shalt  }
0x79: {  	_ =	shalt  }
0x7a: {  	_ =	shalt  }
0x7b: {  	_ =	shalt  }
0x7c: {  	_ =	shalt  }
0x7d: {  	_ =	shalt  }
0x7e: {  	_ =	shalt  }
0x7f: {  	_ =	shalt  }
0x80: {  	_ =	shalt  }
0x81: {  	_ =	shalt  }
0x82: {  	_ =	shalt  }
0x83: {  	_ =	shalt  }
0x84: {  	_ =	shalt  }
0x85: {  	_ =	shalt  }
0x86: {  	_ =	shalt  }
0x87: {  	_ =	shalt  }
.Lfunc_end0:
.L_simem_size_0:
called_computation.1_lowered:
.L_overlay_start_0:
0x88: {  	s2 =	sld [smem:$0x3FD9]  }
0x89: {  	s3 =	sld [smem:$0x3FFE];
	_ =	sdelay $0x1  }
0x8a: {  	s1 =	srdreg.scid  }
0x8b: {  	s0 =	sand.u32 $0x1, s1  }
0x8c: {  	s17 =	sshll.u32 s0, $0xA;
	s2 =	sadd.s32 s3, s2  }
0x8d: {  	s2 =	sadd.s32 s2, s17  }
0x8e: {  	[smem:$0x3FBE] =	sst s2  }
0x8f: {  	_ = 	snop  }
0x90: {  	s2 =	sld [smem:$0x3FD0];
	(tm) =	ssettm $0x1  }
0x91: {  	s18 =	sld [smem:$0x3FFB];
	_ =	sdelay $0x3  }
0x92: {  	_ =	strace s18  }
0x93: {  	s3 =	sld [smem:$0x3FFC];
	_ =	sdelay $0x3  }
0x94: {  	_ =	strace s3  }
0x95: {  	s3 =	sld [smem:$0x3FFD];
	_ =	sdelay $0x3  }
0x96: {  	_ =	strace s3  }
0x97: {  	_ =	strace $0x8FFFFFFF  }
0x98: {  	s19 =	sld [smem:$0x3FDB];
	_ =	sdelay $0x1  }
0x99: {  	s4 =	simm.s32 $_scs_section_size  }
0x9a: {  	s5 =	simm.s32 $_size__tile_overlayer_lowered;
	s6 =	simm.s32 $_tile_overlayer_lowered  }
0x9b: {  	s22 =	simm.s32 $0x1BFF;
	s21 =	sshll.u32 s6, $0x1;
	s3 =	sadd.s32 s4, s19  }
0x9c: {  	s7 =	simm.s32 $0x0;
	s20 =	sshll.u32 s5, $0x1;
	s5 =	sadd.s32 s21, s3  }
0x9d: {  	[timem:s7], [sflag:s22] =	dma.local [hbm:s5], s20  }
0x9e: {  	_ =	swait.ge [sflag:s22], s20  }
0x9f: {  	s4 =	ssub.s32 $0x0, s20;
	[sflag:s22] =	ssyncset.done $0x0  }
0xa0: {  	[sflag:s22] =	ssyncadd.s32 s4;
	_ =	sdelay $0x1  }
0xa1: {  	s23 =	simm.s32 $0x1B8B  }
0xa2: {  	_ =	swait.ge [sflag:s23], $0x1  }
0xa3: {  	[sflag:s23] =	ssyncset.done $0x0  }
0xa4: {  	s25 =	simm.s32 $0x1B8E;
	s24 =	sld [smem:$0x3FFE];
	[sflag:s23] =	ssyncadd.s32 $0xFFFFFFFF  }
0xa5: {  	s26 =	simm.s32 $execute0_lowered;
	[smem:$0x3FD2] =	sst s25  }
0xa6: {  	s5 =	sshll.u32 s26, $0x1;
	_ =	strace $0x80000049;
	[dreg:$0x1] =	wrdreg $0xFFFFFFFF  }
0xa7: {  	s28 =	simm.s32 $_size_execute0_lowered;
	s3 =	sadd.s32 s3, s5;
	[dreg:$0x0] =	wrdreg $0x0  }
0xa8: {  	s5 =	sshll.u32 s28, $0x1;
	[dreg:$0x2] =	wrdreg s3  }
0xa9: {  	[dreg:$0x3] =	wrdreg s5  }
0xaa: {  	[dreg:$0x4] =	wrdreg $0xC0  }
0xab: {  	_ =	task [dreg:s7], $0x5FFFF  }
0xac: {  	[dreg:$0x1] =	wrdreg $0xFFFFFFFF  }
0xad: {  	[dreg:$0x0] =	wrdreg $0x60  }
0xae: {  	[dreg:$0x2] =	wrdreg s24  }
0xaf: {  	[dreg:$0x3] =	wrdreg s2  }
0xb0: {  	[dreg:$0x4] =	wrdreg $0x84000  }
0xb1: {  	[dreg:$0x5] =	wrdreg $0x9  }
0xb2: {  	_ =	task.clear_ibuf [dreg:s7], $0x6FFFF;
	_ =	strace $0x90000049  }
0xb3: {  	s29 =	simm.s32 $0x9;
	_ =	strace $0x8000004B  }
0xb4: {  	_ =	swait.ge [sflag:s29], $0x1  }
0xb5: {  	[sflag:s29] =	ssyncadd.s32 $0xFFFFFFFF  }
0xb6: {  	_ =	strace $0x9000004B  }
0xb7: {  	_ =	sfence  }
0xb8: {  	s30 =	sld [smem:$0x0];
	_ =	sdelay $0x2  }
0xb9: {  	s31 =	sshll.u32 s1, $0xD;
	s1 =	sshrl.u32 s1, $0x2  }
0xba: {  	s3 =	sand.u32 $0x4000, s31;
	s1 =	sadd.s32 s1, s30  }
0xbb: {  	s0 =	sor.u32 s3, s0;
	s1 =	sshll.u32 s1, $0x11  }
0xbc: {  	s0 =	sor.u32 s1, s0  }
0xbd: {  	s0 =	sadd.s32 $0x8F2B, s0  }
0xbe: {  	[sflag:s0] =	ssyncadd.remote.s32 $0x1  }
0xbf: {  	_ =	sfence.sel $0xFFFF  }
0xc0: {  	[dreg:$0x0] =	wrdreg $0xFFFFFFFF;
	(pc) =	sbr.abs _section_cstart, $3  }
0xc1: {  	[dreg:$0x1] =	wrdreg $0xFFFFFFFF  }
0xc2: {  	_ =	task.clear_ibuf [dreg:s7], $0x2FFFF;
	_ =	strace $0x9FFFFFFF  }
0xc3: {  	(tm) =	ssettm $0x7FFFFFFF  }
tec
execute0_lowered:
.L_overlay_start_1:
0x0: {  	(tag) =	ssettag $0x1  }
0x1: {  	s0 =	rddreg [dreg:$0x0]  }
0x2: {  	s1 =	rddreg [dreg:$0x1]  }
0x3: {  	s2 =	rddreg [dreg:$0x2];
	s4 =	simm.s32 $0x0  }
0x4: {  	s3 =	srdreg.scid;
	s21 =	stileid.u32;
	s28 =	simm.s32 $0x80  }
0x5: {  	s29 =	simm.s32 $0x300;
	s30 =	simm.s32 $0x380;
	s31 =	simm.s32 $0x6  }
0x6: {  	[smem:$0x7FF] =	sst s4;
	s3 =	sand.u32 $0x1, s3;
	s8 =	smul.u32 $0x50000, s21  }
0x7: {  	s5 =	sadd.s32 $0x3600, s0;
	s6 =	sadd.s32 $0xD600, s0;
	s12 =	smul.u32 $0x14000, s21  }
0x8: {  	s0 =	sadd.s32 $0x35600, s0;
	s22 =	sshll.u32 s21, $0x1;
	_ =	strace $0x8000004A  }
0x9: {  	s7 =	ssub.s32 $0x2, s3;
	s23 =	sor.u32 s3, s22;
	s20 =	smul.u32 $0x140000, s3  }
0xa: {  	s9 =	sshrl.u32 s7, $0x1;
	s24 =	sshrl.u32 s8, $0x2;
	s14 =	sadd.s32 $0x4000, s12  }
0xb: {  	s15 =	sadd.s32 $0x8000, s12;
	s16 =	sadd.s32 $0xC000, s12;
	s18 =	smul.u32 $0x500, s23  }
0xc: {  	s17 =	sadd.s32 $0x10000, s12;
	s23 =	smul.u32 $0x500, s3;
	s3 =	simm.s32 $0x1  }
0xd: {  	s13 =	ssub.s32 s7, s9;
	s7 =	sadd.s32 s24, s2;
	s8 =	sadd.s32 s14, s2  }
0xe: {  	s9 =	sadd.s32 s15, s2;
	s10 =	sadd.s32 s16, s2;
	s11 =	sadd.s32 s17, s2  }
0xf: {  	s12 =	sadd.s32 s12, s20;
	s14 =	sadd.s32 s20, s14;
	s15 =	sadd.s32 s20, s15  }
0x10: {  	s19 =	sadd.s32 s5, s18;
	s25 =	sor.u32 $0x10, s18;
	s22 =	sadd.s32 s1, s18  }
0x11: {  	s18 =	sor.u32 $0x20, s18;
	s12 =	sshrl.u32 s12, $0x3;
	[dreg:$0x4] =	wrdreg s19  }
0x12: {  	s14 =	sshrl.u32 s14, $0x3;
	[dreg:$0x5] =	wrdreg s22;
	s26 =	sadd.s32 s5, s25  }
0x13: {  	s15 =	sshrl.u32 s15, $0x3;
	s19 =	sadd.s32 s1, s25;
	[dreg:$0x6] =	wrdreg s26  }
0x14: {  	s12 =	sadd.s32 s0, s12;
	s14 =	sadd.s32 s0, s14;
	[dreg:$0x7] =	wrdreg s19  }
0x15: {  	s22 =	smul.u32 $0xA00, s21;
	s24 =	sadd.s32 s5, s18;
	[dreg:$0x8] =	wrdreg s12  }
0x16: {  	s25 =	sadd.s32 s1, s18;
	s18 =	simm.s32 $0x0;
	[dreg:$0x9] =	wrdreg s14  }
0x17: {  	s12 =	sadd.s32 s0, s15;
	s19 =	sadd.s32 s20, s16;
	[dreg:$0xd] =	wrdreg s24  }
0x18: {  	s20 =	sadd.s32 s20, s17;
	[dreg:$0xe] =	wrdreg s25;
	s26 =	smax.u32 s13, $0x1  }
0x19: {  	s25 =	simm.s32 $0x400;
	s13 =	simm.s32 $0x2;
	s15 =	simm.s32 $0x3  }
.Ltmp0:
0x1a: {  	s17 =	simm.s32 $0x5;
	[dreg:$0xa] =	wrdreg s12;
	(pc) =	sbr.rel .LBB2_1-.Ltmp0, $4  }
0x1b: {  	s12 =	sshrl.u32 s19, $0x3;
	s14 =	sshrl.u32 s20, $0x3;
	[dreg:$0xf] =	wrdreg s26  }
0x1c: {  	s24 =	sadd.s32 s23, s22;
	s26 =	simm.s32 $0x7;
	s12 =	sadd.s32 s0, s12  }
0x1d: {  	s0 =	sadd.s32 s0, s14;
	s14 =	simm.s32 $0x180;
	[dreg:$0xb] =	wrdreg s12  }
0x1e: {  	v0 =	vimm.f32 $0.0e+00;
	[dreg:$0xc] =	wrdreg s0;
	s0 =	simm.s32 $0x100;
	s12 =	simm.s32 $0x4400  }
.LBB2_8:
0x1f: {  	_ =	swait.ge [sflag:s13], $0x4000  }
0x20: {  	[sflag:s13] =	ssyncset.done $0x0  }
0x21: {  	[sflag:s13] =	ssyncadd.s32 $0xFFFFC000  }
0x22: {  	[spmem:s2] =	stream.indirect.scatter.add.f32 [tilespmem:s12], [sflag:$0x4], $0x80, s14, s28, $0xb8;
	[tilespmem:$0x1C400] =	vst v63  }
.LBB2_6:
0x23: {  	_ =	swait.ge [sflag:s15], $0x4000  }
0x24: {  	[sflag:s15] =	ssyncset.done $0x0  }
0x25: {  	s16 =	simm.s32 $0x4;
	[sflag:s15] =	ssyncadd.s32 $0xFFFFC000  }
0x26: {  	_ =	swait.ge [sflag:s16], $0x4000  }
0x27: {  	[sflag:s16] =	ssyncset.done $0x0  }
0x28: {  	[sflag:s16] =	ssyncadd.s32 $0xFFFFC000  }
0x29: {  	[bflag:$0x0] =	sbarrier.arrive $0xFFFF  }
0x2a: {  	[tilespmem:s25], [sflag:$0x7] =	stream.linear.gather [spmem:s7], $0x4000, $0x38;
	[tilespmem:$0x1C400] =	vst v63  }
0x2b: {  	_ =	swait.ge [sflag:s26], $0x4000  }
0x2c: {  	[sflag:s26] =	ssyncset.done $0x0  }
0x2d: {  	s23 =	rddreg [dreg:$0x8];
	[sflag:s26] =	ssyncadd.s32 $0xFFFFC000  }
0x2e: {  	[hbm4b:s23+s4] =	stream.linear.scatter [tilespmem:s25], [sflag:$0x7], $0x4000, $0x38;
	[tilespmem:$0x1C400] =	vst v63  }
0x2f: {  	_ =	swait.ge [sflag:s26], $0x4000  }
0x30: {  	[sflag:s26] =	ssyncset.done $0x0  }
0x31: {  	[sflag:s26] =	ssyncadd.s32 $0xFFFFC000  }
0x32: {  	[tilespmem:s25], [sflag:$0x7] =	stream.linear.gather [spmem:s8], $0x4000, $0x38;
	[tilespmem:$0x1C400] =	vst v63  }
0x33: {  	_ =	swait.ge [sflag:s26], $0x4000  }
0x34: {  	[sflag:s26] =	ssyncset.done $0x0  }
0x35: {  	s19 =	rddreg [dreg:$0x9];
	[sflag:s26] =	ssyncadd.s32 $0xFFFFC000  }
0x36: {  	[hbm4b:s19+s4] =	stream.linear.scatter [tilespmem:s25], [sflag:$0x7], $0x4000, $0x38;
	[tilespmem:$0x1C400] =	vst v63  }
0x37: {  	_ =	swait.ge [sflag:s26], $0x4000  }
0x38: {  	[sflag:s26] =	ssyncset.done $0x0  }
0x39: {  	[sflag:s26] =	ssyncadd.s32 $0xFFFFC000  }
0x3a: {  	[tilespmem:s25], [sflag:$0x7] =	stream.linear.gather [spmem:s9], $0x4000, $0x38;
	[tilespmem:$0x1C400] =	vst v63  }
0x3b: {  	_ =	swait.ge [sflag:s26], $0x4000  }
0x3c: {  	[sflag:s26] =	ssyncset.done $0x0  }
0x3d: {  	s20 =	rddreg [dreg:$0xa];
	[sflag:s26] =	ssyncadd.s32 $0xFFFFC000  }
0x3e: {  	[hbm4b:s20+s4] =	stream.linear.scatter [tilespmem:s25], [sflag:$0x7], $0x4000, $0x38;
	[tilespmem:$0x1C400] =	vst v63  }
0x3f: {  	_ =	swait.ge [sflag:s26], $0x4000  }
0x40: {  	[sflag:s26] =	ssyncset.done $0x0  }
0x41: {  	[sflag:s26] =	ssyncadd.s32 $0xFFFFC000  }
0x42: {  	[tilespmem:s25], [sflag:$0x7] =	stream.linear.gather [spmem:s10], $0x4000, $0x38;
	[tilespmem:$0x1C400] =	vst v63  }
0x43: {  	_ =	swait.ge [sflag:s26], $0x4000  }
0x44: {  	[sflag:s26] =	ssyncset.done $0x0  }
0x45: {  	s21 =	rddreg [dreg:$0xb];
	[sflag:s26] =	ssyncadd.s32 $0xFFFFC000  }
0x46: {  	[hbm4b:s21+s4] =	stream.linear.scatter [tilespmem:s25], [sflag:$0x7], $0x4000, $0x38;
	[tilespmem:$0x1C400] =	vst v63  }
0x47: {  	_ =	swait.ge [sflag:s26], $0x4000  }
0x48: {  	[sflag:s26] =	ssyncset.done $0x0  }
0x49: {  	[sflag:s26] =	ssyncadd.s32 $0xFFFFC000  }
0x4a: {  	[tilespmem:s25], [sflag:$0x7] =	stream.linear.gather [spmem:s11], $0x4000, $0x38;
	[tilespmem:$0x1C400] =	vst v63  }
0x4b: {  	_ =	swait.ge [sflag:s26], $0x4000  }
0x4c: {  	[sflag:s26] =	ssyncset.done $0x0  }
0x4d: {  	s22 =	rddreg [dreg:$0xc];
	[sflag:s26] =	ssyncadd.s32 $0xFFFFC000  }
0x4e: {  	[hbm4b:s22+s4] =	stream.linear.scatter [tilespmem:s25], [sflag:$0x7], $0x4000, $0x38;
	[tilespmem:$0x1C400] =	vst v63  }
0x4f: {  	_ =	swait.ge [sflag:s26], $0x4000  }
0x50: {  	s18 =	sadd.s32 $0x1, s18;
	s23 =	rddreg [dreg:$0xf]  }
0x51: {  	p0 =	sne.s32 s18, s23  }
.Ltmp1:
0x52: {  	_ = 	snop;
	(pc) =	sbr.rel @!p0 .LBB2_7-.Ltmp1, $3  }
0x53: {  	_ =	sdelay $0x1  }
0x54: {  	[sflag:s26] =	ssyncset.done $0x0  }
0x55: {  	[sflag:s26] =	ssyncadd.s32 $0xFFFFC000  }
.LBB2_1:
0x56: {  	s19 =	simm.s32 $0x0;
	s20 =	simm.s32 $0x200  }
.LBB2_2:
0x57: {  	p0 =	sne.s32 s20, $0xFE00;
	[tilespmem:s19+$0x470] =	vst v0  }
0x58: {  	[tilespmem:s19+$0x400] =	vst v0  }
0x59: {  	[tilespmem:s19+$0x410] =	vst v0  }
.Ltmp2:
0x5a: {  	[tilespmem:s19+$0x420] =	vst v0;
	(pc) =	sbr.rel @p0 .LBB2_2-.Ltmp2, $4  }
0x5b: {  	[tilespmem:s19+$0x430] =	vst v0  }
0x5c: {  	[tilespmem:s19+$0x440] =	vst v0  }
0x5d: {  	[tilespmem:s19+$0x450] =	vst v0  }
0x5e: {  	[tilespmem:s19+$0x460] =	vst v0;
	s19 =	sshra.s32 s20, $0x2;
	s20 =	sadd.s32 $0x200, s20  }
0x5f: {  	[tilespmem:s19+$0x470] =	vst v0  }
0x60: {  	[tilespmem:s19+$0x400] =	vst v0  }
0x61: {  	[tilespmem:s19+$0x410] =	vst v0  }
0x62: {  	[tilespmem:s19+$0x420] =	vst v0  }
0x63: {  	[tilespmem:s19+$0x430] =	vst v0  }
0x64: {  	[tilespmem:s19+$0x440] =	vst v0  }
0x65: {  	[tilespmem:s19+$0x450] =	vst v0  }
0x66: {  	[tilespmem:s19+$0x460] =	vst v0  }
0x67: {  	[spmem:s7] =	stream.linear.scatter [tilespmem:s25], [sflag:$0x7], $0x4000, $0x38;
	[tilespmem:$0x1C400] =	vst v63  }
0x68: {  	_ =	swait.ge [sflag:s26], $0x4000  }
0x69: {  	[sflag:s26] =	ssyncset.done $0x0  }
0x6a: {  	[sflag:s26] =	ssyncadd.s32 $0xFFFFC000  }
0x6b: {  	[spmem:s8] =	stream.linear.scatter [tilespmem:s25], [sflag:$0x7], $0x4000, $0x38;
	[tilespmem:$0x1C400] =	vst v63  }
0x6c: {  	_ =	swait.ge [sflag:s26], $0x4000  }
0x6d: {  	[sflag:s26] =	ssyncset.done $0x0  }
0x6e: {  	[sflag:s26] =	ssyncadd.s32 $0xFFFFC000  }
0x6f: {  	[spmem:s9] =	stream.linear.scatter [tilespmem:s25], [sflag:$0x7], $0x4000, $0x38;
	[tilespmem:$0x1C400] =	vst v63  }
0x70: {  	_ =	swait.ge [sflag:s26], $0x4000  }
0x71: {  	[sflag:s26] =	ssyncset.done $0x0  }
0x72: {  	[sflag:s26] =	ssyncadd.s32 $0xFFFFC000  }
0x73: {  	[spmem:s10] =	stream.linear.scatter [tilespmem:s25], [sflag:$0x7], $0x4000, $0x38;
	[tilespmem:$0x1C400] =	vst v63  }
0x74: {  	_ =	swait.ge [sflag:s26], $0x4000  }
0x75: {  	[sflag:s26] =	ssyncset.done $0x0  }
0x76: {  	[sflag:s26] =	ssyncadd.s32 $0xFFFFC000  }
0x77: {  	[spmem:s11] =	stream.linear.scatter [tilespmem:s25], [sflag:$0x7], $0x4000, $0x38;
	[tilespmem:$0x1C400] =	vst v63  }
0x78: {  	_ =	swait.ge [sflag:s26], $0x4000  }
0x79: {  	[sflag:s26] =	ssyncset.done $0x0  }
0x7a: {  	s19 =	simm.s32 $0x0;
	s16 =	rddreg [dreg:$0x4];
	[sflag:s26] =	ssyncadd.s32 $0xFFFFC000  }
0x7b: {  	[tilespmem:s19], [sflag:$0x7] =	stream.linear.gather [hbm4b:s16+s19], $0x80, $0x38;
	[tilespmem:$0x1C400] =	vst v63  }
0x7c: {  	_ =	swait.ge [sflag:s26], $0x80  }
0x7d: {  	[sflag:s26] =	ssyncset.done $0x0  }
0x7e: {  	s22 =	rddreg [dreg:$0x5];
	[sflag:s26] =	ssyncadd.s32 $0xFFFFFF80  }
0x7f: {  	[tilespmem:s28], [sflag:$0x7] =	stream.linear.gather [hbm4b:s22+s19], $0x80, $0x38;
	[tilespmem:$0x1C400] =	vst v63  }
0x80: {  	_ =	swait.ge [sflag:s26], $0x80  }
0x81: {  	[sflag:s26] =	ssyncset.done $0x0  }
0x82: {  	[sflag:s26] =	ssyncadd.s32 $0xFFFFFF80  }
0x83: {  	[bflag:$0x0] =	sbarrier.arrive $0xFFFF  }
0x84: {  	[tilespmem:s25], [sflag:$0x1] =	stream.indirect.gather [hbm4b:s6+s28], $0x80, s19, s28, $0xb8;
	[tilespmem:$0x1C400] =	vst v63  }
0x85: {  	s23 =	rddreg [dreg:$0x6]  }
0x86: {  	[tilespmem:s29], [sflag:$0x6] =	stream.linear.gather [hbm4b:s23+s19], $0x80, $0x38;
	[tilespmem:$0x1C400] =	vst v63  }
0x87: {  	s20 =	rddreg [dreg:$0x7]  }
0x88: {  	[tilespmem:s30], [sflag:$0x6] =	stream.linear.gather [hbm4b:s20+s19], $0x80, $0x38;
	[tilespmem:$0x1C400] =	vst v63  }
0x89: {  	s21 =	rddreg [dreg:$0xd];
	s20 =	simm.s32 $0x200  }
0x8a: {  	[tilespmem:s20], [sflag:$0x5] =	stream.linear.gather [hbm4b:s21+s19], $0x80, $0x38;
	[tilespmem:$0x1C400] =	vst v63  }
0x8b: {  	s22 =	rddreg [dreg:$0xe];
	s23 =	simm.s32 $0x280;
	s20 =	simm.s32 $0x40  }
0x8c: {  	[tilespmem:s23], [sflag:$0x5] =	stream.linear.gather [hbm4b:s22+s19], $0x80, $0x38;
	[tilespmem:$0x1C400] =	vst v63  }
.LBB2_4:
0x8d: {  	_ =	swait.ge [sflag:s3], $0x4000  }
0x8e: {  	p0 =	seq.s32 s20, $0x40;
	[sflag:s3] =	ssyncset.done $0x0  }
0x8f: {  	s21 =	simm.s32 @!p0 $0x4;
	[sflag:s3] =	ssyncadd.s32 $0xFFFFC000  }
0x90: {  	[spmem:s2] =	stream.indirect.scatter.add.f32 [tilespmem:s25], [sflag:$0x3], $0x80, s28, s28, $0xb8;
	[tilespmem:$0x1C400] =	vst v63  }
0x91: {  	_ =	swait.ge @!p0 [sflag:s21], $0x4000  }
0x92: {  	[sflag:s21] =	ssyncset.done @!p0 $0x0  }
0x93: {  	[sflag:s21] =	ssyncadd.s32 @!p0 $0xFFFFC000  }
0x94: {  	_ =	swait.ge [sflag:s31], $0x80  }
0x95: {  	[sflag:s31] =	ssyncset.done $0x0  }
0x96: {  	[sflag:s31] =	ssyncadd.s32 $0xFFFFFF80  }
0x97: {  	_ =	swait.ge [sflag:s31], $0x80  }
0x98: {  	[sflag:s31] =	ssyncset.done $0x0  }
0x99: {  	[sflag:s31] =	ssyncadd.s32 $0xFFFFFF80  }
0x9a: {  	v1 =	vld [tilespmem:$0x300]  }
0x9b: {  	v2 =	vld [tilespmem:$0x310]  }
0x9c: {  	v3 =	vld [tilespmem:$0x320]  }
0x9d: {  	v4 =	vld [tilespmem:$0x330]  }
0x9e: {  	v5 =	vld [tilespmem:$0x340]  }
0x9f: {  	[tilespmem:$0x100] =	vst v1;
	v1 =	vld [tilespmem:$0x350]  }
0xa0: {  	v60 =	vld [tilespmem:$0x380];
	[tilespmem:$0x110] =	vst v2  }
0xa1: {  	v61 =	vld [tilespmem:$0x390];
	[tilespmem:$0x120] =	vst v3  }
0xa2: {  	v2 =	vld [tilespmem:$0x360];
	[tilespmem:$0x130] =	vst v4  }
0xa3: {  	v3 =	vld [tilespmem:$0x370];
	[tilespmem:$0x140] =	vst v5  }
0xa4: {  	[tilespmem:$0x150] =	vst v1;
	v1 =	vld [tilespmem:$0x3A0]  }
0xa5: {  	v62 =	vld [tilespmem:$0x3D0];
	[tilespmem:$0x180] =	vst v60  }
0xa6: {  	v63 =	vld [tilespmem:$0x3E0];
	[tilespmem:$0x190] =	vst v61  }
0xa7: {  	[tilespmem:$0x160] =	vst v2;
	v2 =	vld [tilespmem:$0x3B0]  }
0xa8: {  	[tilespmem:$0x170] =	vst v3;
	v3 =	vld [tilespmem:$0x3C0]  }
0xa9: {  	[tilespmem:$0x1A0] =	vst v1;
	v1 =	vld [tilespmem:$0x3F0]  }
0xaa: {  	p0 =	seq.s32 s20, $0x520;
	[tilespmem:$0x1D0] =	vst v62  }
.Ltmp3:
0xab: {  	[tilespmem:$0x1E0] =	vst v63;
	(pc) =	sbr.rel @p0 .LBB2_8-.Ltmp3, $4  }
0xac: {  	[tilespmem:$0x1B0] =	vst v2  }
0xad: {  	[tilespmem:$0x1C0] =	vst v3  }
0xae: {  	[tilespmem:$0x1F0] =	vst v1  }
0xaf: {  	[tilespmem:s12], [sflag:$0x2] =	stream.indirect.gather [hbm4b:s6+s28], $0x80, s0, s28, $0xb8;
	[tilespmem:$0x1C400] =	vst v63  }
0xb0: {  	s21 =	sadd.s32 $0xFFFFFFF0, s20  }
0xb1: {  	s22 =	sadd.s32 s24, s21  }
0xb2: {  	s21 =	sand.u32 $0x70, s21;
	s22 =	sand.u32 $0xFFFFF80, s22  }
0xb3: {  	s21 =	sor.u32 s21, s22  }
0xb4: {  	s22 =	sadd.s32 s5, s21  }
0xb5: {  	[tilespmem:s29], [sflag:$0x6] =	stream.linear.gather [hbm4b:s22+s4], $0x80, $0x38;
	[tilespmem:$0x1C400] =	vst v63  }
0xb6: {  	s21 =	sadd.s32 s1, s21  }
0xb7: {  	[tilespmem:s30], [sflag:$0x6] =	stream.linear.gather [hbm4b:s21+s4], $0x80, $0x38;
	[tilespmem:$0x1C400] =	vst v63  }
0xb8: {  	_ =	swait.ge [sflag:s13], $0x4000  }
0xb9: {  	[sflag:s13] =	ssyncset.done $0x0  }
0xba: {  	[sflag:s13] =	ssyncadd.s32 $0xFFFFC000  }
0xbb: {  	[spmem:s2] =	stream.indirect.scatter.add.f32 [tilespmem:s12], [sflag:$0x4], $0x80, s14, s28, $0xb8;
	[tilespmem:$0x1C400] =	vst v63  }
0xbc: {  	_ =	swait.ge [sflag:s15], $0x4000  }
0xbd: {  	[sflag:s15] =	ssyncset.done $0x0  }
0xbe: {  	[sflag:s15] =	ssyncadd.s32 $0xFFFFC000  }
0xbf: {  	_ =	swait.ge [sflag:s17], $0x80  }
0xc0: {  	[sflag:s17] =	ssyncset.done $0x0  }
0xc1: {  	[sflag:s17] =	ssyncadd.s32 $0xFFFFFF80  }
0xc2: {  	_ =	swait.ge [sflag:s17], $0x80  }
0xc3: {  	[sflag:s17] =	ssyncset.done $0x0  }
0xc4: {  	[sflag:s17] =	ssyncadd.s32 $0xFFFFFF80  }
0xc5: {  	v1 =	vld [tilespmem:$0x200]  }
0xc6: {  	v2 =	vld [tilespmem:$0x210]  }
0xc7: {  	v3 =	vld [tilespmem:$0x220]  }
0xc8: {  	v4 =	vld [tilespmem:$0x230]  }
0xc9: {  	v5 =	vld [tilespmem:$0x240]  }
0xca: {  	[tilespmem:$0x0] =	vst v1;
	v1 =	vld [tilespmem:$0x250]  }
0xcb: {  	v60 =	vld [tilespmem:$0x280];
	[tilespmem:$0x10] =	vst v2  }
0xcc: {  	v61 =	vld [tilespmem:$0x290];
	[tilespmem:$0x20] =	vst v3  }
0xcd: {  	v2 =	vld [tilespmem:$0x260];
	[tilespmem:$0x30] =	vst v4  }
0xce: {  	v3 =	vld [tilespmem:$0x270];
	[tilespmem:$0x40] =	vst v5  }
0xcf: {  	[tilespmem:$0x50] =	vst v1;
	v1 =	vld [tilespmem:$0x2A0]  }
0xd0: {  	v62 =	vld [tilespmem:$0x2D0];
	[tilespmem:$0x80] =	vst v60  }
0xd1: {  	v63 =	vld [tilespmem:$0x2E0];
	[tilespmem:$0x90] =	vst v61  }
0xd2: {  	[tilespmem:$0x60] =	vst v2;
	v2 =	vld [tilespmem:$0x2B0]  }
0xd3: {  	[tilespmem:$0x70] =	vst v3;
	v3 =	vld [tilespmem:$0x2C0]  }
0xd4: {  	[tilespmem:$0xA0] =	vst v1;
	v1 =	vld [tilespmem:$0x2F0]  }
0xd5: {  	[tilespmem:$0xD0] =	vst v62  }
0xd6: {  	p0 =	sgt.u32 s19, $0x25;
	[tilespmem:$0xE0] =	vst v63  }
0xd7: {  	s21 =	sadd.s32 @!p0 s20, s24;
	[tilespmem:$0xB0] =	vst v2  }
0xd8: {  	s22 =	sand.u32 @!p0 $0x60, s20;
	s21 =	sand.u32 @!p0 $0xFFFFF80, s21;
	[tilespmem:$0xC0] =	vst v3  }
0xd9: {  	s21 =	sor.u32 @!p0 s22, s21;
	[tilespmem:$0xF0] =	vst v1  }
0xda: {  	[tilespmem:s25], [sflag:$0x1] =	stream.indirect.gather [hbm4b:s6+s28], $0x80, s4, s28, $0xb8;
	[tilespmem:$0x1C400] =	vst v63  }
0xdb: {  	s23 =	simm.s32 @!p0 $0x0;
	s16 =	simm.s32 @!p0 $0x200;
	s22 =	sadd.s32 @!p0 s5, s21  }
0xdc: {  	[tilespmem:s16], [sflag:$0x5] =	stream.linear.gather @!p0 [hbm4b:s22+s23], $0x80, $0x38;
	[tilespmem:$0x1C400] =	vst v63  }
0xdd: {  	s20 =	sadd.s32 $0x20, s20;
	s16 =	sadd.s32 @!p0 s1, s21;
	s21 =	simm.s32 @!p0 $0x280  }
0xde: {  	[tilespmem:s21], [sflag:$0x5] =	stream.linear.gather @!p0 [hbm4b:s16+s23], $0x80, $0x38;
	[tilespmem:$0x1C400] =	vst v63  }
0xdf: {  	p0 =	sne.s32 s20, $0x540  }
.Ltmp4:
0xe0: {  	_ = 	snop;
	(pc) =	sbr.rel @p0 .LBB2_4-.Ltmp4, $4  }
.Ltmp5:
0xe1: {  	_ = 	snop;
	(pc) =	sbr.rel @!p0 .LBB2_6-.Ltmp5, $4  }
0xe2: {  	_ = 	snop  }
0xe3: {  	_ = 	snop  }
0xe4: {  	s19 =	sadd.s32 $0x1, s19  }
0xe5: {  	_ = 	snop  }
.LBB2_7:
0xe6: {  	_ =	sfence.sel $0x180000  }
0xe7: {  	[bflag:$0x0] =	sbarrier.arrive $0xFFFF  }
0xe8: {  	_ =	strace $0x9000004A  }
0xe9: {  	s0 =	stileid.u32;
	[bflag:$0x2] =	sbarrier.arrive $0xFFFF  }
0xea: {  	p0 =	sne.s32 s0, $0x0;
	s0 =	rddreg [dreg:$0x3]  }
0xeb: {  	s0 =	sadd.s32 @!p0 $0x100000, s0  }
0xec: {  	[sflag:s0] =	ssyncadd.tile.s32 @!p0 $0x1;
	_ =	shalt  }
.Lfunc_end2:
_tile_overlayer_lowered:
.L_overlay_start_2:
0xed: {  	(tag) =	ssettag $0x2  }
0xee: {  	s0 =	rddreg [dreg:$0x0];
	s2 =	stileid.u32  }
0xef: {  	s1 =	rddreg [dreg:$0x1];
	p0 =	sne.s32 s2, $0x0  }
0xf0: {  	s3 =	rddreg [dreg:$0x2];
	[bflag:$0x3] =	sbarrier.arrive $0xFFFF;
	s2 =	simm.s32 @!p0 $0x1C07  }
0xf1: {  	[timem:s3], [sflag:s2] =	dma.local @!p0 [hbm:s0], s1  }
0xf2: {  	s0 =	simm.s32 @!p0 $0x7  }
0xf3: {  	_ =	swait.ge @!p0 [sflag:s0], s1  }
0xf4: {  	s1 =	ssub.s32 @!p0 $0x0, s1;
	[sflag:s0] =	ssyncset.done @!p0 $0x0  }
0xf5: {  	[sflag:s0] =	ssyncadd.s32 @!p0 s1  }
0xf6: {  	[bflag:$0x3] =	sbarrier.arrive $0xFFFF  }
0xf7: {  	_ =	shalt  }

// kernel: kernel.14.cloned.1.call-start
scs
__scs_entry_jumppad:
0x0: {  	(pc) =	sbr.rel $0x88, $3  }
0x1: {  	(tag) =	ssettag $0x0;
	lr =	simm.s32 $0x1  }
0x2: {  	[smem:$0x3F97] =	sst lr;
	_ =	strace $0xD0000000  }
0x3: {  	_ = 	snop  }
0x4: {  	_ = 	snop  }
0x5: {  	_ = 	snop  }
0x6: {  	_ = 	snop  }
0x7: {  	_ = 	snop  }
__scs_overlays_trampoline_lowered:
0x8: {  	[smem:$0x3FA6] =	sst s0  }
0x9: {  	[smem:$0x3FA7] =	sst s1  }
0xa: {  	[smem:$0x3FA8] =	sst s2  }
0xb: {  	[smem:$0x3FA9] =	sst s3  }
0xc: {  	[smem:$0x3FAA] =	sst s4  }
0xd: {  	[smem:$0x3FAB] =	sst s5  }
0xe: {  	[smem:$0x3FAC] =	sst s6  }
0xf: {  	[smem:$0x3FAD] =	sst s7  }
0x10: {  	[smem:$0x3FAE] =	sst s8  }
0x11: {  	[smem:$0x3FAF] =	sst s9;
	s0 =	simm.s32 @!p0 $0x0  }
0x12: {  	s1 =	sld [smem:$0x3F95];
	s0 =	simm.s32 @p0 $0x1  }
0x13: {  	[smem:$0x3FB0] =	sst s0;
	s0 =	simm.s32 @!p1 $0x0  }
0x14: {  	s2 =	sld [smem:$0x3F94];
	s0 =	simm.s32 @p1 $0x1  }
0x15: {  	[smem:$0x3FB1] =	sst s0;
	s0 =	simm.s32 @!p2 $0x0  }
0x16: {  	s3 =	sld [smem:$0x3FDB];
	s0 =	simm.s32 @p2 $0x1  }
0x17: {  	s4 =	simm.s32 $0x1BF5;
	[smem:$0x3FB3] =	sst s0  }
0x18: {  	s0 =	sld [smem:$0x3F96];
	_ =	swait.ge [sflag:s4], $0x0  }
0x19: {  	s7 =	sld [smem:$0x3F97]  }
0x1a: {  	s8 =	sadd.s32 $0xFFFFE003, lr  }
0x1b: {  	s9 =	sadd.s32 $0xFFFFFEF7, lr;
	s5 =	simm.s32 $0xFFFFFFFF;
	p2 =	slt.u32 s8, $0xFFFFF086  }
0x1c: {  	p1 =	slt.u32 s9, $0xF7A;
	s5 =	simm.s32 @!p2 $0x0  }
0x1d: {  	s5 =	simm.s32 @p1 $0x1;
	p0 =	seq.s32 s7, s2  }
0x1e: {  	s7 =	smul.u32 @!p0 $0xF7A, s2;
	p2 =	seq.s32 @!p0 s5, $0x0  }
0x1f: {  	s9 =	smul.u32 $0xF7A, s1;
	s8 =	simm.s32 @!p0 $0x1BF5;
	p2 =	por !p2, p0  }
0x20: {  	[sflag:s8] =	ssyncset.s32 @!p0 $0xFFFFF086;
	s6 =	sadd.s32 @!p0 s3, s7;
	s7 =	simm.s32 @!p0 $0x108  }
0x21: {  	s3 =	sadd.s32 s3, s9;
	s6 =	sadd.s32 @!p0 $0x88, s6;
	s7 =	simm.s32 @p2 $0x1082  }
0x22: {  	[simem:s7], [sflag:s8] =	dma.local @!p0 [hbm:s6], $0xF7A  }
0x23: {  	s9 =	sor.u32 $0xD0000000, s2;
	s6 =	simm.s32 $0x108;
	_ =	swait.ge @!p0 [sflag:s8], $0x0  }
0x24: {  	s3 =	sadd.s32 $0x88, s3;
	s6 =	simm.s32 @!p1 $0x1082;
	[sflag:s4] =	ssyncset.s32 $0xFFFFF086  }
0x25: {  	[simem:s6], [sflag:s4] =	dma.local [hbm:s3], $0xF7A  }
0x26: {  	[smem:$0x3F97] =	sst s1;
	(tag) =	ssettag s2;
	_ =	strace s9  }
0x27: {  	s1 =	sld [smem:$0x3FA7]  }
0x28: {  	s2 =	sld [smem:$0x3FA8]  }
0x29: {  	s4 =	sld [smem:$0x3FAA]  }
0x2a: {  	p0 =	seq.s32 s5, $0x0;
	s5 =	sld [smem:$0x3FAB]  }
0x2b: {  	s6 =	sld [smem:$0x3FAC]  }
0x2c: {  	s7 =	sld [smem:$0x3FAD]  }
0x2d: {  	s3 =	simm.s32 $0x108;
	s8 =	sld [smem:$0x3FAE]  }
0x2e: {  	s3 =	simm.s32 @!p0 $0x1082;
	s9 =	sld [smem:$0x3FAF]  }
0x2f: {  	lr =	sadd.s32 s0, s3;
	s0 =	sld [smem:$0x3FA6]  }
0x30: {  	s3 =	sld [smem:$0x3FA9]  }
0x31: {  	[smem:$0x3FB2] =	sst s10  }
0x32: {  	s10 =	sld [smem:$0x3FB0];
	_ =	sdelay $0x3  }
0x33: {  	p0 =	seq.s32 s10, $0x1;
	s10 =	sld [smem:$0x3FB2];
	_ =	sdelay $0x3  }
0x34: {  	[smem:$0x3FB2] =	sst s10  }
0x35: {  	s10 =	sld [smem:$0x3FB1];
	_ =	sdelay $0x3  }
0x36: {  	p1 =	seq.s32 s10, $0x1;
	s10 =	sld [smem:$0x3FB2];
	_ =	sdelay $0x3  }
0x37: {  	[smem:$0x3FB2] =	sst s10  }
0x38: {  	s10 =	sld [smem:$0x3FB3]  }
0x39: {  	_ = 	snop;
	(pc) =	sbr.ind lr, $3  }
0x3a: {  	_ = 	snop  }
0x3b: {  	_ = 	snop  }
0x3c: {  	p2 =	seq.s32 s10, $0x1;
	s10 =	sld [smem:$0x3FB2]  }
0x3d: {  	_ =	shalt  }
0x3e: {  	_ =	shalt  }
0x3f: {  	_ =	shalt  }
0x40: {  	_ =	shalt  }
0x41: {  	_ =	shalt  }
0x42: {  	_ =	shalt  }
0x43: {  	_ =	shalt  }
0x44: {  	_ =	shalt  }
0x45: {  	_ =	shalt  }
0x46: {  	_ =	shalt  }
0x47: {  	_ =	shalt  }
0x48: {  	_ =	shalt  }
0x49: {  	_ =	shalt  }
0x4a: {  	_ =	shalt  }
0x4b: {  	_ =	shalt  }
0x4c: {  	_ =	shalt  }
0x4d: {  	_ =	shalt  }
0x4e: {  	_ =	shalt  }
0x4f: {  	_ =	shalt  }
0x50: {  	_ =	shalt  }
0x51: {  	_ =	shalt  }
0x52: {  	_ =	shalt  }
0x53: {  	_ =	shalt  }
0x54: {  	_ =	shalt  }
0x55: {  	_ =	shalt  }
0x56: {  	_ =	shalt  }
0x57: {  	_ =	shalt  }
0x58: {  	_ =	shalt  }
0x59: {  	_ =	shalt  }
0x5a: {  	_ =	shalt  }
0x5b: {  	_ =	shalt  }
0x5c: {  	_ =	shalt  }
0x5d: {  	_ =	shalt  }
0x5e: {  	_ =	shalt  }
0x5f: {  	_ =	shalt  }
0x60: {  	_ =	shalt  }
0x61: {  	_ =	shalt  }
0x62: {  	_ =	shalt  }
0x63: {  	_ =	shalt  }
0x64: {  	_ =	shalt  }
0x65: {  	_ =	shalt  }
0x66: {  	_ =	shalt  }
0x67: {  	_ =	shalt  }
0x68: {  	_ =	shalt  }
0x69: {  	_ =	shalt  }
0x6a: {  	_ =	shalt  }
0x6b: {  	_ =	shalt  }
0x6c: {  	_ =	shalt  }
0x6d: {  	_ =	shalt  }
0x6e: {  	_ =	shalt  }
0x6f: {  	_ =	shalt  }
0x70: {  	_ =	shalt  }
0x71: {  	_ =	shalt  }
0x72: {  	_ =	shalt  }
0x73: {  	_ =	shalt  }
0x74: {  	_ =	shalt  }
0x75: {  	_ =	shalt  }
0x76: {  	_ =	shalt  }
0x77: {  	_ =	shalt  }
0x78: {  	_ =	shalt  }
0x79: {  	_ =	shalt  }
0x7a: {  	_ =	shalt  }
0x7b: {  	_ =	shalt  }
0x7c: {  	_ =	shalt  }
0x7d: {  	_ =	shalt  }
0x7e: {  	_ =	shalt  }
0x7f: {  	_ =	shalt  }
0x80: {  	_ =	shalt  }
0x81: {  	_ =	shalt  }
0x82: {  	_ =	shalt  }
0x83: {  	_ =	shalt  }
0x84: {  	_ =	shalt  }
0x85: {  	_ =	shalt  }
0x86: {  	_ =	shalt  }
0x87: {  	_ =	shalt  }
.Lfunc_end0:
.L_simem_size_0:
called_computation.2_lowered:
.L_overlay_start_0:
0x88: {  	s2 =	sld [smem:$0x3FD9]  }
0x89: {  	s3 =	sld [smem:$0x3FFE];
	_ =	sdelay $0x1  }
0x8a: {  	s1 =	srdreg.scid  }
0x8b: {  	s0 =	sand.u32 $0x1, s1  }
0x8c: {  	s17 =	sshll.u32 s0, $0xA;
	s2 =	sadd.s32 s3, s2  }
0x8d: {  	s2 =	sadd.s32 s2, s17  }
0x8e: {  	[smem:$0x3FBE] =	sst s2  }
0x8f: {  	_ = 	snop  }
0x90: {  	s2 =	sld [smem:$0x3FD0];
	(tm) =	ssettm $0x1  }
0x91: {  	s18 =	sld [smem:$0x3FFB];
	_ =	sdelay $0x3  }
0x92: {  	_ =	strace s18  }
0x93: {  	s3 =	sld [smem:$0x3FFC];
	_ =	sdelay $0x3  }
0x94: {  	_ =	strace s3  }
0x95: {  	s3 =	sld [smem:$0x3FFD];
	_ =	sdelay $0x3  }
0x96: {  	_ =	strace s3  }
0x97: {  	_ =	strace $0x8FFFFFFF  }
0x98: {  	s19 =	sld [smem:$0x3FDB];
	_ =	sdelay $0x1  }
0x99: {  	s4 =	simm.s32 $_scs_section_size  }
0x9a: {  	s5 =	simm.s32 $_size__tile_overlayer_lowered;
	s6 =	simm.s32 $_tile_overlayer_lowered  }
0x9b: {  	s22 =	simm.s32 $0x1BFF;
	s21 =	sshll.u32 s6, $0x1;
	s3 =	sadd.s32 s4, s19  }
0x9c: {  	s7 =	simm.s32 $0x0;
	s20 =	sshll.u32 s5, $0x1;
	s5 =	sadd.s32 s21, s3  }
0x9d: {  	[timem:s7], [sflag:s22] =	dma.local [hbm:s5], s20  }
0x9e: {  	_ =	swait.ge [sflag:s22], s20  }
0x9f: {  	s4 =	ssub.s32 $0x0, s20;
	[sflag:s22] =	ssyncset.done $0x0  }
0xa0: {  	[sflag:s22] =	ssyncadd.s32 s4;
	_ =	sdelay $0x1  }
0xa1: {  	s23 =	simm.s32 $0x1B8B  }
0xa2: {  	_ =	swait.ge [sflag:s23], $0x1  }
0xa3: {  	[sflag:s23] =	ssyncset.done $0x0  }
0xa4: {  	s25 =	simm.s32 $0x1B8E;
	s24 =	sld [smem:$0x3FFE];
	[sflag:s23] =	ssyncadd.s32 $0xFFFFFFFF  }
0xa5: {  	s26 =	simm.s32 $execute0_lowered;
	[smem:$0x3FD2] =	sst s25  }
0xa6: {  	s5 =	sshll.u32 s26, $0x1;
	_ =	strace $0x8000004C;
	[dreg:$0x1] =	wrdreg $0xFFFFFFFF  }
0xa7: {  	s28 =	simm.s32 $_size_execute0_lowered;
	s3 =	sadd.s32 s3, s5;
	[dreg:$0x0] =	wrdreg $0x0  }
0xa8: {  	s5 =	sshll.u32 s28, $0x1;
	[dreg:$0x2] =	wrdreg s3  }
0xa9: {  	[dreg:$0x3] =	wrdreg s5  }
0xaa: {  	[dreg:$0x4] =	wrdreg $0xC0  }
0xab: {  	_ =	task [dreg:s7], $0x5FFFF  }
0xac: {  	[dreg:$0x1] =	wrdreg $0xFFFFFFFF  }
0xad: {  	[dreg:$0x0] =	wrdreg $0x60  }
0xae: {  	[dreg:$0x2] =	wrdreg s24  }
0xaf: {  	[dreg:$0x3] =	wrdreg s2  }
0xb0: {  	[dreg:$0x4] =	wrdreg $0x84000  }
0xb1: {  	[dreg:$0x5] =	wrdreg $0x9  }
0xb2: {  	_ =	task.clear_ibuf [dreg:s7], $0x6FFFF;
	_ =	strace $0x9000004C  }
0xb3: {  	s29 =	simm.s32 $0x9;
	_ =	strace $0x8000004E  }
0xb4: {  	_ =	swait.ge [sflag:s29], $0x1  }
0xb5: {  	[sflag:s29] =	ssyncadd.s32 $0xFFFFFFFF  }
0xb6: {  	_ =	strace $0x9000004E  }
0xb7: {  	_ =	sfence  }
0xb8: {  	s30 =	sld [smem:$0x0];
	_ =	sdelay $0x2  }
0xb9: {  	s31 =	sshll.u32 s1, $0xD;
	s1 =	sshrl.u32 s1, $0x2  }
0xba: {  	s3 =	sand.u32 $0x4000, s31;
	s1 =	sadd.s32 s1, s30  }
0xbb: {  	s0 =	sor.u32 s3, s0;
	s1 =	sshll.u32 s1, $0x11  }
0xbc: {  	s0 =	sor.u32 s1, s0  }
0xbd: {  	s0 =	sadd.s32 $0x8F2B, s0  }
0xbe: {  	[sflag:s0] =	ssyncadd.remote.s32 $0x1  }
0xbf: {  	_ =	sfence.sel $0xFFFF  }
0xc0: {  	[dreg:$0x0] =	wrdreg $0xFFFFFFFF;
	(pc) =	sbr.abs _section_cstart, $3  }
0xc1: {  	[dreg:$0x1] =	wrdreg $0xFFFFFFFF  }
0xc2: {  	_ =	task.clear_ibuf [dreg:s7], $0x2FFFF;
	_ =	strace $0x9FFFFFFF  }
0xc3: {  	(tm) =	ssettm $0x7FFFFFFF  }
tec
execute0_lowered:
.L_overlay_start_1:
0x0: {  	(tag) =	ssettag $0x1  }
0x1: {  	s0 =	rddreg [dreg:$0x0]  }
0x2: {  	s1 =	rddreg [dreg:$0x1]  }
0x3: {  	s2 =	rddreg [dreg:$0x2];
	s4 =	simm.s32 $0x0  }
0x4: {  	s3 =	srdreg.scid;
	s21 =	stileid.u32;
	s28 =	simm.s32 $0x80  }
0x5: {  	s29 =	simm.s32 $0x300;
	s30 =	simm.s32 $0x380;
	s31 =	simm.s32 $0x6  }
0x6: {  	[smem:$0x7FF] =	sst s4;
	s3 =	sand.u32 $0x1, s3;
	s8 =	smul.u32 $0x50000, s21  }
0x7: {  	s5 =	sadd.s32 $0x3600, s0;
	s6 =	sadd.s32 $0xD600, s0;
	s12 =	smul.u32 $0x14000, s21  }
0x8: {  	s0 =	sadd.s32 $0x35600, s0;
	s22 =	sshll.u32 s21, $0x1;
	_ =	strace $0x8000004D  }
0x9: {  	s7 =	ssub.s32 $0x2, s3;
	s23 =	sor.u32 s3, s22;
	s20 =	smul.u32 $0x140000, s3  }
0xa: {  	s9 =	sshrl.u32 s7, $0x1;
	s24 =	sshrl.u32 s8, $0x2;
	s14 =	sadd.s32 $0x4000, s12  }
0xb: {  	s15 =	sadd.s32 $0x8000, s12;
	s16 =	sadd.s32 $0xC000, s12;
	s18 =	smul.u32 $0x500, s23  }
0xc: {  	s17 =	sadd.s32 $0x10000, s12;
	s23 =	smul.u32 $0x500, s3;
	s3 =	simm.s32 $0x1  }
0xd: {  	s13 =	ssub.s32 s7, s9;
	s7 =	sadd.s32 s24, s2;
	s8 =	sadd.s32 s14, s2  }
0xe: {  	s9 =	sadd.s32 s15, s2;
	s10 =	sadd.s32 s16, s2;
	s11 =	sadd.s32 s17, s2  }
0xf: {  	s12 =	sadd.s32 s12, s20;
	s14 =	sadd.s32 s20, s14;
	s15 =	sadd.s32 s20, s15  }
0x10: {  	s19 =	sadd.s32 s5, s18;
	s25 =	sor.u32 $0x10, s18;
	s22 =	sadd.s32 s1, s18  }
0x11: {  	s18 =	sor.u32 $0x20, s18;
	s12 =	sshrl.u32 s12, $0x3;
	[dreg:$0x4] =	wrdreg s19  }
0x12: {  	s14 =	sshrl.u32 s14, $0x3;
	[dreg:$0x5] =	wrdreg s22;
	s26 =	sadd.s32 s5, s25  }
0x13: {  	s15 =	sshrl.u32 s15, $0x3;
	s19 =	sadd.s32 s1, s25;
	[dreg:$0x6] =	wrdreg s26  }
0x14: {  	s12 =	sadd.s32 s0, s12;
	s14 =	sadd.s32 s0, s14;
	[dreg:$0x7] =	wrdreg s19  }
0x15: {  	s22 =	smul.u32 $0xA00, s21;
	s24 =	sadd.s32 s5, s18;
	[dreg:$0x8] =	wrdreg s12  }
0x16: {  	s25 =	sadd.s32 s1, s18;
	s18 =	simm.s32 $0x0;
	[dreg:$0x9] =	wrdreg s14  }
0x17: {  	s12 =	sadd.s32 s0, s15;
	s19 =	sadd.s32 s20, s16;
	[dreg:$0xd] =	wrdreg s24  }
0x18: {  	s20 =	sadd.s32 s20, s17;
	[dreg:$0xe] =	wrdreg s25;
	s26 =	smax.u32 s13, $0x1  }
0x19: {  	s25 =	simm.s32 $0x400;
	s13 =	simm.s32 $0x2;
	s15 =	simm.s32 $0x3  }
.Ltmp0:
0x1a: {  	s17 =	simm.s32 $0x5;
	[dreg:$0xa] =	wrdreg s12;
	(pc) =	sbr.rel .LBB2_1-.Ltmp0, $4  }
0x1b: {  	s12 =	sshrl.u32 s19, $0x3;
	s14 =	sshrl.u32 s20, $0x3;
	[dreg:$0xf] =	wrdreg s26  }
0x1c: {  	s24 =	sadd.s32 s23, s22;
	s26 =	simm.s32 $0x7;
	s12 =	sadd.s32 s0, s12  }
0x1d: {  	s0 =	sadd.s32 s0, s14;
	s14 =	simm.s32 $0x180;
	[dreg:$0xb] =	wrdreg s12  }
0x1e: {  	v0 =	vimm.f32 $0.0e+00;
	[dreg:$0xc] =	wrdreg s0;
	s0 =	simm.s32 $0x100;
	s12 =	simm.s32 $0x4400  }
.LBB2_8:
0x1f: {  	_ =	swait.ge [sflag:s13], $0x4000  }
0x20: {  	[sflag:s13] =	ssyncset.done $0x0  }
0x21: {  	[sflag:s13] =	ssyncadd.s32 $0xFFFFC000  }
0x22: {  	[spmem:s2] =	stream.indirect.scatter.add.f32 [tilespmem:s12], [sflag:$0x4], $0x80, s14, s28, $0xb8;
	[tilespmem:$0x1C400] =	vst v63  }
.LBB2_6:
0x23: {  	_ =	swait.ge [sflag:s15], $0x4000  }
0x24: {  	[sflag:s15] =	ssyncset.done $0x0  }
0x25: {  	s16 =	simm.s32 $0x4;
	[sflag:s15] =	ssyncadd.s32 $0xFFFFC000  }
0x26: {  	_ =	swait.ge [sflag:s16], $0x4000  }
0x27: {  	[sflag:s16] =	ssyncset.done $0x0  }
0x28: {  	[sflag:s16] =	ssyncadd.s32 $0xFFFFC000  }
0x29: {  	[bflag:$0x0] =	sbarrier.arrive $0xFFFF  }
0x2a: {  	[tilespmem:s25], [sflag:$0x7] =	stream.linear.gather [spmem:s7], $0x4000, $0x38;
	[tilespmem:$0x1C400] =	vst v63  }
0x2b: {  	_ =	swait.ge [sflag:s26], $0x4000  }
0x2c: {  	[sflag:s26] =	ssyncset.done $0x0  }
0x2d: {  	s23 =	rddreg [dreg:$0x8];
	[sflag:s26] =	ssyncadd.s32 $0xFFFFC000  }
0x2e: {  	[hbm4b:s23+s4] =	stream.linear.scatter [tilespmem:s25], [sflag:$0x7], $0x4000, $0x38;
	[tilespmem:$0x1C400] =	vst v63  }
0x2f: {  	_ =	swait.ge [sflag:s26], $0x4000  }
0x30: {  	[sflag:s26] =	ssyncset.done $0x0  }
0x31: {  	[sflag:s26] =	ssyncadd.s32 $0xFFFFC000  }
0x32: {  	[tilespmem:s25], [sflag:$0x7] =	stream.linear.gather [spmem:s8], $0x4000, $0x38;
	[tilespmem:$0x1C400] =	vst v63  }
0x33: {  	_ =	swait.ge [sflag:s26], $0x4000  }
0x34: {  	[sflag:s26] =	ssyncset.done $0x0  }
0x35: {  	s19 =	rddreg [dreg:$0x9];
	[sflag:s26] =	ssyncadd.s32 $0xFFFFC000  }
0x36: {  	[hbm4b:s19+s4] =	stream.linear.scatter [tilespmem:s25], [sflag:$0x7], $0x4000, $0x38;
	[tilespmem:$0x1C400] =	vst v63  }
0x37: {  	_ =	swait.ge [sflag:s26], $0x4000  }
0x38: {  	[sflag:s26] =	ssyncset.done $0x0  }
0x39: {  	[sflag:s26] =	ssyncadd.s32 $0xFFFFC000  }
0x3a: {  	[tilespmem:s25], [sflag:$0x7] =	stream.linear.gather [spmem:s9], $0x4000, $0x38;
	[tilespmem:$0x1C400] =	vst v63  }
0x3b: {  	_ =	swait.ge [sflag:s26], $0x4000  }
0x3c: {  	[sflag:s26] =	ssyncset.done $0x0  }
0x3d: {  	s20 =	rddreg [dreg:$0xa];
	[sflag:s26] =	ssyncadd.s32 $0xFFFFC000  }
0x3e: {  	[hbm4b:s20+s4] =	stream.linear.scatter [tilespmem:s25], [sflag:$0x7], $0x4000, $0x38;
	[tilespmem:$0x1C400] =	vst v63  }
0x3f: {  	_ =	swait.ge [sflag:s26], $0x4000  }
0x40: {  	[sflag:s26] =	ssyncset.done $0x0  }
0x41: {  	[sflag:s26] =	ssyncadd.s32 $0xFFFFC000  }
0x42: {  	[tilespmem:s25], [sflag:$0x7] =	stream.linear.gather [spmem:s10], $0x4000, $0x38;
	[tilespmem:$0x1C400] =	vst v63  }
0x43: {  	_ =	swait.ge [sflag:s26], $0x4000  }
0x44: {  	[sflag:s26] =	ssyncset.done $0x0  }
0x45: {  	s21 =	rddreg [dreg:$0xb];
	[sflag:s26] =	ssyncadd.s32 $0xFFFFC000  }
0x46: {  	[hbm4b:s21+s4] =	stream.linear.scatter [tilespmem:s25], [sflag:$0x7], $0x4000, $0x38;
	[tilespmem:$0x1C400] =	vst v63  }
0x47: {  	_ =	swait.ge [sflag:s26], $0x4000  }
0x48: {  	[sflag:s26] =	ssyncset.done $0x0  }
0x49: {  	[sflag:s26] =	ssyncadd.s32 $0xFFFFC000  }
0x4a: {  	[tilespmem:s25], [sflag:$0x7] =	stream.linear.gather [spmem:s11], $0x4000, $0x38;
	[tilespmem:$0x1C400] =	vst v63  }
0x4b: {  	_ =	swait.ge [sflag:s26], $0x4000  }
0x4c: {  	[sflag:s26] =	ssyncset.done $0x0  }
0x4d: {  	s22 =	rddreg [dreg:$0xc];
	[sflag:s26] =	ssyncadd.s32 $0xFFFFC000  }
0x4e: {  	[hbm4b:s22+s4] =	stream.linear.scatter [tilespmem:s25], [sflag:$0x7], $0x4000, $0x38;
	[tilespmem:$0x1C400] =	vst v63  }
0x4f: {  	_ =	swait.ge [sflag:s26], $0x4000  }
0x50: {  	s18 =	sadd.s32 $0x1, s18;
	s23 =	rddreg [dreg:$0xf]  }
0x51: {  	p0 =	sne.s32 s18, s23  }
.Ltmp1:
0x52: {  	_ = 	snop;
	(pc) =	sbr.rel @!p0 .LBB2_7-.Ltmp1, $3  }
0x53: {  	_ =	sdelay $0x1  }
0x54: {  	[sflag:s26] =	ssyncset.done $0x0  }
0x55: {  	[sflag:s26] =	ssyncadd.s32 $0xFFFFC000  }
.LBB2_1:
0x56: {  	s19 =	simm.s32 $0x0;
	s20 =	simm.s32 $0x200  }
.LBB2_2:
0x57: {  	p0 =	sne.s32 s20, $0xFE00;
	[tilespmem:s19+$0x470] =	vst v0  }
0x58: {  	[tilespmem:s19+$0x400] =	vst v0  }
0x59: {  	[tilespmem:s19+$0x410] =	vst v0  }
.Ltmp2:
0x5a: {  	[tilespmem:s19+$0x420] =	vst v0;
	(pc) =	sbr.rel @p0 .LBB2_2-.Ltmp2, $4  }
0x5b: {  	[tilespmem:s19+$0x430] =	vst v0  }
0x5c: {  	[tilespmem:s19+$0x440] =	vst v0  }
0x5d: {  	[tilespmem:s19+$0x450] =	vst v0  }
0x5e: {  	[tilespmem:s19+$0x460] =	vst v0;
	s19 =	sshra.s32 s20, $0x2;
	s20 =	sadd.s32 $0x200, s20  }
0x5f: {  	[tilespmem:s19+$0x470] =	vst v0  }
0x60: {  	[tilespmem:s19+$0x400] =	vst v0  }
0x61: {  	[tilespmem:s19+$0x410] =	vst v0  }
0x62: {  	[tilespmem:s19+$0x420] =	vst v0  }
0x63: {  	[tilespmem:s19+$0x430] =	vst v0  }
0x64: {  	[tilespmem:s19+$0x440] =	vst v0  }
0x65: {  	[tilespmem:s19+$0x450] =	vst v0  }
0x66: {  	[tilespmem:s19+$0x460] =	vst v0  }
0x67: {  	[spmem:s7] =	stream.linear.scatter [tilespmem:s25], [sflag:$0x7], $0x4000, $0x38;
	[tilespmem:$0x1C400] =	vst v63  }
0x68: {  	_ =	swait.ge [sflag:s26], $0x4000  }
0x69: {  	[sflag:s26] =	ssyncset.done $0x0  }
0x6a: {  	[sflag:s26] =	ssyncadd.s32 $0xFFFFC000  }
0x6b: {  	[spmem:s8] =	stream.linear.scatter [tilespmem:s25], [sflag:$0x7], $0x4000, $0x38;
	[tilespmem:$0x1C400] =	vst v63  }
0x6c: {  	_ =	swait.ge [sflag:s26], $0x4000  }
0x6d: {  	[sflag:s26] =	ssyncset.done $0x0  }
0x6e: {  	[sflag:s26] =	ssyncadd.s32 $0xFFFFC000  }
0x6f: {  	[spmem:s9] =	stream.linear.scatter [tilespmem:s25], [sflag:$0x7], $0x4000, $0x38;
	[tilespmem:$0x1C400] =	vst v63  }
0x70: {  	_ =	swait.ge [sflag:s26], $0x4000  }
0x71: {  	[sflag:s26] =	ssyncset.done $0x0  }
0x72: {  	[sflag:s26] =	ssyncadd.s32 $0xFFFFC000  }
0x73: {  	[spmem:s10] =	stream.linear.scatter [tilespmem:s25], [sflag:$0x7], $0x4000, $0x38;
	[tilespmem:$0x1C400] =	vst v63  }
0x74: {  	_ =	swait.ge [sflag:s26], $0x4000  }
0x75: {  	[sflag:s26] =	ssyncset.done $0x0  }
0x76: {  	[sflag:s26] =	ssyncadd.s32 $0xFFFFC000  }
0x77: {  	[spmem:s11] =	stream.linear.scatter [tilespmem:s25], [sflag:$0x7], $0x4000, $0x38;
	[tilespmem:$0x1C400] =	vst v63  }
0x78: {  	_ =	swait.ge [sflag:s26], $0x4000  }
0x79: {  	[sflag:s26] =	ssyncset.done $0x0  }
0x7a: {  	s19 =	simm.s32 $0x0;
	s16 =	rddreg [dreg:$0x4];
	[sflag:s26] =	ssyncadd.s32 $0xFFFFC000  }
0x7b: {  	[tilespmem:s19], [sflag:$0x7] =	stream.linear.gather [hbm4b:s16+s19], $0x80, $0x38;
	[tilespmem:$0x1C400] =	vst v63  }
0x7c: {  	_ =	swait.ge [sflag:s26], $0x80  }
0x7d: {  	[sflag:s26] =	ssyncset.done $0x0  }
0x7e: {  	s22 =	rddreg [dreg:$0x5];
	[sflag:s26] =	ssyncadd.s32 $0xFFFFFF80  }
0x7f: {  	[tilespmem:s28], [sflag:$0x7] =	stream.linear.gather [hbm4b:s22+s19], $0x80, $0x38;
	[tilespmem:$0x1C400] =	vst v63  }
0x80: {  	_ =	swait.ge [sflag:s26], $0x80  }
0x81: {  	[sflag:s26] =	ssyncset.done $0x0  }
0x82: {  	[sflag:s26] =	ssyncadd.s32 $0xFFFFFF80  }
0x83: {  	[bflag:$0x0] =	sbarrier.arrive $0xFFFF  }
0x84: {  	[tilespmem:s25], [sflag:$0x1] =	stream.indirect.gather [hbm4b:s6+s28], $0x80, s19, s28, $0xb8;
	[tilespmem:$0x1C400] =	vst v63  }
0x85: {  	s23 =	rddreg [dreg:$0x6]  }
0x86: {  	[tilespmem:s29], [sflag:$0x6] =	stream.linear.gather [hbm4b:s23+s19], $0x80, $0x38;
	[tilespmem:$0x1C400] =	vst v63  }
0x87: {  	s20 =	rddreg [dreg:$0x7]  }
0x88: {  	[tilespmem:s30], [sflag:$0x6] =	stream.linear.gather [hbm4b:s20+s19], $0x80, $0x38;
	[tilespmem:$0x1C400] =	vst v63  }
0x89: {  	s21 =	rddreg [dreg:$0xd];
	s20 =	simm.s32 $0x200  }
0x8a: {  	[tilespmem:s20], [sflag:$0x5] =	stream.linear.gather [hbm4b:s21+s19], $0x80, $0x38;
	[tilespmem:$0x1C400] =	vst v63  }
0x8b: {  	s22 =	rddreg [dreg:$0xe];
	s23 =	simm.s32 $0x280;
	s20 =	simm.s32 $0x40  }
0x8c: {  	[tilespmem:s23], [sflag:$0x5] =	stream.linear.gather [hbm4b:s22+s19], $0x80, $0x38;
	[tilespmem:$0x1C400] =	vst v63  }
.LBB2_4:
0x8d: {  	_ =	swait.ge [sflag:s3], $0x4000  }
0x8e: {  	p0 =	seq.s32 s20, $0x40;
	[sflag:s3] =	ssyncset.done $0x0  }
0x8f: {  	s21 =	simm.s32 @!p0 $0x4;
	[sflag:s3] =	ssyncadd.s32 $0xFFFFC000  }
0x90: {  	[spmem:s2] =	stream.indirect.scatter.add.f32 [tilespmem:s25], [sflag:$0x3], $0x80, s28, s28, $0xb8;
	[tilespmem:$0x1C400] =	vst v63  }
0x91: {  	_ =	swait.ge @!p0 [sflag:s21], $0x4000  }
0x92: {  	[sflag:s21] =	ssyncset.done @!p0 $0x0  }
0x93: {  	[sflag:s21] =	ssyncadd.s32 @!p0 $0xFFFFC000  }
0x94: {  	_ =	swait.ge [sflag:s31], $0x80  }
0x95: {  	[sflag:s31] =	ssyncset.done $0x0  }
0x96: {  	[sflag:s31] =	ssyncadd.s32 $0xFFFFFF80  }
0x97: {  	_ =	swait.ge [sflag:s31], $0x80  }
0x98: {  	[sflag:s31] =	ssyncset.done $0x0  }
0x99: {  	[sflag:s31] =	ssyncadd.s32 $0xFFFFFF80  }
0x9a: {  	v1 =	vld [tilespmem:$0x300]  }
0x9b: {  	v2 =	vld [tilespmem:$0x310]  }
0x9c: {  	v3 =	vld [tilespmem:$0x320]  }
0x9d: {  	v4 =	vld [tilespmem:$0x330]  }
0x9e: {  	v5 =	vld [tilespmem:$0x340]  }
0x9f: {  	[tilespmem:$0x100] =	vst v1;
	v1 =	vld [tilespmem:$0x350]  }
0xa0: {  	v60 =	vld [tilespmem:$0x380];
	[tilespmem:$0x110] =	vst v2  }
0xa1: {  	v61 =	vld [tilespmem:$0x390];
	[tilespmem:$0x120] =	vst v3  }
0xa2: {  	v2 =	vld [tilespmem:$0x360];
	[tilespmem:$0x130] =	vst v4  }
0xa3: {  	v3 =	vld [tilespmem:$0x370];
	[tilespmem:$0x140] =	vst v5  }
0xa4: {  	[tilespmem:$0x150] =	vst v1;
	v1 =	vld [tilespmem:$0x3A0]  }
0xa5: {  	v62 =	vld [tilespmem:$0x3D0];
	[tilespmem:$0x180] =	vst v60  }
0xa6: {  	v63 =	vld [tilespmem:$0x3E0];
	[tilespmem:$0x190] =	vst v61  }
0xa7: {  	[tilespmem:$0x160] =	vst v2;
	v2 =	vld [tilespmem:$0x3B0]  }
0xa8: {  	[tilespmem:$0x170] =	vst v3;
	v3 =	vld [tilespmem:$0x3C0]  }
0xa9: {  	[tilespmem:$0x1A0] =	vst v1;
	v1 =	vld [tilespmem:$0x3F0]  }
0xaa: {  	p0 =	seq.s32 s20, $0x520;
	[tilespmem:$0x1D0] =	vst v62  }
.Ltmp3:
0xab: {  	[tilespmem:$0x1E0] =	vst v63;
	(pc) =	sbr.rel @p0 .LBB2_8-.Ltmp3, $4  }
0xac: {  	[tilespmem:$0x1B0] =	vst v2  }
0xad: {  	[tilespmem:$0x1C0] =	vst v3  }
0xae: {  	[tilespmem:$0x1F0] =	vst v1  }
0xaf: {  	[tilespmem:s12], [sflag:$0x2] =	stream.indirect.gather [hbm4b:s6+s28], $0x80, s0, s28, $0xb8;
	[tilespmem:$0x1C400] =	vst v63  }
0xb0: {  	s21 =	sadd.s32 $0xFFFFFFF0, s20  }
0xb1: {  	s22 =	sadd.s32 s24, s21  }
0xb2: {  	s21 =	sand.u32 $0x70, s21;
	s22 =	sand.u32 $0xFFFFF80, s22  }
0xb3: {  	s21 =	sor.u32 s21, s22  }
0xb4: {  	s22 =	sadd.s32 s5, s21  }
0xb5: {  	[tilespmem:s29], [sflag:$0x6] =	stream.linear.gather [hbm4b:s22+s4], $0x80, $0x38;
	[tilespmem:$0x1C400] =	vst v63  }
0xb6: {  	s21 =	sadd.s32 s1, s21  }
0xb7: {  	[tilespmem:s30], [sflag:$0x6] =	stream.linear.gather [hbm4b:s21+s4], $0x80, $0x38;
	[tilespmem:$0x1C400] =	vst v63  }
0xb8: {  	_ =	swait.ge [sflag:s13], $0x4000  }
0xb9: {  	[sflag:s13] =	ssyncset.done $0x0  }
0xba: {  	[sflag:s13] =	ssyncadd.s32 $0xFFFFC000  }
0xbb: {  	[spmem:s2] =	stream.indirect.scatter.add.f32 [tilespmem:s12], [sflag:$0x4], $0x80, s14, s28, $0xb8;
	[tilespmem:$0x1C400] =	vst v63  }
0xbc: {  	_ =	swait.ge [sflag:s15], $0x4000  }
0xbd: {  	[sflag:s15] =	ssyncset.done $0x0  }
0xbe: {  	[sflag:s15] =	ssyncadd.s32 $0xFFFFC000  }
0xbf: {  	_ =	swait.ge [sflag:s17], $0x80  }
0xc0: {  	[sflag:s17] =	ssyncset.done $0x0  }
0xc1: {  	[sflag:s17] =	ssyncadd.s32 $0xFFFFFF80  }
0xc2: {  	_ =	swait.ge [sflag:s17], $0x80  }
0xc3: {  	[sflag:s17] =	ssyncset.done $0x0  }
0xc4: {  	[sflag:s17] =	ssyncadd.s32 $0xFFFFFF80  }
0xc5: {  	v1 =	vld [tilespmem:$0x200]  }
0xc6: {  	v2 =	vld [tilespmem:$0x210]  }
0xc7: {  	v3 =	vld [tilespmem:$0x220]  }
0xc8: {  	v4 =	vld [tilespmem:$0x230]  }
0xc9: {  	v5 =	vld [tilespmem:$0x240]  }
0xca: {  	[tilespmem:$0x0] =	vst v1;
	v1 =	vld [tilespmem:$0x250]  }
0xcb: {  	v60 =	vld [tilespmem:$0x280];
	[tilespmem:$0x10] =	vst v2  }
0xcc: {  	v61 =	vld [tilespmem:$0x290];
	[tilespmem:$0x20] =	vst v3  }
0xcd: {  	v2 =	vld [tilespmem:$0x260];
	[tilespmem:$0x30] =	vst v4  }
0xce: {  	v3 =	vld [tilespmem:$0x270];
	[tilespmem:$0x40] =	vst v5  }
0xcf: {  	[tilespmem:$0x50] =	vst v1;
	v1 =	vld [tilespmem:$0x2A0]  }
0xd0: {  	v62 =	vld [tilespmem:$0x2D0];
	[tilespmem:$0x80] =	vst v60  }
0xd1: {  	v63 =	vld [tilespmem:$0x2E0];
	[tilespmem:$0x90] =	vst v61  }
0xd2: {  	[tilespmem:$0x60] =	vst v2;
	v2 =	vld [tilespmem:$0x2B0]  }
0xd3: {  	[tilespmem:$0x70] =	vst v3;
	v3 =	vld [tilespmem:$0x2C0]  }
0xd4: {  	[tilespmem:$0xA0] =	vst v1;
	v1 =	vld [tilespmem:$0x2F0]  }
0xd5: {  	[tilespmem:$0xD0] =	vst v62  }
0xd6: {  	p0 =	sgt.u32 s19, $0x25;
	[tilespmem:$0xE0] =	vst v63  }
0xd7: {  	s21 =	sadd.s32 @!p0 s20, s24;
	[tilespmem:$0xB0] =	vst v2  }
0xd8: {  	s22 =	sand.u32 @!p0 $0x60, s20;
	s21 =	sand.u32 @!p0 $0xFFFFF80, s21;
	[tilespmem:$0xC0] =	vst v3  }
0xd9: {  	s21 =	sor.u32 @!p0 s22, s21;
	[tilespmem:$0xF0] =	vst v1  }
0xda: {  	[tilespmem:s25], [sflag:$0x1] =	stream.indirect.gather [hbm4b:s6+s28], $0x80, s4, s28, $0xb8;
	[tilespmem:$0x1C400] =	vst v63  }
0xdb: {  	s23 =	simm.s32 @!p0 $0x0;
	s16 =	simm.s32 @!p0 $0x200;
	s22 =	sadd.s32 @!p0 s5, s21  }
0xdc: {  	[tilespmem:s16], [sflag:$0x5] =	stream.linear.gather @!p0 [hbm4b:s22+s23], $0x80, $0x38;
	[tilespmem:$0x1C400] =	vst v63  }
0xdd: {  	s20 =	sadd.s32 $0x20, s20;
	s16 =	sadd.s32 @!p0 s1, s21;
	s21 =	simm.s32 @!p0 $0x280  }
0xde: {  	[tilespmem:s21], [sflag:$0x5] =	stream.linear.gather @!p0 [hbm4b:s16+s23], $0x80, $0x38;
	[tilespmem:$0x1C400] =	vst v63  }
0xdf: {  	p0 =	sne.s32 s20, $0x540  }
.Ltmp4:
0xe0: {  	_ = 	snop;
	(pc) =	sbr.rel @p0 .LBB2_4-.Ltmp4, $4  }
.Ltmp5:
0xe1: {  	_ = 	snop;
	(pc) =	sbr.rel @!p0 .LBB2_6-.Ltmp5, $4  }
0xe2: {  	_ = 	snop  }
0xe3: {  	_ = 	snop  }
0xe4: {  	s19 =	sadd.s32 $0x1, s19  }
0xe5: {  	_ = 	snop  }
.LBB2_7:
0xe6: {  	_ =	sfence.sel $0x180000  }
0xe7: {  	[bflag:$0x0] =	sbarrier.arrive $0xFFFF  }
0xe8: {  	_ =	strace $0x9000004D  }
0xe9: {  	s0 =	stileid.u32;
	[bflag:$0x2] =	sbarrier.arrive $0xFFFF  }
0xea: {  	p0 =	sne.s32 s0, $0x0;
	s0 =	rddreg [dreg:$0x3]  }
0xeb: {  	s0 =	sadd.s32 @!p0 $0x100000, s0  }
0xec: {  	[sflag:s0] =	ssyncadd.tile.s32 @!p0 $0x1;
	_ =	shalt  }
.Lfunc_end2:
_tile_overlayer_lowered:
.L_overlay_start_2:
0xed: {  	(tag) =	ssettag $0x2  }
0xee: {  	s0 =	rddreg [dreg:$0x0];
	s2 =	stileid.u32  }
0xef: {  	s1 =	rddreg [dreg:$0x1];
	p0 =	sne.s32 s2, $0x0  }
0xf0: {  	s3 =	rddreg [dreg:$0x2];
	[bflag:$0x3] =	sbarrier.arrive $0xFFFF;
	s2 =	simm.s32 @!p0 $0x1C07  }
0xf1: {  	[timem:s3], [sflag:s2] =	dma.local @!p0 [hbm:s0], s1  }
0xf2: {  	s0 =	simm.s32 @!p0 $0x7  }
0xf3: {  	_ =	swait.ge @!p0 [sflag:s0], s1  }
0xf4: {  	s1 =	ssub.s32 @!p0 $0x0, s1;
	[sflag:s0] =	ssyncset.done @!p0 $0x0  }
0xf5: {  	[sflag:s0] =	ssyncadd.s32 @!p0 s1  }
0xf6: {  	[bflag:$0x3] =	sbarrier.arrive $0xFFFF  }
0xf7: {  	_ =	shalt  }

// kernel: kernel.8.cloned.1.call-start
scs
__scs_entry_jumppad:
0x0: {  	(pc) =	sbr.rel $0x88, $3  }
0x1: {  	(tag) =	ssettag $0x0;
	lr =	simm.s32 $0x1  }
0x2: {  	[smem:$0x3F97] =	sst lr;
	_ =	strace $0xD0000000  }
0x3: {  	_ = 	snop  }
0x4: {  	_ = 	snop  }
0x5: {  	_ = 	snop  }
0x6: {  	_ = 	snop  }
0x7: {  	_ = 	snop  }
__scs_overlays_trampoline_lowered:
0x8: {  	[smem:$0x3FA6] =	sst s0  }
0x9: {  	[smem:$0x3FA7] =	sst s1  }
0xa: {  	[smem:$0x3FA8] =	sst s2  }
0xb: {  	[smem:$0x3FA9] =	sst s3  }
0xc: {  	[smem:$0x3FAA] =	sst s4  }
0xd: {  	[smem:$0x3FAB] =	sst s5  }
0xe: {  	[smem:$0x3FAC] =	sst s6  }
0xf: {  	[smem:$0x3FAD] =	sst s7  }
0x10: {  	[smem:$0x3FAE] =	sst s8  }
0x11: {  	[smem:$0x3FAF] =	sst s9;
	s0 =	simm.s32 @!p0 $0x0  }
0x12: {  	s1 =	sld [smem:$0x3F95];
	s0 =	simm.s32 @p0 $0x1  }
0x13: {  	[smem:$0x3FB0] =	sst s0;
	s0 =	simm.s32 @!p1 $0x0  }
0x14: {  	s2 =	sld [smem:$0x3F94];
	s0 =	simm.s32 @p1 $0x1  }
0x15: {  	[smem:$0x3FB1] =	sst s0;
	s0 =	simm.s32 @!p2 $0x0  }
0x16: {  	s3 =	sld [smem:$0x3FDB];
	s0 =	simm.s32 @p2 $0x1  }
0x17: {  	s4 =	simm.s32 $0x1BF5;
	[smem:$0x3FB3] =	sst s0  }
0x18: {  	s0 =	sld [smem:$0x3F96];
	_ =	swait.ge [sflag:s4], $0x0  }
0x19: {  	s7 =	sld [smem:$0x3F97]  }
0x1a: {  	s8 =	sadd.s32 $0xFFFFE003, lr  }
0x1b: {  	s9 =	sadd.s32 $0xFFFFFEF7, lr;
	s5 =	simm.s32 $0xFFFFFFFF;
	p2 =	slt.u32 s8, $0xFFFFF086  }
0x1c: {  	p1 =	slt.u32 s9, $0xF7A;
	s5 =	simm.s32 @!p2 $0x0  }
0x1d: {  	s5 =	simm.s32 @p1 $0x1;
	p0 =	seq.s32 s7, s2  }
0x1e: {  	s7 =	smul.u32 @!p0 $0xF7A, s2;
	p2 =	seq.s32 @!p0 s5, $0x0  }
0x1f: {  	s9 =	smul.u32 $0xF7A, s1;
	s8 =	simm.s32 @!p0 $0x1BF5;
	p2 =	por !p2, p0  }
0x20: {  	[sflag:s8] =	ssyncset.s32 @!p0 $0xFFFFF086;
	s6 =	sadd.s32 @!p0 s3, s7;
	s7 =	simm.s32 @!p0 $0x108  }
0x21: {  	s3 =	sadd.s32 s3, s9;
	s6 =	sadd.s32 @!p0 $0x88, s6;
	s7 =	simm.s32 @p2 $0x1082  }
0x22: {  	[simem:s7], [sflag:s8] =	dma.local @!p0 [hbm:s6], $0xF7A  }
0x23: {  	s9 =	sor.u32 $0xD0000000, s2;
	s6 =	simm.s32 $0x108;
	_ =	swait.ge @!p0 [sflag:s8], $0x0  }
0x24: {  	s3 =	sadd.s32 $0x88, s3;
	s6 =	simm.s32 @!p1 $0x1082;
	[sflag:s4] =	ssyncset.s32 $0xFFFFF086  }
0x25: {  	[simem:s6], [sflag:s4] =	dma.local [hbm:s3], $0xF7A  }
0x26: {  	[smem:$0x3F97] =	sst s1;
	(tag) =	ssettag s2;
	_ =	strace s9  }
0x27: {  	s1 =	sld [smem:$0x3FA7]  }
0x28: {  	s2 =	sld [smem:$0x3FA8]  }
0x29: {  	s4 =	sld [smem:$0x3FAA]  }
0x2a: {  	p0 =	seq.s32 s5, $0x0;
	s5 =	sld [smem:$0x3FAB]  }
0x2b: {  	s6 =	sld [smem:$0x3FAC]  }
0x2c: {  	s7 =	sld [smem:$0x3FAD]  }
0x2d: {  	s3 =	simm.s32 $0x108;
	s8 =	sld [smem:$0x3FAE]  }
0x2e: {  	s3 =	simm.s32 @!p0 $0x1082;
	s9 =	sld [smem:$0x3FAF]  }
0x2f: {  	lr =	sadd.s32 s0, s3;
	s0 =	sld [smem:$0x3FA6]  }
0x30: {  	s3 =	sld [smem:$0x3FA9]  }
0x31: {  	[smem:$0x3FB2] =	sst s10  }
0x32: {  	s10 =	sld [smem:$0x3FB0];
	_ =	sdelay $0x3  }
0x33: {  	p0 =	seq.s32 s10, $0x1;
	s10 =	sld [smem:$0x3FB2];
	_ =	sdelay $0x3  }
0x34: {  	[smem:$0x3FB2] =	sst s10  }
0x35: {  	s10 =	sld [smem:$0x3FB1];
	_ =	sdelay $0x3  }
0x36: {  	p1 =	seq.s32 s10, $0x1;
	s10 =	sld [smem:$0x3FB2];
	_ =	sdelay $0x3  }
0x37: {  	[smem:$0x3FB2] =	sst s10  }
0x38: {  	s10 =	sld [smem:$0x3FB3]  }
0x39: {  	_ = 	snop;
	(pc) =	sbr.ind lr, $3  }
0x3a: {  	_ = 	snop  }
0x3b: {  	_ = 	snop  }
0x3c: {  	p2 =	seq.s32 s10, $0x1;
	s10 =	sld [smem:$0x3FB2]  }
0x3d: {  	_ =	shalt  }
0x3e: {  	_ =	shalt  }
0x3f: {  	_ =	shalt  }
0x40: {  	_ =	shalt  }
0x41: {  	_ =	shalt  }
0x42: {  	_ =	shalt  }
0x43: {  	_ =	shalt  }
0x44: {  	_ =	shalt  }
0x45: {  	_ =	shalt  }
0x46: {  	_ =	shalt  }
0x47: {  	_ =	shalt  }
0x48: {  	_ =	shalt  }
0x49: {  	_ =	shalt  }
0x4a: {  	_ =	shalt  }
0x4b: {  	_ =	shalt  }
0x4c: {  	_ =	shalt  }
0x4d: {  	_ =	shalt  }
0x4e: {  	_ =	shalt  }
0x4f: {  	_ =	shalt  }
0x50: {  	_ =	shalt  }
0x51: {  	_ =	shalt  }
0x52: {  	_ =	shalt  }
0x53: {  	_ =	shalt  }
0x54: {  	_ =	shalt  }
0x55: {  	_ =	shalt  }
0x56: {  	_ =	shalt  }
0x57: {  	_ =	shalt  }
0x58: {  	_ =	shalt  }
0x59: {  	_ =	shalt  }
0x5a: {  	_ =	shalt  }
0x5b: {  	_ =	shalt  }
0x5c: {  	_ =	shalt  }
0x5d: {  	_ =	shalt  }
0x5e: {  	_ =	shalt  }
0x5f: {  	_ =	shalt  }
0x60: {  	_ =	shalt  }
0x61: {  	_ =	shalt  }
0x62: {  	_ =	shalt  }
0x63: {  	_ =	shalt  }
0x64: {  	_ =	shalt  }
0x65: {  	_ =	shalt  }
0x66: {  	_ =	shalt  }
0x67: {  	_ =	shalt  }
0x68: {  	_ =	shalt  }
0x69: {  	_ =	shalt  }
0x6a: {  	_ =	shalt  }
0x6b: {  	_ =	shalt  }
0x6c: {  	_ =	shalt  }
0x6d: {  	_ =	shalt  }
0x6e: {  	_ =	shalt  }
0x6f: {  	_ =	shalt  }
0x70: {  	_ =	shalt  }
0x71: {  	_ =	shalt  }
0x72: {  	_ =	shalt  }
0x73: {  	_ =	shalt  }
0x74: {  	_ =	shalt  }
0x75: {  	_ =	shalt  }
0x76: {  	_ =	shalt  }
0x77: {  	_ =	shalt  }
0x78: {  	_ =	shalt  }
0x79: {  	_ =	shalt  }
0x7a: {  	_ =	shalt  }
0x7b: {  	_ =	shalt  }
0x7c: {  	_ =	shalt  }
0x7d: {  	_ =	shalt  }
0x7e: {  	_ =	shalt  }
0x7f: {  	_ =	shalt  }
0x80: {  	_ =	shalt  }
0x81: {  	_ =	shalt  }
0x82: {  	_ =	shalt  }
0x83: {  	_ =	shalt  }
0x84: {  	_ =	shalt  }
0x85: {  	_ =	shalt  }
0x86: {  	_ =	shalt  }
0x87: {  	_ =	shalt  }
.Lfunc_end0:
.L_simem_size_0:
called_computation_lowered:
.L_overlay_start_0:
0x88: {  	s2 =	sld [smem:$0x3FD9]  }
0x89: {  	s3 =	sld [smem:$0x3FFE];
	_ =	sdelay $0x1  }
0x8a: {  	s1 =	srdreg.scid  }
0x8b: {  	s0 =	sand.u32 $0x1, s1  }
0x8c: {  	s17 =	sshll.u32 s0, $0xA;
	s2 =	sadd.s32 s3, s2  }
0x8d: {  	s2 =	sadd.s32 s2, s17  }
0x8e: {  	[smem:$0x3FBE] =	sst s2  }
0x8f: {  	_ = 	snop  }
0x90: {  	s2 =	sld [smem:$0x3FD0];
	(tm) =	ssettm $0x1  }
0x91: {  	s18 =	sld [smem:$0x3FFB];
	_ =	sdelay $0x3  }
0x92: {  	_ =	strace s18  }
0x93: {  	s3 =	sld [smem:$0x3FFC];
	_ =	sdelay $0x3  }
0x94: {  	_ =	strace s3  }
0x95: {  	s3 =	sld [smem:$0x3FFD];
	_ =	sdelay $0x3  }
0x96: {  	_ =	strace s3  }
0x97: {  	_ =	strace $0x8FFFFFFF  }
0x98: {  	s19 =	sld [smem:$0x3FDB];
	_ =	sdelay $0x1  }
0x99: {  	s4 =	simm.s32 $_scs_section_size  }
0x9a: {  	s5 =	simm.s32 $_size__tile_overlayer_lowered;
	s6 =	simm.s32 $_tile_overlayer_lowered  }
0x9b: {  	s22 =	simm.s32 $0x1BFF;
	s21 =	sshll.u32 s6, $0x1;
	s3 =	sadd.s32 s4, s19  }
0x9c: {  	s7 =	simm.s32 $0x0;
	s20 =	sshll.u32 s5, $0x1;
	s5 =	sadd.s32 s21, s3  }
0x9d: {  	[timem:s7], [sflag:s22] =	dma.local [hbm:s5], s20  }
0x9e: {  	_ =	swait.ge [sflag:s22], s20  }
0x9f: {  	s4 =	ssub.s32 $0x0, s20;
	[sflag:s22] =	ssyncset.done $0x0  }
0xa0: {  	[sflag:s22] =	ssyncadd.s32 s4;
	_ =	sdelay $0x1  }
0xa1: {  	s23 =	simm.s32 $0x1B8B  }
0xa2: {  	_ =	swait.ge [sflag:s23], $0x1  }
0xa3: {  	[sflag:s23] =	ssyncset.done $0x0  }
0xa4: {  	s25 =	simm.s32 $0x1B8E;
	s24 =	sld [smem:$0x3FFE];
	[sflag:s23] =	ssyncadd.s32 $0xFFFFFFFF  }
0xa5: {  	s26 =	simm.s32 $execute0_lowered;
	[smem:$0x3FD2] =	sst s25  }
0xa6: {  	s5 =	sshll.u32 s26, $0x1;
	_ =	strace $0x80000046;
	[dreg:$0x1] =	wrdreg $0xFFFFFFFF  }
0xa7: {  	s28 =	simm.s32 $_size_execute0_lowered;
	s3 =	sadd.s32 s3, s5;
	[dreg:$0x0] =	wrdreg $0x0  }
0xa8: {  	s5 =	sshll.u32 s28, $0x1;
	[dreg:$0x2] =	wrdreg s3  }
0xa9: {  	[dreg:$0x3] =	wrdreg s5  }
0xaa: {  	[dreg:$0x4] =	wrdreg $0xC0  }
0xab: {  	_ =	task [dreg:s7], $0x5FFFF  }
0xac: {  	[dreg:$0x1] =	wrdreg $0xFFFFFFFF  }
0xad: {  	[dreg:$0x0] =	wrdreg $0x60  }
0xae: {  	[dreg:$0x2] =	wrdreg s2  }
0xaf: {  	[dreg:$0x3] =	wrdreg s24  }
0xb0: {  	[dreg:$0x4] =	wrdreg $0x30800  }
0xb1: {  	[dreg:$0x5] =	wrdreg $0x9  }
0xb2: {  	_ =	task.clear_ibuf [dreg:s7], $0x6FFFF;
	_ =	strace $0x90000046  }
0xb3: {  	s29 =	simm.s32 $0x9;
	_ =	strace $0x80000048  }
0xb4: {  	_ =	swait.ge [sflag:s29], $0x1  }
0xb5: {  	[sflag:s29] =	ssyncadd.s32 $0xFFFFFFFF  }
0xb6: {  	_ =	strace $0x90000048  }
0xb7: {  	_ =	sfence  }
0xb8: {  	s30 =	sld [smem:$0x0];
	_ =	sdelay $0x2  }
0xb9: {  	s31 =	sshll.u32 s1, $0xD;
	s1 =	sshrl.u32 s1, $0x2  }
0xba: {  	s3 =	sand.u32 $0x4000, s31;
	s1 =	sadd.s32 s1, s30  }
0xbb: {  	s0 =	sor.u32 s3, s0;
	s1 =	sshll.u32 s1, $0x11  }
0xbc: {  	s0 =	sor.u32 s1, s0  }
0xbd: {  	s0 =	sadd.s32 $0x8F2B, s0  }
0xbe: {  	[sflag:s0] =	ssyncadd.remote.s32 $0x1  }
0xbf: {  	_ =	sfence.sel $0xFFFF  }
0xc0: {  	[dreg:$0x0] =	wrdreg $0xFFFFFFFF;
	(pc) =	sbr.abs _section_cstart, $3  }
0xc1: {  	[dreg:$0x1] =	wrdreg $0xFFFFFFFF  }
0xc2: {  	_ =	task.clear_ibuf [dreg:s7], $0x2FFFF;
	_ =	strace $0x9FFFFFFF  }
0xc3: {  	(tm) =	ssettm $0x7FFFFFFF  }
tec
execute0_lowered:
.L_overlay_start_1:
0x0: {  	(tag) =	ssettag $0x1  }
0x1: {  	s5 =	rddreg [dreg:$0x0]  }
0x2: {  	s4 =	rddreg [dreg:$0x1]  }
0x3: {  	s1 =	rddreg [dreg:$0x2]  }
0x4: {  	s2 =	srdreg.scid;
	s0 =	rddreg [dreg:$0x3];
	s3 =	simm.s32 $0x0  }
0x5: {  	s12 =	simm.s32 $0x1;
	s6 =	sand.u32 $0x1, s2;
	s2 =	stileid.u32  }
0x6: {  	[smem:$0x7FF] =	sst s3;
	s7 =	smul.u32 $0x2800, s6;
	s8 =	sshll.u32 s2, $0xA  }
0x7: {  	s9 =	sshll.u32 s2, $0x1;
	_ =	strace $0x80000047;
	s10 =	sshll.u32 s2, $0xB  }
0x8: {  	p0 =	sgt.u32 s2, $0x4;
	s9 =	sor.u32 s6, s9;
	s6 =	ssub.s32 $0x2, s6  }
0x9: {  	p1 =	sgt.u32 s2, $0x9;
	s7 =	sadd.s32 s8, s7;
	s31 =	sshrl.u32 s6, $0x1  }
0xa: {  	s9 =	smul.u32 $0x500, s9;
	s7 =	sshrl.u32 s7, $0x3;
	s11 =	ssub.s32 s6, s31  }
0xb: {  	s6 =	sadd.s32 s8, s1;
	s7 =	sadd.s32 s7, s4;
	s4 =	sadd.s32 s10, s1  }
0xc: {  	s5 =	sadd.s32 s5, s9;
	s8 =	smax.u32 s11, $0x1;
	s9 =	simm.s32 $0x2  }
0xd: {  	v0 =	vimm.f32 $0.0e+00;
	v1 =	vimm.f32 $1.000000000e+00;
	s10 =	simm.s32 $0x80;
	s11 =	simm.s32 $0x2800;
	s7 =	sadd.s32 $0xD600, s7  }
.LBB2_1:
0xe: {  	s13 =	simm.s32 $0x40;
	s14 =	simm.s32 $0x0  }
.LBB2_2:
0xf: {  	p2 =	sne.s32 s13, $0x1FC0;
	[tilespmem:s14+$0x2880] =	vst v0;
	s14 =	smov.u32 s13;
	s13 =	sadd.s32 $0x40, s13  }
.Ltmp0:
0x10: {  	(pc) =	sbr.rel @p2 .LBB2_2-.Ltmp0, $2  }
0x11: {  	_ =	sdelay $0x2  }
0x12: {  	s14 =	sshra.s32 s14, $0x2  }
0x13: {  	[tilespmem:s14+$0x2880] =	vst v0  }
0x14: {  	[tilespmem:$0x2800] =	vst v1  }
0x15: {  	[tilespmem:$0x2810] =	vst v1  }
0x16: {  	[tilespmem:$0x2820] =	vst v1  }
0x17: {  	[tilespmem:$0x2830] =	vst v1  }
0x18: {  	[tilespmem:$0x2840] =	vst v1  }
0x19: {  	[tilespmem:$0x2850] =	vst v1  }
0x1a: {  	[tilespmem:$0x2860] =	vst v1  }
0x1b: {  	s13 =	simm.s32 @!p0 $0x2880;
	[tilespmem:$0x2870] =	vst v1  }
0x1c: {  	[spmem:s4] =	stream.linear.scatter @!p0 [tilespmem:s13], [sflag:$0x2], $0x800, $0x38;
	[tilespmem:$0x3300] =	vst v63  }
0x1d: {  	s13 =	simm.s32 @!p0 $0x2  }
0x1e: {  	_ =	swait.ge @!p0 [sflag:s13], $0x800  }
0x1f: {  	[sflag:s13] =	ssyncset.done @!p0 $0x0  }
0x20: {  	s14 =	simm.s32 $0x0;
	[sflag:s13] =	ssyncadd.s32 @!p0 $0xFFFFF800  }
0x21: {  	[tilespmem:s14], [sflag:$0x2] =	stream.linear.gather [hbm4b:s5+s14], $0x2800, $0x38;
	[tilespmem:$0x3300] =	vst v63  }
0x22: {  	_ =	swait.ge [sflag:s9], $0x2800  }
0x23: {  	[sflag:s9] =	ssyncset.done $0x0  }
0x24: {  	[sflag:s9] =	ssyncadd.s32 $0xFFFFD800  }
0x25: {  	s15 =	simm.s32 $0x0;
	[bflag:$0x0] =	sbarrier.arrive $0xFFFF  }
0x26: {  	[spmem:s1] =	stream.indirect.scatter.add.f32 [tilespmem:s11], [sflag:$0x1], $0x1, s15, s10, $0xb8;
	[tilespmem:$0x3300] =	vst v63  }
0x27: {  	s16 =	simm.s32 $0x80  }
0x28: {  	[spmem:s1] =	stream.indirect.scatter.add.f32 [tilespmem:s11], [sflag:$0x1], $0x1, s16, s10, $0xb8;
	[tilespmem:$0x3300] =	vst v63  }
0x29: {  	s17 =	simm.s32 $0x100  }
0x2a: {  	[spmem:s1] =	stream.indirect.scatter.add.f32 [tilespmem:s11], [sflag:$0x1], $0x1, s17, s10, $0xb8;
	[tilespmem:$0x3300] =	vst v63  }
0x2b: {  	s18 =	simm.s32 $0x180  }
0x2c: {  	[spmem:s1] =	stream.indirect.scatter.add.f32 [tilespmem:s11], [sflag:$0x1], $0x1, s18, s10, $0xb8;
	[tilespmem:$0x3300] =	vst v63  }
0x2d: {  	s19 =	simm.s32 $0x200  }
0x2e: {  	[spmem:s1] =	stream.indirect.scatter.add.f32 [tilespmem:s11], [sflag:$0x1], $0x1, s19, s10, $0xb8;
	[tilespmem:$0x3300] =	vst v63  }
0x2f: {  	s20 =	simm.s32 $0x280  }
0x30: {  	[spmem:s1] =	stream.indirect.scatter.add.f32 [tilespmem:s11], [sflag:$0x1], $0x1, s20, s10, $0xb8;
	[tilespmem:$0x3300] =	vst v63  }
0x31: {  	s21 =	simm.s32 $0x300  }
0x32: {  	[spmem:s1] =	stream.indirect.scatter.add.f32 [tilespmem:s11], [sflag:$0x1], $0x1, s21, s10, $0xb8;
	[tilespmem:$0x3300] =	vst v63  }
0x33: {  	s22 =	simm.s32 $0x380  }
0x34: {  	[spmem:s1] =	stream.indirect.scatter.add.f32 [tilespmem:s11], [sflag:$0x1], $0x1, s22, s10, $0xb8;
	[tilespmem:$0x3300] =	vst v63  }
0x35: {  	s23 =	simm.s32 $0x400  }
0x36: {  	[spmem:s1] =	stream.indirect.scatter.add.f32 [tilespmem:s11], [sflag:$0x1], $0x1, s23, s10, $0xb8;
	[tilespmem:$0x3300] =	vst v63  }
0x37: {  	s24 =	simm.s32 $0x480  }
0x38: {  	[spmem:s1] =	stream.indirect.scatter.add.f32 [tilespmem:s11], [sflag:$0x1], $0x1, s24, s10, $0xb8;
	[tilespmem:$0x3300] =	vst v63  }
0x39: {  	s25 =	simm.s32 $0x500  }
0x3a: {  	[spmem:s1] =	stream.indirect.scatter.add.f32 [tilespmem:s11], [sflag:$0x1], $0x1, s25, s10, $0xb8;
	[tilespmem:$0x3300] =	vst v63  }
0x3b: {  	s26 =	simm.s32 $0x580  }
0x3c: {  	[spmem:s1] =	stream.indirect.scatter.add.f32 [tilespmem:s11], [sflag:$0x1], $0x1, s26, s10, $0xb8;
	[tilespmem:$0x3300] =	vst v63  }
0x3d: {  	s28 =	simm.s32 $0x600  }
0x3e: {  	[spmem:s1] =	stream.indirect.scatter.add.f32 [tilespmem:s11], [sflag:$0x1], $0x1, s28, s10, $0xb8;
	[tilespmem:$0x3300] =	vst v63  }
0x3f: {  	s29 =	simm.s32 $0x680  }
0x40: {  	[spmem:s1] =	stream.indirect.scatter.add.f32 [tilespmem:s11], [sflag:$0x1], $0x1, s29, s10, $0xb8;
	[tilespmem:$0x3300] =	vst v63  }
0x41: {  	s30 =	simm.s32 $0x700  }
0x42: {  	[spmem:s1] =	stream.indirect.scatter.add.f32 [tilespmem:s11], [sflag:$0x1], $0x1, s30, s10, $0xb8;
	[tilespmem:$0x3300] =	vst v63  }
0x43: {  	s31 =	simm.s32 $0x780  }
0x44: {  	[spmem:s1] =	stream.indirect.scatter.add.f32 [tilespmem:s11], [sflag:$0x1], $0x1, s31, s10, $0xb8;
	[tilespmem:$0x3300] =	vst v63  }
0x45: {  	_ =	swait.ge [sflag:s12], $0x80  }
0x46: {  	[sflag:s12] =	ssyncset.done $0x0  }
0x47: {  	[sflag:s12] =	ssyncadd.s32 $0xFFFFFF80  }
0x48: {  	_ =	swait.ge [sflag:s12], $0x80  }
0x49: {  	[sflag:s12] =	ssyncset.done $0x0  }
0x4a: {  	[sflag:s12] =	ssyncadd.s32 $0xFFFFFF80  }
0x4b: {  	_ =	swait.ge [sflag:s12], $0x80  }
0x4c: {  	[sflag:s12] =	ssyncset.done $0x0  }
0x4d: {  	[sflag:s12] =	ssyncadd.s32 $0xFFFFFF80  }
0x4e: {  	_ =	swait.ge [sflag:s12], $0x80  }
0x4f: {  	[sflag:s12] =	ssyncset.done $0x0  }
0x50: {  	[sflag:s12] =	ssyncadd.s32 $0xFFFFFF80  }
0x51: {  	_ =	swait.ge [sflag:s12], $0x80  }
0x52: {  	[sflag:s12] =	ssyncset.done $0x0  }
0x53: {  	[sflag:s12] =	ssyncadd.s32 $0xFFFFFF80  }
0x54: {  	_ =	swait.ge [sflag:s12], $0x80  }
0x55: {  	[sflag:s12] =	ssyncset.done $0x0  }
0x56: {  	[sflag:s12] =	ssyncadd.s32 $0xFFFFFF80  }
0x57: {  	_ =	swait.ge [sflag:s12], $0x80  }
0x58: {  	[sflag:s12] =	ssyncset.done $0x0  }
0x59: {  	[sflag:s12] =	ssyncadd.s32 $0xFFFFFF80  }
0x5a: {  	_ =	swait.ge [sflag:s12], $0x80  }
0x5b: {  	[sflag:s12] =	ssyncset.done $0x0  }
0x5c: {  	[sflag:s12] =	ssyncadd.s32 $0xFFFFFF80  }
0x5d: {  	_ =	swait.ge [sflag:s12], $0x80  }
0x5e: {  	[sflag:s12] =	ssyncset.done $0x0  }
0x5f: {  	[sflag:s12] =	ssyncadd.s32 $0xFFFFFF80  }
0x60: {  	_ =	swait.ge [sflag:s12], $0x80  }
0x61: {  	[sflag:s12] =	ssyncset.done $0x0  }
0x62: {  	[sflag:s12] =	ssyncadd.s32 $0xFFFFFF80  }
0x63: {  	_ =	swait.ge [sflag:s12], $0x80  }
0x64: {  	[sflag:s12] =	ssyncset.done $0x0  }
0x65: {  	[sflag:s12] =	ssyncadd.s32 $0xFFFFFF80  }
0x66: {  	_ =	swait.ge [sflag:s12], $0x80  }
0x67: {  	[sflag:s12] =	ssyncset.done $0x0  }
0x68: {  	[sflag:s12] =	ssyncadd.s32 $0xFFFFFF80  }
0x69: {  	_ =	swait.ge [sflag:s12], $0x80  }
0x6a: {  	[sflag:s12] =	ssyncset.done $0x0  }
0x6b: {  	[sflag:s12] =	ssyncadd.s32 $0xFFFFFF80  }
0x6c: {  	_ =	swait.ge [sflag:s12], $0x80  }
0x6d: {  	[sflag:s12] =	ssyncset.done $0x0  }
0x6e: {  	[sflag:s12] =	ssyncadd.s32 $0xFFFFFF80  }
0x6f: {  	_ =	swait.ge [sflag:s12], $0x80  }
0x70: {  	[sflag:s12] =	ssyncset.done $0x0  }
0x71: {  	[sflag:s12] =	ssyncadd.s32 $0xFFFFFF80  }
0x72: {  	_ =	swait.ge [sflag:s12], $0x80  }
0x73: {  	s13 =	simm.s32 $0x2000;
	s16 =	simm.s32 $0x4000;
	[sflag:s12] =	ssyncset.done $0x0  }
.LBB2_4:
0x74: {  	s15 =	sshra.s32 s13, $0x2  }
0x75: {  	[sflag:s12] =	ssyncadd.s32 $0xFFFFFF80;
	s13 =	smov.u32 s16;
	s14 =	sadd.s32 $0x2000, s16  }
0x76: {  	[spmem:s1] =	stream.indirect.scatter.add.f32 [tilespmem:s11], [sflag:$0x1], $0x1, s15, s10, $0xb8;
	[tilespmem:$0x3300] =	vst v63  }
0x77: {  	p2 =	sne.s32 s16, $0x8000;
	s16 =	sadd.s32 $0x80, s15  }
0x78: {  	[spmem:s1] =	stream.indirect.scatter.add.f32 [tilespmem:s11], [sflag:$0x1], $0x1, s16, s10, $0xb8;
	[tilespmem:$0x3300] =	vst v63  }
0x79: {  	s16 =	sadd.s32 $0x100, s15  }
0x7a: {  	[spmem:s1] =	stream.indirect.scatter.add.f32 [tilespmem:s11], [sflag:$0x1], $0x1, s16, s10, $0xb8;
	[tilespmem:$0x3300] =	vst v63  }
0x7b: {  	s16 =	sadd.s32 $0x180, s15  }
0x7c: {  	[spmem:s1] =	stream.indirect.scatter.add.f32 [tilespmem:s11], [sflag:$0x1], $0x1, s16, s10, $0xb8;
	[tilespmem:$0x3300] =	vst v63  }
0x7d: {  	s16 =	sadd.s32 $0x200, s15  }
0x7e: {  	[spmem:s1] =	stream.indirect.scatter.add.f32 [tilespmem:s11], [sflag:$0x1], $0x1, s16, s10, $0xb8;
	[tilespmem:$0x3300] =	vst v63  }
0x7f: {  	s16 =	sadd.s32 $0x280, s15  }
0x80: {  	[spmem:s1] =	stream.indirect.scatter.add.f32 [tilespmem:s11], [sflag:$0x1], $0x1, s16, s10, $0xb8;
	[tilespmem:$0x3300] =	vst v63  }
0x81: {  	s16 =	sadd.s32 $0x300, s15  }
0x82: {  	[spmem:s1] =	stream.indirect.scatter.add.f32 [tilespmem:s11], [sflag:$0x1], $0x1, s16, s10, $0xb8;
	[tilespmem:$0x3300] =	vst v63  }
0x83: {  	s16 =	sadd.s32 $0x380, s15  }
0x84: {  	[spmem:s1] =	stream.indirect.scatter.add.f32 [tilespmem:s11], [sflag:$0x1], $0x1, s16, s10, $0xb8;
	[tilespmem:$0x3300] =	vst v63  }
0x85: {  	s16 =	sadd.s32 $0x400, s15  }
0x86: {  	[spmem:s1] =	stream.indirect.scatter.add.f32 [tilespmem:s11], [sflag:$0x1], $0x1, s16, s10, $0xb8;
	[tilespmem:$0x3300] =	vst v63  }
0x87: {  	s16 =	sadd.s32 $0x480, s15  }
0x88: {  	[spmem:s1] =	stream.indirect.scatter.add.f32 [tilespmem:s11], [sflag:$0x1], $0x1, s16, s10, $0xb8;
	[tilespmem:$0x3300] =	vst v63  }
0x89: {  	s16 =	sadd.s32 $0x500, s15  }
0x8a: {  	[spmem:s1] =	stream.indirect.scatter.add.f32 [tilespmem:s11], [sflag:$0x1], $0x1, s16, s10, $0xb8;
	[tilespmem:$0x3300] =	vst v63  }
0x8b: {  	s16 =	sadd.s32 $0x580, s15  }
0x8c: {  	[spmem:s1] =	stream.indirect.scatter.add.f32 [tilespmem:s11], [sflag:$0x1], $0x1, s16, s10, $0xb8;
	[tilespmem:$0x3300] =	vst v63  }
0x8d: {  	s16 =	sadd.s32 $0x600, s15  }
0x8e: {  	[spmem:s1] =	stream.indirect.scatter.add.f32 [tilespmem:s11], [sflag:$0x1], $0x1, s16, s10, $0xb8;
	[tilespmem:$0x3300] =	vst v63  }
0x8f: {  	s16 =	sadd.s32 $0x680, s15  }
0x90: {  	[spmem:s1] =	stream.indirect.scatter.add.f32 [tilespmem:s11], [sflag:$0x1], $0x1, s16, s10, $0xb8;
	[tilespmem:$0x3300] =	vst v63  }
0x91: {  	s16 =	sadd.s32 $0x700, s15  }
0x92: {  	[spmem:s1] =	stream.indirect.scatter.add.f32 [tilespmem:s11], [sflag:$0x1], $0x1, s16, s10, $0xb8;
	[tilespmem:$0x3300] =	vst v63  }
0x93: {  	s15 =	sadd.s32 $0x780, s15  }
0x94: {  	[spmem:s1] =	stream.indirect.scatter.add.f32 [tilespmem:s11], [sflag:$0x1], $0x1, s15, s10, $0xb8;
	[tilespmem:$0x3300] =	vst v63  }
0x95: {  	_ =	swait.ge [sflag:s12], $0x80  }
0x96: {  	[sflag:s12] =	ssyncset.done $0x0  }
0x97: {  	[sflag:s12] =	ssyncadd.s32 $0xFFFFFF80  }
0x98: {  	_ =	swait.ge [sflag:s12], $0x80  }
0x99: {  	[sflag:s12] =	ssyncset.done $0x0  }
0x9a: {  	[sflag:s12] =	ssyncadd.s32 $0xFFFFFF80  }
0x9b: {  	_ =	swait.ge [sflag:s12], $0x80  }
0x9c: {  	[sflag:s12] =	ssyncset.done $0x0  }
0x9d: {  	[sflag:s12] =	ssyncadd.s32 $0xFFFFFF80  }
0x9e: {  	_ =	swait.ge [sflag:s12], $0x80  }
0x9f: {  	[sflag:s12] =	ssyncset.done $0x0  }
0xa0: {  	[sflag:s12] =	ssyncadd.s32 $0xFFFFFF80  }
0xa1: {  	_ =	swait.ge [sflag:s12], $0x80  }
0xa2: {  	[sflag:s12] =	ssyncset.done $0x0  }
0xa3: {  	[sflag:s12] =	ssyncadd.s32 $0xFFFFFF80  }
0xa4: {  	_ =	swait.ge [sflag:s12], $0x80  }
0xa5: {  	[sflag:s12] =	ssyncset.done $0x0  }
0xa6: {  	[sflag:s12] =	ssyncadd.s32 $0xFFFFFF80  }
0xa7: {  	_ =	swait.ge [sflag:s12], $0x80  }
0xa8: {  	[sflag:s12] =	ssyncset.done $0x0  }
0xa9: {  	[sflag:s12] =	ssyncadd.s32 $0xFFFFFF80  }
0xaa: {  	_ =	swait.ge [sflag:s12], $0x80  }
0xab: {  	[sflag:s12] =	ssyncset.done $0x0  }
0xac: {  	[sflag:s12] =	ssyncadd.s32 $0xFFFFFF80  }
0xad: {  	_ =	swait.ge [sflag:s12], $0x80  }
0xae: {  	[sflag:s12] =	ssyncset.done $0x0  }
0xaf: {  	[sflag:s12] =	ssyncadd.s32 $0xFFFFFF80  }
0xb0: {  	_ =	swait.ge [sflag:s12], $0x80  }
0xb1: {  	[sflag:s12] =	ssyncset.done $0x0  }
0xb2: {  	[sflag:s12] =	ssyncadd.s32 $0xFFFFFF80  }
0xb3: {  	_ =	swait.ge [sflag:s12], $0x80  }
0xb4: {  	[sflag:s12] =	ssyncset.done $0x0  }
0xb5: {  	[sflag:s12] =	ssyncadd.s32 $0xFFFFFF80  }
0xb6: {  	_ =	swait.ge [sflag:s12], $0x80  }
0xb7: {  	[sflag:s12] =	ssyncset.done $0x0  }
0xb8: {  	[sflag:s12] =	ssyncadd.s32 $0xFFFFFF80  }
0xb9: {  	_ =	swait.ge [sflag:s12], $0x80  }
0xba: {  	[sflag:s12] =	ssyncset.done $0x0  }
0xbb: {  	[sflag:s12] =	ssyncadd.s32 $0xFFFFFF80  }
0xbc: {  	_ =	swait.ge [sflag:s12], $0x80  }
0xbd: {  	[sflag:s12] =	ssyncset.done $0x0  }
0xbe: {  	[sflag:s12] =	ssyncadd.s32 $0xFFFFFF80  }
.Ltmp1:
0xbf: {  	_ =	swait.ge [sflag:s12], $0x80;
	(pc) =	sbr.rel @p2 .LBB2_4-.Ltmp1, $4  }
0xc0: {  	[sflag:s12] =	ssyncset.done $0x0  }
0xc1: {  	[sflag:s12] =	ssyncadd.s32 $0xFFFFFF80  }
0xc2: {  	_ =	swait.ge [sflag:s12], $0x80  }
0xc3: {  	s16 =	smov.u32 s14;
	[sflag:s12] =	ssyncset.done $0x0  }
0xc4: {  	s13 =	sshra.s32 s13, $0x2;
	[sflag:s12] =	ssyncadd.s32 $0xFFFFFF80  }
0xc5: {  	[spmem:s1] =	stream.indirect.scatter.add.f32 [tilespmem:s11], [sflag:$0x1], $0x1, s13, s10, $0xb8;
	[tilespmem:$0x3300] =	vst v63  }
0xc6: {  	s14 =	sadd.s32 $0x80, s13  }
0xc7: {  	[spmem:s1] =	stream.indirect.scatter.add.f32 [tilespmem:s11], [sflag:$0x1], $0x1, s14, s10, $0xb8;
	[tilespmem:$0x3300] =	vst v63  }
0xc8: {  	s18 =	sadd.s32 $0x100, s13  }
0xc9: {  	[spmem:s1] =	stream.indirect.scatter.add.f32 [tilespmem:s11], [sflag:$0x1], $0x1, s18, s10, $0xb8;
	[tilespmem:$0x3300] =	vst v63  }
0xca: {  	s19 =	sadd.s32 $0x180, s13  }
0xcb: {  	[spmem:s1] =	stream.indirect.scatter.add.f32 [tilespmem:s11], [sflag:$0x1], $0x1, s19, s10, $0xb8;
	[tilespmem:$0x3300] =	vst v63  }
0xcc: {  	s20 =	sadd.s32 $0x200, s13  }
0xcd: {  	[spmem:s1] =	stream.indirect.scatter.add.f32 [tilespmem:s11], [sflag:$0x1], $0x1, s20, s10, $0xb8;
	[tilespmem:$0x3300] =	vst v63  }
0xce: {  	s21 =	sadd.s32 $0x280, s13  }
0xcf: {  	[spmem:s1] =	stream.indirect.scatter.add.f32 [tilespmem:s11], [sflag:$0x1], $0x1, s21, s10, $0xb8;
	[tilespmem:$0x3300] =	vst v63  }
0xd0: {  	s22 =	sadd.s32 $0x300, s13  }
0xd1: {  	[spmem:s1] =	stream.indirect.scatter.add.f32 [tilespmem:s11], [sflag:$0x1], $0x1, s22, s10, $0xb8;
	[tilespmem:$0x3300] =	vst v63  }
0xd2: {  	s23 =	sadd.s32 $0x380, s13  }
0xd3: {  	[spmem:s1] =	stream.indirect.scatter.add.f32 [tilespmem:s11], [sflag:$0x1], $0x1, s23, s10, $0xb8;
	[tilespmem:$0x3300] =	vst v63  }
0xd4: {  	s24 =	sadd.s32 $0x400, s13  }
0xd5: {  	[spmem:s1] =	stream.indirect.scatter.add.f32 [tilespmem:s11], [sflag:$0x1], $0x1, s24, s10, $0xb8;
	[tilespmem:$0x3300] =	vst v63  }
0xd6: {  	s25 =	sadd.s32 $0x480, s13  }
0xd7: {  	[spmem:s1] =	stream.indirect.scatter.add.f32 [tilespmem:s11], [sflag:$0x1], $0x1, s25, s10, $0xb8;
	[tilespmem:$0x3300] =	vst v63  }
0xd8: {  	s26 =	sadd.s32 $0x500, s13  }
0xd9: {  	[spmem:s1] =	stream.indirect.scatter.add.f32 [tilespmem:s11], [sflag:$0x1], $0x1, s26, s10, $0xb8;
	[tilespmem:$0x3300] =	vst v63  }
0xda: {  	s28 =	sadd.s32 $0x580, s13  }
0xdb: {  	[spmem:s1] =	stream.indirect.scatter.add.f32 [tilespmem:s11], [sflag:$0x1], $0x1, s28, s10, $0xb8;
	[tilespmem:$0x3300] =	vst v63  }
0xdc: {  	s29 =	sadd.s32 $0x600, s13  }
0xdd: {  	[spmem:s1] =	stream.indirect.scatter.add.f32 [tilespmem:s11], [sflag:$0x1], $0x1, s29, s10, $0xb8;
	[tilespmem:$0x3300] =	vst v63  }
0xde: {  	s30 =	sadd.s32 $0x680, s13  }
0xdf: {  	[spmem:s1] =	stream.indirect.scatter.add.f32 [tilespmem:s11], [sflag:$0x1], $0x1, s30, s10, $0xb8;
	[tilespmem:$0x3300] =	vst v63  }
0xe0: {  	s31 =	sadd.s32 $0x700, s13  }
0xe1: {  	[spmem:s1] =	stream.indirect.scatter.add.f32 [tilespmem:s11], [sflag:$0x1], $0x1, s31, s10, $0xb8;
	[tilespmem:$0x3300] =	vst v63  }
0xe2: {  	s13 =	sadd.s32 $0x780, s13  }
0xe3: {  	[spmem:s1] =	stream.indirect.scatter.add.f32 [tilespmem:s11], [sflag:$0x1], $0x1, s13, s10, $0xb8;
	[tilespmem:$0x3300] =	vst v63  }
0xe4: {  	_ =	swait.ge [sflag:s12], $0x80  }
0xe5: {  	[sflag:s12] =	ssyncset.done $0x0  }
0xe6: {  	[sflag:s12] =	ssyncadd.s32 $0xFFFFFF80  }
0xe7: {  	_ =	swait.ge [sflag:s12], $0x80  }
0xe8: {  	[sflag:s12] =	ssyncset.done $0x0  }
0xe9: {  	[sflag:s12] =	ssyncadd.s32 $0xFFFFFF80  }
0xea: {  	_ =	swait.ge [sflag:s12], $0x80  }
0xeb: {  	[sflag:s12] =	ssyncset.done $0x0  }
0xec: {  	[sflag:s12] =	ssyncadd.s32 $0xFFFFFF80  }
0xed: {  	_ =	swait.ge [sflag:s12], $0x80  }
0xee: {  	[sflag:s12] =	ssyncset.done $0x0  }
0xef: {  	[sflag:s12] =	ssyncadd.s32 $0xFFFFFF80  }
0xf0: {  	_ =	swait.ge [sflag:s12], $0x80  }
0xf1: {  	[sflag:s12] =	ssyncset.done $0x0  }
0xf2: {  	[sflag:s12] =	ssyncadd.s32 $0xFFFFFF80  }
0xf3: {  	_ =	swait.ge [sflag:s12], $0x80  }
0xf4: {  	[sflag:s12] =	ssyncset.done $0x0  }
0xf5: {  	[sflag:s12] =	ssyncadd.s32 $0xFFFFFF80  }
0xf6: {  	_ =	swait.ge [sflag:s12], $0x80  }
0xf7: {  	[sflag:s12] =	ssyncset.done $0x0  }
0xf8: {  	[sflag:s12] =	ssyncadd.s32 $0xFFFFFF80  }
0xf9: {  	_ =	swait.ge [sflag:s12], $0x80  }
0xfa: {  	[sflag:s12] =	ssyncset.done $0x0  }
0xfb: {  	[sflag:s12] =	ssyncadd.s32 $0xFFFFFF80  }
0xfc: {  	_ =	swait.ge [sflag:s12], $0x80  }
0xfd: {  	[sflag:s12] =	ssyncset.done $0x0  }
0xfe: {  	[sflag:s12] =	ssyncadd.s32 $0xFFFFFF80  }
0xff: {  	_ =	swait.ge [sflag:s12], $0x80  }
0x100: {  	[sflag:s12] =	ssyncset.done $0x0  }
0x101: {  	[sflag:s12] =	ssyncadd.s32 $0xFFFFFF80  }
0x102: {  	_ =	swait.ge [sflag:s12], $0x80  }
0x103: {  	[sflag:s12] =	ssyncset.done $0x0  }
0x104: {  	[sflag:s12] =	ssyncadd.s32 $0xFFFFFF80  }
0x105: {  	_ =	swait.ge [sflag:s12], $0x80  }
0x106: {  	[sflag:s12] =	ssyncset.done $0x0  }
0x107: {  	[sflag:s12] =	ssyncadd.s32 $0xFFFFFF80  }
0x108: {  	_ =	swait.ge [sflag:s12], $0x80  }
0x109: {  	[sflag:s12] =	ssyncset.done $0x0  }
0x10a: {  	[sflag:s12] =	ssyncadd.s32 $0xFFFFFF80  }
0x10b: {  	_ =	swait.ge [sflag:s12], $0x80  }
0x10c: {  	[sflag:s12] =	ssyncset.done $0x0  }
0x10d: {  	[sflag:s12] =	ssyncadd.s32 $0xFFFFFF80  }
0x10e: {  	_ =	swait.ge [sflag:s12], $0x80  }
0x10f: {  	[sflag:s12] =	ssyncset.done $0x0  }
0x110: {  	[sflag:s12] =	ssyncadd.s32 $0xFFFFFF80  }
0x111: {  	_ =	swait.ge [sflag:s12], $0x80  }
0x112: {  	[sflag:s12] =	ssyncset.done $0x0  }
0x113: {  	[sflag:s12] =	ssyncadd.s32 $0xFFFFFF80  }
0x114: {  	s14 =	simm.s32 @!p1 $0x2;
	s13 =	simm.s32 @!p1 $0x2880;
	[bflag:$0x0] =	sbarrier.arrive $0xFFFF  }
0x115: {  	[tilespmem:s13], [sflag:$0x2] =	stream.linear.gather @!p1 [spmem:s6], $0x400, $0x38;
	[tilespmem:$0x3300] =	vst v63  }
0x116: {  	s3 =	sadd.s32 $0x1, s3;
	_ =	swait.ge @!p1 [sflag:s14], $0x400  }
0x117: {  	p2 =	sne.s32 s3, s8;
	[sflag:s14] =	ssyncset.done @!p1 $0x0  }
.Ltmp2:
0x118: {  	s15 =	simm.s32 @!p1 $0x0;
	[sflag:s14] =	ssyncadd.s32 @!p1 $0xFFFFFC00;
	(pc) =	sbr.rel @p2 .LBB2_1-.Ltmp2, $4  }
0x119: {  	[hbm4b:s7+s15] =	stream.linear.scatter @!p1 [tilespmem:s13], [sflag:$0x2], $0x400, $0x38;
	[tilespmem:$0x3300] =	vst v63  }
0x11a: {  	_ =	swait.ge @!p1 [sflag:s14], $0x400  }
0x11b: {  	[sflag:s14] =	ssyncset.done @!p1 $0x0  }
0x11c: {  	[sflag:s14] =	ssyncadd.s32 @!p1 $0xFFFFFC00  }
0x11d: {  	_ =	sfence.sel $0x180000  }
0x11e: {  	[bflag:$0x0] =	sbarrier.arrive $0xFFFF  }
0x11f: {  	p0 =	sne.s32 s2, $0x0;
	_ =	strace $0x90000047  }
0x120: {  	s0 =	sadd.s32 @!p0 $0x100000, s0;
	[bflag:$0x2] =	sbarrier.arrive $0xFFFF  }
0x121: {  	[sflag:s0] =	ssyncadd.tile.s32 @!p0 $0x1;
	_ =	shalt  }
.Lfunc_end2:
_tile_overlayer_lowered:
.L_overlay_start_2:
0x122: {  	(tag) =	ssettag $0x2  }
0x123: {  	s0 =	rddreg [dreg:$0x0];
	s2 =	stileid.u32  }
0x124: {  	s1 =	rddreg [dreg:$0x1];
	p0 =	sne.s32 s2, $0x0  }
0x125: {  	s3 =	rddreg [dreg:$0x2];
	[bflag:$0x3] =	sbarrier.arrive $0xFFFF;
	s2 =	simm.s32 @!p0 $0x1C02  }
0x126: {  	[timem:s3], [sflag:s2] =	dma.local @!p0 [hbm:s0], s1  }
0x127: {  	s0 =	simm.s32 @!p0 $0x2  }
0x128: {  	_ =	swait.ge @!p0 [sflag:s0], s1  }
0x129: {  	s1 =	ssub.s32 @!p0 $0x0, s1;
	[sflag:s0] =	ssyncset.done @!p0 $0x0  }
0x12a: {  	[sflag:s0] =	ssyncadd.s32 @!p0 s1  }
0x12b: {  	[bflag:$0x3] =	sbarrier.arrive $0xFFFF  }
0x12c: {  	_ =	shalt  }

</sc_bundles>
